<compile_context>
chip_gen: v7x
topology: tpu7x:2x2x1
jax: 0.10.2.dev20260603
libtpu: 0.0.44.dev20260713+nightly
codegen_flags: <defaults>
</compile_context>

<pallas_src>
import dataclasses

import jax
import jax.numpy as jnp
from jax import lax
from jax.experimental import pallas as pl
from jax.experimental.pallas import tpu as pltpu
from jax.experimental.pallas import tpu_sc as plsc

N_PROT = 10000
N_DIS = 10000
E_PP = 320000
E_PD = 160000
E_SUP = 100000
D = 128

NC = 2
NS = 16
NW = NC * NS
CHA = 120
CHD = 128
RB = 80
TRASH = 336
ACC_N = N_PROT + TRASH

T_PP = 85
T_PD = 43
T_SUP = 26

_mesh = plsc.VectorSubcoreMesh(core_axis_name="c", subcore_axis_name="s",
                               num_cores=NC, num_subcores=NS)

_sc_params = pltpu.CompilerParams()
if "needs_layout_passes" in pltpu.CompilerParams.__dataclass_fields__:
    _sc_params = dataclasses.replace(_sc_params, needs_layout_passes=False)
_sc_params_untiled = dataclasses.replace(_sc_params, use_tc_tiling_on_sc=False)


def _pad_agg(src, dst, w, t_chunks):
    e_pad = NW * t_chunks * CHA
    n = src.shape[0]
    ar = jnp.arange(e_pad - n, dtype=jnp.int32)
    srcp = jnp.concatenate([src, ar % N_PROT])
    dstp = jnp.concatenate([dst, N_PROT + ar % TRASH])
    if w is None:
        return srcp, dstp, None
    wp = jnp.concatenate([w, jnp.zeros((e_pad - n,), jnp.float32)])
    return srcp, dstp, wp


def _pack_dec(src, dst, t_chunks):
    e_pad = NW * t_chunks * CHD
    n = src.shape[0]
    ar = jnp.arange(e_pad - n, dtype=jnp.int32)
    srcp = jnp.concatenate([src, ar % N_PROT])
    dstp = jnp.concatenate([dst, ar % N_DIS])
    return jnp.stack([srcp.reshape(NW, t_chunks, CHD),
                      dstp.reshape(NW, t_chunks, CHD)], axis=2)


def _fill_zeros(buf_v):
    z16 = jnp.zeros((16,), jnp.float32)

    @pl.loop(0, RB)
    def _(i):
        for j in range(D // 16):
            buf_v[i, pl.ds(j * 16, 16)] = z16


def _zero_acc(buf_v, acc_sh, s):
    @pl.loop(s, N_PROT // RB, step=NS)
    def _(t):
        pltpu.sync_copy(buf_v.at[pl.ds(0, RB)], acc_sh.at[pl.ds(t * RB, RB)])


def _write_acc(acc_sh, out_hbm, c, s):
    @pl.loop(s, N_PROT // RB, step=NS)
    def _(t):
        pltpu.sync_copy(acc_sh.at[pl.ds(t * RB, RB)],
                        out_hbm.at[c].at[pl.ds(t * RB, RB)])


def _seg_phase(xp_hbm, src_hbm, dst_hbm, w_hbm, acc_sh, wid,
               sb, db, wb, rows, ssb, sdb, sg, ss, t_chunks, weighted):
    base0 = wid * t_chunks * CHA

    def issue_sb(t, b):
        pltpu.async_copy(src_hbm.at[pl.ds(base0 + t * CHA, CHA)], sb[b],
                         ssb[b])
        if weighted:
            pltpu.async_copy(w_hbm.at[pl.ds(base0 + t * CHA, CHA)], wb[b],
                             ssb[b])

    def wait_sb(t, b):
        pltpu.make_async_copy(src_hbm.at[pl.ds(base0 + t * CHA, CHA)], sb[b],
                              ssb[b]).wait()
        if weighted:
            pltpu.make_async_copy(w_hbm.at[pl.ds(base0 + t * CHA, CHA)],
                                  wb[b], ssb[b]).wait()

    def issue_db(t, b):
        pltpu.async_copy(dst_hbm.at[pl.ds(base0 + t * CHA, CHA)], db[b],
                         sdb[b])

    def wait_db(t, b):
        pltpu.make_async_copy(dst_hbm.at[pl.ds(base0 + t * CHA, CHA)], db[b],
                              sdb[b]).wait()

    def issue_g(t, b):
        pltpu.async_copy(xp_hbm.at[sb[b]], rows[b], sg[b])

    def wait_g(t, b):
        pltpu.make_async_copy(xp_hbm.at[sb[b]], rows[b], sg[b]).wait()

    def issue_s(t, b):
        pltpu.async_copy(rows[b], acc_sh.at[db[b]], ss[b], add=True)

    def wait_s(t, b):
        pltpu.make_async_copy(rows[b], acc_sh.at[db[b]], ss[b]).wait()

    def mult(t, b):
        if weighted:
            @plsc.parallel_loop(0, CHA, unroll=4)
            def _(e):
                wv = plsc.load_gather(wb[b], [jnp.full((16,), e, jnp.int32)])
                rbuf = rows[b]
                for j in range(D // 16):
                    sl = pl.ds(j * 16, 16)
                    rbuf[e, sl] = rbuf[e, sl] * wv

    def body(c, b, do_ws, do_next, do_sb2):
        b1, b2 = (b + 1) % 3, (b + 2) % 3
        if do_ws:
            wait_s(c - 2, b1)
        if do_next:
            issue_db(c + 1, b1)
            wait_sb(c + 1, b1)
            issue_g(c + 1, b1)
        wait_g(c, b)
        if do_sb2:
            issue_sb(c + 2, b2)
        mult(c, b)
        wait_db(c, b)
        issue_s(c, b)

    issue_sb(0, 0)
    issue_sb(1, 1)
    issue_db(0, 0)
    wait_sb(0, 0)
    issue_g(0, 0)

    body(0, 0, False, True, True)
    body(1, 1, False, True, True)

    @pl.loop(0, (t_chunks - 4) // 3)
    def _(tau):
        for i in range(3):
            c = 2 + tau * 3 + i
            body(c, (2 + i) % 3, True, True, True)

    body(t_chunks - 2, (t_chunks - 2) % 3, True, True, False)
    body(t_chunks - 1, (t_chunks - 1) % 3, True, False, False)
    wait_s(t_chunks - 2, (t_chunks - 2) % 3)
    wait_s(t_chunks - 1, (t_chunks - 1) % 3)


def _agg_body(xp_hbm, srcpp_hbm, dstpp_hbm, wpp_hbm, srcpd_hbm, dstpd_hbm,
              aggpp_hbm, aggpd_hbm,
              sb0, sb1, sb2, db0, db1, db2, wb0, wb1, wb2,
              rows0, rows1, rows2, acc_sh,
              ssb0, ssb1, ssb2, sdb0, sdb1, sdb2,
              sg0, sg1, sg2, ss0, ss1, ss2):
    c = lax.axis_index("c")
    s = lax.axis_index("s")
    wid = s * NC + c
    sb = [sb0, sb1, sb2]
    db = [db0, db1, db2]
    wb = [wb0, wb1, wb2]
    rows = [rows0, rows1, rows2]
    ssb = [ssb0, ssb1, ssb2]
    sdb = [sdb0, sdb1, sdb2]
    sg = [sg0, sg1, sg2]
    ss = [ss0, ss1, ss2]

    _fill_zeros(rows0)
    _zero_acc(rows0, acc_sh, s)
    plsc.subcore_barrier()

    _seg_phase(xp_hbm, srcpp_hbm, dstpp_hbm, wpp_hbm, acc_sh, wid,
               sb, db, wb, rows, ssb, sdb, sg, ss, T_PP, True)
    plsc.subcore_barrier()
    _write_acc(acc_sh, aggpp_hbm, c, s)
    _fill_zeros(rows0)
    _zero_acc(rows0, acc_sh, s)
    plsc.subcore_barrier()

    _seg_phase(xp_hbm, srcpd_hbm, dstpd_hbm, None, acc_sh, wid,
               sb, db, wb, rows, ssb, sdb, sg, ss, T_PD, False)
    plsc.subcore_barrier()
    _write_acc(acc_sh, aggpd_hbm, c, s)


@jax.jit
def _aggregate(xp, srcpp, dstpp, wpp, srcpd, dstpd):
    f = pl.kernel(
        _agg_body,
        out_type=(jax.ShapeDtypeStruct((NC, N_PROT, D), jnp.float32),
                  jax.ShapeDtypeStruct((NC, N_DIS, D), jnp.float32)),
        mesh=_mesh,
        scratch_types=[
            pltpu.VMEM((CHA,), jnp.int32),
            pltpu.VMEM((CHA,), jnp.int32),
            pltpu.VMEM((CHA,), jnp.int32),
            pltpu.VMEM((CHA,), jnp.int32),
            pltpu.VMEM((CHA,), jnp.int32),
            pltpu.VMEM((CHA,), jnp.int32),
            pltpu.VMEM((CHA,), jnp.float32),
            pltpu.VMEM((CHA,), jnp.float32),
            pltpu.VMEM((CHA,), jnp.float32),
            pltpu.VMEM((CHA, D), jnp.float32),
            pltpu.VMEM((CHA, D), jnp.float32),
            pltpu.VMEM((CHA, D), jnp.float32),
            pltpu.VMEM_SHARED((ACC_N, D), jnp.float32),
            pltpu.SemaphoreType.DMA,
            pltpu.SemaphoreType.DMA,
            pltpu.SemaphoreType.DMA,
            pltpu.SemaphoreType.DMA,
            pltpu.SemaphoreType.DMA,
            pltpu.SemaphoreType.DMA,
            pltpu.SemaphoreType.DMA,
            pltpu.SemaphoreType.DMA,
            pltpu.SemaphoreType.DMA,
            pltpu.SemaphoreType.DMA,
            pltpu.SemaphoreType.DMA,
            pltpu.SemaphoreType.DMA,
        ],
        compiler_params=_sc_params,
    )
    return f(xp, srcpp, dstpp, wpp, srcpd, dstpd)


def _enc_block(x_ref, a_ref, ws_ref, wn_ref, o_ref):
    agg = a_ref[0] + a_ref[1]
    h = jnp.maximum(
        jnp.dot(x_ref[...], ws_ref[0], preferred_element_type=jnp.float32)
        + jnp.dot(agg, wn_ref[0], preferred_element_type=jnp.float32),
        0.0)
    hb = h.astype(jnp.bfloat16)
    lo = lax.bitcast_convert_type(hb[:, :D // 2], jnp.uint16)
    hi = lax.bitcast_convert_type(hb[:, D // 2:], jnp.uint16)
    packed = (lo.astype(jnp.uint32)
              | (hi.astype(jnp.uint32) << 16)).astype(jnp.int32)
    o_ref[...] = packed


@jax.jit
def _encode(x, agg2, w_self, w_nbr):
    n = x.shape[0]
    br = 2000
    return pl.pallas_call(
        _enc_block,
        grid=(n // br,),
        in_specs=[
            pl.BlockSpec((br, D), lambda i: (i, 0)),
            pl.BlockSpec((NC, br, D), lambda i: (0, i, 0)),
            pl.BlockSpec((1, D, D), lambda i: (0, 0, 0)),
            pl.BlockSpec((1, D, D), lambda i: (0, 0, 0)),
        ],
        out_specs=pl.BlockSpec((br, D // 2), lambda i: (i, 0)),
        out_shape=jax.ShapeDtypeStruct((n, D // 2), jnp.int32),
    )(x, agg2, w_self[None], w_nbr[None])


def _decode_body(hp_hbm, hd_hbm, sup_hbm, out_hbm,
                 idx_v, l0, l1, l2, r0, r1, r2, oall_v,
                 semi, sl0, sl1, sl2, sr0, sr1, sr2):
    c = lax.axis_index("c")
    s = lax.axis_index("s")
    wid = s * NC + c
    lbufs = [l0, l1, l2]
    rbufs = [r0, r1, r2]
    sls = [sl0, sl1, sl2]
    srs = [sr0, sr1, sr2]
    lane = lax.iota(jnp.int32, 16)

    pltpu.async_copy(sup_hbm.at[wid], idx_v, semi).wait()

    def issue(t, b):
        pltpu.async_copy(hp_hbm.at[idx_v.at[t, 0]], lbufs[b], sls[b])
        pltpu.async_copy(hd_hbm.at[idx_v.at[t, 1]], rbufs[b], srs[b])

    def wait(t, b):
        pltpu.make_async_copy(hp_hbm.at[idx_v.at[t, 0]], lbufs[b],
                              sls[b]).wait()
        pltpu.make_async_copy(hd_hbm.at[idx_v.at[t, 1]], rbufs[b],
                              srs[b]).wait()

    def compute(t, b):
        l_v, r_v = lbufs[b], rbufs[b]

        @plsc.parallel_loop(0, CHD // 16, unroll=2)
        def _(g):
            out16 = jnp.zeros((16,), jnp.float32)
            for r in range(16):
                e = g * 16 + r
                acc = None
                for j in range(D // 32):
                    sl = pl.ds(j * 16, 16)
                    lv = plsc.bitcast(l_v[e, sl], jnp.bfloat16)
                    rv = plsc.bitcast(r_v[e, sl], jnp.bfloat16)
                    prod = lv * rv
                    acc = prod if acc is None else acc + prod
                pa, pb = plsc.unpack(acc, format=plsc.PackFormat.INTERLEAVED)
                dot = jnp.sum(pa + pb)
                out16 = jnp.where(lane == r, dot, out16)
            oall_v[t, pl.ds(g * 16, 16)] = out16

    issue(0, 0)
    issue(1, 1)

    @pl.loop(0, (T_SUP - 2) // 3)
    def _(tau):
        for i in range(3):
            t = tau * 3 + i
            issue(t + 2, (i + 2) % 3)
            wait(t, i)
            compute(t, i)

    for t in (T_SUP - 2, T_SUP - 1):
        wait(t, t % 3)
        compute(t, t % 3)

    pltpu.sync_copy(oall_v, out_hbm.at[wid])


@jax.jit
def _decode(hp, hd, sup_pack):
    f = pl.kernel(
        _decode_body,
        out_type=jax.ShapeDtypeStruct((NW, T_SUP, CHD), jnp.float32),
        mesh=_mesh,
        scratch_types=[
            pltpu.VMEM((T_SUP, 2, CHD), jnp.int32),
            pltpu.VMEM((CHD, D // 2), jnp.int32),
            pltpu.VMEM((CHD, D // 2), jnp.int32),
            pltpu.VMEM((CHD, D // 2), jnp.int32),
            pltpu.VMEM((CHD, D // 2), jnp.int32),
            pltpu.VMEM((CHD, D // 2), jnp.int32),
            pltpu.VMEM((CHD, D // 2), jnp.int32),
            pltpu.VMEM((T_SUP, CHD), jnp.float32),
            pltpu.SemaphoreType.DMA,
            pltpu.SemaphoreType.DMA,
            pltpu.SemaphoreType.DMA,
            pltpu.SemaphoreType.DMA,
            pltpu.SemaphoreType.DMA,
            pltpu.SemaphoreType.DMA,
            pltpu.SemaphoreType.DMA,
        ],
        compiler_params=_sc_params_untiled,
    )
    return f(hp, hd, sup_pack)


def kernel(x_protein, x_disease, edge_index_pp, edge_attr_pp, edge_index_pd,
           sup_edge_index, W_self_p, W_nbr_pp, W_self_d, W_nbr_pd):
    srcpp, dstpp, wpp = _pad_agg(edge_index_pp[0], edge_index_pp[1],
                                 edge_attr_pp[:, 0], T_PP)
    srcpd, dstpd, _ = _pad_agg(edge_index_pd[0], edge_index_pd[1], None,
                               T_PD)
    sup_pack = _pack_dec(sup_edge_index[0], sup_edge_index[1], T_SUP)

    aggpp2, aggpd2 = _aggregate(x_protein, srcpp, dstpp, wpp, srcpd, dstpd)
    hp32 = _encode(x_protein, aggpp2, W_self_p, W_nbr_pp)
    hd32 = _encode(x_disease, aggpd2, W_self_d, W_nbr_pd)
    scores = _decode(hp32, hd32, sup_pack)
    return scores.reshape(-1)[:E_SUP]

# --- scband reference (transcript-rebuilt; emitter-appended) ---
"""Pipeline reference for scband-model-2800318677457 (READ-ONLY COPY).

The authoritative reference and input builder live on the scoring server;
editing this copy changes nothing except your own understanding.
"""

import jax, jax.numpy as jnp
import numpy as np

N_PROTEIN = 10000
N_DISEASE = 10000
E_PP = 320000
E_PD = 160000
E_SUP = 100000
D = 128
D_EDGE = 4


def setup_inputs(seed: int = 0) -> dict:
    key = jax.random.key(seed)
    ks = jax.random.split(key, 10)
    x_protein = jax.random.normal(ks[0], (N_PROTEIN, D), dtype=jnp.float32)
    x_disease = jax.random.normal(ks[1], (N_DISEASE, D), dtype=jnp.float32)
    edge_index_pp = jax.random.randint(ks[2], (2, E_PP), 0, N_PROTEIN, dtype=jnp.int64 if jax.config.jax_enable_x64 else jnp.int32).astype(jnp.int32)
    edge_attr_pp = jax.random.uniform(ks[3], (E_PP, D_EDGE), dtype=jnp.float32)
    # p->d edges: src proteins, dst diseases
    src_pd = jax.random.randint(ks[4], (E_PD,), 0, N_PROTEIN).astype(jnp.int32)
    dst_pd = jax.random.randint(ks[5], (E_PD,), 0, N_DISEASE).astype(jnp.int32)
    edge_index_pd = jnp.stack([src_pd, dst_pd], axis=0)
    sup_row = jax.random.randint(ks[6], (E_SUP,), 0, N_PROTEIN).astype(jnp.int32)
    sup_col = jax.random.randint(ks[7], (E_SUP,), 0, N_DISEASE).astype(jnp.int32)
    sup_edge_index = jnp.stack([sup_row, sup_col], axis=0)
    scale = 1.0 / np.sqrt(D)
    W_self_p = jax.random.normal(ks[8], (D, D), dtype=jnp.float32) * scale
    kw = jax.random.split(ks[9], 3)
    W_nbr_pp = jax.random.normal(kw[0], (D, D), dtype=jnp.float32) * scale
    W_self_d = jax.random.normal(kw[1], (D, D), dtype=jnp.float32) * scale
    W_nbr_pd = jax.random.normal(kw[2], (D, D), dtype=jnp.float32) * scale
    return {
        "x_protein": x_protein,
        "x_disease": x_disease,
        "edge_index_pp": edge_index_pp,
        "edge_attr_pp": edge_attr_pp,
        "edge_index_pd": edge_index_pd,
        "sup_edge_index": sup_edge_index,
        "W_self_p": W_self_p,
        "W_nbr_pp": W_nbr_pp,
        "W_self_d": W_self_d,
        "W_nbr_pd": W_nbr_pd,
    }


def reference(x_protein, x_disease, edge_index_pp, edge_attr_pp, edge_index_pd,
              sup_edge_index, W_self_p, W_nbr_pp, W_self_d, W_nbr_pd):
    # ---- encode ----
    # protein_weights = edge_attr_dict[p,p].T[0]  (first column as scalar edge weight)
    edge_weight = edge_attr_pp.T[0]
    src_pp, dst_pp = edge_index_pp[0], edge_index_pp[1]
    # weighted graph-conv on protein-protein edges (gather -> scale -> scatter-add)
    msgs_pp = x_protein[src_pp] * edge_weight[:, None]
    agg_pp = jax.ops.segment_sum(msgs_pp, dst_pp, num_segments=x_protein.shape[0])
    h_protein = jax.nn.relu(x_protein @ W_self_p + agg_pp @ W_nbr_pp)
    # protein -> disease message passing
    src_pd, dst_pd = edge_index_pd[0], edge_index_pd[1]
    agg_pd = jax.ops.segment_sum(x_protein[src_pd], dst_pd, num_segments=x_disease.shape[0])
    h_disease = jax.nn.relu(x_disease @ W_self_d + agg_pd @ W_nbr_pd)
    # ---- decode ----
    row, col = sup_edge_index[0], sup_edge_index[1]
    left = h_protein[row]
    right = h_disease[col]
    scores = jnp.sum(left * right, axis=-1)
    return scores

if __name__ == "__main__":
    import jax
    _d = setup_inputs()
    print(jax.jit(kernel)(*tuple(_d.values())))

</pallas_src>

<mosaic_0001>
#map = affine_map<(d0, d1) -> (0, 0)>
#map1 = affine_map<(d0, d1) -> (0)>
#map2 = affine_map<(d0, d1) -> (0, 0, 0)>
module attributes {stable_mosaic.version = 14 : i64} {
  func.func @_agg_body(%arg0: i32, %arg1: i32, %arg2: memref<10000x128xf32, #tpu.memory_space<hbm>>, %arg3: memref<326400xi32, #tpu.memory_space<hbm>>, %arg4: memref<326400xi32, #tpu.memory_space<hbm>>, %arg5: memref<326400xf32, #tpu.memory_space<hbm>>, %arg6: memref<165120xi32, #tpu.memory_space<hbm>>, %arg7: memref<165120xi32, #tpu.memory_space<hbm>>, %arg8: memref<2x10000x128xf32, #tpu.memory_space<hbm>>, %arg9: memref<2x10000x128xf32, #tpu.memory_space<hbm>>, %arg10: memref<120xi32, #tpu.memory_space<vmem>>, %arg11: memref<120xi32, #tpu.memory_space<vmem>>, %arg12: memref<120xi32, #tpu.memory_space<vmem>>, %arg13: memref<120xi32, #tpu.memory_space<vmem>>, %arg14: memref<120xi32, #tpu.memory_space<vmem>>, %arg15: memref<120xi32, #tpu.memory_space<vmem>>, %arg16: memref<120xf32, #tpu.memory_space<vmem>>, %arg17: memref<120xf32, #tpu.memory_space<vmem>>, %arg18: memref<120xf32, #tpu.memory_space<vmem>>, %arg19: memref<120x128xf32, #tpu.memory_space<vmem>>, %arg20: memref<120x128xf32, #tpu.memory_space<vmem>>, %arg21: memref<120x128xf32, #tpu.memory_space<vmem>>, %arg22: memref<10336x128xf32, #tpu.memory_space<vmem_shared>>, %arg23: memref<!tpu.dma_semaphore, #tpu.memory_space<semaphore_mem>>, %arg24: memref<!tpu.dma_semaphore, #tpu.memory_space<semaphore_mem>>, %arg25: memref<!tpu.dma_semaphore, #tpu.memory_space<semaphore_mem>>, %arg26: memref<!tpu.dma_semaphore, #tpu.memory_space<semaphore_mem>>, %arg27: memref<!tpu.dma_semaphore, #tpu.memory_space<semaphore_mem>>, %arg28: memref<!tpu.dma_semaphore, #tpu.memory_space<semaphore_mem>>, %arg29: memref<!tpu.dma_semaphore, #tpu.memory_space<semaphore_mem>>, %arg30: memref<!tpu.dma_semaphore, #tpu.memory_space<semaphore_mem>>, %arg31: memref<!tpu.dma_semaphore, #tpu.memory_space<semaphore_mem>>, %arg32: memref<!tpu.dma_semaphore, #tpu.memory_space<semaphore_mem>>, %arg33: memref<!tpu.dma_semaphore, #tpu.memory_space<semaphore_mem>>, %arg34: memref<!tpu.dma_semaphore, #tpu.memory_space<semaphore_mem>>) attributes {dimension_semantics = [#tpu.dimension_semantics<core_parallel>, #tpu.dimension_semantics<subcore_parallel>], iteration_bounds = array<i64: 2, 16>, scalar_prefetch = 0 : i64, scratch_operands = 25 : i64, tpu.core_type = #tpu.core_type<sc_vector_subcore>, window_params = [{transform_indices = #map}, {transform_indices = #map1}, {transform_indices = #map1}, {transform_indices = #map1}, {transform_indices = #map1}, {transform_indices = #map1}, {transform_indices = #map2}, {transform_indices = #map2}]} {
    %mul3A = arith.constant 2 : i32
    %mul3A_0 = arith.muli %arg1, %mul3A : i32
    %add3A = arith.addi %mul3A_0, %arg0 : i32
    %broadcast_in_dim3A = arith.constant 0.000000e+00 : f32
    %broadcast_in_dim3A_1 = vector.broadcast %broadcast_in_dim3A : f32 to vector<16xf32>
    %scan3A = arith.constant 0 : i32
    %scan3A_2 = arith.constant 80 : i32
    %scan3A_3 = arith.addi %scan3A, %scan3A_2 : i32
    %scan3A_4 = arith.constant 1 : i32
    scf.for %scan3A_368 = %scan3A to %scan3A_3 step %scan3A_4  : i32 {
      %mul3A_369 = arith.constant 1 : i32
      %mul3A_370 = arith.muli %scan3A_368, %mul3A_369 : i32
      %add3A_371 = arith.constant 0 : i32
      %add3A_372 = arith.addi %add3A_371, %mul3A_370 : i32
      %swap3A = arith.index_cast %add3A_372 : i32 to index
      %swap3A_373 = arith.constant 0 : index
      %swap3A_374 = tpu.vector_load %arg19[%swap3A, %swap3A_373] {strides = array<i32>} : memref<120x128xf32, #tpu.memory_space<vmem>>, vector<16xf32>,
      tpu.vector_store %arg19[%swap3A, %swap3A_373], %broadcast_in_dim3A_1 {strides = array<i32>} : memref<120x128xf32, #tpu.memory_space<vmem>>, vector<16xf32>,
      %swap3A_375 = arith.index_cast %add3A_372 : i32 to index
      %swap3A_376 = arith.constant 16 : index
      %swap3A_377 = tpu.vector_load %arg19[%swap3A_375, %swap3A_376] {strides = array<i32>} : memref<120x128xf32, #tpu.memory_space<vmem>>, vector<16xf32>,
      tpu.vector_store %arg19[%swap3A_375, %swap3A_376], %broadcast_in_dim3A_1 {strides = array<i32>} : memref<120x128xf32, #tpu.memory_space<vmem>>, vector<16xf32>,
      %swap3A_378 = arith.index_cast %add3A_372 : i32 to index
      %swap3A_379 = arith.constant 32 : index
      %swap3A_380 = tpu.vector_load %arg19[%swap3A_378, %swap3A_379] {strides = array<i32>} : memref<120x128xf32, #tpu.memory_space<vmem>>, vector<16xf32>,
      tpu.vector_store %arg19[%swap3A_378, %swap3A_379], %broadcast_in_dim3A_1 {strides = array<i32>} : memref<120x128xf32, #tpu.memory_space<vmem>>, vector<16xf32>,
      %swap3A_381 = arith.index_cast %add3A_372 : i32 to index
      %swap3A_382 = arith.constant 48 : index
      %swap3A_383 = tpu.vector_load %arg19[%swap3A_381, %swap3A_382] {strides = array<i32>} : memref<120x128xf32, #tpu.memory_space<vmem>>, vector<16xf32>,
      tpu.vector_store %arg19[%swap3A_381, %swap3A_382], %broadcast_in_dim3A_1 {strides = array<i32>} : memref<120x128xf32, #tpu.memory_space<vmem>>, vector<16xf32>,
      %swap3A_384 = arith.index_cast %add3A_372 : i32 to index
      %swap3A_385 = arith.constant 64 : index
      %swap3A_386 = tpu.vector_load %arg19[%swap3A_384, %swap3A_385] {strides = array<i32>} : memref<120x128xf32, #tpu.memory_space<vmem>>, vector<16xf32>,
      tpu.vector_store %arg19[%swap3A_384, %swap3A_385], %broadcast_in_dim3A_1 {strides = array<i32>} : memref<120x128xf32, #tpu.memory_space<vmem>>, vector<16xf32>,
      %swap3A_387 = arith.index_cast %add3A_372 : i32 to index
      %swap3A_388 = arith.constant 80 : index
      %swap3A_389 = tpu.vector_load %arg19[%swap3A_387, %swap3A_388] {strides = array<i32>} : memref<120x128xf32, #tpu.memory_space<vmem>>, vector<16xf32>,
      tpu.vector_store %arg19[%swap3A_387, %swap3A_388], %broadcast_in_dim3A_1 {strides = array<i32>} : memref<120x128xf32, #tpu.memory_space<vmem>>, vector<16xf32>,
      %swap3A_390 = arith.index_cast %add3A_372 : i32 to index
      %swap3A_391 = arith.constant 96 : index
      %swap3A_392 = tpu.vector_load %arg19[%swap3A_390, %swap3A_391] {strides = array<i32>} : memref<120x128xf32, #tpu.memory_space<vmem>>, vector<16xf32>,
      tpu.vector_store %arg19[%swap3A_390, %swap3A_391], %broadcast_in_dim3A_1 {strides = array<i32>} : memref<120x128xf32, #tpu.memory_space<vmem>>, vector<16xf32>,
      %swap3A_393 = arith.index_cast %add3A_372 : i32 to index
      %swap3A_394 = arith.constant 112 : index
      %swap3A_395 = tpu.vector_load %arg19[%swap3A_393, %swap3A_394] {strides = array<i32>} : memref<120x128xf32, #tpu.memory_space<vmem>>, vector<16xf32>,
      tpu.vector_store %arg19[%swap3A_393, %swap3A_394], %broadcast_in_dim3A_1 {strides = array<i32>} : memref<120x128xf32, #tpu.memory_space<vmem>>, vector<16xf32>,
    }
    %scan3A_5 = arith.constant 80 : i32
    %sub3A = arith.constant 125 : i32
    %sub3A_6 = arith.subi %sub3A, %arg1 : i32
    %sub3A_7 = arith.constant 16 : i32
    %sub3A_8 = arith.constant 1 : i32
    %sub3A_9 = arith.subi %sub3A_7, %sub3A_8 : i32
    %add3A_10 = arith.addi %sub3A_6, %sub3A_9 : i32
    %div3A = arith.constant 16 : i32
    %div3A_11 = arith.divsi %add3A_10, %div3A : i32
    %while3A = arith.constant 16 : i32
    %while3A_12 = arith.constant 0 : i32
    %while3A_13 = arith.subi %div3A_11, %while3A_12 : i32
    %while3A_14 = arith.addi %while3A_12, %while3A_13 : i32
    %while3A_15 = arith.constant 1 : i32
    %while3A_16 = arith.divsi %while3A_13, %while3A_15 : i32
    %while3A_17 = arith.muli %while3A_16, %while3A_15 : i32
    %while3A_18 = arith.addi %while3A_12, %while3A_17 : i32
    %while3A_19 = arith.constant 1 : i32
    scf.for %while3A_368 = %while3A_12 to %while3A_18 step %while3A_19  : i32 {
      %mul3A_369 = arith.muli %while3A_368, %while3A : i32
      %add3A_370 = arith.addi %arg1, %mul3A_369 : i32
      %mul3A_371 = arith.constant 80 : i32
      %mul3A_372 = arith.muli %add3A_370, %mul3A_371 : i32
      "tpu.region"() ({
        %run_scoped3A = tpu.sem_alloc : memref<!tpu.dma_semaphore, #tpu.memory_space<semaphore_mem>>
        %dma_start3A_373 = arith.constant 0 : i32
        %dma_start3A_374 = arith.constant 0 : i32
        %dma_start3A_375 = tpu.memref_slice %arg19[%dma_start3A_373, %dma_start3A_374] : memref<120x128xf32, #tpu.memory_space<vmem>> -> memref<80x128xf32, #tpu.memory_space<vmem>>
        %dma_start3A_376 = arith.constant 0 : i32
        %dma_start3A_377 = tpu.memref_slice %arg22[%mul3A_372, %dma_start3A_376] : memref<10336x128xf32, #tpu.memory_space<vmem_shared>> -> memref<80x128xf32, #tpu.memory_space<vmem_shared>>
        %dma_start3A_378 = arith.constant 0 : i32
        %dma_start3A_379 = tpu.memref_slice %arg22[%mul3A_372, %dma_start3A_378] : memref<10336x128xf32, #tpu.memory_space<vmem_shared>> -> memref<80x128xf32, #tpu.memory_space<vmem_shared>>
        %dma_start3A_380 = arith.constant 0 : i32
        %dma_start3A_381 = arith.constant 0 : i32
        %dma_start3A_382 = tpu.memref_slice %arg19[%dma_start3A_380, %dma_start3A_381] : memref<120x128xf32, #tpu.memory_space<vmem>> -> memref<80x128xf32, #tpu.memory_space<vmem>>
        tpu.enqueue_dma source(%dma_start3A_382 : memref<80x128xf32, #tpu.memory_space<vmem>>) target(%dma_start3A_379 : memref<80x128xf32, #tpu.memory_space<vmem_shared>>) target_semaphore(%run_scoped3A : memref<!tpu.dma_semaphore, #tpu.memory_space<semaphore_mem>>)
        %dma_wait3A_383 = arith.constant 0 : i32
        %dma_wait3A_384 = arith.constant 0 : i32
        %dma_wait3A_385 = tpu.memref_slice %arg19[%dma_wait3A_383, %dma_wait3A_384] : memref<120x128xf32, #tpu.memory_space<vmem>> -> memref<80x128xf32, #tpu.memory_space<vmem>>
        %dma_wait3A_386 = arith.constant 0 : i32
        %dma_wait3A_387 = tpu.memref_slice %arg22[%mul3A_372, %dma_wait3A_386] : memref<10336x128xf32, #tpu.memory_space<vmem_shared>> -> memref<80x128xf32, #tpu.memory_space<vmem_shared>>
        %dma_wait3A_388 = arith.constant 0 : i32
        %dma_wait3A_389 = tpu.memref_slice %arg22[%mul3A_372, %dma_wait3A_388] : memref<10336x128xf32, #tpu.memory_space<vmem_shared>> -> memref<80x128xf32, #tpu.memory_space<vmem_shared>>
        %dma_wait3A_390 = arith.constant 0 : i32
        %dma_wait3A_391 = arith.constant 0 : i32
        %dma_wait3A_392 = tpu.memref_slice %arg19[%dma_wait3A_390, %dma_wait3A_391] : memref<120x128xf32, #tpu.memory_space<vmem>> -> memref<80x128xf32, #tpu.memory_space<vmem>>
        tpu.wait_dma2 semaphore(%run_scoped3A : memref<!tpu.dma_semaphore, #tpu.memory_space<semaphore_mem>>) src(%dma_wait3A_392 : memref<80x128xf32, #tpu.memory_space<vmem>>) dst(%dma_wait3A_389 : memref<80x128xf32, #tpu.memory_space<vmem_shared>>)
        tpu.yield
      }) : () -> ()
    }
    %while3A_20 = arith.constant 1 : i32
    scf.for %while3A_368 = %while3A_18 to %while3A_14 step %while3A_20  : i32 {
      %mul3A_369 = arith.muli %while3A_368, %while3A : i32
      %add3A_370 = arith.addi %arg1, %mul3A_369 : i32
      %mul3A_371 = arith.constant 80 : i32
      %mul3A_372 = arith.muli %add3A_370, %mul3A_371 : i32
      "tpu.region"() ({
        %run_scoped3A = tpu.sem_alloc : memref<!tpu.dma_semaphore, #tpu.memory_space<semaphore_mem>>
        %dma_start3A_373 = arith.constant 0 : i32
        %dma_start3A_374 = arith.constant 0 : i32
        %dma_start3A_375 = tpu.memref_slice %arg19[%dma_start3A_373, %dma_start3A_374] : memref<120x128xf32, #tpu.memory_space<vmem>> -> memref<80x128xf32, #tpu.memory_space<vmem>>
        %dma_start3A_376 = arith.constant 0 : i32
        %dma_start3A_377 = tpu.memref_slice %arg22[%mul3A_372, %dma_start3A_376] : memref<10336x128xf32, #tpu.memory_space<vmem_shared>> -> memref<80x128xf32, #tpu.memory_space<vmem_shared>>
        %dma_start3A_378 = arith.constant 0 : i32
        %dma_start3A_379 = tpu.memref_slice %arg22[%mul3A_372, %dma_start3A_378] : memref<10336x128xf32, #tpu.memory_space<vmem_shared>> -> memref<80x128xf32, #tpu.memory_space<vmem_shared>>
        %dma_start3A_380 = arith.constant 0 : i32
        %dma_start3A_381 = arith.constant 0 : i32
        %dma_start3A_382 = tpu.memref_slice %arg19[%dma_start3A_380, %dma_start3A_381] : memref<120x128xf32, #tpu.memory_space<vmem>> -> memref<80x128xf32, #tpu.memory_space<vmem>>
        tpu.enqueue_dma source(%dma_start3A_382 : memref<80x128xf32, #tpu.memory_space<vmem>>) target(%dma_start3A_379 : memref<80x128xf32, #tpu.memory_space<vmem_shared>>) target_semaphore(%run_scoped3A : memref<!tpu.dma_semaphore, #tpu.memory_space<semaphore_mem>>)
        %dma_wait3A_383 = arith.constant 0 : i32
        %dma_wait3A_384 = arith.constant 0 : i32
        %dma_wait3A_385 = tpu.memref_slice %arg19[%dma_wait3A_383, %dma_wait3A_384] : memref<120x128xf32, #tpu.memory_space<vmem>> -> memref<80x128xf32, #tpu.memory_space<vmem>>
        %dma_wait3A_386 = arith.constant 0 : i32
        %dma_wait3A_387 = tpu.memref_slice %arg22[%mul3A_372, %dma_wait3A_386] : memref<10336x128xf32, #tpu.memory_space<vmem_shared>> -> memref<80x128xf32, #tpu.memory_space<vmem_shared>>
        %dma_wait3A_388 = arith.constant 0 : i32
        %dma_wait3A_389 = tpu.memref_slice %arg22[%mul3A_372, %dma_wait3A_388] : memref<10336x128xf32, #tpu.memory_space<vmem_shared>> -> memref<80x128xf32, #tpu.memory_space<vmem_shared>>
        %dma_wait3A_390 = arith.constant 0 : i32
        %dma_wait3A_391 = arith.constant 0 : i32
        %dma_wait3A_392 = tpu.memref_slice %arg19[%dma_wait3A_390, %dma_wait3A_391] : memref<120x128xf32, #tpu.memory_space<vmem>> -> memref<80x128xf32, #tpu.memory_space<vmem>>
        tpu.wait_dma2 semaphore(%run_scoped3A : memref<!tpu.dma_semaphore, #tpu.memory_space<semaphore_mem>>) src(%dma_wait3A_392 : memref<80x128xf32, #tpu.memory_space<vmem>>) dst(%dma_wait3A_389 : memref<80x128xf32, #tpu.memory_space<vmem_shared>>)
        tpu.yield
      }) : () -> ()
    }
    %barrier3A = arith.constant 0 : index
    tpu.barrier barrier_id(%barrier3A)
    %mul3A_21 = arith.constant 85 : i32
    %mul3A_22 = arith.muli %add3A, %mul3A_21 : i32
    %mul3A_23 = arith.constant 120 : i32
    %mul3A_24 = arith.muli %mul3A_22, %mul3A_23 : i32
    %add3A_25 = arith.constant 0 : i32
    %add3A_26 = arith.addi %mul3A_24, %add3A_25 : i32
    %dma_start3A = tpu.memref_slice %arg3[%add3A_26] : memref<326400xi32, #tpu.memory_space<hbm>> -> memref<120xi32, #tpu.memory_space<hbm>>
    %dma_start3A_27 = tpu.memref_slice %arg3[%add3A_26] : memref<326400xi32, #tpu.memory_space<hbm>> -> memref<120xi32, #tpu.memory_space<hbm>>
    tpu.enqueue_dma source(%dma_start3A_27 : memref<120xi32, #tpu.memory_space<hbm>>) target(%arg10 : memref<120xi32, #tpu.memory_space<vmem>>) target_semaphore(%arg23 : memref<!tpu.dma_semaphore, #tpu.memory_space<semaphore_mem>>)
    %add3A_28 = arith.constant 0 : i32
    %add3A_29 = arith.addi %mul3A_24, %add3A_28 : i32
    %dma_start3A_30 = tpu.memref_slice %arg5[%add3A_29] : memref<326400xf32, #tpu.memory_space<hbm>> -> memref<120xf32, #tpu.memory_space<hbm>>
    %dma_start3A_31 = tpu.memref_slice %arg5[%add3A_29] : memref<326400xf32, #tpu.memory_space<hbm>> -> memref<120xf32, #tpu.memory_space<hbm>>
    tpu.enqueue_dma source(%dma_start3A_31 : memref<120xf32, #tpu.memory_space<hbm>>) target(%arg16 : memref<120xf32, #tpu.memory_space<vmem>>) target_semaphore(%arg23 : memref<!tpu.dma_semaphore, #tpu.memory_space<semaphore_mem>>)
    %add3A_32 = arith.constant 120 : i32
    %add3A_33 = arith.addi %mul3A_24, %add3A_32 : i32
    %dma_start3A_34 = tpu.memref_slice %arg3[%add3A_33] : memref<326400xi32, #tpu.memory_space<hbm>> -> memref<120xi32, #tpu.memory_space<hbm>>
    %dma_start3A_35 = tpu.memref_slice %arg3[%add3A_33] : memref<326400xi32, #tpu.memory_space<hbm>> -> memref<120xi32, #tpu.memory_space<hbm>>
    tpu.enqueue_dma source(%dma_start3A_35 : memref<120xi32, #tpu.memory_space<hbm>>) target(%arg11 : memref<120xi32, #tpu.memory_space<vmem>>) target_semaphore(%arg24 : memref<!tpu.dma_semaphore, #tpu.memory_space<semaphore_mem>>)
    %add3A_36 = arith.constant 120 : i32
    %add3A_37 = arith.addi %mul3A_24, %add3A_36 : i32
    %dma_start3A_38 = tpu.memref_slice %arg5[%add3A_37] : memref<326400xf32, #tpu.memory_space<hbm>> -> memref<120xf32, #tpu.memory_space<hbm>>
    %dma_start3A_39 = tpu.memref_slice %arg5[%add3A_37] : memref<326400xf32, #tpu.memory_space<hbm>> -> memref<120xf32, #tpu.memory_space<hbm>>
    tpu.enqueue_dma source(%dma_start3A_39 : memref<120xf32, #tpu.memory_space<hbm>>) target(%arg17 : memref<120xf32, #tpu.memory_space<vmem>>) target_semaphore(%arg24 : memref<!tpu.dma_semaphore, #tpu.memory_space<semaphore_mem>>)
    %add3A_40 = arith.constant 0 : i32
    %add3A_41 = arith.addi %mul3A_24, %add3A_40 : i32
    %dma_start3A_42 = tpu.memref_slice %arg4[%add3A_41] : memref<326400xi32, #tpu.memory_space<hbm>> -> memref<120xi32, #tpu.memory_space<hbm>>
    %dma_start3A_43 = tpu.memref_slice %arg4[%add3A_41] : memref<326400xi32, #tpu.memory_space<hbm>> -> memref<120xi32, #tpu.memory_space<hbm>>
    tpu.enqueue_dma source(%dma_start3A_43 : memref<120xi32, #tpu.memory_space<hbm>>) target(%arg13 : memref<120xi32, #tpu.memory_space<vmem>>) target_semaphore(%arg26 : memref<!tpu.dma_semaphore, #tpu.memory_space<semaphore_mem>>)
    %add3A_44 = arith.constant 0 : i32
    %add3A_45 = arith.addi %mul3A_24, %add3A_44 : i32
    %dma_wait3A = tpu.memref_slice %arg3[%add3A_45] : memref<326400xi32, #tpu.memory_space<hbm>> -> memref<120xi32, #tpu.memory_space<hbm>>
    %dma_wait3A_46 = tpu.memref_slice %arg3[%add3A_45] : memref<326400xi32, #tpu.memory_space<hbm>> -> memref<120xi32, #tpu.memory_space<hbm>>
    tpu.wait_dma2 semaphore(%arg23 : memref<!tpu.dma_semaphore, #tpu.memory_space<semaphore_mem>>) src(%dma_wait3A_46 : memref<120xi32, #tpu.memory_space<hbm>>) dst(%arg10 : memref<120xi32, #tpu.memory_space<vmem>>)
    %add3A_47 = arith.constant 0 : i32
    %add3A_48 = arith.addi %mul3A_24, %add3A_47 : i32
    %dma_wait3A_49 = tpu.memref_slice %arg5[%add3A_48] : memref<326400xf32, #tpu.memory_space<hbm>> -> memref<120xf32, #tpu.memory_space<hbm>>
    %dma_wait3A_50 = tpu.memref_slice %arg5[%add3A_48] : memref<326400xf32, #tpu.memory_space<hbm>> -> memref<120xf32, #tpu.memory_space<hbm>>
    tpu.wait_dma2 semaphore(%arg23 : memref<!tpu.dma_semaphore, #tpu.memory_space<semaphore_mem>>) src(%dma_wait3A_50 : memref<120xf32, #tpu.memory_space<hbm>>) dst(%arg16 : memref<120xf32, #tpu.memory_space<vmem>>)
    %dma_start3A_51 = arith.constant 0 : i32
    %dma_start3A_52 = arith.constant 0 : i32
    %dma_start3A_53 = tpu.memref_slice %arg2[%dma_start3A_51, %dma_start3A_52] : memref<10000x128xf32, #tpu.memory_space<hbm>> -> memref<10000x128xf32, #tpu.memory_space<hbm>>
    tpu.enqueue_indirect_dma source(%dma_start3A_53 : memref<10000x128xf32, #tpu.memory_space<hbm>>) target(%arg19 : memref<120x128xf32, #tpu.memory_space<vmem>>) offsets(%arg10 : memref<120xi32, #tpu.memory_space<vmem>>) semaphore(%arg29 : memref<!tpu.dma_semaphore, #tpu.memory_space<semaphore_mem>>)
    %add3A_54 = arith.constant 120 : i32
    %add3A_55 = arith.addi %mul3A_24, %add3A_54 : i32
    %dma_start3A_56 = tpu.memref_slice %arg4[%add3A_55] : memref<326400xi32, #tpu.memory_space<hbm>> -> memref<120xi32, #tpu.memory_space<hbm>>
    %dma_start3A_57 = tpu.memref_slice %arg4[%add3A_55] : memref<326400xi32, #tpu.memory_space<hbm>> -> memref<120xi32, #tpu.memory_space<hbm>>
    tpu.enqueue_dma source(%dma_start3A_57 : memref<120xi32, #tpu.memory_space<hbm>>) target(%arg14 : memref<120xi32, #tpu.memory_space<vmem>>) target_semaphore(%arg27 : memref<!tpu.dma_semaphore, #tpu.memory_space<semaphore_mem>>)
    %add3A_58 = arith.constant 120 : i32
    %add3A_59 = arith.addi %mul3A_24, %add3A_58 : i32
    %dma_wait3A_60 = tpu.memref_slice %arg3[%add3A_59] : memref<326400xi32, #tpu.memory_space<hbm>> -> memref<120xi32, #tpu.memory_space<hbm>>
    %dma_wait3A_61 = tpu.memref_slice %arg3[%add3A_59] : memref<326400xi32, #tpu.memory_space<hbm>> -> memref<120xi32, #tpu.memory_space<hbm>>
    tpu.wait_dma2 semaphore(%arg24 : memref<!tpu.dma_semaphore, #tpu.memory_space<semaphore_mem>>) src(%dma_wait3A_61 : memref<120xi32, #tpu.memory_space<hbm>>) dst(%arg11 : memref<120xi32, #tpu.memory_space<vmem>>)
    %add3A_62 = arith.constant 120 : i32
    %add3A_63 = arith.addi %mul3A_24, %add3A_62 : i32
    %dma_wait3A_64 = tpu.memref_slice %arg5[%add3A_63] : memref<326400xf32, #tpu.memory_space<hbm>> -> memref<120xf32, #tpu.memory_space<hbm>>
    %dma_wait3A_65 = tpu.memref_slice %arg5[%add3A_63] : memref<326400xf32, #tpu.memory_space<hbm>> -> memref<120xf32, #tpu.memory_space<hbm>>
    tpu.wait_dma2 semaphore(%arg24 : memref<!tpu.dma_semaphore, #tpu.memory_space<semaphore_mem>>) src(%dma_wait3A_65 : memref<120xf32, #tpu.memory_space<hbm>>) dst(%arg17 : memref<120xf32, #tpu.memory_space<vmem>>)
    %dma_start3A_66 = arith.constant 0 : i32
    %dma_start3A_67 = arith.constant 0 : i32
    %dma_start3A_68 = tpu.memref_slice %arg2[%dma_start3A_66, %dma_start3A_67] : memref<10000x128xf32, #tpu.memory_space<hbm>> -> memref<10000x128xf32, #tpu.memory_space<hbm>>
    tpu.enqueue_indirect_dma source(%dma_start3A_68 : memref<10000x128xf32, #tpu.memory_space<hbm>>) target(%arg20 : memref<120x128xf32, #tpu.memory_space<vmem>>) offsets(%arg11 : memref<120xi32, #tpu.memory_space<vmem>>) semaphore(%arg30 : memref<!tpu.dma_semaphore, #tpu.memory_space<semaphore_mem>>)
    %dma_wait3A_69 = arith.constant 0 : i32
    %dma_wait3A_70 = arith.constant 0 : i32
    %dma_wait3A_71 = tpu.memref_slice %arg2[%dma_wait3A_69, %dma_wait3A_70] : memref<10000x128xf32, #tpu.memory_space<hbm>> -> memref<10000x128xf32, #tpu.memory_space<hbm>>
    tpu.wait_indirect_dma semaphore(%arg29 : memref<!tpu.dma_semaphore, #tpu.memory_space<semaphore_mem>>) src(%dma_wait3A_71 : memref<10000x128xf32, #tpu.memory_space<hbm>>) dst(%arg19 : memref<120x128xf32, #tpu.memory_space<vmem>>)
    %add3A_72 = arith.constant 240 : i32
    %add3A_73 = arith.addi %mul3A_24, %add3A_72 : i32
    %dma_start3A_74 = tpu.memref_slice %arg3[%add3A_73] : memref<326400xi32, #tpu.memory_space<hbm>> -> memref<120xi32, #tpu.memory_space<hbm>>
    %dma_start3A_75 = tpu.memref_slice %arg3[%add3A_73] : memref<326400xi32, #tpu.memory_space<hbm>> -> memref<120xi32, #tpu.memory_space<hbm>>
    tpu.enqueue_dma source(%dma_start3A_75 : memref<120xi32, #tpu.memory_space<hbm>>) target(%arg12 : memref<120xi32, #tpu.memory_space<vmem>>) target_semaphore(%arg25 : memref<!tpu.dma_semaphore, #tpu.memory_space<semaphore_mem>>)
    %add3A_76 = arith.constant 240 : i32
    %add3A_77 = arith.addi %mul3A_24, %add3A_76 : i32
    %dma_start3A_78 = tpu.memref_slice %arg5[%add3A_77] : memref<326400xf32, #tpu.memory_space<hbm>> -> memref<120xf32, #tpu.memory_space<hbm>>
    %dma_start3A_79 = tpu.memref_slice %arg5[%add3A_77] : memref<326400xf32, #tpu.memory_space<hbm>> -> memref<120xf32, #tpu.memory_space<hbm>>
    tpu.enqueue_dma source(%dma_start3A_79 : memref<120xf32, #tpu.memory_space<hbm>>) target(%arg18 : memref<120xf32, #tpu.memory_space<vmem>>) target_semaphore(%arg25 : memref<!tpu.dma_semaphore, #tpu.memory_space<semaphore_mem>>)
    %parallel_loop3A = arith.constant 0 : i32
    %parallel_loop3A_80 = arith.constant 120 : i32
    %parallel_loop3A_81 = arith.constant 1 : i32
    scf.for %parallel_loop3A_368 = %parallel_loop3A to %parallel_loop3A_80 step %parallel_loop3A_81  : i32 {
      %parallel_loop3A_369 = vector.broadcast %parallel_loop3A_368 : i32 to vector<16xi32>
      %parallel_loop3A_370 = tpu.vector_load_idx %arg16[%parallel_loop3A_369] : memref<120xf32, #tpu.memory_space<vmem>>[vector<16xi32>], vector<16xf32>,
      %parallel_loop3A_371 = arith.index_cast %parallel_loop3A_368 : i32 to index
      %parallel_loop3A_372 = arith.constant 0 : index
      %parallel_loop3A_373 = tpu.vector_load %arg19[%parallel_loop3A_371, %parallel_loop3A_372] {strides = array<i32>} : memref<120x128xf32, #tpu.memory_space<vmem>>, vector<16xf32>,
      %parallel_loop3A_374 = arith.mulf %parallel_loop3A_373, %parallel_loop3A_370 : vector<16xf32>
      %parallel_loop3A_375 = arith.index_cast %parallel_loop3A_368 : i32 to index
      %parallel_loop3A_376 = arith.constant 0 : index
      %parallel_loop3A_377 = tpu.vector_load %arg19[%parallel_loop3A_375, %parallel_loop3A_376] {strides = array<i32>} : memref<120x128xf32, #tpu.memory_space<vmem>>, vector<16xf32>,
      tpu.vector_store %arg19[%parallel_loop3A_375, %parallel_loop3A_376], %parallel_loop3A_374 {strides = array<i32>} : memref<120x128xf32, #tpu.memory_space<vmem>>, vector<16xf32>,
      %parallel_loop3A_378 = arith.index_cast %parallel_loop3A_368 : i32 to index
      %parallel_loop3A_379 = arith.constant 16 : index
      %parallel_loop3A_380 = tpu.vector_load %arg19[%parallel_loop3A_378, %parallel_loop3A_379] {strides = array<i32>} : memref<120x128xf32, #tpu.memory_space<vmem>>, vector<16xf32>,
      %parallel_loop3A_381 = arith.mulf %parallel_loop3A_380, %parallel_loop3A_370 : vector<16xf32>
      %parallel_loop3A_382 = arith.index_cast %parallel_loop3A_368 : i32 to index
      %parallel_loop3A_383 = arith.constant 16 : index
      %parallel_loop3A_384 = tpu.vector_load %arg19[%parallel_loop3A_382, %parallel_loop3A_383] {strides = array<i32>} : memref<120x128xf32, #tpu.memory_space<vmem>>, vector<16xf32>,
      tpu.vector_store %arg19[%parallel_loop3A_382, %parallel_loop3A_383], %parallel_loop3A_381 {strides = array<i32>} : memref<120x128xf32, #tpu.memory_space<vmem>>, vector<16xf32>,
      %parallel_loop3A_385 = arith.index_cast %parallel_loop3A_368 : i32 to index
      %parallel_loop3A_386 = arith.constant 32 : index
      %parallel_loop3A_387 = tpu.vector_load %arg19[%parallel_loop3A_385, %parallel_loop3A_386] {strides = array<i32>} : memref<120x128xf32, #tpu.memory_space<vmem>>, vector<16xf32>,
      %parallel_loop3A_388 = arith.mulf %parallel_loop3A_387, %parallel_loop3A_370 : vector<16xf32>
      %parallel_loop3A_389 = arith.index_cast %parallel_loop3A_368 : i32 to index
      %parallel_loop3A_390 = arith.constant 32 : index
      %parallel_loop3A_391 = tpu.vector_load %arg19[%parallel_loop3A_389, %parallel_loop3A_390] {strides = array<i32>} : memref<120x128xf32, #tpu.memory_space<vmem>>, vector<16xf32>,
      tpu.vector_store %arg19[%parallel_loop3A_389, %parallel_loop3A_390], %parallel_loop3A_388 {strides = array<i32>} : memref<120x128xf32, #tpu.memory_space<vmem>>, vector<16xf32>,
      %parallel_loop3A_392 = arith.index_cast %parallel_loop3A_368 : i32 to index
      %parallel_loop3A_393 = arith.constant 48 : index
      %parallel_loop3A_394 = tpu.vector_load %arg19[%parallel_loop3A_392, %parallel_loop3A_393] {strides = array<i32>} : memref<120x128xf32, #tpu.memory_space<vmem>>, vector<16xf32>,
      %parallel_loop3A_395 = arith.mulf %parallel_loop3A_394, %parallel_loop3A_370 : vector<16xf32>
      %parallel_loop3A_396 = arith.index_cast %parallel_loop3A_368 : i32 to index
      %parallel_loop3A_397 = arith.constant 48 : index
      %parallel_loop3A_398 = tpu.vector_load %arg19[%parallel_loop3A_396, %parallel_loop3A_397] {strides = array<i32>} : memref<120x128xf32, #tpu.memory_space<vmem>>, vector<16xf32>,
      tpu.vector_store %arg19[%parallel_loop3A_396, %parallel_loop3A_397], %parallel_loop3A_395 {strides = array<i32>} : memref<120x128xf32, #tpu.memory_space<vmem>>, vector<16xf32>,
      %parallel_loop3A_399 = arith.index_cast %parallel_loop3A_368 : i32 to index
      %parallel_loop3A_400 = arith.constant 64 : index
      %parallel_loop3A_401 = tpu.vector_load %arg19[%parallel_loop3A_399, %parallel_loop3A_400] {strides = array<i32>} : memref<120x128xf32, #tpu.memory_space<vmem>>, vector<16xf32>,
      %parallel_loop3A_402 = arith.mulf %parallel_loop3A_401, %parallel_loop3A_370 : vector<16xf32>
      %parallel_loop3A_403 = arith.index_cast %parallel_loop3A_368 : i32 to index
      %parallel_loop3A_404 = arith.constant 64 : index
      %parallel_loop3A_405 = tpu.vector_load %arg19[%parallel_loop3A_403, %parallel_loop3A_404] {strides = array<i32>} : memref<120x128xf32, #tpu.memory_space<vmem>>, vector<16xf32>,
      tpu.vector_store %arg19[%parallel_loop3A_403, %parallel_loop3A_404], %parallel_loop3A_402 {strides = array<i32>} : memref<120x128xf32, #tpu.memory_space<vmem>>, vector<16xf32>,
      %parallel_loop3A_406 = arith.index_cast %parallel_loop3A_368 : i32 to index
      %parallel_loop3A_407 = arith.constant 80 : index
      %parallel_loop3A_408 = tpu.vector_load %arg19[%parallel_loop3A_406, %parallel_loop3A_407] {strides = array<i32>} : memref<120x128xf32, #tpu.memory_space<vmem>>, vector<16xf32>,
      %parallel_loop3A_409 = arith.mulf %parallel_loop3A_408, %parallel_loop3A_370 : vector<16xf32>
      %parallel_loop3A_410 = arith.index_cast %parallel_loop3A_368 : i32 to index
      %parallel_loop3A_411 = arith.constant 80 : index
      %parallel_loop3A_412 = tpu.vector_load %arg19[%parallel_loop3A_410, %parallel_loop3A_411] {strides = array<i32>} : memref<120x128xf32, #tpu.memory_space<vmem>>, vector<16xf32>,
      tpu.vector_store %arg19[%parallel_loop3A_410, %parallel_loop3A_411], %parallel_loop3A_409 {strides = array<i32>} : memref<120x128xf32, #tpu.memory_space<vmem>>, vector<16xf32>,
      %parallel_loop3A_413 = arith.index_cast %parallel_loop3A_368 : i32 to index
      %parallel_loop3A_414 = arith.constant 96 : index
      %parallel_loop3A_415 = tpu.vector_load %arg19[%parallel_loop3A_413, %parallel_loop3A_414] {strides = array<i32>} : memref<120x128xf32, #tpu.memory_space<vmem>>, vector<16xf32>,
      %parallel_loop3A_416 = arith.mulf %parallel_loop3A_415, %parallel_loop3A_370 : vector<16xf32>
      %parallel_loop3A_417 = arith.index_cast %parallel_loop3A_368 : i32 to index
      %parallel_loop3A_418 = arith.constant 96 : index
      %parallel_loop3A_419 = tpu.vector_load %arg19[%parallel_loop3A_417, %parallel_loop3A_418] {strides = array<i32>} : memref<120x128xf32, #tpu.memory_space<vmem>>, vector<16xf32>,
      tpu.vector_store %arg19[%parallel_loop3A_417, %parallel_loop3A_418], %parallel_loop3A_416 {strides = array<i32>} : memref<120x128xf32, #tpu.memory_space<vmem>>, vector<16xf32>,
      %parallel_loop3A_420 = arith.index_cast %parallel_loop3A_368 : i32 to index
      %parallel_loop3A_421 = arith.constant 112 : index
      %parallel_loop3A_422 = tpu.vector_load %arg19[%parallel_loop3A_420, %parallel_loop3A_421] {strides = array<i32>} : memref<120x128xf32, #tpu.memory_space<vmem>>, vector<16xf32>,
      %parallel_loop3A_423 = arith.mulf %parallel_loop3A_422, %parallel_loop3A_370 : vector<16xf32>
      %parallel_loop3A_424 = arith.index_cast %parallel_loop3A_368 : i32 to index
      %parallel_loop3A_425 = arith.constant 112 : index
      %parallel_loop3A_426 = tpu.vector_load %arg19[%parallel_loop3A_424, %parallel_loop3A_425] {strides = array<i32>} : memref<120x128xf32, #tpu.memory_space<vmem>>, vector<16xf32>,
      tpu.vector_store %arg19[%parallel_loop3A_424, %parallel_loop3A_425], %parallel_loop3A_423 {strides = array<i32>} : memref<120x128xf32, #tpu.memory_space<vmem>>, vector<16xf32>,
    } {sc.loop_unroll_factor = 4 : i64, sc.parallel_access}
    %add3A_82 = arith.constant 0 : i32
    %add3A_83 = arith.addi %mul3A_24, %add3A_82 : i32
    %dma_wait3A_84 = tpu.memref_slice %arg4[%add3A_83] : memref<326400xi32, #tpu.memory_space<hbm>> -> memref<120xi32, #tpu.memory_space<hbm>>
    %dma_wait3A_85 = tpu.memref_slice %arg4[%add3A_83] : memref<326400xi32, #tpu.memory_space<hbm>> -> memref<120xi32, #tpu.memory_space<hbm>>
    tpu.wait_dma2 semaphore(%arg26 : memref<!tpu.dma_semaphore, #tpu.memory_space<semaphore_mem>>) src(%dma_wait3A_85 : memref<120xi32, #tpu.memory_space<hbm>>) dst(%arg13 : memref<120xi32, #tpu.memory_space<vmem>>)
    %dma_start3A_86 = arith.constant 0 : i32
    %dma_start3A_87 = arith.constant 0 : i32
    %dma_start3A_88 = tpu.memref_slice %arg22[%dma_start3A_86, %dma_start3A_87] : memref<10336x128xf32, #tpu.memory_space<vmem_shared>> -> memref<10336x128xf32, #tpu.memory_space<vmem_shared>>
    tpu.enqueue_indirect_dma source(%arg19 : memref<120x128xf32, #tpu.memory_space<vmem>>) target(%dma_start3A_88 : memref<10336x128xf32, #tpu.memory_space<vmem_shared>>) offsets(%arg13 : memref<120xi32, #tpu.memory_space<vmem>>) semaphore(%arg32 : memref<!tpu.dma_semaphore, #tpu.memory_space<semaphore_mem>>) {add = true}
    %add3A_89 = arith.constant 240 : i32
    %add3A_90 = arith.addi %mul3A_24, %add3A_89 : i32
    %dma_start3A_91 = tpu.memref_slice %arg4[%add3A_90] : memref<326400xi32, #tpu.memory_space<hbm>> -> memref<120xi32, #tpu.memory_space<hbm>>
    %dma_start3A_92 = tpu.memref_slice %arg4[%add3A_90] : memref<326400xi32, #tpu.memory_space<hbm>> -> memref<120xi32, #tpu.memory_space<hbm>>
    tpu.enqueue_dma source(%dma_start3A_92 : memref<120xi32, #tpu.memory_space<hbm>>) target(%arg15 : memref<120xi32, #tpu.memory_space<vmem>>) target_semaphore(%arg28 : memref<!tpu.dma_semaphore, #tpu.memory_space<semaphore_mem>>)
    %add3A_93 = arith.constant 240 : i32
    %add3A_94 = arith.addi %mul3A_24, %add3A_93 : i32
    %dma_wait3A_95 = tpu.memref_slice %arg3[%add3A_94] : memref<326400xi32, #tpu.memory_space<hbm>> -> memref<120xi32, #tpu.memory_space<hbm>>
    %dma_wait3A_96 = tpu.memref_slice %arg3[%add3A_94] : memref<326400xi32, #tpu.memory_space<hbm>> -> memref<120xi32, #tpu.memory_space<hbm>>
    tpu.wait_dma2 semaphore(%arg25 : memref<!tpu.dma_semaphore, #tpu.memory_space<semaphore_mem>>) src(%dma_wait3A_96 : memref<120xi32, #tpu.memory_space<hbm>>) dst(%arg12 : memref<120xi32, #tpu.memory_space<vmem>>)
    %add3A_97 = arith.constant 240 : i32
    %add3A_98 = arith.addi %mul3A_24, %add3A_97 : i32
    %dma_wait3A_99 = tpu.memref_slice %arg5[%add3A_98] : memref<326400xf32, #tpu.memory_space<hbm>> -> memref<120xf32, #tpu.memory_space<hbm>>
    %dma_wait3A_100 = tpu.memref_slice %arg5[%add3A_98] : memref<326400xf32, #tpu.memory_space<hbm>> -> memref<120xf32, #tpu.memory_space<hbm>>
    tpu.wait_dma2 semaphore(%arg25 : memref<!tpu.dma_semaphore, #tpu.memory_space<semaphore_mem>>) src(%dma_wait3A_100 : memref<120xf32, #tpu.memory_space<hbm>>) dst(%arg18 : memref<120xf32, #tpu.memory_space<vmem>>)
    %dma_start3A_101 = arith.constant 0 : i32
    %dma_start3A_102 = arith.constant 0 : i32
    %dma_start3A_103 = tpu.memref_slice %arg2[%dma_start3A_101, %dma_start3A_102] : memref<10000x128xf32, #tpu.memory_space<hbm>> -> memref<10000x128xf32, #tpu.memory_space<hbm>>
    tpu.enqueue_indirect_dma source(%dma_start3A_103 : memref<10000x128xf32, #tpu.memory_space<hbm>>) target(%arg21 : memref<120x128xf32, #tpu.memory_space<vmem>>) offsets(%arg12 : memref<120xi32, #tpu.memory_space<vmem>>) semaphore(%arg31 : memref<!tpu.dma_semaphore, #tpu.memory_space<semaphore_mem>>)
    %dma_wait3A_104 = arith.constant 0 : i32
    %dma_wait3A_105 = arith.constant 0 : i32
    %dma_wait3A_106 = tpu.memref_slice %arg2[%dma_wait3A_104, %dma_wait3A_105] : memref<10000x128xf32, #tpu.memory_space<hbm>> -> memref<10000x128xf32, #tpu.memory_space<hbm>>
    tpu.wait_indirect_dma semaphore(%arg30 : memref<!tpu.dma_semaphore, #tpu.memory_space<semaphore_mem>>) src(%dma_wait3A_106 : memref<10000x128xf32, #tpu.memory_space<hbm>>) dst(%arg20 : memref<120x128xf32, #tpu.memory_space<vmem>>)
    %add3A_107 = arith.constant 360 : i32
    %add3A_108 = arith.addi %mul3A_24, %add3A_107 : i32
    %dma_start3A_109 = tpu.memref_slice %arg3[%add3A_108] : memref<326400xi32, #tpu.memory_space<hbm>> -> memref<120xi32, #tpu.memory_space<hbm>>
    %dma_start3A_110 = tpu.memref_slice %arg3[%add3A_108] : memref<326400xi32, #tpu.memory_space<hbm>> -> memref<120xi32, #tpu.memory_space<hbm>>
    tpu.enqueue_dma source(%dma_start3A_110 : memref<120xi32, #tpu.memory_space<hbm>>) target(%arg10 : memref<120xi32, #tpu.memory_space<vmem>>) target_semaphore(%arg23 : memref<!tpu.dma_semaphore, #tpu.memory_space<semaphore_mem>>)
    %add3A_111 = arith.constant 360 : i32
    %add3A_112 = arith.addi %mul3A_24, %add3A_111 : i32
    %dma_start3A_113 = tpu.memref_slice %arg5[%add3A_112] : memref<326400xf32, #tpu.memory_space<hbm>> -> memref<120xf32, #tpu.memory_space<hbm>>
    %dma_start3A_114 = tpu.memref_slice %arg5[%add3A_112] : memref<326400xf32, #tpu.memory_space<hbm>> -> memref<120xf32, #tpu.memory_space<hbm>>
    tpu.enqueue_dma source(%dma_start3A_114 : memref<120xf32, #tpu.memory_space<hbm>>) target(%arg16 : memref<120xf32, #tpu.memory_space<vmem>>) target_semaphore(%arg23 : memref<!tpu.dma_semaphore, #tpu.memory_space<semaphore_mem>>)
    %parallel_loop3A_115 = arith.constant 0 : i32
    %parallel_loop3A_116 = arith.constant 120 : i32
    %parallel_loop3A_117 = arith.constant 1 : i32
    scf.for %parallel_loop3A_368 = %parallel_loop3A_115 to %parallel_loop3A_116 step %parallel_loop3A_117  : i32 {
      %parallel_loop3A_369 = vector.broadcast %parallel_loop3A_368 : i32 to vector<16xi32>
      %parallel_loop3A_370 = tpu.vector_load_idx %arg17[%parallel_loop3A_369] : memref<120xf32, #tpu.memory_space<vmem>>[vector<16xi32>], vector<16xf32>,
      %parallel_loop3A_371 = arith.index_cast %parallel_loop3A_368 : i32 to index
      %parallel_loop3A_372 = arith.constant 0 : index
      %parallel_loop3A_373 = tpu.vector_load %arg20[%parallel_loop3A_371, %parallel_loop3A_372] {strides = array<i32>} : memref<120x128xf32, #tpu.memory_space<vmem>>, vector<16xf32>,
      %parallel_loop3A_374 = arith.mulf %parallel_loop3A_373, %parallel_loop3A_370 : vector<16xf32>
      %parallel_loop3A_375 = arith.index_cast %parallel_loop3A_368 : i32 to index
      %parallel_loop3A_376 = arith.constant 0 : index
      %parallel_loop3A_377 = tpu.vector_load %arg20[%parallel_loop3A_375, %parallel_loop3A_376] {strides = array<i32>} : memref<120x128xf32, #tpu.memory_space<vmem>>, vector<16xf32>,
      tpu.vector_store %arg20[%parallel_loop3A_375, %parallel_loop3A_376], %parallel_loop3A_374 {strides = array<i32>} : memref<120x128xf32, #tpu.memory_space<vmem>>, vector<16xf32>,
      %parallel_loop3A_378 = arith.index_cast %parallel_loop3A_368 : i32 to index
      %parallel_loop3A_379 = arith.constant 16 : index
      %parallel_loop3A_380 = tpu.vector_load %arg20[%parallel_loop3A_378, %parallel_loop3A_379] {strides = array<i32>} : memref<120x128xf32, #tpu.memory_space<vmem>>, vector<16xf32>,
      %parallel_loop3A_381 = arith.mulf %parallel_loop3A_380, %parallel_loop3A_370 : vector<16xf32>
      %parallel_loop3A_382 = arith.index_cast %parallel_loop3A_368 : i32 to index
      %parallel_loop3A_383 = arith.constant 16 : index
      %parallel_loop3A_384 = tpu.vector_load %arg20[%parallel_loop3A_382, %parallel_loop3A_383] {strides = array<i32>} : memref<120x128xf32, #tpu.memory_space<vmem>>, vector<16xf32>,
      tpu.vector_store %arg20[%parallel_loop3A_382, %parallel_loop3A_383], %parallel_loop3A_381 {strides = array<i32>} : memref<120x128xf32, #tpu.memory_space<vmem>>, vector<16xf32>,
      %parallel_loop3A_385 = arith.index_cast %parallel_loop3A_368 : i32 to index
      %parallel_loop3A_386 = arith.constant 32 : index
      %parallel_loop3A_387 = tpu.vector_load %arg20[%parallel_loop3A_385, %parallel_loop3A_386] {strides = array<i32>} : memref<120x128xf32, #tpu.memory_space<vmem>>, vector<16xf32>,
      %parallel_loop3A_388 = arith.mulf %parallel_loop3A_387, %parallel_loop3A_370 : vector<16xf32>
      %parallel_loop3A_389 = arith.index_cast %parallel_loop3A_368 : i32 to index
      %parallel_loop3A_390 = arith.constant 32 : index
      %parallel_loop3A_391 = tpu.vector_load %arg20[%parallel_loop3A_389, %parallel_loop3A_390] {strides = array<i32>} : memref<120x128xf32, #tpu.memory_space<vmem>>, vector<16xf32>,
      tpu.vector_store %arg20[%parallel_loop3A_389, %parallel_loop3A_390], %parallel_loop3A_388 {strides = array<i32>} : memref<120x128xf32, #tpu.memory_space<vmem>>, vector<16xf32>,
      %parallel_loop3A_392 = arith.index_cast %parallel_loop3A_368 : i32 to index
      %parallel_loop3A_393 = arith.constant 48 : index
      %parallel_loop3A_394 = tpu.vector_load %arg20[%parallel_loop3A_392, %parallel_loop3A_393] {strides = array<i32>} : memref<120x128xf32, #tpu.memory_space<vmem>>, vector<16xf32>,
      %parallel_loop3A_395 = arith.mulf %parallel_loop3A_394, %parallel_loop3A_370 : vector<16xf32>
      %parallel_loop3A_396 = arith.index_cast %parallel_loop3A_368 : i32 to index
      %parallel_loop3A_397 = arith.constant 48 : index
      %parallel_loop3A_398 = tpu.vector_load %arg20[%parallel_loop3A_396, %parallel_loop3A_397] {strides = array<i32>} : memref<120x128xf32, #tpu.memory_space<vmem>>, vector<16xf32>,
      tpu.vector_store %arg20[%parallel_loop3A_396, %parallel_loop3A_397], %parallel_loop3A_395 {strides = array<i32>} : memref<120x128xf32, #tpu.memory_space<vmem>>, vector<16xf32>,
      %parallel_loop3A_399 = arith.index_cast %parallel_loop3A_368 : i32 to index
      %parallel_loop3A_400 = arith.constant 64 : index
      %parallel_loop3A_401 = tpu.vector_load %arg20[%parallel_loop3A_399, %parallel_loop3A_400] {strides = array<i32>} : memref<120x128xf32, #tpu.memory_space<vmem>>, vector<16xf32>,
      %parallel_loop3A_402 = arith.mulf %parallel_loop3A_401, %parallel_loop3A_370 : vector<16xf32>
      %parallel_loop3A_403 = arith.index_cast %parallel_loop3A_368 : i32 to index
      %parallel_loop3A_404 = arith.constant 64 : index
      %parallel_loop3A_405 = tpu.vector_load %arg20[%parallel_loop3A_403, %parallel_loop3A_404] {strides = array<i32>} : memref<120x128xf32, #tpu.memory_space<vmem>>, vector<16xf32>,
      tpu.vector_store %arg20[%parallel_loop3A_403, %parallel_loop3A_404], %parallel_loop3A_402 {strides = array<i32>} : memref<120x128xf32, #tpu.memory_space<vmem>>, vector<16xf32>,
      %parallel_loop3A_406 = arith.index_cast %parallel_loop3A_368 : i32 to index
      %parallel_loop3A_407 = arith.constant 80 : index
      %parallel_loop3A_408 = tpu.vector_load %arg20[%parallel_loop3A_406, %parallel_loop3A_407] {strides = array<i32>} : memref<120x128xf32, #tpu.memory_space<vmem>>, vector<16xf32>,
      %parallel_loop3A_409 = arith.mulf %parallel_loop3A_408, %parallel_loop3A_370 : vector<16xf32>
      %parallel_loop3A_410 = arith.index_cast %parallel_loop3A_368 : i32 to index
      %parallel_loop3A_411 = arith.constant 80 : index
      %parallel_loop3A_412 = tpu.vector_load %arg20[%parallel_loop3A_410, %parallel_loop3A_411] {strides = array<i32>} : memref<120x128xf32, #tpu.memory_space<vmem>>, vector<16xf32>,
      tpu.vector_store %arg20[%parallel_loop3A_410, %parallel_loop3A_411], %parallel_loop3A_409 {strides = array<i32>} : memref<120x128xf32, #tpu.memory_space<vmem>>, vector<16xf32>,
      %parallel_loop3A_413 = arith.index_cast %parallel_loop3A_368 : i32 to index
      %parallel_loop3A_414 = arith.constant 96 : index
      %parallel_loop3A_415 = tpu.vector_load %arg20[%parallel_loop3A_413, %parallel_loop3A_414] {strides = array<i32>} : memref<120x128xf32, #tpu.memory_space<vmem>>, vector<16xf32>,
      %parallel_loop3A_416 = arith.mulf %parallel_loop3A_415, %parallel_loop3A_370 : vector<16xf32>
      %parallel_loop3A_417 = arith.index_cast %parallel_loop3A_368 : i32 to index
      %parallel_loop3A_418 = arith.constant 96 : index
      %parallel_loop3A_419 = tpu.vector_load %arg20[%parallel_loop3A_417, %parallel_loop3A_418] {strides = array<i32>} : memref<120x128xf32, #tpu.memory_space<vmem>>, vector<16xf32>,
      tpu.vector_store %arg20[%parallel_loop3A_417, %parallel_loop3A_418], %parallel_loop3A_416 {strides = array<i32>} : memref<120x128xf32, #tpu.memory_space<vmem>>, vector<16xf32>,
      %parallel_loop3A_420 = arith.index_cast %parallel_loop3A_368 : i32 to index
      %parallel_loop3A_421 = arith.constant 112 : index
      %parallel_loop3A_422 = tpu.vector_load %arg20[%parallel_loop3A_420, %parallel_loop3A_421] {strides = array<i32>} : memref<120x128xf32, #tpu.memory_space<vmem>>, vector<16xf32>,
      %parallel_loop3A_423 = arith.mulf %parallel_loop3A_422, %parallel_loop3A_370 : vector<16xf32>
      %parallel_loop3A_424 = arith.index_cast %parallel_loop3A_368 : i32 to index
      %parallel_loop3A_425 = arith.constant 112 : index
      %parallel_loop3A_426 = tpu.vector_load %arg20[%parallel_loop3A_424, %parallel_loop3A_425] {strides = array<i32>} : memref<120x128xf32, #tpu.memory_space<vmem>>, vector<16xf32>,
      tpu.vector_store %arg20[%parallel_loop3A_424, %parallel_loop3A_425], %parallel_loop3A_423 {strides = array<i32>} : memref<120x128xf32, #tpu.memory_space<vmem>>, vector<16xf32>,
    } {sc.loop_unroll_factor = 4 : i64, sc.parallel_access}
    %add3A_118 = arith.constant 120 : i32
    %add3A_119 = arith.addi %mul3A_24, %add3A_118 : i32
    %dma_wait3A_120 = tpu.memref_slice %arg4[%add3A_119] : memref<326400xi32, #tpu.memory_space<hbm>> -> memref<120xi32, #tpu.memory_space<hbm>>
    %dma_wait3A_121 = tpu.memref_slice %arg4[%add3A_119] : memref<326400xi32, #tpu.memory_space<hbm>> -> memref<120xi32, #tpu.memory_space<hbm>>
    tpu.wait_dma2 semaphore(%arg27 : memref<!tpu.dma_semaphore, #tpu.memory_space<semaphore_mem>>) src(%dma_wait3A_121 : memref<120xi32, #tpu.memory_space<hbm>>) dst(%arg14 : memref<120xi32, #tpu.memory_space<vmem>>)
    %dma_start3A_122 = arith.constant 0 : i32
    %dma_start3A_123 = arith.constant 0 : i32
    %dma_start3A_124 = tpu.memref_slice %arg22[%dma_start3A_122, %dma_start3A_123] : memref<10336x128xf32, #tpu.memory_space<vmem_shared>> -> memref<10336x128xf32, #tpu.memory_space<vmem_shared>>
    tpu.enqueue_indirect_dma source(%arg20 : memref<120x128xf32, #tpu.memory_space<vmem>>) target(%dma_start3A_124 : memref<10336x128xf32, #tpu.memory_space<vmem_shared>>) offsets(%arg14 : memref<120xi32, #tpu.memory_space<vmem>>) semaphore(%arg33 : memref<!tpu.dma_semaphore, #tpu.memory_space<semaphore_mem>>) {add = true}
    %scan3A_125 = arith.constant 0 : i32
    %scan3A_126 = arith.constant 27 : i32
    %scan3A_127 = arith.addi %scan3A_125, %scan3A_126 : i32
    %scan3A_128 = arith.constant 1 : i32
    scf.for %scan3A_368 = %scan3A_125 to %scan3A_127 step %scan3A_128  : i32 {
      %mul3A_369 = arith.constant 1 : i32
      %mul3A_370 = arith.muli %scan3A_368, %mul3A_369 : i32
      %add3A_371 = arith.constant 0 : i32
      %add3A_372 = arith.addi %add3A_371, %mul3A_370 : i32
      %mul3A_373 = arith.constant 3 : i32
      %mul3A_374 = arith.muli %add3A_372, %mul3A_373 : i32
      %add3A_375 = arith.constant 2 : i32
      %add3A_376 = arith.addi %add3A_375, %mul3A_374 : i32
      %add3A_377 = arith.constant 0 : i32
      %add3A_378 = arith.addi %add3A_376, %add3A_377 : i32
      %sub3A_379 = arith.constant 2 : i32
      %sub3A_380 = arith.subi %add3A_378, %sub3A_379 : i32
      %dma_wait3A_381 = arith.constant 0 : i32
      %dma_wait3A_382 = arith.constant 0 : i32
      %dma_wait3A_383 = tpu.memref_slice %arg22[%dma_wait3A_381, %dma_wait3A_382] : memref<10336x128xf32, #tpu.memory_space<vmem_shared>> -> memref<10336x128xf32, #tpu.memory_space<vmem_shared>>
      tpu.wait_indirect_dma semaphore(%arg32 : memref<!tpu.dma_semaphore, #tpu.memory_space<semaphore_mem>>) src(%arg19 : memref<120x128xf32, #tpu.memory_space<vmem>>) dst(%dma_wait3A_383 : memref<10336x128xf32, #tpu.memory_space<vmem_shared>>)
      %add3A_384 = arith.constant 1 : i32
      %add3A_385 = arith.addi %add3A_378, %add3A_384 : i32
      %mul3A_386 = arith.constant 120 : i32
      %mul3A_387 = arith.muli %add3A_385, %mul3A_386 : i32
      %add3A_388 = arith.addi %mul3A_24, %mul3A_387 : i32
      %dma_start3A_389 = tpu.memref_slice %arg4[%add3A_388] : memref<326400xi32, #tpu.memory_space<hbm>> -> memref<120xi32, #tpu.memory_space<hbm>>
      %dma_start3A_390 = tpu.memref_slice %arg4[%add3A_388] : memref<326400xi32, #tpu.memory_space<hbm>> -> memref<120xi32, #tpu.memory_space<hbm>>
      tpu.enqueue_dma source(%dma_start3A_390 : memref<120xi32, #tpu.memory_space<hbm>>) target(%arg13 : memref<120xi32, #tpu.memory_space<vmem>>) target_semaphore(%arg26 : memref<!tpu.dma_semaphore, #tpu.memory_space<semaphore_mem>>)
      %add3A_391 = arith.constant 1 : i32
      %add3A_392 = arith.addi %add3A_378, %add3A_391 : i32
      %mul3A_393 = arith.constant 120 : i32
      %mul3A_394 = arith.muli %add3A_392, %mul3A_393 : i32
      %add3A_395 = arith.addi %mul3A_24, %mul3A_394 : i32
      %dma_wait3A_396 = tpu.memref_slice %arg3[%add3A_395] : memref<326400xi32, #tpu.memory_space<hbm>> -> memref<120xi32, #tpu.memory_space<hbm>>
      %dma_wait3A_397 = tpu.memref_slice %arg3[%add3A_395] : memref<326400xi32, #tpu.memory_space<hbm>> -> memref<120xi32, #tpu.memory_space<hbm>>
      tpu.wait_dma2 semaphore(%arg23 : memref<!tpu.dma_semaphore, #tpu.memory_space<semaphore_mem>>) src(%dma_wait3A_397 : memref<120xi32, #tpu.memory_space<hbm>>) dst(%arg10 : memref<120xi32, #tpu.memory_space<vmem>>)
      %mul3A_398 = arith.constant 120 : i32
      %mul3A_399 = arith.muli %add3A_392, %mul3A_398 : i32
      %add3A_400 = arith.addi %mul3A_24, %mul3A_399 : i32
      %dma_wait3A_401 = tpu.memref_slice %arg5[%add3A_400] : memref<326400xf32, #tpu.memory_space<hbm>> -> memref<120xf32, #tpu.memory_space<hbm>>
      %dma_wait3A_402 = tpu.memref_slice %arg5[%add3A_400] : memref<326400xf32, #tpu.memory_space<hbm>> -> memref<120xf32, #tpu.memory_space<hbm>>
      tpu.wait_dma2 semaphore(%arg23 : memref<!tpu.dma_semaphore, #tpu.memory_space<semaphore_mem>>) src(%dma_wait3A_402 : memref<120xf32, #tpu.memory_space<hbm>>) dst(%arg16 : memref<120xf32, #tpu.memory_space<vmem>>)
      %add3A_403 = arith.constant 1 : i32
      %add3A_404 = arith.addi %add3A_378, %add3A_403 : i32
      %dma_start3A_405 = arith.constant 0 : i32
      %dma_start3A_406 = arith.constant 0 : i32
      %dma_start3A_407 = tpu.memref_slice %arg2[%dma_start3A_405, %dma_start3A_406] : memref<10000x128xf32, #tpu.memory_space<hbm>> -> memref<10000x128xf32, #tpu.memory_space<hbm>>
      tpu.enqueue_indirect_dma source(%dma_start3A_407 : memref<10000x128xf32, #tpu.memory_space<hbm>>) target(%arg19 : memref<120x128xf32, #tpu.memory_space<vmem>>) offsets(%arg10 : memref<120xi32, #tpu.memory_space<vmem>>) semaphore(%arg29 : memref<!tpu.dma_semaphore, #tpu.memory_space<semaphore_mem>>)
      %dma_wait3A_408 = arith.constant 0 : i32
      %dma_wait3A_409 = arith.constant 0 : i32
      %dma_wait3A_410 = tpu.memref_slice %arg2[%dma_wait3A_408, %dma_wait3A_409] : memref<10000x128xf32, #tpu.memory_space<hbm>> -> memref<10000x128xf32, #tpu.memory_space<hbm>>
      tpu.wait_indirect_dma semaphore(%arg31 : memref<!tpu.dma_semaphore, #tpu.memory_space<semaphore_mem>>) src(%dma_wait3A_410 : memref<10000x128xf32, #tpu.memory_space<hbm>>) dst(%arg21 : memref<120x128xf32, #tpu.memory_space<vmem>>)
      %add3A_411 = arith.constant 2 : i32
      %add3A_412 = arith.addi %add3A_378, %add3A_411 : i32
      %mul3A_413 = arith.constant 120 : i32
      %mul3A_414 = arith.muli %add3A_412, %mul3A_413 : i32
      %add3A_415 = arith.addi %mul3A_24, %mul3A_414 : i32
      %dma_start3A_416 = tpu.memref_slice %arg3[%add3A_415] : memref<326400xi32, #tpu.memory_space<hbm>> -> memref<120xi32, #tpu.memory_space<hbm>>
      %dma_start3A_417 = tpu.memref_slice %arg3[%add3A_415] : memref<326400xi32, #tpu.memory_space<hbm>> -> memref<120xi32, #tpu.memory_space<hbm>>
      tpu.enqueue_dma source(%dma_start3A_417 : memref<120xi32, #tpu.memory_space<hbm>>) target(%arg11 : memref<120xi32, #tpu.memory_space<vmem>>) target_semaphore(%arg24 : memref<!tpu.dma_semaphore, #tpu.memory_space<semaphore_mem>>)
      %mul3A_418 = arith.constant 120 : i32
      %mul3A_419 = arith.muli %add3A_412, %mul3A_418 : i32
      %add3A_420 = arith.addi %mul3A_24, %mul3A_419 : i32
      %dma_start3A_421 = tpu.memref_slice %arg5[%add3A_420] : memref<326400xf32, #tpu.memory_space<hbm>> -> memref<120xf32, #tpu.memory_space<hbm>>
      %dma_start3A_422 = tpu.memref_slice %arg5[%add3A_420] : memref<326400xf32, #tpu.memory_space<hbm>> -> memref<120xf32, #tpu.memory_space<hbm>>
      tpu.enqueue_dma source(%dma_start3A_422 : memref<120xf32, #tpu.memory_space<hbm>>) target(%arg17 : memref<120xf32, #tpu.memory_space<vmem>>) target_semaphore(%arg24 : memref<!tpu.dma_semaphore, #tpu.memory_space<semaphore_mem>>)
      %parallel_loop3A_423 = arith.constant 0 : i32
      %parallel_loop3A_424 = arith.constant 120 : i32
      %parallel_loop3A_425 = arith.constant 1 : i32
      scf.for %parallel_loop3A_556 = %parallel_loop3A_423 to %parallel_loop3A_424 step %parallel_loop3A_425  : i32 {
        %parallel_loop3A_557 = vector.broadcast %parallel_loop3A_556 : i32 to vector<16xi32>
        %parallel_loop3A_558 = tpu.vector_load_idx %arg18[%parallel_loop3A_557] : memref<120xf32, #tpu.memory_space<vmem>>[vector<16xi32>], vector<16xf32>,
        %parallel_loop3A_559 = arith.index_cast %parallel_loop3A_556 : i32 to index
        %parallel_loop3A_560 = arith.constant 0 : index
        %parallel_loop3A_561 = tpu.vector_load %arg21[%parallel_loop3A_559, %parallel_loop3A_560] {strides = array<i32>} : memref<120x128xf32, #tpu.memory_space<vmem>>, vector<16xf32>,
        %parallel_loop3A_562 = arith.mulf %parallel_loop3A_561, %parallel_loop3A_558 : vector<16xf32>
        %parallel_loop3A_563 = arith.index_cast %parallel_loop3A_556 : i32 to index
        %parallel_loop3A_564 = arith.constant 0 : index
        %parallel_loop3A_565 = tpu.vector_load %arg21[%parallel_loop3A_563, %parallel_loop3A_564] {strides = array<i32>} : memref<120x128xf32, #tpu.memory_space<vmem>>, vector<16xf32>,
        tpu.vector_store %arg21[%parallel_loop3A_563, %parallel_loop3A_564], %parallel_loop3A_562 {strides = array<i32>} : memref<120x128xf32, #tpu.memory_space<vmem>>, vector<16xf32>,
        %parallel_loop3A_566 = arith.index_cast %parallel_loop3A_556 : i32 to index
        %parallel_loop3A_567 = arith.constant 16 : index
        %parallel_loop3A_568 = tpu.vector_load %arg21[%parallel_loop3A_566, %parallel_loop3A_567] {strides = array<i32>} : memref<120x128xf32, #tpu.memory_space<vmem>>, vector<16xf32>,
        %parallel_loop3A_569 = arith.mulf %parallel_loop3A_568, %parallel_loop3A_558 : vector<16xf32>
        %parallel_loop3A_570 = arith.index_cast %parallel_loop3A_556 : i32 to index
        %parallel_loop3A_571 = arith.constant 16 : index
        %parallel_loop3A_572 = tpu.vector_load %arg21[%parallel_loop3A_570, %parallel_loop3A_571] {strides = array<i32>} : memref<120x128xf32, #tpu.memory_space<vmem>>, vector<16xf32>,
        tpu.vector_store %arg21[%parallel_loop3A_570, %parallel_loop3A_571], %parallel_loop3A_569 {strides = array<i32>} : memref<120x128xf32, #tpu.memory_space<vmem>>, vector<16xf32>,
        %parallel_loop3A_573 = arith.index_cast %parallel_loop3A_556 : i32 to index
        %parallel_loop3A_574 = arith.constant 32 : index
        %parallel_loop3A_575 = tpu.vector_load %arg21[%parallel_loop3A_573, %parallel_loop3A_574] {strides = array<i32>} : memref<120x128xf32, #tpu.memory_space<vmem>>, vector<16xf32>,
        %parallel_loop3A_576 = arith.mulf %parallel_loop3A_575, %parallel_loop3A_558 : vector<16xf32>
        %parallel_loop3A_577 = arith.index_cast %parallel_loop3A_556 : i32 to index
        %parallel_loop3A_578 = arith.constant 32 : index
        %parallel_loop3A_579 = tpu.vector_load %arg21[%parallel_loop3A_577, %parallel_loop3A_578] {strides = array<i32>} : memref<120x128xf32, #tpu.memory_space<vmem>>, vector<16xf32>,
        tpu.vector_store %arg21[%parallel_loop3A_577, %parallel_loop3A_578], %parallel_loop3A_576 {strides = array<i32>} : memref<120x128xf32, #tpu.memory_space<vmem>>, vector<16xf32>,
        %parallel_loop3A_580 = arith.index_cast %parallel_loop3A_556 : i32 to index
        %parallel_loop3A_581 = arith.constant 48 : index
        %parallel_loop3A_582 = tpu.vector_load %arg21[%parallel_loop3A_580, %parallel_loop3A_581] {strides = array<i32>} : memref<120x128xf32, #tpu.memory_space<vmem>>, vector<16xf32>,
        %parallel_loop3A_583 = arith.mulf %parallel_loop3A_582, %parallel_loop3A_558 : vector<16xf32>
        %parallel_loop3A_584 = arith.index_cast %parallel_loop3A_556 : i32 to index
        %parallel_loop3A_585 = arith.constant 48 : index
        %parallel_loop3A_586 = tpu.vector_load %arg21[%parallel_loop3A_584, %parallel_loop3A_585] {strides = array<i32>} : memref<120x128xf32, #tpu.memory_space<vmem>>, vector<16xf32>,
        tpu.vector_store %arg21[%parallel_loop3A_584, %parallel_loop3A_585], %parallel_loop3A_583 {strides = array<i32>} : memref<120x128xf32, #tpu.memory_space<vmem>>, vector<16xf32>,
        %parallel_loop3A_587 = arith.index_cast %parallel_loop3A_556 : i32 to index
        %parallel_loop3A_588 = arith.constant 64 : index
        %parallel_loop3A_589 = tpu.vector_load %arg21[%parallel_loop3A_587, %parallel_loop3A_588] {strides = array<i32>} : memref<120x128xf32, #tpu.memory_space<vmem>>, vector<16xf32>,
        %parallel_loop3A_590 = arith.mulf %parallel_loop3A_589, %parallel_loop3A_558 : vector<16xf32>
        %parallel_loop3A_591 = arith.index_cast %parallel_loop3A_556 : i32 to index
        %parallel_loop3A_592 = arith.constant 64 : index
        %parallel_loop3A_593 = tpu.vector_load %arg21[%parallel_loop3A_591, %parallel_loop3A_592] {strides = array<i32>} : memref<120x128xf32, #tpu.memory_space<vmem>>, vector<16xf32>,
        tpu.vector_store %arg21[%parallel_loop3A_591, %parallel_loop3A_592], %parallel_loop3A_590 {strides = array<i32>} : memref<120x128xf32, #tpu.memory_space<vmem>>, vector<16xf32>,
        %parallel_loop3A_594 = arith.index_cast %parallel_loop3A_556 : i32 to index
        %parallel_loop3A_595 = arith.constant 80 : index
        %parallel_loop3A_596 = tpu.vector_load %arg21[%parallel_loop3A_594, %parallel_loop3A_595] {strides = array<i32>} : memref<120x128xf32, #tpu.memory_space<vmem>>, vector<16xf32>,
        %parallel_loop3A_597 = arith.mulf %parallel_loop3A_596, %parallel_loop3A_558 : vector<16xf32>
        %parallel_loop3A_598 = arith.index_cast %parallel_loop3A_556 : i32 to index
        %parallel_loop3A_599 = arith.constant 80 : index
        %parallel_loop3A_600 = tpu.vector_load %arg21[%parallel_loop3A_598, %parallel_loop3A_599] {strides = array<i32>} : memref<120x128xf32, #tpu.memory_space<vmem>>, vector<16xf32>,
        tpu.vector_store %arg21[%parallel_loop3A_598, %parallel_loop3A_599], %parallel_loop3A_597 {strides = array<i32>} : memref<120x128xf32, #tpu.memory_space<vmem>>, vector<16xf32>,
        %parallel_loop3A_601 = arith.index_cast %parallel_loop3A_556 : i32 to index
        %parallel_loop3A_602 = arith.constant 96 : index
        %parallel_loop3A_603 = tpu.vector_load %arg21[%parallel_loop3A_601, %parallel_loop3A_602] {strides = array<i32>} : memref<120x128xf32, #tpu.memory_space<vmem>>, vector<16xf32>,
        %parallel_loop3A_604 = arith.mulf %parallel_loop3A_603, %parallel_loop3A_558 : vector<16xf32>
        %parallel_loop3A_605 = arith.index_cast %parallel_loop3A_556 : i32 to index
        %parallel_loop3A_606 = arith.constant 96 : index
        %parallel_loop3A_607 = tpu.vector_load %arg21[%parallel_loop3A_605, %parallel_loop3A_606] {strides = array<i32>} : memref<120x128xf32, #tpu.memory_space<vmem>>, vector<16xf32>,
        tpu.vector_store %arg21[%parallel_loop3A_605, %parallel_loop3A_606], %parallel_loop3A_604 {strides = array<i32>} : memref<120x128xf32, #tpu.memory_space<vmem>>, vector<16xf32>,
        %parallel_loop3A_608 = arith.index_cast %parallel_loop3A_556 : i32 to index
        %parallel_loop3A_609 = arith.constant 112 : index
        %parallel_loop3A_610 = tpu.vector_load %arg21[%parallel_loop3A_608, %parallel_loop3A_609] {strides = array<i32>} : memref<120x128xf32, #tpu.memory_space<vmem>>, vector<16xf32>,
        %parallel_loop3A_611 = arith.mulf %parallel_loop3A_610, %parallel_loop3A_558 : vector<16xf32>
        %parallel_loop3A_612 = arith.index_cast %parallel_loop3A_556 : i32 to index
        %parallel_loop3A_613 = arith.constant 112 : index
        %parallel_loop3A_614 = tpu.vector_load %arg21[%parallel_loop3A_612, %parallel_loop3A_613] {strides = array<i32>} : memref<120x128xf32, #tpu.memory_space<vmem>>, vector<16xf32>,
        tpu.vector_store %arg21[%parallel_loop3A_612, %parallel_loop3A_613], %parallel_loop3A_611 {strides = array<i32>} : memref<120x128xf32, #tpu.memory_space<vmem>>, vector<16xf32>,
      } {sc.loop_unroll_factor = 4 : i64, sc.parallel_access}
      %mul3A_426 = arith.constant 120 : i32
      %mul3A_427 = arith.muli %add3A_378, %mul3A_426 : i32
      %add3A_428 = arith.addi %mul3A_24, %mul3A_427 : i32
      %dma_wait3A_429 = tpu.memref_slice %arg4[%add3A_428] : memref<326400xi32, #tpu.memory_space<hbm>> -> memref<120xi32, #tpu.memory_space<hbm>>
      %dma_wait3A_430 = tpu.memref_slice %arg4[%add3A_428] : memref<326400xi32, #tpu.memory_space<hbm>> -> memref<120xi32, #tpu.memory_space<hbm>>
      tpu.wait_dma2 semaphore(%arg28 : memref<!tpu.dma_semaphore, #tpu.memory_space<semaphore_mem>>) src(%dma_wait3A_430 : memref<120xi32, #tpu.memory_space<hbm>>) dst(%arg15 : memref<120xi32, #tpu.memory_space<vmem>>)
      %dma_start3A_431 = arith.constant 0 : i32
      %dma_start3A_432 = arith.constant 0 : i32
      %dma_start3A_433 = tpu.memref_slice %arg22[%dma_start3A_431, %dma_start3A_432] : memref<10336x128xf32, #tpu.memory_space<vmem_shared>> -> memref<10336x128xf32, #tpu.memory_space<vmem_shared>>
      tpu.enqueue_indirect_dma source(%arg21 : memref<120x128xf32, #tpu.memory_space<vmem>>) target(%dma_start3A_433 : memref<10336x128xf32, #tpu.memory_space<vmem_shared>>) offsets(%arg15 : memref<120xi32, #tpu.memory_space<vmem>>) semaphore(%arg34 : memref<!tpu.dma_semaphore, #tpu.memory_space<semaphore_mem>>) {add = true}
      %mul3A_434 = arith.constant 3 : i32
      %mul3A_435 = arith.muli %add3A_372, %mul3A_434 : i32
      %add3A_436 = arith.constant 2 : i32
      %add3A_437 = arith.addi %add3A_436, %mul3A_435 : i32
      %add3A_438 = arith.constant 1 : i32
      %add3A_439 = arith.addi %add3A_437, %add3A_438 : i32
      %sub3A_440 = arith.constant 2 : i32
      %sub3A_441 = arith.subi %add3A_439, %sub3A_440 : i32
      %dma_wait3A_442 = arith.constant 0 : i32
      %dma_wait3A_443 = arith.constant 0 : i32
      %dma_wait3A_444 = tpu.memref_slice %arg22[%dma_wait3A_442, %dma_wait3A_443] : memref<10336x128xf32, #tpu.memory_space<vmem_shared>> -> memref<10336x128xf32, #tpu.memory_space<vmem_shared>>
      tpu.wait_indirect_dma semaphore(%arg33 : memref<!tpu.dma_semaphore, #tpu.memory_space<semaphore_mem>>) src(%arg20 : memref<120x128xf32, #tpu.memory_space<vmem>>) dst(%dma_wait3A_444 : memref<10336x128xf32, #tpu.memory_space<vmem_shared>>)
      %add3A_445 = arith.constant 1 : i32
      %add3A_446 = arith.addi %add3A_439, %add3A_445 : i32
      %mul3A_447 = arith.constant 120 : i32
      %mul3A_448 = arith.muli %add3A_446, %mul3A_447 : i32
      %add3A_449 = arith.addi %mul3A_24, %mul3A_448 : i32
      %dma_start3A_450 = tpu.memref_slice %arg4[%add3A_449] : memref<326400xi32, #tpu.memory_space<hbm>> -> memref<120xi32, #tpu.memory_space<hbm>>
      %dma_start3A_451 = tpu.memref_slice %arg4[%add3A_449] : memref<326400xi32, #tpu.memory_space<hbm>> -> memref<120xi32, #tpu.memory_space<hbm>>
      tpu.enqueue_dma source(%dma_start3A_451 : memref<120xi32, #tpu.memory_space<hbm>>) target(%arg14 : memref<120xi32, #tpu.memory_space<vmem>>) target_semaphore(%arg27 : memref<!tpu.dma_semaphore, #tpu.memory_space<semaphore_mem>>)
      %add3A_452 = arith.constant 1 : i32
      %add3A_453 = arith.addi %add3A_439, %add3A_452 : i32
      %mul3A_454 = arith.constant 120 : i32
      %mul3A_455 = arith.muli %add3A_453, %mul3A_454 : i32
      %add3A_456 = arith.addi %mul3A_24, %mul3A_455 : i32
      %dma_wait3A_457 = tpu.memref_slice %arg3[%add3A_456] : memref<326400xi32, #tpu.memory_space<hbm>> -> memref<120xi32, #tpu.memory_space<hbm>>
      %dma_wait3A_458 = tpu.memref_slice %arg3[%add3A_456] : memref<326400xi32, #tpu.memory_space<hbm>> -> memref<120xi32, #tpu.memory_space<hbm>>
      tpu.wait_dma2 semaphore(%arg24 : memref<!tpu.dma_semaphore, #tpu.memory_space<semaphore_mem>>) src(%dma_wait3A_458 : memref<120xi32, #tpu.memory_space<hbm>>) dst(%arg11 : memref<120xi32, #tpu.memory_space<vmem>>)
      %mul3A_459 = arith.constant 120 : i32
      %mul3A_460 = arith.muli %add3A_453, %mul3A_459 : i32
      %add3A_461 = arith.addi %mul3A_24, %mul3A_460 : i32
      %dma_wait3A_462 = tpu.memref_slice %arg5[%add3A_461] : memref<326400xf32, #tpu.memory_space<hbm>> -> memref<120xf32, #tpu.memory_space<hbm>>
      %dma_wait3A_463 = tpu.memref_slice %arg5[%add3A_461] : memref<326400xf32, #tpu.memory_space<hbm>> -> memref<120xf32, #tpu.memory_space<hbm>>
      tpu.wait_dma2 semaphore(%arg24 : memref<!tpu.dma_semaphore, #tpu.memory_space<semaphore_mem>>) src(%dma_wait3A_463 : memref<120xf32, #tpu.memory_space<hbm>>) dst(%arg17 : memref<120xf32, #tpu.memory_space<vmem>>)
      %add3A_464 = arith.constant 1 : i32
      %add3A_465 = arith.addi %add3A_439, %add3A_464 : i32
      %dma_start3A_466 = arith.constant 0 : i32
      %dma_start3A_467 = arith.constant 0 : i32
      %dma_start3A_468 = tpu.memref_slice %arg2[%dma_start3A_466, %dma_start3A_467] : memref<10000x128xf32, #tpu.memory_space<hbm>> -> memref<10000x128xf32, #tpu.memory_space<hbm>>
      tpu.enqueue_indirect_dma source(%dma_start3A_468 : memref<10000x128xf32, #tpu.memory_space<hbm>>) target(%arg20 : memref<120x128xf32, #tpu.memory_space<vmem>>) offsets(%arg11 : memref<120xi32, #tpu.memory_space<vmem>>) semaphore(%arg30 : memref<!tpu.dma_semaphore, #tpu.memory_space<semaphore_mem>>)
      %dma_wait3A_469 = arith.constant 0 : i32
      %dma_wait3A_470 = arith.constant 0 : i32
      %dma_wait3A_471 = tpu.memref_slice %arg2[%dma_wait3A_469, %dma_wait3A_470] : memref<10000x128xf32, #tpu.memory_space<hbm>> -> memref<10000x128xf32, #tpu.memory_space<hbm>>
      tpu.wait_indirect_dma semaphore(%arg29 : memref<!tpu.dma_semaphore, #tpu.memory_space<semaphore_mem>>) src(%dma_wait3A_471 : memref<10000x128xf32, #tpu.memory_space<hbm>>) dst(%arg19 : memref<120x128xf32, #tpu.memory_space<vmem>>)
      %add3A_472 = arith.constant 2 : i32
      %add3A_473 = arith.addi %add3A_439, %add3A_472 : i32
      %mul3A_474 = arith.constant 120 : i32
      %mul3A_475 = arith.muli %add3A_473, %mul3A_474 : i32
      %add3A_476 = arith.addi %mul3A_24, %mul3A_475 : i32
      %dma_start3A_477 = tpu.memref_slice %arg3[%add3A_476] : memref<326400xi32, #tpu.memory_space<hbm>> -> memref<120xi32, #tpu.memory_space<hbm>>
      %dma_start3A_478 = tpu.memref_slice %arg3[%add3A_476] : memref<326400xi32, #tpu.memory_space<hbm>> -> memref<120xi32, #tpu.memory_space<hbm>>
      tpu.enqueue_dma source(%dma_start3A_478 : memref<120xi32, #tpu.memory_space<hbm>>) target(%arg12 : memref<120xi32, #tpu.memory_space<vmem>>) target_semaphore(%arg25 : memref<!tpu.dma_semaphore, #tpu.memory_space<semaphore_mem>>)
      %mul3A_479 = arith.constant 120 : i32
      %mul3A_480 = arith.muli %add3A_473, %mul3A_479 : i32
      %add3A_481 = arith.addi %mul3A_24, %mul3A_480 : i32
      %dma_start3A_482 = tpu.memref_slice %arg5[%add3A_481] : memref<326400xf32, #tpu.memory_space<hbm>> -> memref<120xf32, #tpu.memory_space<hbm>>
      %dma_start3A_483 = tpu.memref_slice %arg5[%add3A_481] : memref<326400xf32, #tpu.memory_space<hbm>> -> memref<120xf32, #tpu.memory_space<hbm>>
      tpu.enqueue_dma source(%dma_start3A_483 : memref<120xf32, #tpu.memory_space<hbm>>) target(%arg18 : memref<120xf32, #tpu.memory_space<vmem>>) target_semaphore(%arg25 : memref<!tpu.dma_semaphore, #tpu.memory_space<semaphore_mem>>)
      %parallel_loop3A_484 = arith.constant 0 : i32
      %parallel_loop3A_485 = arith.constant 120 : i32
      %parallel_loop3A_486 = arith.constant 1 : i32
      scf.for %parallel_loop3A_556 = %parallel_loop3A_484 to %parallel_loop3A_485 step %parallel_loop3A_486  : i32 {
        %parallel_loop3A_557 = vector.broadcast %parallel_loop3A_556 : i32 to vector<16xi32>
        %parallel_loop3A_558 = tpu.vector_load_idx %arg16[%parallel_loop3A_557] : memref<120xf32, #tpu.memory_space<vmem>>[vector<16xi32>], vector<16xf32>,
        %parallel_loop3A_559 = arith.index_cast %parallel_loop3A_556 : i32 to index
        %parallel_loop3A_560 = arith.constant 0 : index
        %parallel_loop3A_561 = tpu.vector_load %arg19[%parallel_loop3A_559, %parallel_loop3A_560] {strides = array<i32>} : memref<120x128xf32, #tpu.memory_space<vmem>>, vector<16xf32>,
        %parallel_loop3A_562 = arith.mulf %parallel_loop3A_561, %parallel_loop3A_558 : vector<16xf32>
        %parallel_loop3A_563 = arith.index_cast %parallel_loop3A_556 : i32 to index
        %parallel_loop3A_564 = arith.constant 0 : index
        %parallel_loop3A_565 = tpu.vector_load %arg19[%parallel_loop3A_563, %parallel_loop3A_564] {strides = array<i32>} : memref<120x128xf32, #tpu.memory_space<vmem>>, vector<16xf32>,
        tpu.vector_store %arg19[%parallel_loop3A_563, %parallel_loop3A_564], %parallel_loop3A_562 {strides = array<i32>} : memref<120x128xf32, #tpu.memory_space<vmem>>, vector<16xf32>,
        %parallel_loop3A_566 = arith.index_cast %parallel_loop3A_556 : i32 to index
        %parallel_loop3A_567 = arith.constant 16 : index
        %parallel_loop3A_568 = tpu.vector_load %arg19[%parallel_loop3A_566, %parallel_loop3A_567] {strides = array<i32>} : memref<120x128xf32, #tpu.memory_space<vmem>>, vector<16xf32>,
        %parallel_loop3A_569 = arith.mulf %parallel_loop3A_568, %parallel_loop3A_558 : vector<16xf32>
        %parallel_loop3A_570 = arith.index_cast %parallel_loop3A_556 : i32 to index
        %parallel_loop3A_571 = arith.constant 16 : index
        %parallel_loop3A_572 = tpu.vector_load %arg19[%parallel_loop3A_570, %parallel_loop3A_571] {strides = array<i32>} : memref<120x128xf32, #tpu.memory_space<vmem>>, vector<16xf32>,
        tpu.vector_store %arg19[%parallel_loop3A_570, %parallel_loop3A_571], %parallel_loop3A_569 {strides = array<i32>} : memref<120x128xf32, #tpu.memory_space<vmem>>, vector<16xf32>,
        %parallel_loop3A_573 = arith.index_cast %parallel_loop3A_556 : i32 to index
        %parallel_loop3A_574 = arith.constant 32 : index
        %parallel_loop3A_575 = tpu.vector_load %arg19[%parallel_loop3A_573, %parallel_loop3A_574] {strides = array<i32>} : memref<120x128xf32, #tpu.memory_space<vmem>>, vector<16xf32>,
        %parallel_loop3A_576 = arith.mulf %parallel_loop3A_575, %parallel_loop3A_558 : vector<16xf32>
        %parallel_loop3A_577 = arith.index_cast %parallel_loop3A_556 : i32 to index
        %parallel_loop3A_578 = arith.constant 32 : index
        %parallel_loop3A_579 = tpu.vector_load %arg19[%parallel_loop3A_577, %parallel_loop3A_578] {strides = array<i32>} : memref<120x128xf32, #tpu.memory_space<vmem>>, vector<16xf32>,
        tpu.vector_store %arg19[%parallel_loop3A_577, %parallel_loop3A_578], %parallel_loop3A_576 {strides = array<i32>} : memref<120x128xf32, #tpu.memory_space<vmem>>, vector<16xf32>,
        %parallel_loop3A_580 = arith.index_cast %parallel_loop3A_556 : i32 to index
        %parallel_loop3A_581 = arith.constant 48 : index
        %parallel_loop3A_582 = tpu.vector_load %arg19[%parallel_loop3A_580, %parallel_loop3A_581] {strides = array<i32>} : memref<120x128xf32, #tpu.memory_space<vmem>>, vector<16xf32>,
        %parallel_loop3A_583 = arith.mulf %parallel_loop3A_582, %parallel_loop3A_558 : vector<16xf32>
        %parallel_loop3A_584 = arith.index_cast %parallel_loop3A_556 : i32 to index
        %parallel_loop3A_585 = arith.constant 48 : index
        %parallel_loop3A_586 = tpu.vector_load %arg19[%parallel_loop3A_584, %parallel_loop3A_585] {strides = array<i32>} : memref<120x128xf32, #tpu.memory_space<vmem>>, vector<16xf32>,
        tpu.vector_store %arg19[%parallel_loop3A_584, %parallel_loop3A_585], %parallel_loop3A_583 {strides = array<i32>} : memref<120x128xf32, #tpu.memory_space<vmem>>, vector<16xf32>,
        %parallel_loop3A_587 = arith.index_cast %parallel_loop3A_556 : i32 to index
        %parallel_loop3A_588 = arith.constant 64 : index
        %parallel_loop3A_589 = tpu.vector_load %arg19[%parallel_loop3A_587, %parallel_loop3A_588] {strides = array<i32>} : memref<120x128xf32, #tpu.memory_space<vmem>>, vector<16xf32>,
        %parallel_loop3A_590 = arith.mulf %parallel_loop3A_589, %parallel_loop3A_558 : vector<16xf32>
        %parallel_loop3A_591 = arith.index_cast %parallel_loop3A_556 : i32 to index
        %parallel_loop3A_592 = arith.constant 64 : index
        %parallel_loop3A_593 = tpu.vector_load %arg19[%parallel_loop3A_591, %parallel_loop3A_592] {strides = array<i32>} : memref<120x128xf32, #tpu.memory_space<vmem>>, vector<16xf32>,
        tpu.vector_store %arg19[%parallel_loop3A_591, %parallel_loop3A_592], %parallel_loop3A_590 {strides = array<i32>} : memref<120x128xf32, #tpu.memory_space<vmem>>, vector<16xf32>,
        %parallel_loop3A_594 = arith.index_cast %parallel_loop3A_556 : i32 to index
        %parallel_loop3A_595 = arith.constant 80 : index
        %parallel_loop3A_596 = tpu.vector_load %arg19[%parallel_loop3A_594, %parallel_loop3A_595] {strides = array<i32>} : memref<120x128xf32, #tpu.memory_space<vmem>>, vector<16xf32>,
        %parallel_loop3A_597 = arith.mulf %parallel_loop3A_596, %parallel_loop3A_558 : vector<16xf32>
        %parallel_loop3A_598 = arith.index_cast %parallel_loop3A_556 : i32 to index
        %parallel_loop3A_599 = arith.constant 80 : index
        %parallel_loop3A_600 = tpu.vector_load %arg19[%parallel_loop3A_598, %parallel_loop3A_599] {strides = array<i32>} : memref<120x128xf32, #tpu.memory_space<vmem>>, vector<16xf32>,
        tpu.vector_store %arg19[%parallel_loop3A_598, %parallel_loop3A_599], %parallel_loop3A_597 {strides = array<i32>} : memref<120x128xf32, #tpu.memory_space<vmem>>, vector<16xf32>,
        %parallel_loop3A_601 = arith.index_cast %parallel_loop3A_556 : i32 to index
        %parallel_loop3A_602 = arith.constant 96 : index
        %parallel_loop3A_603 = tpu.vector_load %arg19[%parallel_loop3A_601, %parallel_loop3A_602] {strides = array<i32>} : memref<120x128xf32, #tpu.memory_space<vmem>>, vector<16xf32>,
        %parallel_loop3A_604 = arith.mulf %parallel_loop3A_603, %parallel_loop3A_558 : vector<16xf32>
        %parallel_loop3A_605 = arith.index_cast %parallel_loop3A_556 : i32 to index
        %parallel_loop3A_606 = arith.constant 96 : index
        %parallel_loop3A_607 = tpu.vector_load %arg19[%parallel_loop3A_605, %parallel_loop3A_606] {strides = array<i32>} : memref<120x128xf32, #tpu.memory_space<vmem>>, vector<16xf32>,
        tpu.vector_store %arg19[%parallel_loop3A_605, %parallel_loop3A_606], %parallel_loop3A_604 {strides = array<i32>} : memref<120x128xf32, #tpu.memory_space<vmem>>, vector<16xf32>,
        %parallel_loop3A_608 = arith.index_cast %parallel_loop3A_556 : i32 to index
        %parallel_loop3A_609 = arith.constant 112 : index
        %parallel_loop3A_610 = tpu.vector_load %arg19[%parallel_loop3A_608, %parallel_loop3A_609] {strides = array<i32>} : memref<120x128xf32, #tpu.memory_space<vmem>>, vector<16xf32>,
        %parallel_loop3A_611 = arith.mulf %parallel_loop3A_610, %parallel_loop3A_558 : vector<16xf32>
        %parallel_loop3A_612 = arith.index_cast %parallel_loop3A_556 : i32 to index
        %parallel_loop3A_613 = arith.constant 112 : index
        %parallel_loop3A_614 = tpu.vector_load %arg19[%parallel_loop3A_612, %parallel_loop3A_613] {strides = array<i32>} : memref<120x128xf32, #tpu.memory_space<vmem>>, vector<16xf32>,
        tpu.vector_store %arg19[%parallel_loop3A_612, %parallel_loop3A_613], %parallel_loop3A_611 {strides = array<i32>} : memref<120x128xf32, #tpu.memory_space<vmem>>, vector<16xf32>,
      } {sc.loop_unroll_factor = 4 : i64, sc.parallel_access}
      %mul3A_487 = arith.constant 120 : i32
      %mul3A_488 = arith.muli %add3A_439, %mul3A_487 : i32
      %add3A_489 = arith.addi %mul3A_24, %mul3A_488 : i32
      %dma_wait3A_490 = tpu.memref_slice %arg4[%add3A_489] : memref<326400xi32, #tpu.memory_space<hbm>> -> memref<120xi32, #tpu.memory_space<hbm>>
      %dma_wait3A_491 = tpu.memref_slice %arg4[%add3A_489] : memref<326400xi32, #tpu.memory_space<hbm>> -> memref<120xi32, #tpu.memory_space<hbm>>
      tpu.wait_dma2 semaphore(%arg26 : memref<!tpu.dma_semaphore, #tpu.memory_space<semaphore_mem>>) src(%dma_wait3A_491 : memref<120xi32, #tpu.memory_space<hbm>>) dst(%arg13 : memref<120xi32, #tpu.memory_space<vmem>>)
      %dma_start3A_492 = arith.constant 0 : i32
      %dma_start3A_493 = arith.constant 0 : i32
      %dma_start3A_494 = tpu.memref_slice %arg22[%dma_start3A_492, %dma_start3A_493] : memref<10336x128xf32, #tpu.memory_space<vmem_shared>> -> memref<10336x128xf32, #tpu.memory_space<vmem_shared>>
      tpu.enqueue_indirect_dma source(%arg19 : memref<120x128xf32, #tpu.memory_space<vmem>>) target(%dma_start3A_494 : memref<10336x128xf32, #tpu.memory_space<vmem_shared>>) offsets(%arg13 : memref<120xi32, #tpu.memory_space<vmem>>) semaphore(%arg32 : memref<!tpu.dma_semaphore, #tpu.memory_space<semaphore_mem>>) {add = true}
      %mul3A_495 = arith.constant 3 : i32
      %mul3A_496 = arith.muli %add3A_372, %mul3A_495 : i32
      %add3A_497 = arith.constant 2 : i32
      %add3A_498 = arith.addi %add3A_497, %mul3A_496 : i32
      %add3A_499 = arith.constant 2 : i32
      %add3A_500 = arith.addi %add3A_498, %add3A_499 : i32
      %sub3A_501 = arith.constant 2 : i32
      %sub3A_502 = arith.subi %add3A_500, %sub3A_501 : i32
      %dma_wait3A_503 = arith.constant 0 : i32
      %dma_wait3A_504 = arith.constant 0 : i32
      %dma_wait3A_505 = tpu.memref_slice %arg22[%dma_wait3A_503, %dma_wait3A_504] : memref<10336x128xf32, #tpu.memory_space<vmem_shared>> -> memref<10336x128xf32, #tpu.memory_space<vmem_shared>>
      tpu.wait_indirect_dma semaphore(%arg34 : memref<!tpu.dma_semaphore, #tpu.memory_space<semaphore_mem>>) src(%arg21 : memref<120x128xf32, #tpu.memory_space<vmem>>) dst(%dma_wait3A_505 : memref<10336x128xf32, #tpu.memory_space<vmem_shared>>)
      %add3A_506 = arith.constant 1 : i32
      %add3A_507 = arith.addi %add3A_500, %add3A_506 : i32
      %mul3A_508 = arith.constant 120 : i32
      %mul3A_509 = arith.muli %add3A_507, %mul3A_508 : i32
      %add3A_510 = arith.addi %mul3A_24, %mul3A_509 : i32
      %dma_start3A_511 = tpu.memref_slice %arg4[%add3A_510] : memref<326400xi32, #tpu.memory_space<hbm>> -> memref<120xi32, #tpu.memory_space<hbm>>
      %dma_start3A_512 = tpu.memref_slice %arg4[%add3A_510] : memref<326400xi32, #tpu.memory_space<hbm>> -> memref<120xi32, #tpu.memory_space<hbm>>
      tpu.enqueue_dma source(%dma_start3A_512 : memref<120xi32, #tpu.memory_space<hbm>>) target(%arg15 : memref<120xi32, #tpu.memory_space<vmem>>) target_semaphore(%arg28 : memref<!tpu.dma_semaphore, #tpu.memory_space<semaphore_mem>>)
      %add3A_513 = arith.constant 1 : i32
      %add3A_514 = arith.addi %add3A_500, %add3A_513 : i32
      %mul3A_515 = arith.constant 120 : i32
      %mul3A_516 = arith.muli %add3A_514, %mul3A_515 : i32
      %add3A_517 = arith.addi %mul3A_24, %mul3A_516 : i32
      %dma_wait3A_518 = tpu.memref_slice %arg3[%add3A_517] : memref<326400xi32, #tpu.memory_space<hbm>> -> memref<120xi32, #tpu.memory_space<hbm>>
      %dma_wait3A_519 = tpu.memref_slice %arg3[%add3A_517] : memref<326400xi32, #tpu.memory_space<hbm>> -> memref<120xi32, #tpu.memory_space<hbm>>
      tpu.wait_dma2 semaphore(%arg25 : memref<!tpu.dma_semaphore, #tpu.memory_space<semaphore_mem>>) src(%dma_wait3A_519 : memref<120xi32, #tpu.memory_space<hbm>>) dst(%arg12 : memref<120xi32, #tpu.memory_space<vmem>>)
      %mul3A_520 = arith.constant 120 : i32
      %mul3A_521 = arith.muli %add3A_514, %mul3A_520 : i32
      %add3A_522 = arith.addi %mul3A_24, %mul3A_521 : i32
      %dma_wait3A_523 = tpu.memref_slice %arg5[%add3A_522] : memref<326400xf32, #tpu.memory_space<hbm>> -> memref<120xf32, #tpu.memory_space<hbm>>
      %dma_wait3A_524 = tpu.memref_slice %arg5[%add3A_522] : memref<326400xf32, #tpu.memory_space<hbm>> -> memref<120xf32, #tpu.memory_space<hbm>>
      tpu.wait_dma2 semaphore(%arg25 : memref<!tpu.dma_semaphore, #tpu.memory_space<semaphore_mem>>) src(%dma_wait3A_524 : memref<120xf32, #tpu.memory_space<hbm>>) dst(%arg18 : memref<120xf32, #tpu.memory_space<vmem>>)
      %add3A_525 = arith.constant 1 : i32
      %add3A_526 = arith.addi %add3A_500, %add3A_525 : i32
      %dma_start3A_527 = arith.constant 0 : i32
      %dma_start3A_528 = arith.constant 0 : i32
      %dma_start3A_529 = tpu.memref_slice %arg2[%dma_start3A_527, %dma_start3A_528] : memref<10000x128xf32, #tpu.memory_space<hbm>> -> memref<10000x128xf32, #tpu.memory_space<hbm>>
      tpu.enqueue_indirect_dma source(%dma_start3A_529 : memref<10000x128xf32, #tpu.memory_space<hbm>>) target(%arg21 : memref<120x128xf32, #tpu.memory_space<vmem>>) offsets(%arg12 : memref<120xi32, #tpu.memory_space<vmem>>) semaphore(%arg31 : memref<!tpu.dma_semaphore, #tpu.memory_space<semaphore_mem>>)
      %dma_wait3A_530 = arith.constant 0 : i32
      %dma_wait3A_531 = arith.constant 0 : i32
      %dma_wait3A_532 = tpu.memref_slice %arg2[%dma_wait3A_530, %dma_wait3A_531] : memref<10000x128xf32, #tpu.memory_space<hbm>> -> memref<10000x128xf32, #tpu.memory_space<hbm>>
      tpu.wait_indirect_dma semaphore(%arg30 : memref<!tpu.dma_semaphore, #tpu.memory_space<semaphore_mem>>) src(%dma_wait3A_532 : memref<10000x128xf32, #tpu.memory_space<hbm>>) dst(%arg20 : memref<120x128xf32, #tpu.memory_space<vmem>>)
      %add3A_533 = arith.constant 2 : i32
      %add3A_534 = arith.addi %add3A_500, %add3A_533 : i32
      %mul3A_535 = arith.constant 120 : i32
      %mul3A_536 = arith.muli %add3A_534, %mul3A_535 : i32
      %add3A_537 = arith.addi %mul3A_24, %mul3A_536 : i32
      %dma_start3A_538 = tpu.memref_slice %arg3[%add3A_537] : memref<326400xi32, #tpu.memory_space<hbm>> -> memref<120xi32, #tpu.memory_space<hbm>>
      %dma_start3A_539 = tpu.memref_slice %arg3[%add3A_537] : memref<326400xi32, #tpu.memory_space<hbm>> -> memref<120xi32, #tpu.memory_space<hbm>>
      tpu.enqueue_dma source(%dma_start3A_539 : memref<120xi32, #tpu.memory_space<hbm>>) target(%arg10 : memref<120xi32, #tpu.memory_space<vmem>>) target_semaphore(%arg23 : memref<!tpu.dma_semaphore, #tpu.memory_space<semaphore_mem>>)
      %mul3A_540 = arith.constant 120 : i32
      %mul3A_541 = arith.muli %add3A_534, %mul3A_540 : i32
      %add3A_542 = arith.addi %mul3A_24, %mul3A_541 : i32
      %dma_start3A_543 = tpu.memref_slice %arg5[%add3A_542] : memref<326400xf32, #tpu.memory_space<hbm>> -> memref<120xf32, #tpu.memory_space<hbm>>
      %dma_start3A_544 = tpu.memref_slice %arg5[%add3A_542] : memref<326400xf32, #tpu.memory_space<hbm>> -> memref<120xf32, #tpu.memory_space<hbm>>
      tpu.enqueue_dma source(%dma_start3A_544 : memref<120xf32, #tpu.memory_space<hbm>>) target(%arg16 : memref<120xf32, #tpu.memory_space<vmem>>) target_semaphore(%arg23 : memref<!tpu.dma_semaphore, #tpu.memory_space<semaphore_mem>>)
      %parallel_loop3A_545 = arith.constant 0 : i32
      %parallel_loop3A_546 = arith.constant 120 : i32
      %parallel_loop3A_547 = arith.constant 1 : i32
      scf.for %parallel_loop3A_556 = %parallel_loop3A_545 to %parallel_loop3A_546 step %parallel_loop3A_547  : i32 {
        %parallel_loop3A_557 = vector.broadcast %parallel_loop3A_556 : i32 to vector<16xi32>
        %parallel_loop3A_558 = tpu.vector_load_idx %arg17[%parallel_loop3A_557] : memref<120xf32, #tpu.memory_space<vmem>>[vector<16xi32>], vector<16xf32>,
        %parallel_loop3A_559 = arith.index_cast %parallel_loop3A_556 : i32 to index
        %parallel_loop3A_560 = arith.constant 0 : index
        %parallel_loop3A_561 = tpu.vector_load %arg20[%parallel_loop3A_559, %parallel_loop3A_560] {strides = array<i32>} : memref<120x128xf32, #tpu.memory_space<vmem>>, vector<16xf32>,
        %parallel_loop3A_562 = arith.mulf %parallel_loop3A_561, %parallel_loop3A_558 : vector<16xf32>
        %parallel_loop3A_563 = arith.index_cast %parallel_loop3A_556 : i32 to index
        %parallel_loop3A_564 = arith.constant 0 : index
        %parallel_loop3A_565 = tpu.vector_load %arg20[%parallel_loop3A_563, %parallel_loop3A_564] {strides = array<i32>} : memref<120x128xf32, #tpu.memory_space<vmem>>, vector<16xf32>,
        tpu.vector_store %arg20[%parallel_loop3A_563, %parallel_loop3A_564], %parallel_loop3A_562 {strides = array<i32>} : memref<120x128xf32, #tpu.memory_space<vmem>>, vector<16xf32>,
        %parallel_loop3A_566 = arith.index_cast %parallel_loop3A_556 : i32 to index
        %parallel_loop3A_567 = arith.constant 16 : index
        %parallel_loop3A_568 = tpu.vector_load %arg20[%parallel_loop3A_566, %parallel_loop3A_567] {strides = array<i32>} : memref<120x128xf32, #tpu.memory_space<vmem>>, vector<16xf32>,
        %parallel_loop3A_569 = arith.mulf %parallel_loop3A_568, %parallel_loop3A_558 : vector<16xf32>
        %parallel_loop3A_570 = arith.index_cast %parallel_loop3A_556 : i32 to index
        %parallel_loop3A_571 = arith.constant 16 : index
        %parallel_loop3A_572 = tpu.vector_load %arg20[%parallel_loop3A_570, %parallel_loop3A_571] {strides = array<i32>} : memref<120x128xf32, #tpu.memory_space<vmem>>, vector<16xf32>,
        tpu.vector_store %arg20[%parallel_loop3A_570, %parallel_loop3A_571], %parallel_loop3A_569 {strides = array<i32>} : memref<120x128xf32, #tpu.memory_space<vmem>>, vector<16xf32>,
        %parallel_loop3A_573 = arith.index_cast %parallel_loop3A_556 : i32 to index
        %parallel_loop3A_574 = arith.constant 32 : index
        %parallel_loop3A_575 = tpu.vector_load %arg20[%parallel_loop3A_573, %parallel_loop3A_574] {strides = array<i32>} : memref<120x128xf32, #tpu.memory_space<vmem>>, vector<16xf32>,
        %parallel_loop3A_576 = arith.mulf %parallel_loop3A_575, %parallel_loop3A_558 : vector<16xf32>
        %parallel_loop3A_577 = arith.index_cast %parallel_loop3A_556 : i32 to index
        %parallel_loop3A_578 = arith.constant 32 : index
        %parallel_loop3A_579 = tpu.vector_load %arg20[%parallel_loop3A_577, %parallel_loop3A_578] {strides = array<i32>} : memref<120x128xf32, #tpu.memory_space<vmem>>, vector<16xf32>,
        tpu.vector_store %arg20[%parallel_loop3A_577, %parallel_loop3A_578], %parallel_loop3A_576 {strides = array<i32>} : memref<120x128xf32, #tpu.memory_space<vmem>>, vector<16xf32>,
        %parallel_loop3A_580 = arith.index_cast %parallel_loop3A_556 : i32 to index
        %parallel_loop3A_581 = arith.constant 48 : index
        %parallel_loop3A_582 = tpu.vector_load %arg20[%parallel_loop3A_580, %parallel_loop3A_581] {strides = array<i32>} : memref<120x128xf32, #tpu.memory_space<vmem>>, vector<16xf32>,
        %parallel_loop3A_583 = arith.mulf %parallel_loop3A_582, %parallel_loop3A_558 : vector<16xf32>
        %parallel_loop3A_584 = arith.index_cast %parallel_loop3A_556 : i32 to index
        %parallel_loop3A_585 = arith.constant 48 : index
        %parallel_loop3A_586 = tpu.vector_load %arg20[%parallel_loop3A_584, %parallel_loop3A_585] {strides = array<i32>} : memref<120x128xf32, #tpu.memory_space<vmem>>, vector<16xf32>,
        tpu.vector_store %arg20[%parallel_loop3A_584, %parallel_loop3A_585], %parallel_loop3A_583 {strides = array<i32>} : memref<120x128xf32, #tpu.memory_space<vmem>>, vector<16xf32>,
        %parallel_loop3A_587 = arith.index_cast %parallel_loop3A_556 : i32 to index
        %parallel_loop3A_588 = arith.constant 64 : index
        %parallel_loop3A_589 = tpu.vector_load %arg20[%parallel_loop3A_587, %parallel_loop3A_588] {strides = array<i32>} : memref<120x128xf32, #tpu.memory_space<vmem>>, vector<16xf32>,
        %parallel_loop3A_590 = arith.mulf %parallel_loop3A_589, %parallel_loop3A_558 : vector<16xf32>
        %parallel_loop3A_591 = arith.index_cast %parallel_loop3A_556 : i32 to index
        %parallel_loop3A_592 = arith.constant 64 : index
        %parallel_loop3A_593 = tpu.vector_load %arg20[%parallel_loop3A_591, %parallel_loop3A_592] {strides = array<i32>} : memref<120x128xf32, #tpu.memory_space<vmem>>, vector<16xf32>,
        tpu.vector_store %arg20[%parallel_loop3A_591, %parallel_loop3A_592], %parallel_loop3A_590 {strides = array<i32>} : memref<120x128xf32, #tpu.memory_space<vmem>>, vector<16xf32>,
        %parallel_loop3A_594 = arith.index_cast %parallel_loop3A_556 : i32 to index
        %parallel_loop3A_595 = arith.constant 80 : index
        %parallel_loop3A_596 = tpu.vector_load %arg20[%parallel_loop3A_594, %parallel_loop3A_595] {strides = array<i32>} : memref<120x128xf32, #tpu.memory_space<vmem>>, vector<16xf32>,
        %parallel_loop3A_597 = arith.mulf %parallel_loop3A_596, %parallel_loop3A_558 : vector<16xf32>
        %parallel_loop3A_598 = arith.index_cast %parallel_loop3A_556 : i32 to index
        %parallel_loop3A_599 = arith.constant 80 : index
        %parallel_loop3A_600 = tpu.vector_load %arg20[%parallel_loop3A_598, %parallel_loop3A_599] {strides = array<i32>} : memref<120x128xf32, #tpu.memory_space<vmem>>, vector<16xf32>,
        tpu.vector_store %arg20[%parallel_loop3A_598, %parallel_loop3A_599], %parallel_loop3A_597 {strides = array<i32>} : memref<120x128xf32, #tpu.memory_space<vmem>>, vector<16xf32>,
        %parallel_loop3A_601 = arith.index_cast %parallel_loop3A_556 : i32 to index
        %parallel_loop3A_602 = arith.constant 96 : index
        %parallel_loop3A_603 = tpu.vector_load %arg20[%parallel_loop3A_601, %parallel_loop3A_602] {strides = array<i32>} : memref<120x128xf32, #tpu.memory_space<vmem>>, vector<16xf32>,
        %parallel_loop3A_604 = arith.mulf %parallel_loop3A_603, %parallel_loop3A_558 : vector<16xf32>
        %parallel_loop3A_605 = arith.index_cast %parallel_loop3A_556 : i32 to index
        %parallel_loop3A_606 = arith.constant 96 : index
        %parallel_loop3A_607 = tpu.vector_load %arg20[%parallel_loop3A_605, %parallel_loop3A_606] {strides = array<i32>} : memref<120x128xf32, #tpu.memory_space<vmem>>, vector<16xf32>,
        tpu.vector_store %arg20[%parallel_loop3A_605, %parallel_loop3A_606], %parallel_loop3A_604 {strides = array<i32>} : memref<120x128xf32, #tpu.memory_space<vmem>>, vector<16xf32>,
        %parallel_loop3A_608 = arith.index_cast %parallel_loop3A_556 : i32 to index
        %parallel_loop3A_609 = arith.constant 112 : index
        %parallel_loop3A_610 = tpu.vector_load %arg20[%parallel_loop3A_608, %parallel_loop3A_609] {strides = array<i32>} : memref<120x128xf32, #tpu.memory_space<vmem>>, vector<16xf32>,
        %parallel_loop3A_611 = arith.mulf %parallel_loop3A_610, %parallel_loop3A_558 : vector<16xf32>
        %parallel_loop3A_612 = arith.index_cast %parallel_loop3A_556 : i32 to index
        %parallel_loop3A_613 = arith.constant 112 : index
        %parallel_loop3A_614 = tpu.vector_load %arg20[%parallel_loop3A_612, %parallel_loop3A_613] {strides = array<i32>} : memref<120x128xf32, #tpu.memory_space<vmem>>, vector<16xf32>,
        tpu.vector_store %arg20[%parallel_loop3A_612, %parallel_loop3A_613], %parallel_loop3A_611 {strides = array<i32>} : memref<120x128xf32, #tpu.memory_space<vmem>>, vector<16xf32>,
      } {sc.loop_unroll_factor = 4 : i64, sc.parallel_access}
      %mul3A_548 = arith.constant 120 : i32
      %mul3A_549 = arith.muli %add3A_500, %mul3A_548 : i32
      %add3A_550 = arith.addi %mul3A_24, %mul3A_549 : i32
      %dma_wait3A_551 = tpu.memref_slice %arg4[%add3A_550] : memref<326400xi32, #tpu.memory_space<hbm>> -> memref<120xi32, #tpu.memory_space<hbm>>
      %dma_wait3A_552 = tpu.memref_slice %arg4[%add3A_550] : memref<326400xi32, #tpu.memory_space<hbm>> -> memref<120xi32, #tpu.memory_space<hbm>>
      tpu.wait_dma2 semaphore(%arg27 : memref<!tpu.dma_semaphore, #tpu.memory_space<semaphore_mem>>) src(%dma_wait3A_552 : memref<120xi32, #tpu.memory_space<hbm>>) dst(%arg14 : memref<120xi32, #tpu.memory_space<vmem>>)
      %dma_start3A_553 = arith.constant 0 : i32
      %dma_start3A_554 = arith.constant 0 : i32
      %dma_start3A_555 = tpu.memref_slice %arg22[%dma_start3A_553, %dma_start3A_554] : memref<10336x128xf32, #tpu.memory_space<vmem_shared>> -> memref<10336x128xf32, #tpu.memory_space<vmem_shared>>
      tpu.enqueue_indirect_dma source(%arg20 : memref<120x128xf32, #tpu.memory_space<vmem>>) target(%dma_start3A_555 : memref<10336x128xf32, #tpu.memory_space<vmem_shared>>) offsets(%arg14 : memref<120xi32, #tpu.memory_space<vmem>>) semaphore(%arg33 : memref<!tpu.dma_semaphore, #tpu.memory_space<semaphore_mem>>) {add = true}
    }
    %scan3A_129 = arith.constant 27 : i32
    %dma_wait3A_130 = arith.constant 0 : i32
    %dma_wait3A_131 = arith.constant 0 : i32
    %dma_wait3A_132 = tpu.memref_slice %arg22[%dma_wait3A_130, %dma_wait3A_131] : memref<10336x128xf32, #tpu.memory_space<vmem_shared>> -> memref<10336x128xf32, #tpu.memory_space<vmem_shared>>
    tpu.wait_indirect_dma semaphore(%arg32 : memref<!tpu.dma_semaphore, #tpu.memory_space<semaphore_mem>>) src(%arg19 : memref<120x128xf32, #tpu.memory_space<vmem>>) dst(%dma_wait3A_132 : memref<10336x128xf32, #tpu.memory_space<vmem_shared>>)
    %add3A_133 = arith.constant 10080 : i32
    %add3A_134 = arith.addi %mul3A_24, %add3A_133 : i32
    %dma_start3A_135 = tpu.memref_slice %arg4[%add3A_134] : memref<326400xi32, #tpu.memory_space<hbm>> -> memref<120xi32, #tpu.memory_space<hbm>>
    %dma_start3A_136 = tpu.memref_slice %arg4[%add3A_134] : memref<326400xi32, #tpu.memory_space<hbm>> -> memref<120xi32, #tpu.memory_space<hbm>>
    tpu.enqueue_dma source(%dma_start3A_136 : memref<120xi32, #tpu.memory_space<hbm>>) target(%arg13 : memref<120xi32, #tpu.memory_space<vmem>>) target_semaphore(%arg26 : memref<!tpu.dma_semaphore, #tpu.memory_space<semaphore_mem>>)
    %add3A_137 = arith.constant 10080 : i32
    %add3A_138 = arith.addi %mul3A_24, %add3A_137 : i32
    %dma_wait3A_139 = tpu.memref_slice %arg3[%add3A_138] : memref<326400xi32, #tpu.memory_space<hbm>> -> memref<120xi32, #tpu.memory_space<hbm>>
    %dma_wait3A_140 = tpu.memref_slice %arg3[%add3A_138] : memref<326400xi32, #tpu.memory_space<hbm>> -> memref<120xi32, #tpu.memory_space<hbm>>
    tpu.wait_dma2 semaphore(%arg23 : memref<!tpu.dma_semaphore, #tpu.memory_space<semaphore_mem>>) src(%dma_wait3A_140 : memref<120xi32, #tpu.memory_space<hbm>>) dst(%arg10 : memref<120xi32, #tpu.memory_space<vmem>>)
    %add3A_141 = arith.constant 10080 : i32
    %add3A_142 = arith.addi %mul3A_24, %add3A_141 : i32
    %dma_wait3A_143 = tpu.memref_slice %arg5[%add3A_142] : memref<326400xf32, #tpu.memory_space<hbm>> -> memref<120xf32, #tpu.memory_space<hbm>>
    %dma_wait3A_144 = tpu.memref_slice %arg5[%add3A_142] : memref<326400xf32, #tpu.memory_space<hbm>> -> memref<120xf32, #tpu.memory_space<hbm>>
    tpu.wait_dma2 semaphore(%arg23 : memref<!tpu.dma_semaphore, #tpu.memory_space<semaphore_mem>>) src(%dma_wait3A_144 : memref<120xf32, #tpu.memory_space<hbm>>) dst(%arg16 : memref<120xf32, #tpu.memory_space<vmem>>)
    %dma_start3A_145 = arith.constant 0 : i32
    %dma_start3A_146 = arith.constant 0 : i32
    %dma_start3A_147 = tpu.memref_slice %arg2[%dma_start3A_145, %dma_start3A_146] : memref<10000x128xf32, #tpu.memory_space<hbm>> -> memref<10000x128xf32, #tpu.memory_space<hbm>>
    tpu.enqueue_indirect_dma source(%dma_start3A_147 : memref<10000x128xf32, #tpu.memory_space<hbm>>) target(%arg19 : memref<120x128xf32, #tpu.memory_space<vmem>>) offsets(%arg10 : memref<120xi32, #tpu.memory_space<vmem>>) semaphore(%arg29 : memref<!tpu.dma_semaphore, #tpu.memory_space<semaphore_mem>>)
    %dma_wait3A_148 = arith.constant 0 : i32
    %dma_wait3A_149 = arith.constant 0 : i32
    %dma_wait3A_150 = tpu.memref_slice %arg2[%dma_wait3A_148, %dma_wait3A_149] : memref<10000x128xf32, #tpu.memory_space<hbm>> -> memref<10000x128xf32, #tpu.memory_space<hbm>>
    tpu.wait_indirect_dma semaphore(%arg31 : memref<!tpu.dma_semaphore, #tpu.memory_space<semaphore_mem>>) src(%dma_wait3A_150 : memref<10000x128xf32, #tpu.memory_space<hbm>>) dst(%arg21 : memref<120x128xf32, #tpu.memory_space<vmem>>)
    %parallel_loop3A_151 = arith.constant 0 : i32
    %parallel_loop3A_152 = arith.constant 120 : i32
    %parallel_loop3A_153 = arith.constant 1 : i32
    scf.for %parallel_loop3A_368 = %parallel_loop3A_151 to %parallel_loop3A_152 step %parallel_loop3A_153  : i32 {
      %parallel_loop3A_369 = vector.broadcast %parallel_loop3A_368 : i32 to vector<16xi32>
      %parallel_loop3A_370 = tpu.vector_load_idx %arg18[%parallel_loop3A_369] : memref<120xf32, #tpu.memory_space<vmem>>[vector<16xi32>], vector<16xf32>,
      %parallel_loop3A_371 = arith.index_cast %parallel_loop3A_368 : i32 to index
      %parallel_loop3A_372 = arith.constant 0 : index
      %parallel_loop3A_373 = tpu.vector_load %arg21[%parallel_loop3A_371, %parallel_loop3A_372] {strides = array<i32>} : memref<120x128xf32, #tpu.memory_space<vmem>>, vector<16xf32>,
      %parallel_loop3A_374 = arith.mulf %parallel_loop3A_373, %parallel_loop3A_370 : vector<16xf32>
      %parallel_loop3A_375 = arith.index_cast %parallel_loop3A_368 : i32 to index
      %parallel_loop3A_376 = arith.constant 0 : index
      %parallel_loop3A_377 = tpu.vector_load %arg21[%parallel_loop3A_375, %parallel_loop3A_376] {strides = array<i32>} : memref<120x128xf32, #tpu.memory_space<vmem>>, vector<16xf32>,
      tpu.vector_store %arg21[%parallel_loop3A_375, %parallel_loop3A_376], %parallel_loop3A_374 {strides = array<i32>} : memref<120x128xf32, #tpu.memory_space<vmem>>, vector<16xf32>,
      %parallel_loop3A_378 = arith.index_cast %parallel_loop3A_368 : i32 to index
      %parallel_loop3A_379 = arith.constant 16 : index
      %parallel_loop3A_380 = tpu.vector_load %arg21[%parallel_loop3A_378, %parallel_loop3A_379] {strides = array<i32>} : memref<120x128xf32, #tpu.memory_space<vmem>>, vector<16xf32>,
      %parallel_loop3A_381 = arith.mulf %parallel_loop3A_380, %parallel_loop3A_370 : vector<16xf32>
      %parallel_loop3A_382 = arith.index_cast %parallel_loop3A_368 : i32 to index
      %parallel_loop3A_383 = arith.constant 16 : index
      %parallel_loop3A_384 = tpu.vector_load %arg21[%parallel_loop3A_382, %parallel_loop3A_383] {strides = array<i32>} : memref<120x128xf32, #tpu.memory_space<vmem>>, vector<16xf32>,
      tpu.vector_store %arg21[%parallel_loop3A_382, %parallel_loop3A_383], %parallel_loop3A_381 {strides = array<i32>} : memref<120x128xf32, #tpu.memory_space<vmem>>, vector<16xf32>,
      %parallel_loop3A_385 = arith.index_cast %parallel_loop3A_368 : i32 to index
      %parallel_loop3A_386 = arith.constant 32 : index
      %parallel_loop3A_387 = tpu.vector_load %arg21[%parallel_loop3A_385, %parallel_loop3A_386] {strides = array<i32>} : memref<120x128xf32, #tpu.memory_space<vmem>>, vector<16xf32>,
      %parallel_loop3A_388 = arith.mulf %parallel_loop3A_387, %parallel_loop3A_370 : vector<16xf32>
      %parallel_loop3A_389 = arith.index_cast %parallel_loop3A_368 : i32 to index
      %parallel_loop3A_390 = arith.constant 32 : index
      %parallel_loop3A_391 = tpu.vector_load %arg21[%parallel_loop3A_389, %parallel_loop3A_390] {strides = array<i32>} : memref<120x128xf32, #tpu.memory_space<vmem>>, vector<16xf32>,
      tpu.vector_store %arg21[%parallel_loop3A_389, %parallel_loop3A_390], %parallel_loop3A_388 {strides = array<i32>} : memref<120x128xf32, #tpu.memory_space<vmem>>, vector<16xf32>,
      %parallel_loop3A_392 = arith.index_cast %parallel_loop3A_368 : i32 to index
      %parallel_loop3A_393 = arith.constant 48 : index
      %parallel_loop3A_394 = tpu.vector_load %arg21[%parallel_loop3A_392, %parallel_loop3A_393] {strides = array<i32>} : memref<120x128xf32, #tpu.memory_space<vmem>>, vector<16xf32>,
      %parallel_loop3A_395 = arith.mulf %parallel_loop3A_394, %parallel_loop3A_370 : vector<16xf32>
      %parallel_loop3A_396 = arith.index_cast %parallel_loop3A_368 : i32 to index
      %parallel_loop3A_397 = arith.constant 48 : index
      %parallel_loop3A_398 = tpu.vector_load %arg21[%parallel_loop3A_396, %parallel_loop3A_397] {strides = array<i32>} : memref<120x128xf32, #tpu.memory_space<vmem>>, vector<16xf32>,
      tpu.vector_store %arg21[%parallel_loop3A_396, %parallel_loop3A_397], %parallel_loop3A_395 {strides = array<i32>} : memref<120x128xf32, #tpu.memory_space<vmem>>, vector<16xf32>,
      %parallel_loop3A_399 = arith.index_cast %parallel_loop3A_368 : i32 to index
      %parallel_loop3A_400 = arith.constant 64 : index
      %parallel_loop3A_401 = tpu.vector_load %arg21[%parallel_loop3A_399, %parallel_loop3A_400] {strides = array<i32>} : memref<120x128xf32, #tpu.memory_space<vmem>>, vector<16xf32>,
      %parallel_loop3A_402 = arith.mulf %parallel_loop3A_401, %parallel_loop3A_370 : vector<16xf32>
      %parallel_loop3A_403 = arith.index_cast %parallel_loop3A_368 : i32 to index
      %parallel_loop3A_404 = arith.constant 64 : index
      %parallel_loop3A_405 = tpu.vector_load %arg21[%parallel_loop3A_403, %parallel_loop3A_404] {strides = array<i32>} : memref<120x128xf32, #tpu.memory_space<vmem>>, vector<16xf32>,
      tpu.vector_store %arg21[%parallel_loop3A_403, %parallel_loop3A_404], %parallel_loop3A_402 {strides = array<i32>} : memref<120x128xf32, #tpu.memory_space<vmem>>, vector<16xf32>,
      %parallel_loop3A_406 = arith.index_cast %parallel_loop3A_368 : i32 to index
      %parallel_loop3A_407 = arith.constant 80 : index
      %parallel_loop3A_408 = tpu.vector_load %arg21[%parallel_loop3A_406, %parallel_loop3A_407] {strides = array<i32>} : memref<120x128xf32, #tpu.memory_space<vmem>>, vector<16xf32>,
      %parallel_loop3A_409 = arith.mulf %parallel_loop3A_408, %parallel_loop3A_370 : vector<16xf32>
      %parallel_loop3A_410 = arith.index_cast %parallel_loop3A_368 : i32 to index
      %parallel_loop3A_411 = arith.constant 80 : index
      %parallel_loop3A_412 = tpu.vector_load %arg21[%parallel_loop3A_410, %parallel_loop3A_411] {strides = array<i32>} : memref<120x128xf32, #tpu.memory_space<vmem>>, vector<16xf32>,
      tpu.vector_store %arg21[%parallel_loop3A_410, %parallel_loop3A_411], %parallel_loop3A_409 {strides = array<i32>} : memref<120x128xf32, #tpu.memory_space<vmem>>, vector<16xf32>,
      %parallel_loop3A_413 = arith.index_cast %parallel_loop3A_368 : i32 to index
      %parallel_loop3A_414 = arith.constant 96 : index
      %parallel_loop3A_415 = tpu.vector_load %arg21[%parallel_loop3A_413, %parallel_loop3A_414] {strides = array<i32>} : memref<120x128xf32, #tpu.memory_space<vmem>>, vector<16xf32>,
      %parallel_loop3A_416 = arith.mulf %parallel_loop3A_415, %parallel_loop3A_370 : vector<16xf32>
      %parallel_loop3A_417 = arith.index_cast %parallel_loop3A_368 : i32 to index
      %parallel_loop3A_418 = arith.constant 96 : index
      %parallel_loop3A_419 = tpu.vector_load %arg21[%parallel_loop3A_417, %parallel_loop3A_418] {strides = array<i32>} : memref<120x128xf32, #tpu.memory_space<vmem>>, vector<16xf32>,
      tpu.vector_store %arg21[%parallel_loop3A_417, %parallel_loop3A_418], %parallel_loop3A_416 {strides = array<i32>} : memref<120x128xf32, #tpu.memory_space<vmem>>, vector<16xf32>,
      %parallel_loop3A_420 = arith.index_cast %parallel_loop3A_368 : i32 to index
      %parallel_loop3A_421 = arith.constant 112 : index
      %parallel_loop3A_422 = tpu.vector_load %arg21[%parallel_loop3A_420, %parallel_loop3A_421] {strides = array<i32>} : memref<120x128xf32, #tpu.memory_space<vmem>>, vector<16xf32>,
      %parallel_loop3A_423 = arith.mulf %parallel_loop3A_422, %parallel_loop3A_370 : vector<16xf32>
      %parallel_loop3A_424 = arith.index_cast %parallel_loop3A_368 : i32 to index
      %parallel_loop3A_425 = arith.constant 112 : index
      %parallel_loop3A_426 = tpu.vector_load %arg21[%parallel_loop3A_424, %parallel_loop3A_425] {strides = array<i32>} : memref<120x128xf32, #tpu.memory_space<vmem>>, vector<16xf32>,
      tpu.vector_store %arg21[%parallel_loop3A_424, %parallel_loop3A_425], %parallel_loop3A_423 {strides = array<i32>} : memref<120x128xf32, #tpu.memory_space<vmem>>, vector<16xf32>,
    } {sc.loop_unroll_factor = 4 : i64, sc.parallel_access}
    %add3A_154 = arith.constant 9960 : i32
    %add3A_155 = arith.addi %mul3A_24, %add3A_154 : i32
    %dma_wait3A_156 = tpu.memref_slice %arg4[%add3A_155] : memref<326400xi32, #tpu.memory_space<hbm>> -> memref<120xi32, #tpu.memory_space<hbm>>
    %dma_wait3A_157 = tpu.memref_slice %arg4[%add3A_155] : memref<326400xi32, #tpu.memory_space<hbm>> -> memref<120xi32, #tpu.memory_space<hbm>>
    tpu.wait_dma2 semaphore(%arg28 : memref<!tpu.dma_semaphore, #tpu.memory_space<semaphore_mem>>) src(%dma_wait3A_157 : memref<120xi32, #tpu.memory_space<hbm>>) dst(%arg15 : memref<120xi32, #tpu.memory_space<vmem>>)
    %dma_start3A_158 = arith.constant 0 : i32
    %dma_start3A_159 = arith.constant 0 : i32
    %dma_start3A_160 = tpu.memref_slice %arg22[%dma_start3A_158, %dma_start3A_159] : memref<10336x128xf32, #tpu.memory_space<vmem_shared>> -> memref<10336x128xf32, #tpu.memory_space<vmem_shared>>
    tpu.enqueue_indirect_dma source(%arg21 : memref<120x128xf32, #tpu.memory_space<vmem>>) target(%dma_start3A_160 : memref<10336x128xf32, #tpu.memory_space<vmem_shared>>) offsets(%arg15 : memref<120xi32, #tpu.memory_space<vmem>>) semaphore(%arg34 : memref<!tpu.dma_semaphore, #tpu.memory_space<semaphore_mem>>) {add = true}
    %dma_wait3A_161 = arith.constant 0 : i32
    %dma_wait3A_162 = arith.constant 0 : i32
    %dma_wait3A_163 = tpu.memref_slice %arg22[%dma_wait3A_161, %dma_wait3A_162] : memref<10336x128xf32, #tpu.memory_space<vmem_shared>> -> memref<10336x128xf32, #tpu.memory_space<vmem_shared>>
    tpu.wait_indirect_dma semaphore(%arg33 : memref<!tpu.dma_semaphore, #tpu.memory_space<semaphore_mem>>) src(%arg20 : memref<120x128xf32, #tpu.memory_space<vmem>>) dst(%dma_wait3A_163 : memref<10336x128xf32, #tpu.memory_space<vmem_shared>>)
    %dma_wait3A_164 = arith.constant 0 : i32
    %dma_wait3A_165 = arith.constant 0 : i32
    %dma_wait3A_166 = tpu.memref_slice %arg2[%dma_wait3A_164, %dma_wait3A_165] : memref<10000x128xf32, #tpu.memory_space<hbm>> -> memref<10000x128xf32, #tpu.memory_space<hbm>>
    tpu.wait_indirect_dma semaphore(%arg29 : memref<!tpu.dma_semaphore, #tpu.memory_space<semaphore_mem>>) src(%dma_wait3A_166 : memref<10000x128xf32, #tpu.memory_space<hbm>>) dst(%arg19 : memref<120x128xf32, #tpu.memory_space<vmem>>)
    %parallel_loop3A_167 = arith.constant 0 : i32
    %parallel_loop3A_168 = arith.constant 120 : i32
    %parallel_loop3A_169 = arith.constant 1 : i32
    scf.for %parallel_loop3A_368 = %parallel_loop3A_167 to %parallel_loop3A_168 step %parallel_loop3A_169  : i32 {
      %parallel_loop3A_369 = vector.broadcast %parallel_loop3A_368 : i32 to vector<16xi32>
      %parallel_loop3A_370 = tpu.vector_load_idx %arg16[%parallel_loop3A_369] : memref<120xf32, #tpu.memory_space<vmem>>[vector<16xi32>], vector<16xf32>,
      %parallel_loop3A_371 = arith.index_cast %parallel_loop3A_368 : i32 to index
      %parallel_loop3A_372 = arith.constant 0 : index
      %parallel_loop3A_373 = tpu.vector_load %arg19[%parallel_loop3A_371, %parallel_loop3A_372] {strides = array<i32>} : memref<120x128xf32, #tpu.memory_space<vmem>>, vector<16xf32>,
      %parallel_loop3A_374 = arith.mulf %parallel_loop3A_373, %parallel_loop3A_370 : vector<16xf32>
      %parallel_loop3A_375 = arith.index_cast %parallel_loop3A_368 : i32 to index
      %parallel_loop3A_376 = arith.constant 0 : index
      %parallel_loop3A_377 = tpu.vector_load %arg19[%parallel_loop3A_375, %parallel_loop3A_376] {strides = array<i32>} : memref<120x128xf32, #tpu.memory_space<vmem>>, vector<16xf32>,
      tpu.vector_store %arg19[%parallel_loop3A_375, %parallel_loop3A_376], %parallel_loop3A_374 {strides = array<i32>} : memref<120x128xf32, #tpu.memory_space<vmem>>, vector<16xf32>,
      %parallel_loop3A_378 = arith.index_cast %parallel_loop3A_368 : i32 to index
      %parallel_loop3A_379 = arith.constant 16 : index
      %parallel_loop3A_380 = tpu.vector_load %arg19[%parallel_loop3A_378, %parallel_loop3A_379] {strides = array<i32>} : memref<120x128xf32, #tpu.memory_space<vmem>>, vector<16xf32>,
      %parallel_loop3A_381 = arith.mulf %parallel_loop3A_380, %parallel_loop3A_370 : vector<16xf32>
      %parallel_loop3A_382 = arith.index_cast %parallel_loop3A_368 : i32 to index
      %parallel_loop3A_383 = arith.constant 16 : index
      %parallel_loop3A_384 = tpu.vector_load %arg19[%parallel_loop3A_382, %parallel_loop3A_383] {strides = array<i32>} : memref<120x128xf32, #tpu.memory_space<vmem>>, vector<16xf32>,
      tpu.vector_store %arg19[%parallel_loop3A_382, %parallel_loop3A_383], %parallel_loop3A_381 {strides = array<i32>} : memref<120x128xf32, #tpu.memory_space<vmem>>, vector<16xf32>,
      %parallel_loop3A_385 = arith.index_cast %parallel_loop3A_368 : i32 to index
      %parallel_loop3A_386 = arith.constant 32 : index
      %parallel_loop3A_387 = tpu.vector_load %arg19[%parallel_loop3A_385, %parallel_loop3A_386] {strides = array<i32>} : memref<120x128xf32, #tpu.memory_space<vmem>>, vector<16xf32>,
      %parallel_loop3A_388 = arith.mulf %parallel_loop3A_387, %parallel_loop3A_370 : vector<16xf32>
      %parallel_loop3A_389 = arith.index_cast %parallel_loop3A_368 : i32 to index
      %parallel_loop3A_390 = arith.constant 32 : index
      %parallel_loop3A_391 = tpu.vector_load %arg19[%parallel_loop3A_389, %parallel_loop3A_390] {strides = array<i32>} : memref<120x128xf32, #tpu.memory_space<vmem>>, vector<16xf32>,
      tpu.vector_store %arg19[%parallel_loop3A_389, %parallel_loop3A_390], %parallel_loop3A_388 {strides = array<i32>} : memref<120x128xf32, #tpu.memory_space<vmem>>, vector<16xf32>,
      %parallel_loop3A_392 = arith.index_cast %parallel_loop3A_368 : i32 to index
      %parallel_loop3A_393 = arith.constant 48 : index
      %parallel_loop3A_394 = tpu.vector_load %arg19[%parallel_loop3A_392, %parallel_loop3A_393] {strides = array<i32>} : memref<120x128xf32, #tpu.memory_space<vmem>>, vector<16xf32>,
      %parallel_loop3A_395 = arith.mulf %parallel_loop3A_394, %parallel_loop3A_370 : vector<16xf32>
      %parallel_loop3A_396 = arith.index_cast %parallel_loop3A_368 : i32 to index
      %parallel_loop3A_397 = arith.constant 48 : index
      %parallel_loop3A_398 = tpu.vector_load %arg19[%parallel_loop3A_396, %parallel_loop3A_397] {strides = array<i32>} : memref<120x128xf32, #tpu.memory_space<vmem>>, vector<16xf32>,
      tpu.vector_store %arg19[%parallel_loop3A_396, %parallel_loop3A_397], %parallel_loop3A_395 {strides = array<i32>} : memref<120x128xf32, #tpu.memory_space<vmem>>, vector<16xf32>,
      %parallel_loop3A_399 = arith.index_cast %parallel_loop3A_368 : i32 to index
      %parallel_loop3A_400 = arith.constant 64 : index
      %parallel_loop3A_401 = tpu.vector_load %arg19[%parallel_loop3A_399, %parallel_loop3A_400] {strides = array<i32>} : memref<120x128xf32, #tpu.memory_space<vmem>>, vector<16xf32>,
      %parallel_loop3A_402 = arith.mulf %parallel_loop3A_401, %parallel_loop3A_370 : vector<16xf32>
      %parallel_loop3A_403 = arith.index_cast %parallel_loop3A_368 : i32 to index
      %parallel_loop3A_404 = arith.constant 64 : index
      %parallel_loop3A_405 = tpu.vector_load %arg19[%parallel_loop3A_403, %parallel_loop3A_404] {strides = array<i32>} : memref<120x128xf32, #tpu.memory_space<vmem>>, vector<16xf32>,
      tpu.vector_store %arg19[%parallel_loop3A_403, %parallel_loop3A_404], %parallel_loop3A_402 {strides = array<i32>} : memref<120x128xf32, #tpu.memory_space<vmem>>, vector<16xf32>,
      %parallel_loop3A_406 = arith.index_cast %parallel_loop3A_368 : i32 to index
      %parallel_loop3A_407 = arith.constant 80 : index
      %parallel_loop3A_408 = tpu.vector_load %arg19[%parallel_loop3A_406, %parallel_loop3A_407] {strides = array<i32>} : memref<120x128xf32, #tpu.memory_space<vmem>>, vector<16xf32>,
      %parallel_loop3A_409 = arith.mulf %parallel_loop3A_408, %parallel_loop3A_370 : vector<16xf32>
      %parallel_loop3A_410 = arith.index_cast %parallel_loop3A_368 : i32 to index
      %parallel_loop3A_411 = arith.constant 80 : index
      %parallel_loop3A_412 = tpu.vector_load %arg19[%parallel_loop3A_410, %parallel_loop3A_411] {strides = array<i32>} : memref<120x128xf32, #tpu.memory_space<vmem>>, vector<16xf32>,
      tpu.vector_store %arg19[%parallel_loop3A_410, %parallel_loop3A_411], %parallel_loop3A_409 {strides = array<i32>} : memref<120x128xf32, #tpu.memory_space<vmem>>, vector<16xf32>,
      %parallel_loop3A_413 = arith.index_cast %parallel_loop3A_368 : i32 to index
      %parallel_loop3A_414 = arith.constant 96 : index
      %parallel_loop3A_415 = tpu.vector_load %arg19[%parallel_loop3A_413, %parallel_loop3A_414] {strides = array<i32>} : memref<120x128xf32, #tpu.memory_space<vmem>>, vector<16xf32>,
      %parallel_loop3A_416 = arith.mulf %parallel_loop3A_415, %parallel_loop3A_370 : vector<16xf32>
      %parallel_loop3A_417 = arith.index_cast %parallel_loop3A_368 : i32 to index
      %parallel_loop3A_418 = arith.constant 96 : index
      %parallel_loop3A_419 = tpu.vector_load %arg19[%parallel_loop3A_417, %parallel_loop3A_418] {strides = array<i32>} : memref<120x128xf32, #tpu.memory_space<vmem>>, vector<16xf32>,
      tpu.vector_store %arg19[%parallel_loop3A_417, %parallel_loop3A_418], %parallel_loop3A_416 {strides = array<i32>} : memref<120x128xf32, #tpu.memory_space<vmem>>, vector<16xf32>,
      %parallel_loop3A_420 = arith.index_cast %parallel_loop3A_368 : i32 to index
      %parallel_loop3A_421 = arith.constant 112 : index
      %parallel_loop3A_422 = tpu.vector_load %arg19[%parallel_loop3A_420, %parallel_loop3A_421] {strides = array<i32>} : memref<120x128xf32, #tpu.memory_space<vmem>>, vector<16xf32>,
      %parallel_loop3A_423 = arith.mulf %parallel_loop3A_422, %parallel_loop3A_370 : vector<16xf32>
      %parallel_loop3A_424 = arith.index_cast %parallel_loop3A_368 : i32 to index
      %parallel_loop3A_425 = arith.constant 112 : index
      %parallel_loop3A_426 = tpu.vector_load %arg19[%parallel_loop3A_424, %parallel_loop3A_425] {strides = array<i32>} : memref<120x128xf32, #tpu.memory_space<vmem>>, vector<16xf32>,
      tpu.vector_store %arg19[%parallel_loop3A_424, %parallel_loop3A_425], %parallel_loop3A_423 {strides = array<i32>} : memref<120x128xf32, #tpu.memory_space<vmem>>, vector<16xf32>,
    } {sc.loop_unroll_factor = 4 : i64, sc.parallel_access}
    %add3A_170 = arith.constant 10080 : i32
    %add3A_171 = arith.addi %mul3A_24, %add3A_170 : i32
    %dma_wait3A_172 = tpu.memref_slice %arg4[%add3A_171] : memref<326400xi32, #tpu.memory_space<hbm>> -> memref<120xi32, #tpu.memory_space<hbm>>
    %dma_wait3A_173 = tpu.memref_slice %arg4[%add3A_171] : memref<326400xi32, #tpu.memory_space<hbm>> -> memref<120xi32, #tpu.memory_space<hbm>>
    tpu.wait_dma2 semaphore(%arg26 : memref<!tpu.dma_semaphore, #tpu.memory_space<semaphore_mem>>) src(%dma_wait3A_173 : memref<120xi32, #tpu.memory_space<hbm>>) dst(%arg13 : memref<120xi32, #tpu.memory_space<vmem>>)
    %dma_start3A_174 = arith.constant 0 : i32
    %dma_start3A_175 = arith.constant 0 : i32
    %dma_start3A_176 = tpu.memref_slice %arg22[%dma_start3A_174, %dma_start3A_175] : memref<10336x128xf32, #tpu.memory_space<vmem_shared>> -> memref<10336x128xf32, #tpu.memory_space<vmem_shared>>
    tpu.enqueue_indirect_dma source(%arg19 : memref<120x128xf32, #tpu.memory_space<vmem>>) target(%dma_start3A_176 : memref<10336x128xf32, #tpu.memory_space<vmem_shared>>) offsets(%arg13 : memref<120xi32, #tpu.memory_space<vmem>>) semaphore(%arg32 : memref<!tpu.dma_semaphore, #tpu.memory_space<semaphore_mem>>) {add = true}
    %dma_wait3A_177 = arith.constant 0 : i32
    %dma_wait3A_178 = arith.constant 0 : i32
    %dma_wait3A_179 = tpu.memref_slice %arg22[%dma_wait3A_177, %dma_wait3A_178] : memref<10336x128xf32, #tpu.memory_space<vmem_shared>> -> memref<10336x128xf32, #tpu.memory_space<vmem_shared>>
    tpu.wait_indirect_dma semaphore(%arg34 : memref<!tpu.dma_semaphore, #tpu.memory_space<semaphore_mem>>) src(%arg21 : memref<120x128xf32, #tpu.memory_space<vmem>>) dst(%dma_wait3A_179 : memref<10336x128xf32, #tpu.memory_space<vmem_shared>>)
    %dma_wait3A_180 = arith.constant 0 : i32
    %dma_wait3A_181 = arith.constant 0 : i32
    %dma_wait3A_182 = tpu.memref_slice %arg22[%dma_wait3A_180, %dma_wait3A_181] : memref<10336x128xf32, #tpu.memory_space<vmem_shared>> -> memref<10336x128xf32, #tpu.memory_space<vmem_shared>>
    tpu.wait_indirect_dma semaphore(%arg32 : memref<!tpu.dma_semaphore, #tpu.memory_space<semaphore_mem>>) src(%arg19 : memref<120x128xf32, #tpu.memory_space<vmem>>) dst(%dma_wait3A_182 : memref<10336x128xf32, #tpu.memory_space<vmem_shared>>)
    %barrier3A_183 = arith.constant 0 : index
    tpu.barrier barrier_id(%barrier3A_183)
    %sub3A_184 = arith.constant 125 : i32
    %sub3A_185 = arith.subi %sub3A_184, %arg1 : i32
    %sub3A_186 = arith.constant 16 : i32
    %sub3A_187 = arith.constant 1 : i32
    %sub3A_188 = arith.subi %sub3A_186, %sub3A_187 : i32
    %add3A_189 = arith.addi %sub3A_185, %sub3A_188 : i32
    %div3A_190 = arith.constant 16 : i32
    %div3A_191 = arith.divsi %add3A_189, %div3A_190 : i32
    %while3A_192 = arith.constant 16 : i32
    %while3A_193 = arith.constant 0 : i32
    %while3A_194 = arith.subi %div3A_191, %while3A_193 : i32
    %while3A_195 = arith.addi %while3A_193, %while3A_194 : i32
    %while3A_196 = arith.constant 1 : i32
    %while3A_197 = arith.divsi %while3A_194, %while3A_196 : i32
    %while3A_198 = arith.muli %while3A_197, %while3A_196 : i32
    %while3A_199 = arith.addi %while3A_193, %while3A_198 : i32
    %while3A_200 = arith.constant 1 : i32
    scf.for %while3A_368 = %while3A_193 to %while3A_199 step %while3A_200  : i32 {
      %mul3A_369 = arith.muli %while3A_368, %while3A_192 : i32
      %add3A_370 = arith.addi %arg1, %mul3A_369 : i32
      %mul3A_371 = arith.constant 80 : i32
      %mul3A_372 = arith.muli %add3A_370, %mul3A_371 : i32
      %mul3A_373 = arith.constant 80 : i32
      %mul3A_374 = arith.muli %add3A_370, %mul3A_373 : i32
      "tpu.region"() ({
        %run_scoped3A = tpu.sem_alloc : memref<!tpu.dma_semaphore, #tpu.memory_space<semaphore_mem>>
        %dma_start3A_375 = arith.constant 0 : i32
        %dma_start3A_376 = arith.constant 0 : i32
        %dma_start3A_377 = tpu.memref_slice %arg8[%arg0, %dma_start3A_375, %dma_start3A_376] : memref<2x10000x128xf32, #tpu.memory_space<hbm>> -> memref<1x10000x128xf32, #tpu.memory_space<hbm>>
        %dma_start3A_378 = tpu.memref_squeeze %dma_start3A_377 : memref<1x10000x128xf32, #tpu.memory_space<hbm>> -> memref<10000x128xf32, #tpu.memory_space<hbm>>
        %dma_start3A_379 = arith.constant 0 : i32
        %dma_start3A_380 = tpu.memref_slice %dma_start3A_378[%mul3A_374, %dma_start3A_379] : memref<10000x128xf32, #tpu.memory_space<hbm>> -> memref<80x128xf32, #tpu.memory_space<hbm>>
        %dma_start3A_381 = arith.constant 0 : i32
        %dma_start3A_382 = tpu.memref_slice %arg22[%mul3A_372, %dma_start3A_381] : memref<10336x128xf32, #tpu.memory_space<vmem_shared>> -> memref<80x128xf32, #tpu.memory_space<vmem_shared>>
        tpu.enqueue_dma source(%dma_start3A_382 : memref<80x128xf32, #tpu.memory_space<vmem_shared>>) target(%dma_start3A_380 : memref<80x128xf32, #tpu.memory_space<hbm>>) target_semaphore(%run_scoped3A : memref<!tpu.dma_semaphore, #tpu.memory_space<semaphore_mem>>)
        %dma_wait3A_383 = arith.constant 0 : i32
        %dma_wait3A_384 = arith.constant 0 : i32
        %dma_wait3A_385 = tpu.memref_slice %arg8[%arg0, %dma_wait3A_383, %dma_wait3A_384] : memref<2x10000x128xf32, #tpu.memory_space<hbm>> -> memref<1x10000x128xf32, #tpu.memory_space<hbm>>
        %dma_wait3A_386 = tpu.memref_squeeze %dma_wait3A_385 : memref<1x10000x128xf32, #tpu.memory_space<hbm>> -> memref<10000x128xf32, #tpu.memory_space<hbm>>
        %dma_wait3A_387 = arith.constant 0 : i32
        %dma_wait3A_388 = tpu.memref_slice %dma_wait3A_386[%mul3A_374, %dma_wait3A_387] : memref<10000x128xf32, #tpu.memory_space<hbm>> -> memref<80x128xf32, #tpu.memory_space<hbm>>
        %dma_wait3A_389 = arith.constant 0 : i32
        %dma_wait3A_390 = tpu.memref_slice %arg22[%mul3A_372, %dma_wait3A_389] : memref<10336x128xf32, #tpu.memory_space<vmem_shared>> -> memref<80x128xf32, #tpu.memory_space<vmem_shared>>
        tpu.wait_dma2 semaphore(%run_scoped3A : memref<!tpu.dma_semaphore, #tpu.memory_space<semaphore_mem>>) src(%dma_wait3A_390 : memref<80x128xf32, #tpu.memory_space<vmem_shared>>) dst(%dma_wait3A_388 : memref<80x128xf32, #tpu.memory_space<hbm>>)
        tpu.yield
      }) : () -> ()
    }
    %while3A_201 = arith.constant 1 : i32
    scf.for %while3A_368 = %while3A_199 to %while3A_195 step %while3A_201  : i32 {
      %mul3A_369 = arith.muli %while3A_368, %while3A_192 : i32
      %add3A_370 = arith.addi %arg1, %mul3A_369 : i32
      %mul3A_371 = arith.constant 80 : i32
      %mul3A_372 = arith.muli %add3A_370, %mul3A_371 : i32
      %mul3A_373 = arith.constant 80 : i32
      %mul3A_374 = arith.muli %add3A_370, %mul3A_373 : i32
      "tpu.region"() ({
        %run_scoped3A = tpu.sem_alloc : memref<!tpu.dma_semaphore, #tpu.memory_space<semaphore_mem>>
        %dma_start3A_375 = arith.constant 0 : i32
        %dma_start3A_376 = arith.constant 0 : i32
        %dma_start3A_377 = tpu.memref_slice %arg8[%arg0, %dma_start3A_375, %dma_start3A_376] : memref<2x10000x128xf32, #tpu.memory_space<hbm>> -> memref<1x10000x128xf32, #tpu.memory_space<hbm>>
        %dma_start3A_378 = tpu.memref_squeeze %dma_start3A_377 : memref<1x10000x128xf32, #tpu.memory_space<hbm>> -> memref<10000x128xf32, #tpu.memory_space<hbm>>
        %dma_start3A_379 = arith.constant 0 : i32
        %dma_start3A_380 = tpu.memref_slice %dma_start3A_378[%mul3A_374, %dma_start3A_379] : memref<10000x128xf32, #tpu.memory_space<hbm>> -> memref<80x128xf32, #tpu.memory_space<hbm>>
        %dma_start3A_381 = arith.constant 0 : i32
        %dma_start3A_382 = tpu.memref_slice %arg22[%mul3A_372, %dma_start3A_381] : memref<10336x128xf32, #tpu.memory_space<vmem_shared>> -> memref<80x128xf32, #tpu.memory_space<vmem_shared>>
        tpu.enqueue_dma source(%dma_start3A_382 : memref<80x128xf32, #tpu.memory_space<vmem_shared>>) target(%dma_start3A_380 : memref<80x128xf32, #tpu.memory_space<hbm>>) target_semaphore(%run_scoped3A : memref<!tpu.dma_semaphore, #tpu.memory_space<semaphore_mem>>)
        %dma_wait3A_383 = arith.constant 0 : i32
        %dma_wait3A_384 = arith.constant 0 : i32
        %dma_wait3A_385 = tpu.memref_slice %arg8[%arg0, %dma_wait3A_383, %dma_wait3A_384] : memref<2x10000x128xf32, #tpu.memory_space<hbm>> -> memref<1x10000x128xf32, #tpu.memory_space<hbm>>
        %dma_wait3A_386 = tpu.memref_squeeze %dma_wait3A_385 : memref<1x10000x128xf32, #tpu.memory_space<hbm>> -> memref<10000x128xf32, #tpu.memory_space<hbm>>
        %dma_wait3A_387 = arith.constant 0 : i32
        %dma_wait3A_388 = tpu.memref_slice %dma_wait3A_386[%mul3A_374, %dma_wait3A_387] : memref<10000x128xf32, #tpu.memory_space<hbm>> -> memref<80x128xf32, #tpu.memory_space<hbm>>
        %dma_wait3A_389 = arith.constant 0 : i32
        %dma_wait3A_390 = tpu.memref_slice %arg22[%mul3A_372, %dma_wait3A_389] : memref<10336x128xf32, #tpu.memory_space<vmem_shared>> -> memref<80x128xf32, #tpu.memory_space<vmem_shared>>
        tpu.wait_dma2 semaphore(%run_scoped3A : memref<!tpu.dma_semaphore, #tpu.memory_space<semaphore_mem>>) src(%dma_wait3A_390 : memref<80x128xf32, #tpu.memory_space<vmem_shared>>) dst(%dma_wait3A_388 : memref<80x128xf32, #tpu.memory_space<hbm>>)
        tpu.yield
      }) : () -> ()
    }
    %broadcast_in_dim3A_202 = arith.constant 0.000000e+00 : f32
    %broadcast_in_dim3A_203 = vector.broadcast %broadcast_in_dim3A_202 : f32 to vector<16xf32>
    %scan3A_204 = arith.constant 0 : i32
    %scan3A_205 = arith.constant 80 : i32
    %scan3A_206 = arith.addi %scan3A_204, %scan3A_205 : i32
    %scan3A_207 = arith.constant 1 : i32
    scf.for %scan3A_368 = %scan3A_204 to %scan3A_206 step %scan3A_207  : i32 {
      %mul3A_369 = arith.constant 1 : i32
      %mul3A_370 = arith.muli %scan3A_368, %mul3A_369 : i32
      %add3A_371 = arith.constant 0 : i32
      %add3A_372 = arith.addi %add3A_371, %mul3A_370 : i32
      %swap3A = arith.index_cast %add3A_372 : i32 to index
      %swap3A_373 = arith.constant 0 : index
      %swap3A_374 = tpu.vector_load %arg19[%swap3A, %swap3A_373] {strides = array<i32>} : memref<120x128xf32, #tpu.memory_space<vmem>>, vector<16xf32>,
      tpu.vector_store %arg19[%swap3A, %swap3A_373], %broadcast_in_dim3A_203 {strides = array<i32>} : memref<120x128xf32, #tpu.memory_space<vmem>>, vector<16xf32>,
      %swap3A_375 = arith.index_cast %add3A_372 : i32 to index
      %swap3A_376 = arith.constant 16 : index
      %swap3A_377 = tpu.vector_load %arg19[%swap3A_375, %swap3A_376] {strides = array<i32>} : memref<120x128xf32, #tpu.memory_space<vmem>>, vector<16xf32>,
      tpu.vector_store %arg19[%swap3A_375, %swap3A_376], %broadcast_in_dim3A_203 {strides = array<i32>} : memref<120x128xf32, #tpu.memory_space<vmem>>, vector<16xf32>,
      %swap3A_378 = arith.index_cast %add3A_372 : i32 to index
      %swap3A_379 = arith.constant 32 : index
      %swap3A_380 = tpu.vector_load %arg19[%swap3A_378, %swap3A_379] {strides = array<i32>} : memref<120x128xf32, #tpu.memory_space<vmem>>, vector<16xf32>,
      tpu.vector_store %arg19[%swap3A_378, %swap3A_379], %broadcast_in_dim3A_203 {strides = array<i32>} : memref<120x128xf32, #tpu.memory_space<vmem>>, vector<16xf32>,
      %swap3A_381 = arith.index_cast %add3A_372 : i32 to index
      %swap3A_382 = arith.constant 48 : index
      %swap3A_383 = tpu.vector_load %arg19[%swap3A_381, %swap3A_382] {strides = array<i32>} : memref<120x128xf32, #tpu.memory_space<vmem>>, vector<16xf32>,
      tpu.vector_store %arg19[%swap3A_381, %swap3A_382], %broadcast_in_dim3A_203 {strides = array<i32>} : memref<120x128xf32, #tpu.memory_space<vmem>>, vector<16xf32>,
      %swap3A_384 = arith.index_cast %add3A_372 : i32 to index
      %swap3A_385 = arith.constant 64 : index
      %swap3A_386 = tpu.vector_load %arg19[%swap3A_384, %swap3A_385] {strides = array<i32>} : memref<120x128xf32, #tpu.memory_space<vmem>>, vector<16xf32>,
      tpu.vector_store %arg19[%swap3A_384, %swap3A_385], %broadcast_in_dim3A_203 {strides = array<i32>} : memref<120x128xf32, #tpu.memory_space<vmem>>, vector<16xf32>,
      %swap3A_387 = arith.index_cast %add3A_372 : i32 to index
      %swap3A_388 = arith.constant 80 : index
      %swap3A_389 = tpu.vector_load %arg19[%swap3A_387, %swap3A_388] {strides = array<i32>} : memref<120x128xf32, #tpu.memory_space<vmem>>, vector<16xf32>,
      tpu.vector_store %arg19[%swap3A_387, %swap3A_388], %broadcast_in_dim3A_203 {strides = array<i32>} : memref<120x128xf32, #tpu.memory_space<vmem>>, vector<16xf32>,
      %swap3A_390 = arith.index_cast %add3A_372 : i32 to index
      %swap3A_391 = arith.constant 96 : index
      %swap3A_392 = tpu.vector_load %arg19[%swap3A_390, %swap3A_391] {strides = array<i32>} : memref<120x128xf32, #tpu.memory_space<vmem>>, vector<16xf32>,
      tpu.vector_store %arg19[%swap3A_390, %swap3A_391], %broadcast_in_dim3A_203 {strides = array<i32>} : memref<120x128xf32, #tpu.memory_space<vmem>>, vector<16xf32>,
      %swap3A_393 = arith.index_cast %add3A_372 : i32 to index
      %swap3A_394 = arith.constant 112 : index
      %swap3A_395 = tpu.vector_load %arg19[%swap3A_393, %swap3A_394] {strides = array<i32>} : memref<120x128xf32, #tpu.memory_space<vmem>>, vector<16xf32>,
      tpu.vector_store %arg19[%swap3A_393, %swap3A_394], %broadcast_in_dim3A_203 {strides = array<i32>} : memref<120x128xf32, #tpu.memory_space<vmem>>, vector<16xf32>,
    }
    %scan3A_208 = arith.constant 80 : i32
    %sub3A_209 = arith.constant 125 : i32
    %sub3A_210 = arith.subi %sub3A_209, %arg1 : i32
    %sub3A_211 = arith.constant 16 : i32
    %sub3A_212 = arith.constant 1 : i32
    %sub3A_213 = arith.subi %sub3A_211, %sub3A_212 : i32
    %add3A_214 = arith.addi %sub3A_210, %sub3A_213 : i32
    %div3A_215 = arith.constant 16 : i32
    %div3A_216 = arith.divsi %add3A_214, %div3A_215 : i32
    %while3A_217 = arith.constant 16 : i32
    %while3A_218 = arith.constant 0 : i32
    %while3A_219 = arith.subi %div3A_216, %while3A_218 : i32
    %while3A_220 = arith.addi %while3A_218, %while3A_219 : i32
    %while3A_221 = arith.constant 1 : i32
    %while3A_222 = arith.divsi %while3A_219, %while3A_221 : i32
    %while3A_223 = arith.muli %while3A_222, %while3A_221 : i32
    %while3A_224 = arith.addi %while3A_218, %while3A_223 : i32
    %while3A_225 = arith.constant 1 : i32
    scf.for %while3A_368 = %while3A_218 to %while3A_224 step %while3A_225  : i32 {
      %mul3A_369 = arith.muli %while3A_368, %while3A_217 : i32
      %add3A_370 = arith.addi %arg1, %mul3A_369 : i32
      %mul3A_371 = arith.constant 80 : i32
      %mul3A_372 = arith.muli %add3A_370, %mul3A_371 : i32
      "tpu.region"() ({
        %run_scoped3A = tpu.sem_alloc : memref<!tpu.dma_semaphore, #tpu.memory_space<semaphore_mem>>
        %dma_start3A_373 = arith.constant 0 : i32
        %dma_start3A_374 = arith.constant 0 : i32
        %dma_start3A_375 = tpu.memref_slice %arg19[%dma_start3A_373, %dma_start3A_374] : memref<120x128xf32, #tpu.memory_space<vmem>> -> memref<80x128xf32, #tpu.memory_space<vmem>>
        %dma_start3A_376 = arith.constant 0 : i32
        %dma_start3A_377 = tpu.memref_slice %arg22[%mul3A_372, %dma_start3A_376] : memref<10336x128xf32, #tpu.memory_space<vmem_shared>> -> memref<80x128xf32, #tpu.memory_space<vmem_shared>>
        %dma_start3A_378 = arith.constant 0 : i32
        %dma_start3A_379 = tpu.memref_slice %arg22[%mul3A_372, %dma_start3A_378] : memref<10336x128xf32, #tpu.memory_space<vmem_shared>> -> memref<80x128xf32, #tpu.memory_space<vmem_shared>>
        %dma_start3A_380 = arith.constant 0 : i32
        %dma_start3A_381 = arith.constant 0 : i32
        %dma_start3A_382 = tpu.memref_slice %arg19[%dma_start3A_380, %dma_start3A_381] : memref<120x128xf32, #tpu.memory_space<vmem>> -> memref<80x128xf32, #tpu.memory_space<vmem>>
        tpu.enqueue_dma source(%dma_start3A_382 : memref<80x128xf32, #tpu.memory_space<vmem>>) target(%dma_start3A_379 : memref<80x128xf32, #tpu.memory_space<vmem_shared>>) target_semaphore(%run_scoped3A : memref<!tpu.dma_semaphore, #tpu.memory_space<semaphore_mem>>)
        %dma_wait3A_383 = arith.constant 0 : i32
        %dma_wait3A_384 = arith.constant 0 : i32
        %dma_wait3A_385 = tpu.memref_slice %arg19[%dma_wait3A_383, %dma_wait3A_384] : memref<120x128xf32, #tpu.memory_space<vmem>> -> memref<80x128xf32, #tpu.memory_space<vmem>>
        %dma_wait3A_386 = arith.constant 0 : i32
        %dma_wait3A_387 = tpu.memref_slice %arg22[%mul3A_372, %dma_wait3A_386] : memref<10336x128xf32, #tpu.memory_space<vmem_shared>> -> memref<80x128xf32, #tpu.memory_space<vmem_shared>>
        %dma_wait3A_388 = arith.constant 0 : i32
        %dma_wait3A_389 = tpu.memref_slice %arg22[%mul3A_372, %dma_wait3A_388] : memref<10336x128xf32, #tpu.memory_space<vmem_shared>> -> memref<80x128xf32, #tpu.memory_space<vmem_shared>>
        %dma_wait3A_390 = arith.constant 0 : i32
        %dma_wait3A_391 = arith.constant 0 : i32
        %dma_wait3A_392 = tpu.memref_slice %arg19[%dma_wait3A_390, %dma_wait3A_391] : memref<120x128xf32, #tpu.memory_space<vmem>> -> memref<80x128xf32, #tpu.memory_space<vmem>>
        tpu.wait_dma2 semaphore(%run_scoped3A : memref<!tpu.dma_semaphore, #tpu.memory_space<semaphore_mem>>) src(%dma_wait3A_392 : memref<80x128xf32, #tpu.memory_space<vmem>>) dst(%dma_wait3A_389 : memref<80x128xf32, #tpu.memory_space<vmem_shared>>)
        tpu.yield
      }) : () -> ()
    }
    %while3A_226 = arith.constant 1 : i32
    scf.for %while3A_368 = %while3A_224 to %while3A_220 step %while3A_226  : i32 {
      %mul3A_369 = arith.muli %while3A_368, %while3A_217 : i32
      %add3A_370 = arith.addi %arg1, %mul3A_369 : i32
      %mul3A_371 = arith.constant 80 : i32
      %mul3A_372 = arith.muli %add3A_370, %mul3A_371 : i32
      "tpu.region"() ({
        %run_scoped3A = tpu.sem_alloc : memref<!tpu.dma_semaphore, #tpu.memory_space<semaphore_mem>>
        %dma_start3A_373 = arith.constant 0 : i32
        %dma_start3A_374 = arith.constant 0 : i32
        %dma_start3A_375 = tpu.memref_slice %arg19[%dma_start3A_373, %dma_start3A_374] : memref<120x128xf32, #tpu.memory_space<vmem>> -> memref<80x128xf32, #tpu.memory_space<vmem>>
        %dma_start3A_376 = arith.constant 0 : i32
        %dma_start3A_377 = tpu.memref_slice %arg22[%mul3A_372, %dma_start3A_376] : memref<10336x128xf32, #tpu.memory_space<vmem_shared>> -> memref<80x128xf32, #tpu.memory_space<vmem_shared>>
        %dma_start3A_378 = arith.constant 0 : i32
        %dma_start3A_379 = tpu.memref_slice %arg22[%mul3A_372, %dma_start3A_378] : memref<10336x128xf32, #tpu.memory_space<vmem_shared>> -> memref<80x128xf32, #tpu.memory_space<vmem_shared>>
        %dma_start3A_380 = arith.constant 0 : i32
        %dma_start3A_381 = arith.constant 0 : i32
        %dma_start3A_382 = tpu.memref_slice %arg19[%dma_start3A_380, %dma_start3A_381] : memref<120x128xf32, #tpu.memory_space<vmem>> -> memref<80x128xf32, #tpu.memory_space<vmem>>
        tpu.enqueue_dma source(%dma_start3A_382 : memref<80x128xf32, #tpu.memory_space<vmem>>) target(%dma_start3A_379 : memref<80x128xf32, #tpu.memory_space<vmem_shared>>) target_semaphore(%run_scoped3A : memref<!tpu.dma_semaphore, #tpu.memory_space<semaphore_mem>>)
        %dma_wait3A_383 = arith.constant 0 : i32
        %dma_wait3A_384 = arith.constant 0 : i32
        %dma_wait3A_385 = tpu.memref_slice %arg19[%dma_wait3A_383, %dma_wait3A_384] : memref<120x128xf32, #tpu.memory_space<vmem>> -> memref<80x128xf32, #tpu.memory_space<vmem>>
        %dma_wait3A_386 = arith.constant 0 : i32
        %dma_wait3A_387 = tpu.memref_slice %arg22[%mul3A_372, %dma_wait3A_386] : memref<10336x128xf32, #tpu.memory_space<vmem_shared>> -> memref<80x128xf32, #tpu.memory_space<vmem_shared>>
        %dma_wait3A_388 = arith.constant 0 : i32
        %dma_wait3A_389 = tpu.memref_slice %arg22[%mul3A_372, %dma_wait3A_388] : memref<10336x128xf32, #tpu.memory_space<vmem_shared>> -> memref<80x128xf32, #tpu.memory_space<vmem_shared>>
        %dma_wait3A_390 = arith.constant 0 : i32
        %dma_wait3A_391 = arith.constant 0 : i32
        %dma_wait3A_392 = tpu.memref_slice %arg19[%dma_wait3A_390, %dma_wait3A_391] : memref<120x128xf32, #tpu.memory_space<vmem>> -> memref<80x128xf32, #tpu.memory_space<vmem>>
        tpu.wait_dma2 semaphore(%run_scoped3A : memref<!tpu.dma_semaphore, #tpu.memory_space<semaphore_mem>>) src(%dma_wait3A_392 : memref<80x128xf32, #tpu.memory_space<vmem>>) dst(%dma_wait3A_389 : memref<80x128xf32, #tpu.memory_space<vmem_shared>>)
        tpu.yield
      }) : () -> ()
    }
    %barrier3A_227 = arith.constant 0 : index
    tpu.barrier barrier_id(%barrier3A_227)
    %mul3A_228 = arith.constant 43 : i32
    %mul3A_229 = arith.muli %add3A, %mul3A_228 : i32
    %mul3A_230 = arith.constant 120 : i32
    %mul3A_231 = arith.muli %mul3A_229, %mul3A_230 : i32
    %add3A_232 = arith.constant 0 : i32
    %add3A_233 = arith.addi %mul3A_231, %add3A_232 : i32
    %dma_start3A_234 = tpu.memref_slice %arg6[%add3A_233] : memref<165120xi32, #tpu.memory_space<hbm>> -> memref<120xi32, #tpu.memory_space<hbm>>
    %dma_start3A_235 = tpu.memref_slice %arg6[%add3A_233] : memref<165120xi32, #tpu.memory_space<hbm>> -> memref<120xi32, #tpu.memory_space<hbm>>
    tpu.enqueue_dma source(%dma_start3A_235 : memref<120xi32, #tpu.memory_space<hbm>>) target(%arg10 : memref<120xi32, #tpu.memory_space<vmem>>) target_semaphore(%arg23 : memref<!tpu.dma_semaphore, #tpu.memory_space<semaphore_mem>>)
    %add3A_236 = arith.constant 120 : i32
    %add3A_237 = arith.addi %mul3A_231, %add3A_236 : i32
    %dma_start3A_238 = tpu.memref_slice %arg6[%add3A_237] : memref<165120xi32, #tpu.memory_space<hbm>> -> memref<120xi32, #tpu.memory_space<hbm>>
    %dma_start3A_239 = tpu.memref_slice %arg6[%add3A_237] : memref<165120xi32, #tpu.memory_space<hbm>> -> memref<120xi32, #tpu.memory_space<hbm>>
    tpu.enqueue_dma source(%dma_start3A_239 : memref<120xi32, #tpu.memory_space<hbm>>) target(%arg11 : memref<120xi32, #tpu.memory_space<vmem>>) target_semaphore(%arg24 : memref<!tpu.dma_semaphore, #tpu.memory_space<semaphore_mem>>)
    %add3A_240 = arith.constant 0 : i32
    %add3A_241 = arith.addi %mul3A_231, %add3A_240 : i32
    %dma_start3A_242 = tpu.memref_slice %arg7[%add3A_241] : memref<165120xi32, #tpu.memory_space<hbm>> -> memref<120xi32, #tpu.memory_space<hbm>>
    %dma_start3A_243 = tpu.memref_slice %arg7[%add3A_241] : memref<165120xi32, #tpu.memory_space<hbm>> -> memref<120xi32, #tpu.memory_space<hbm>>
    tpu.enqueue_dma source(%dma_start3A_243 : memref<120xi32, #tpu.memory_space<hbm>>) target(%arg13 : memref<120xi32, #tpu.memory_space<vmem>>) target_semaphore(%arg26 : memref<!tpu.dma_semaphore, #tpu.memory_space<semaphore_mem>>)
    %add3A_244 = arith.constant 0 : i32
    %add3A_245 = arith.addi %mul3A_231, %add3A_244 : i32
    %dma_wait3A_246 = tpu.memref_slice %arg6[%add3A_245] : memref<165120xi32, #tpu.memory_space<hbm>> -> memref<120xi32, #tpu.memory_space<hbm>>
    %dma_wait3A_247 = tpu.memref_slice %arg6[%add3A_245] : memref<165120xi32, #tpu.memory_space<hbm>> -> memref<120xi32, #tpu.memory_space<hbm>>
    tpu.wait_dma2 semaphore(%arg23 : memref<!tpu.dma_semaphore, #tpu.memory_space<semaphore_mem>>) src(%dma_wait3A_247 : memref<120xi32, #tpu.memory_space<hbm>>) dst(%arg10 : memref<120xi32, #tpu.memory_space<vmem>>)
    %dma_start3A_248 = arith.constant 0 : i32
    %dma_start3A_249 = arith.constant 0 : i32
    %dma_start3A_250 = tpu.memref_slice %arg2[%dma_start3A_248, %dma_start3A_249] : memref<10000x128xf32, #tpu.memory_space<hbm>> -> memref<10000x128xf32, #tpu.memory_space<hbm>>
    tpu.enqueue_indirect_dma source(%dma_start3A_250 : memref<10000x128xf32, #tpu.memory_space<hbm>>) target(%arg19 : memref<120x128xf32, #tpu.memory_space<vmem>>) offsets(%arg10 : memref<120xi32, #tpu.memory_space<vmem>>) semaphore(%arg29 : memref<!tpu.dma_semaphore, #tpu.memory_space<semaphore_mem>>)
    %add3A_251 = arith.constant 120 : i32
    %add3A_252 = arith.addi %mul3A_231, %add3A_251 : i32
    %dma_start3A_253 = tpu.memref_slice %arg7[%add3A_252] : memref<165120xi32, #tpu.memory_space<hbm>> -> memref<120xi32, #tpu.memory_space<hbm>>
    %dma_start3A_254 = tpu.memref_slice %arg7[%add3A_252] : memref<165120xi32, #tpu.memory_space<hbm>> -> memref<120xi32, #tpu.memory_space<hbm>>
    tpu.enqueue_dma source(%dma_start3A_254 : memref<120xi32, #tpu.memory_space<hbm>>) target(%arg14 : memref<120xi32, #tpu.memory_space<vmem>>) target_semaphore(%arg27 : memref<!tpu.dma_semaphore, #tpu.memory_space<semaphore_mem>>)
    %add3A_255 = arith.constant 120 : i32
    %add3A_256 = arith.addi %mul3A_231, %add3A_255 : i32
    %dma_wait3A_257 = tpu.memref_slice %arg6[%add3A_256] : memref<165120xi32, #tpu.memory_space<hbm>> -> memref<120xi32, #tpu.memory_space<hbm>>
    %dma_wait3A_258 = tpu.memref_slice %arg6[%add3A_256] : memref<165120xi32, #tpu.memory_space<hbm>> -> memref<120xi32, #tpu.memory_space<hbm>>
    tpu.wait_dma2 semaphore(%arg24 : memref<!tpu.dma_semaphore, #tpu.memory_space<semaphore_mem>>) src(%dma_wait3A_258 : memref<120xi32, #tpu.memory_space<hbm>>) dst(%arg11 : memref<120xi32, #tpu.memory_space<vmem>>)
    %dma_start3A_259 = arith.constant 0 : i32
    %dma_start3A_260 = arith.constant 0 : i32
    %dma_start3A_261 = tpu.memref_slice %arg2[%dma_start3A_259, %dma_start3A_260] : memref<10000x128xf32, #tpu.memory_space<hbm>> -> memref<10000x128xf32, #tpu.memory_space<hbm>>
    tpu.enqueue_indirect_dma source(%dma_start3A_261 : memref<10000x128xf32, #tpu.memory_space<hbm>>) target(%arg20 : memref<120x128xf32, #tpu.memory_space<vmem>>) offsets(%arg11 : memref<120xi32, #tpu.memory_space<vmem>>) semaphore(%arg30 : memref<!tpu.dma_semaphore, #tpu.memory_space<semaphore_mem>>)
    %dma_wait3A_262 = arith.constant 0 : i32
    %dma_wait3A_263 = arith.constant 0 : i32
    %dma_wait3A_264 = tpu.memref_slice %arg2[%dma_wait3A_262, %dma_wait3A_263] : memref<10000x128xf32, #tpu.memory_space<hbm>> -> memref<10000x128xf32, #tpu.memory_space<hbm>>
    tpu.wait_indirect_dma semaphore(%arg29 : memref<!tpu.dma_semaphore, #tpu.memory_space<semaphore_mem>>) src(%dma_wait3A_264 : memref<10000x128xf32, #tpu.memory_space<hbm>>) dst(%arg19 : memref<120x128xf32, #tpu.memory_space<vmem>>)
    %add3A_265 = arith.constant 240 : i32
    %add3A_266 = arith.addi %mul3A_231, %add3A_265 : i32
    %dma_start3A_267 = tpu.memref_slice %arg6[%add3A_266] : memref<165120xi32, #tpu.memory_space<hbm>> -> memref<120xi32, #tpu.memory_space<hbm>>
    %dma_start3A_268 = tpu.memref_slice %arg6[%add3A_266] : memref<165120xi32, #tpu.memory_space<hbm>> -> memref<120xi32, #tpu.memory_space<hbm>>
    tpu.enqueue_dma source(%dma_start3A_268 : memref<120xi32, #tpu.memory_space<hbm>>) target(%arg12 : memref<120xi32, #tpu.memory_space<vmem>>) target_semaphore(%arg25 : memref<!tpu.dma_semaphore, #tpu.memory_space<semaphore_mem>>)
    %add3A_269 = arith.constant 0 : i32
    %add3A_270 = arith.addi %mul3A_231, %add3A_269 : i32
    %dma_wait3A_271 = tpu.memref_slice %arg7[%add3A_270] : memref<165120xi32, #tpu.memory_space<hbm>> -> memref<120xi32, #tpu.memory_space<hbm>>
    %dma_wait3A_272 = tpu.memref_slice %arg7[%add3A_270] : memref<165120xi32, #tpu.memory_space<hbm>> -> memref<120xi32, #tpu.memory_space<hbm>>
    tpu.wait_dma2 semaphore(%arg26 : memref<!tpu.dma_semaphore, #tpu.memory_space<semaphore_mem>>) src(%dma_wait3A_272 : memref<120xi32, #tpu.memory_space<hbm>>) dst(%arg13 : memref<120xi32, #tpu.memory_space<vmem>>)
    %dma_start3A_273 = arith.constant 0 : i32
    %dma_start3A_274 = arith.constant 0 : i32
    %dma_start3A_275 = tpu.memref_slice %arg22[%dma_start3A_273, %dma_start3A_274] : memref<10336x128xf32, #tpu.memory_space<vmem_shared>> -> memref<10336x128xf32, #tpu.memory_space<vmem_shared>>
    tpu.enqueue_indirect_dma source(%arg19 : memref<120x128xf32, #tpu.memory_space<vmem>>) target(%dma_start3A_275 : memref<10336x128xf32, #tpu.memory_space<vmem_shared>>) offsets(%arg13 : memref<120xi32, #tpu.memory_space<vmem>>) semaphore(%arg32 : memref<!tpu.dma_semaphore, #tpu.memory_space<semaphore_mem>>) {add = true}
    %add3A_276 = arith.constant 240 : i32
    %add3A_277 = arith.addi %mul3A_231, %add3A_276 : i32
    %dma_start3A_278 = tpu.memref_slice %arg7[%add3A_277] : memref<165120xi32, #tpu.memory_space<hbm>> -> memref<120xi32, #tpu.memory_space<hbm>>
    %dma_start3A_279 = tpu.memref_slice %arg7[%add3A_277] : memref<165120xi32, #tpu.memory_space<hbm>> -> memref<120xi32, #tpu.memory_space<hbm>>
    tpu.enqueue_dma source(%dma_start3A_279 : memref<120xi32, #tpu.memory_space<hbm>>) target(%arg15 : memref<120xi32, #tpu.memory_space<vmem>>) target_semaphore(%arg28 : memref<!tpu.dma_semaphore, #tpu.memory_space<semaphore_mem>>)
    %add3A_280 = arith.constant 240 : i32
    %add3A_281 = arith.addi %mul3A_231, %add3A_280 : i32
    %dma_wait3A_282 = tpu.memref_slice %arg6[%add3A_281] : memref<165120xi32, #tpu.memory_space<hbm>> -> memref<120xi32, #tpu.memory_space<hbm>>
    %dma_wait3A_283 = tpu.memref_slice %arg6[%add3A_281] : memref<165120xi32, #tpu.memory_space<hbm>> -> memref<120xi32, #tpu.memory_space<hbm>>
    tpu.wait_dma2 semaphore(%arg25 : memref<!tpu.dma_semaphore, #tpu.memory_space<semaphore_mem>>) src(%dma_wait3A_283 : memref<120xi32, #tpu.memory_space<hbm>>) dst(%arg12 : memref<120xi32, #tpu.memory_space<vmem>>)
    %dma_start3A_284 = arith.constant 0 : i32
    %dma_start3A_285 = arith.constant 0 : i32
    %dma_start3A_286 = tpu.memref_slice %arg2[%dma_start3A_284, %dma_start3A_285] : memref<10000x128xf32, #tpu.memory_space<hbm>> -> memref<10000x128xf32, #tpu.memory_space<hbm>>
    tpu.enqueue_indirect_dma source(%dma_start3A_286 : memref<10000x128xf32, #tpu.memory_space<hbm>>) target(%arg21 : memref<120x128xf32, #tpu.memory_space<vmem>>) offsets(%arg12 : memref<120xi32, #tpu.memory_space<vmem>>) semaphore(%arg31 : memref<!tpu.dma_semaphore, #tpu.memory_space<semaphore_mem>>)
    %dma_wait3A_287 = arith.constant 0 : i32
    %dma_wait3A_288 = arith.constant 0 : i32
    %dma_wait3A_289 = tpu.memref_slice %arg2[%dma_wait3A_287, %dma_wait3A_288] : memref<10000x128xf32, #tpu.memory_space<hbm>> -> memref<10000x128xf32, #tpu.memory_space<hbm>>
    tpu.wait_indirect_dma semaphore(%arg30 : memref<!tpu.dma_semaphore, #tpu.memory_space<semaphore_mem>>) src(%dma_wait3A_289 : memref<10000x128xf32, #tpu.memory_space<hbm>>) dst(%arg20 : memref<120x128xf32, #tpu.memory_space<vmem>>)
    %add3A_290 = arith.constant 360 : i32
    %add3A_291 = arith.addi %mul3A_231, %add3A_290 : i32
    %dma_start3A_292 = tpu.memref_slice %arg6[%add3A_291] : memref<165120xi32, #tpu.memory_space<hbm>> -> memref<120xi32, #tpu.memory_space<hbm>>
    %dma_start3A_293 = tpu.memref_slice %arg6[%add3A_291] : memref<165120xi32, #tpu.memory_space<hbm>> -> memref<120xi32, #tpu.memory_space<hbm>>
    tpu.enqueue_dma source(%dma_start3A_293 : memref<120xi32, #tpu.memory_space<hbm>>) target(%arg10 : memref<120xi32, #tpu.memory_space<vmem>>) target_semaphore(%arg23 : memref<!tpu.dma_semaphore, #tpu.memory_space<semaphore_mem>>)
    %add3A_294 = arith.constant 120 : i32
    %add3A_295 = arith.addi %mul3A_231, %add3A_294 : i32
    %dma_wait3A_296 = tpu.memref_slice %arg7[%add3A_295] : memref<165120xi32, #tpu.memory_space<hbm>> -> memref<120xi32, #tpu.memory_space<hbm>>
    %dma_wait3A_297 = tpu.memref_slice %arg7[%add3A_295] : memref<165120xi32, #tpu.memory_space<hbm>> -> memref<120xi32, #tpu.memory_space<hbm>>
    tpu.wait_dma2 semaphore(%arg27 : memref<!tpu.dma_semaphore, #tpu.memory_space<semaphore_mem>>) src(%dma_wait3A_297 : memref<120xi32, #tpu.memory_space<hbm>>) dst(%arg14 : memref<120xi32, #tpu.memory_space<vmem>>)
    %dma_start3A_298 = arith.constant 0 : i32
    %dma_start3A_299 = arith.constant 0 : i32
    %dma_start3A_300 = tpu.memref_slice %arg22[%dma_start3A_298, %dma_start3A_299] : memref<10336x128xf32, #tpu.memory_space<vmem_shared>> -> memref<10336x128xf32, #tpu.memory_space<vmem_shared>>
    tpu.enqueue_indirect_dma source(%arg20 : memref<120x128xf32, #tpu.memory_space<vmem>>) target(%dma_start3A_300 : memref<10336x128xf32, #tpu.memory_space<vmem_shared>>) offsets(%arg14 : memref<120xi32, #tpu.memory_space<vmem>>) semaphore(%arg33 : memref<!tpu.dma_semaphore, #tpu.memory_space<semaphore_mem>>) {add = true}
    %scan3A_301 = arith.constant 0 : i32
    %scan3A_302 = arith.constant 13 : i32
    %scan3A_303 = arith.addi %scan3A_301, %scan3A_302 : i32
    %scan3A_304 = arith.constant 1 : i32
    scf.for %scan3A_368 = %scan3A_301 to %scan3A_303 step %scan3A_304  : i32 {
      %mul3A_369 = arith.constant 1 : i32
      %mul3A_370 = arith.muli %scan3A_368, %mul3A_369 : i32
      %add3A_371 = arith.constant 0 : i32
      %add3A_372 = arith.addi %add3A_371, %mul3A_370 : i32
      %mul3A_373 = arith.constant 3 : i32
      %mul3A_374 = arith.muli %add3A_372, %mul3A_373 : i32
      %add3A_375 = arith.constant 2 : i32
      %add3A_376 = arith.addi %add3A_375, %mul3A_374 : i32
      %add3A_377 = arith.constant 0 : i32
      %add3A_378 = arith.addi %add3A_376, %add3A_377 : i32
      %sub3A_379 = arith.constant 2 : i32
      %sub3A_380 = arith.subi %add3A_378, %sub3A_379 : i32
      %dma_wait3A_381 = arith.constant 0 : i32
      %dma_wait3A_382 = arith.constant 0 : i32
      %dma_wait3A_383 = tpu.memref_slice %arg22[%dma_wait3A_381, %dma_wait3A_382] : memref<10336x128xf32, #tpu.memory_space<vmem_shared>> -> memref<10336x128xf32, #tpu.memory_space<vmem_shared>>
      tpu.wait_indirect_dma semaphore(%arg32 : memref<!tpu.dma_semaphore, #tpu.memory_space<semaphore_mem>>) src(%arg19 : memref<120x128xf32, #tpu.memory_space<vmem>>) dst(%dma_wait3A_383 : memref<10336x128xf32, #tpu.memory_space<vmem_shared>>)
      %add3A_384 = arith.constant 1 : i32
      %add3A_385 = arith.addi %add3A_378, %add3A_384 : i32
      %mul3A_386 = arith.constant 120 : i32
      %mul3A_387 = arith.muli %add3A_385, %mul3A_386 : i32
      %add3A_388 = arith.addi %mul3A_231, %mul3A_387 : i32
      %dma_start3A_389 = tpu.memref_slice %arg7[%add3A_388] : memref<165120xi32, #tpu.memory_space<hbm>> -> memref<120xi32, #tpu.memory_space<hbm>>
      %dma_start3A_390 = tpu.memref_slice %arg7[%add3A_388] : memref<165120xi32, #tpu.memory_space<hbm>> -> memref<120xi32, #tpu.memory_space<hbm>>
      tpu.enqueue_dma source(%dma_start3A_390 : memref<120xi32, #tpu.memory_space<hbm>>) target(%arg13 : memref<120xi32, #tpu.memory_space<vmem>>) target_semaphore(%arg26 : memref<!tpu.dma_semaphore, #tpu.memory_space<semaphore_mem>>)
      %add3A_391 = arith.constant 1 : i32
      %add3A_392 = arith.addi %add3A_378, %add3A_391 : i32
      %mul3A_393 = arith.constant 120 : i32
      %mul3A_394 = arith.muli %add3A_392, %mul3A_393 : i32
      %add3A_395 = arith.addi %mul3A_231, %mul3A_394 : i32
      %dma_wait3A_396 = tpu.memref_slice %arg6[%add3A_395] : memref<165120xi32, #tpu.memory_space<hbm>> -> memref<120xi32, #tpu.memory_space<hbm>>
      %dma_wait3A_397 = tpu.memref_slice %arg6[%add3A_395] : memref<165120xi32, #tpu.memory_space<hbm>> -> memref<120xi32, #tpu.memory_space<hbm>>
      tpu.wait_dma2 semaphore(%arg23 : memref<!tpu.dma_semaphore, #tpu.memory_space<semaphore_mem>>) src(%dma_wait3A_397 : memref<120xi32, #tpu.memory_space<hbm>>) dst(%arg10 : memref<120xi32, #tpu.memory_space<vmem>>)
      %add3A_398 = arith.constant 1 : i32
      %add3A_399 = arith.addi %add3A_378, %add3A_398 : i32
      %dma_start3A_400 = arith.constant 0 : i32
      %dma_start3A_401 = arith.constant 0 : i32
      %dma_start3A_402 = tpu.memref_slice %arg2[%dma_start3A_400, %dma_start3A_401] : memref<10000x128xf32, #tpu.memory_space<hbm>> -> memref<10000x128xf32, #tpu.memory_space<hbm>>
      tpu.enqueue_indirect_dma source(%dma_start3A_402 : memref<10000x128xf32, #tpu.memory_space<hbm>>) target(%arg19 : memref<120x128xf32, #tpu.memory_space<vmem>>) offsets(%arg10 : memref<120xi32, #tpu.memory_space<vmem>>) semaphore(%arg29 : memref<!tpu.dma_semaphore, #tpu.memory_space<semaphore_mem>>)
      %dma_wait3A_403 = arith.constant 0 : i32
      %dma_wait3A_404 = arith.constant 0 : i32
      %dma_wait3A_405 = tpu.memref_slice %arg2[%dma_wait3A_403, %dma_wait3A_404] : memref<10000x128xf32, #tpu.memory_space<hbm>> -> memref<10000x128xf32, #tpu.memory_space<hbm>>
      tpu.wait_indirect_dma semaphore(%arg31 : memref<!tpu.dma_semaphore, #tpu.memory_space<semaphore_mem>>) src(%dma_wait3A_405 : memref<10000x128xf32, #tpu.memory_space<hbm>>) dst(%arg21 : memref<120x128xf32, #tpu.memory_space<vmem>>)
      %add3A_406 = arith.constant 2 : i32
      %add3A_407 = arith.addi %add3A_378, %add3A_406 : i32
      %mul3A_408 = arith.constant 120 : i32
      %mul3A_409 = arith.muli %add3A_407, %mul3A_408 : i32
      %add3A_410 = arith.addi %mul3A_231, %mul3A_409 : i32
      %dma_start3A_411 = tpu.memref_slice %arg6[%add3A_410] : memref<165120xi32, #tpu.memory_space<hbm>> -> memref<120xi32, #tpu.memory_space<hbm>>
      %dma_start3A_412 = tpu.memref_slice %arg6[%add3A_410] : memref<165120xi32, #tpu.memory_space<hbm>> -> memref<120xi32, #tpu.memory_space<hbm>>
      tpu.enqueue_dma source(%dma_start3A_412 : memref<120xi32, #tpu.memory_space<hbm>>) target(%arg11 : memref<120xi32, #tpu.memory_space<vmem>>) target_semaphore(%arg24 : memref<!tpu.dma_semaphore, #tpu.memory_space<semaphore_mem>>)
      %mul3A_413 = arith.constant 120 : i32
      %mul3A_414 = arith.muli %add3A_378, %mul3A_413 : i32
      %add3A_415 = arith.addi %mul3A_231, %mul3A_414 : i32
      %dma_wait3A_416 = tpu.memref_slice %arg7[%add3A_415] : memref<165120xi32, #tpu.memory_space<hbm>> -> memref<120xi32, #tpu.memory_space<hbm>>
      %dma_wait3A_417 = tpu.memref_slice %arg7[%add3A_415] : memref<165120xi32, #tpu.memory_space<hbm>> -> memref<120xi32, #tpu.memory_space<hbm>>
      tpu.wait_dma2 semaphore(%arg28 : memref<!tpu.dma_semaphore, #tpu.memory_space<semaphore_mem>>) src(%dma_wait3A_417 : memref<120xi32, #tpu.memory_space<hbm>>) dst(%arg15 : memref<120xi32, #tpu.memory_space<vmem>>)
      %dma_start3A_418 = arith.constant 0 : i32
      %dma_start3A_419 = arith.constant 0 : i32
      %dma_start3A_420 = tpu.memref_slice %arg22[%dma_start3A_418, %dma_start3A_419] : memref<10336x128xf32, #tpu.memory_space<vmem_shared>> -> memref<10336x128xf32, #tpu.memory_space<vmem_shared>>
      tpu.enqueue_indirect_dma source(%arg21 : memref<120x128xf32, #tpu.memory_space<vmem>>) target(%dma_start3A_420 : memref<10336x128xf32, #tpu.memory_space<vmem_shared>>) offsets(%arg15 : memref<120xi32, #tpu.memory_space<vmem>>) semaphore(%arg34 : memref<!tpu.dma_semaphore, #tpu.memory_space<semaphore_mem>>) {add = true}
      %mul3A_421 = arith.constant 3 : i32
      %mul3A_422 = arith.muli %add3A_372, %mul3A_421 : i32
      %add3A_423 = arith.constant 2 : i32
      %add3A_424 = arith.addi %add3A_423, %mul3A_422 : i32
      %add3A_425 = arith.constant 1 : i32
      %add3A_426 = arith.addi %add3A_424, %add3A_425 : i32
      %sub3A_427 = arith.constant 2 : i32
      %sub3A_428 = arith.subi %add3A_426, %sub3A_427 : i32
      %dma_wait3A_429 = arith.constant 0 : i32
      %dma_wait3A_430 = arith.constant 0 : i32
      %dma_wait3A_431 = tpu.memref_slice %arg22[%dma_wait3A_429, %dma_wait3A_430] : memref<10336x128xf32, #tpu.memory_space<vmem_shared>> -> memref<10336x128xf32, #tpu.memory_space<vmem_shared>>
      tpu.wait_indirect_dma semaphore(%arg33 : memref<!tpu.dma_semaphore, #tpu.memory_space<semaphore_mem>>) src(%arg20 : memref<120x128xf32, #tpu.memory_space<vmem>>) dst(%dma_wait3A_431 : memref<10336x128xf32, #tpu.memory_space<vmem_shared>>)
      %add3A_432 = arith.constant 1 : i32
      %add3A_433 = arith.addi %add3A_426, %add3A_432 : i32
      %mul3A_434 = arith.constant 120 : i32
      %mul3A_435 = arith.muli %add3A_433, %mul3A_434 : i32
      %add3A_436 = arith.addi %mul3A_231, %mul3A_435 : i32
      %dma_start3A_437 = tpu.memref_slice %arg7[%add3A_436] : memref<165120xi32, #tpu.memory_space<hbm>> -> memref<120xi32, #tpu.memory_space<hbm>>
      %dma_start3A_438 = tpu.memref_slice %arg7[%add3A_436] : memref<165120xi32, #tpu.memory_space<hbm>> -> memref<120xi32, #tpu.memory_space<hbm>>
      tpu.enqueue_dma source(%dma_start3A_438 : memref<120xi32, #tpu.memory_space<hbm>>) target(%arg14 : memref<120xi32, #tpu.memory_space<vmem>>) target_semaphore(%arg27 : memref<!tpu.dma_semaphore, #tpu.memory_space<semaphore_mem>>)
      %add3A_439 = arith.constant 1 : i32
      %add3A_440 = arith.addi %add3A_426, %add3A_439 : i32
      %mul3A_441 = arith.constant 120 : i32
      %mul3A_442 = arith.muli %add3A_440, %mul3A_441 : i32
      %add3A_443 = arith.addi %mul3A_231, %mul3A_442 : i32
      %dma_wait3A_444 = tpu.memref_slice %arg6[%add3A_443] : memref<165120xi32, #tpu.memory_space<hbm>> -> memref<120xi32, #tpu.memory_space<hbm>>
      %dma_wait3A_445 = tpu.memref_slice %arg6[%add3A_443] : memref<165120xi32, #tpu.memory_space<hbm>> -> memref<120xi32, #tpu.memory_space<hbm>>
      tpu.wait_dma2 semaphore(%arg24 : memref<!tpu.dma_semaphore, #tpu.memory_space<semaphore_mem>>) src(%dma_wait3A_445 : memref<120xi32, #tpu.memory_space<hbm>>) dst(%arg11 : memref<120xi32, #tpu.memory_space<vmem>>)
      %add3A_446 = arith.constant 1 : i32
      %add3A_447 = arith.addi %add3A_426, %add3A_446 : i32
      %dma_start3A_448 = arith.constant 0 : i32
      %dma_start3A_449 = arith.constant 0 : i32
      %dma_start3A_450 = tpu.memref_slice %arg2[%dma_start3A_448, %dma_start3A_449] : memref<10000x128xf32, #tpu.memory_space<hbm>> -> memref<10000x128xf32, #tpu.memory_space<hbm>>
      tpu.enqueue_indirect_dma source(%dma_start3A_450 : memref<10000x128xf32, #tpu.memory_space<hbm>>) target(%arg20 : memref<120x128xf32, #tpu.memory_space<vmem>>) offsets(%arg11 : memref<120xi32, #tpu.memory_space<vmem>>) semaphore(%arg30 : memref<!tpu.dma_semaphore, #tpu.memory_space<semaphore_mem>>)
      %dma_wait3A_451 = arith.constant 0 : i32
      %dma_wait3A_452 = arith.constant 0 : i32
      %dma_wait3A_453 = tpu.memref_slice %arg2[%dma_wait3A_451, %dma_wait3A_452] : memref<10000x128xf32, #tpu.memory_space<hbm>> -> memref<10000x128xf32, #tpu.memory_space<hbm>>
      tpu.wait_indirect_dma semaphore(%arg29 : memref<!tpu.dma_semaphore, #tpu.memory_space<semaphore_mem>>) src(%dma_wait3A_453 : memref<10000x128xf32, #tpu.memory_space<hbm>>) dst(%arg19 : memref<120x128xf32, #tpu.memory_space<vmem>>)
      %add3A_454 = arith.constant 2 : i32
      %add3A_455 = arith.addi %add3A_426, %add3A_454 : i32
      %mul3A_456 = arith.constant 120 : i32
      %mul3A_457 = arith.muli %add3A_455, %mul3A_456 : i32
      %add3A_458 = arith.addi %mul3A_231, %mul3A_457 : i32
      %dma_start3A_459 = tpu.memref_slice %arg6[%add3A_458] : memref<165120xi32, #tpu.memory_space<hbm>> -> memref<120xi32, #tpu.memory_space<hbm>>
      %dma_start3A_460 = tpu.memref_slice %arg6[%add3A_458] : memref<165120xi32, #tpu.memory_space<hbm>> -> memref<120xi32, #tpu.memory_space<hbm>>
      tpu.enqueue_dma source(%dma_start3A_460 : memref<120xi32, #tpu.memory_space<hbm>>) target(%arg12 : memref<120xi32, #tpu.memory_space<vmem>>) target_semaphore(%arg25 : memref<!tpu.dma_semaphore, #tpu.memory_space<semaphore_mem>>)
      %mul3A_461 = arith.constant 120 : i32
      %mul3A_462 = arith.muli %add3A_426, %mul3A_461 : i32
      %add3A_463 = arith.addi %mul3A_231, %mul3A_462 : i32
      %dma_wait3A_464 = tpu.memref_slice %arg7[%add3A_463] : memref<165120xi32, #tpu.memory_space<hbm>> -> memref<120xi32, #tpu.memory_space<hbm>>
      %dma_wait3A_465 = tpu.memref_slice %arg7[%add3A_463] : memref<165120xi32, #tpu.memory_space<hbm>> -> memref<120xi32, #tpu.memory_space<hbm>>
      tpu.wait_dma2 semaphore(%arg26 : memref<!tpu.dma_semaphore, #tpu.memory_space<semaphore_mem>>) src(%dma_wait3A_465 : memref<120xi32, #tpu.memory_space<hbm>>) dst(%arg13 : memref<120xi32, #tpu.memory_space<vmem>>)
      %dma_start3A_466 = arith.constant 0 : i32
      %dma_start3A_467 = arith.constant 0 : i32
      %dma_start3A_468 = tpu.memref_slice %arg22[%dma_start3A_466, %dma_start3A_467] : memref<10336x128xf32, #tpu.memory_space<vmem_shared>> -> memref<10336x128xf32, #tpu.memory_space<vmem_shared>>
      tpu.enqueue_indirect_dma source(%arg19 : memref<120x128xf32, #tpu.memory_space<vmem>>) target(%dma_start3A_468 : memref<10336x128xf32, #tpu.memory_space<vmem_shared>>) offsets(%arg13 : memref<120xi32, #tpu.memory_space<vmem>>) semaphore(%arg32 : memref<!tpu.dma_semaphore, #tpu.memory_space<semaphore_mem>>) {add = true}
      %mul3A_469 = arith.constant 3 : i32
      %mul3A_470 = arith.muli %add3A_372, %mul3A_469 : i32
      %add3A_471 = arith.constant 2 : i32
      %add3A_472 = arith.addi %add3A_471, %mul3A_470 : i32
      %add3A_473 = arith.constant 2 : i32
      %add3A_474 = arith.addi %add3A_472, %add3A_473 : i32
      %sub3A_475 = arith.constant 2 : i32
      %sub3A_476 = arith.subi %add3A_474, %sub3A_475 : i32
      %dma_wait3A_477 = arith.constant 0 : i32
      %dma_wait3A_478 = arith.constant 0 : i32
      %dma_wait3A_479 = tpu.memref_slice %arg22[%dma_wait3A_477, %dma_wait3A_478] : memref<10336x128xf32, #tpu.memory_space<vmem_shared>> -> memref<10336x128xf32, #tpu.memory_space<vmem_shared>>
      tpu.wait_indirect_dma semaphore(%arg34 : memref<!tpu.dma_semaphore, #tpu.memory_space<semaphore_mem>>) src(%arg21 : memref<120x128xf32, #tpu.memory_space<vmem>>) dst(%dma_wait3A_479 : memref<10336x128xf32, #tpu.memory_space<vmem_shared>>)
      %add3A_480 = arith.constant 1 : i32
      %add3A_481 = arith.addi %add3A_474, %add3A_480 : i32
      %mul3A_482 = arith.constant 120 : i32
      %mul3A_483 = arith.muli %add3A_481, %mul3A_482 : i32
      %add3A_484 = arith.addi %mul3A_231, %mul3A_483 : i32
      %dma_start3A_485 = tpu.memref_slice %arg7[%add3A_484] : memref<165120xi32, #tpu.memory_space<hbm>> -> memref<120xi32, #tpu.memory_space<hbm>>
      %dma_start3A_486 = tpu.memref_slice %arg7[%add3A_484] : memref<165120xi32, #tpu.memory_space<hbm>> -> memref<120xi32, #tpu.memory_space<hbm>>
      tpu.enqueue_dma source(%dma_start3A_486 : memref<120xi32, #tpu.memory_space<hbm>>) target(%arg15 : memref<120xi32, #tpu.memory_space<vmem>>) target_semaphore(%arg28 : memref<!tpu.dma_semaphore, #tpu.memory_space<semaphore_mem>>)
      %add3A_487 = arith.constant 1 : i32
      %add3A_488 = arith.addi %add3A_474, %add3A_487 : i32
      %mul3A_489 = arith.constant 120 : i32
      %mul3A_490 = arith.muli %add3A_488, %mul3A_489 : i32
      %add3A_491 = arith.addi %mul3A_231, %mul3A_490 : i32
      %dma_wait3A_492 = tpu.memref_slice %arg6[%add3A_491] : memref<165120xi32, #tpu.memory_space<hbm>> -> memref<120xi32, #tpu.memory_space<hbm>>
      %dma_wait3A_493 = tpu.memref_slice %arg6[%add3A_491] : memref<165120xi32, #tpu.memory_space<hbm>> -> memref<120xi32, #tpu.memory_space<hbm>>
      tpu.wait_dma2 semaphore(%arg25 : memref<!tpu.dma_semaphore, #tpu.memory_space<semaphore_mem>>) src(%dma_wait3A_493 : memref<120xi32, #tpu.memory_space<hbm>>) dst(%arg12 : memref<120xi32, #tpu.memory_space<vmem>>)
      %add3A_494 = arith.constant 1 : i32
      %add3A_495 = arith.addi %add3A_474, %add3A_494 : i32
      %dma_start3A_496 = arith.constant 0 : i32
      %dma_start3A_497 = arith.constant 0 : i32
      %dma_start3A_498 = tpu.memref_slice %arg2[%dma_start3A_496, %dma_start3A_497] : memref<10000x128xf32, #tpu.memory_space<hbm>> -> memref<10000x128xf32, #tpu.memory_space<hbm>>
      tpu.enqueue_indirect_dma source(%dma_start3A_498 : memref<10000x128xf32, #tpu.memory_space<hbm>>) target(%arg21 : memref<120x128xf32, #tpu.memory_space<vmem>>) offsets(%arg12 : memref<120xi32, #tpu.memory_space<vmem>>) semaphore(%arg31 : memref<!tpu.dma_semaphore, #tpu.memory_space<semaphore_mem>>)
      %dma_wait3A_499 = arith.constant 0 : i32
      %dma_wait3A_500 = arith.constant 0 : i32
      %dma_wait3A_501 = tpu.memref_slice %arg2[%dma_wait3A_499, %dma_wait3A_500] : memref<10000x128xf32, #tpu.memory_space<hbm>> -> memref<10000x128xf32, #tpu.memory_space<hbm>>
      tpu.wait_indirect_dma semaphore(%arg30 : memref<!tpu.dma_semaphore, #tpu.memory_space<semaphore_mem>>) src(%dma_wait3A_501 : memref<10000x128xf32, #tpu.memory_space<hbm>>) dst(%arg20 : memref<120x128xf32, #tpu.memory_space<vmem>>)
      %add3A_502 = arith.constant 2 : i32
      %add3A_503 = arith.addi %add3A_474, %add3A_502 : i32
      %mul3A_504 = arith.constant 120 : i32
      %mul3A_505 = arith.muli %add3A_503, %mul3A_504 : i32
      %add3A_506 = arith.addi %mul3A_231, %mul3A_505 : i32
      %dma_start3A_507 = tpu.memref_slice %arg6[%add3A_506] : memref<165120xi32, #tpu.memory_space<hbm>> -> memref<120xi32, #tpu.memory_space<hbm>>
      %dma_start3A_508 = tpu.memref_slice %arg6[%add3A_506] : memref<165120xi32, #tpu.memory_space<hbm>> -> memref<120xi32, #tpu.memory_space<hbm>>
      tpu.enqueue_dma source(%dma_start3A_508 : memref<120xi32, #tpu.memory_space<hbm>>) target(%arg10 : memref<120xi32, #tpu.memory_space<vmem>>) target_semaphore(%arg23 : memref<!tpu.dma_semaphore, #tpu.memory_space<semaphore_mem>>)
      %mul3A_509 = arith.constant 120 : i32
      %mul3A_510 = arith.muli %add3A_474, %mul3A_509 : i32
      %add3A_511 = arith.addi %mul3A_231, %mul3A_510 : i32
      %dma_wait3A_512 = tpu.memref_slice %arg7[%add3A_511] : memref<165120xi32, #tpu.memory_space<hbm>> -> memref<120xi32, #tpu.memory_space<hbm>>
      %dma_wait3A_513 = tpu.memref_slice %arg7[%add3A_511] : memref<165120xi32, #tpu.memory_space<hbm>> -> memref<120xi32, #tpu.memory_space<hbm>>
      tpu.wait_dma2 semaphore(%arg27 : memref<!tpu.dma_semaphore, #tpu.memory_space<semaphore_mem>>) src(%dma_wait3A_513 : memref<120xi32, #tpu.memory_space<hbm>>) dst(%arg14 : memref<120xi32, #tpu.memory_space<vmem>>)
      %dma_start3A_514 = arith.constant 0 : i32
      %dma_start3A_515 = arith.constant 0 : i32
      %dma_start3A_516 = tpu.memref_slice %arg22[%dma_start3A_514, %dma_start3A_515] : memref<10336x128xf32, #tpu.memory_space<vmem_shared>> -> memref<10336x128xf32, #tpu.memory_space<vmem_shared>>
      tpu.enqueue_indirect_dma source(%arg20 : memref<120x128xf32, #tpu.memory_space<vmem>>) target(%dma_start3A_516 : memref<10336x128xf32, #tpu.memory_space<vmem_shared>>) offsets(%arg14 : memref<120xi32, #tpu.memory_space<vmem>>) semaphore(%arg33 : memref<!tpu.dma_semaphore, #tpu.memory_space<semaphore_mem>>) {add = true}
    }
    %scan3A_305 = arith.constant 13 : i32
    %dma_wait3A_306 = arith.constant 0 : i32
    %dma_wait3A_307 = arith.constant 0 : i32
    %dma_wait3A_308 = tpu.memref_slice %arg22[%dma_wait3A_306, %dma_wait3A_307] : memref<10336x128xf32, #tpu.memory_space<vmem_shared>> -> memref<10336x128xf32, #tpu.memory_space<vmem_shared>>
    tpu.wait_indirect_dma semaphore(%arg32 : memref<!tpu.dma_semaphore, #tpu.memory_space<semaphore_mem>>) src(%arg19 : memref<120x128xf32, #tpu.memory_space<vmem>>) dst(%dma_wait3A_308 : memref<10336x128xf32, #tpu.memory_space<vmem_shared>>)
    %add3A_309 = arith.constant 5040 : i32
    %add3A_310 = arith.addi %mul3A_231, %add3A_309 : i32
    %dma_start3A_311 = tpu.memref_slice %arg7[%add3A_310] : memref<165120xi32, #tpu.memory_space<hbm>> -> memref<120xi32, #tpu.memory_space<hbm>>
    %dma_start3A_312 = tpu.memref_slice %arg7[%add3A_310] : memref<165120xi32, #tpu.memory_space<hbm>> -> memref<120xi32, #tpu.memory_space<hbm>>
    tpu.enqueue_dma source(%dma_start3A_312 : memref<120xi32, #tpu.memory_space<hbm>>) target(%arg13 : memref<120xi32, #tpu.memory_space<vmem>>) target_semaphore(%arg26 : memref<!tpu.dma_semaphore, #tpu.memory_space<semaphore_mem>>)
    %add3A_313 = arith.constant 5040 : i32
    %add3A_314 = arith.addi %mul3A_231, %add3A_313 : i32
    %dma_wait3A_315 = tpu.memref_slice %arg6[%add3A_314] : memref<165120xi32, #tpu.memory_space<hbm>> -> memref<120xi32, #tpu.memory_space<hbm>>
    %dma_wait3A_316 = tpu.memref_slice %arg6[%add3A_314] : memref<165120xi32, #tpu.memory_space<hbm>> -> memref<120xi32, #tpu.memory_space<hbm>>
    tpu.wait_dma2 semaphore(%arg23 : memref<!tpu.dma_semaphore, #tpu.memory_space<semaphore_mem>>) src(%dma_wait3A_316 : memref<120xi32, #tpu.memory_space<hbm>>) dst(%arg10 : memref<120xi32, #tpu.memory_space<vmem>>)
    %dma_start3A_317 = arith.constant 0 : i32
    %dma_start3A_318 = arith.constant 0 : i32
    %dma_start3A_319 = tpu.memref_slice %arg2[%dma_start3A_317, %dma_start3A_318] : memref<10000x128xf32, #tpu.memory_space<hbm>> -> memref<10000x128xf32, #tpu.memory_space<hbm>>
    tpu.enqueue_indirect_dma source(%dma_start3A_319 : memref<10000x128xf32, #tpu.memory_space<hbm>>) target(%arg19 : memref<120x128xf32, #tpu.memory_space<vmem>>) offsets(%arg10 : memref<120xi32, #tpu.memory_space<vmem>>) semaphore(%arg29 : memref<!tpu.dma_semaphore, #tpu.memory_space<semaphore_mem>>)
    %dma_wait3A_320 = arith.constant 0 : i32
    %dma_wait3A_321 = arith.constant 0 : i32
    %dma_wait3A_322 = tpu.memref_slice %arg2[%dma_wait3A_320, %dma_wait3A_321] : memref<10000x128xf32, #tpu.memory_space<hbm>> -> memref<10000x128xf32, #tpu.memory_space<hbm>>
    tpu.wait_indirect_dma semaphore(%arg31 : memref<!tpu.dma_semaphore, #tpu.memory_space<semaphore_mem>>) src(%dma_wait3A_322 : memref<10000x128xf32, #tpu.memory_space<hbm>>) dst(%arg21 : memref<120x128xf32, #tpu.memory_space<vmem>>)
    %add3A_323 = arith.constant 4920 : i32
    %add3A_324 = arith.addi %mul3A_231, %add3A_323 : i32
    %dma_wait3A_325 = tpu.memref_slice %arg7[%add3A_324] : memref<165120xi32, #tpu.memory_space<hbm>> -> memref<120xi32, #tpu.memory_space<hbm>>
    %dma_wait3A_326 = tpu.memref_slice %arg7[%add3A_324] : memref<165120xi32, #tpu.memory_space<hbm>> -> memref<120xi32, #tpu.memory_space<hbm>>
    tpu.wait_dma2 semaphore(%arg28 : memref<!tpu.dma_semaphore, #tpu.memory_space<semaphore_mem>>) src(%dma_wait3A_326 : memref<120xi32, #tpu.memory_space<hbm>>) dst(%arg15 : memref<120xi32, #tpu.memory_space<vmem>>)
    %dma_start3A_327 = arith.constant 0 : i32
    %dma_start3A_328 = arith.constant 0 : i32
    %dma_start3A_329 = tpu.memref_slice %arg22[%dma_start3A_327, %dma_start3A_328] : memref<10336x128xf32, #tpu.memory_space<vmem_shared>> -> memref<10336x128xf32, #tpu.memory_space<vmem_shared>>
    tpu.enqueue_indirect_dma source(%arg21 : memref<120x128xf32, #tpu.memory_space<vmem>>) target(%dma_start3A_329 : memref<10336x128xf32, #tpu.memory_space<vmem_shared>>) offsets(%arg15 : memref<120xi32, #tpu.memory_space<vmem>>) semaphore(%arg34 : memref<!tpu.dma_semaphore, #tpu.memory_space<semaphore_mem>>) {add = true}
    %dma_wait3A_330 = arith.constant 0 : i32
    %dma_wait3A_331 = arith.constant 0 : i32
    %dma_wait3A_332 = tpu.memref_slice %arg22[%dma_wait3A_330, %dma_wait3A_331] : memref<10336x128xf32, #tpu.memory_space<vmem_shared>> -> memref<10336x128xf32, #tpu.memory_space<vmem_shared>>
    tpu.wait_indirect_dma semaphore(%arg33 : memref<!tpu.dma_semaphore, #tpu.memory_space<semaphore_mem>>) src(%arg20 : memref<120x128xf32, #tpu.memory_space<vmem>>) dst(%dma_wait3A_332 : memref<10336x128xf32, #tpu.memory_space<vmem_shared>>)
    %dma_wait3A_333 = arith.constant 0 : i32
    %dma_wait3A_334 = arith.constant 0 : i32
    %dma_wait3A_335 = tpu.memref_slice %arg2[%dma_wait3A_333, %dma_wait3A_334] : memref<10000x128xf32, #tpu.memory_space<hbm>> -> memref<10000x128xf32, #tpu.memory_space<hbm>>
    tpu.wait_indirect_dma semaphore(%arg29 : memref<!tpu.dma_semaphore, #tpu.memory_space<semaphore_mem>>) src(%dma_wait3A_335 : memref<10000x128xf32, #tpu.memory_space<hbm>>) dst(%arg19 : memref<120x128xf32, #tpu.memory_space<vmem>>)
    %add3A_336 = arith.constant 5040 : i32
    %add3A_337 = arith.addi %mul3A_231, %add3A_336 : i32
    %dma_wait3A_338 = tpu.memref_slice %arg7[%add3A_337] : memref<165120xi32, #tpu.memory_space<hbm>> -> memref<120xi32, #tpu.memory_space<hbm>>
    %dma_wait3A_339 = tpu.memref_slice %arg7[%add3A_337] : memref<165120xi32, #tpu.memory_space<hbm>> -> memref<120xi32, #tpu.memory_space<hbm>>
    tpu.wait_dma2 semaphore(%arg26 : memref<!tpu.dma_semaphore, #tpu.memory_space<semaphore_mem>>) src(%dma_wait3A_339 : memref<120xi32, #tpu.memory_space<hbm>>) dst(%arg13 : memref<120xi32, #tpu.memory_space<vmem>>)
    %dma_start3A_340 = arith.constant 0 : i32
    %dma_start3A_341 = arith.constant 0 : i32
    %dma_start3A_342 = tpu.memref_slice %arg22[%dma_start3A_340, %dma_start3A_341] : memref<10336x128xf32, #tpu.memory_space<vmem_shared>> -> memref<10336x128xf32, #tpu.memory_space<vmem_shared>>
    tpu.enqueue_indirect_dma source(%arg19 : memref<120x128xf32, #tpu.memory_space<vmem>>) target(%dma_start3A_342 : memref<10336x128xf32, #tpu.memory_space<vmem_shared>>) offsets(%arg13 : memref<120xi32, #tpu.memory_space<vmem>>) semaphore(%arg32 : memref<!tpu.dma_semaphore, #tpu.memory_space<semaphore_mem>>) {add = true}
    %dma_wait3A_343 = arith.constant 0 : i32
    %dma_wait3A_344 = arith.constant 0 : i32
    %dma_wait3A_345 = tpu.memref_slice %arg22[%dma_wait3A_343, %dma_wait3A_344] : memref<10336x128xf32, #tpu.memory_space<vmem_shared>> -> memref<10336x128xf32, #tpu.memory_space<vmem_shared>>
    tpu.wait_indirect_dma semaphore(%arg34 : memref<!tpu.dma_semaphore, #tpu.memory_space<semaphore_mem>>) src(%arg21 : memref<120x128xf32, #tpu.memory_space<vmem>>) dst(%dma_wait3A_345 : memref<10336x128xf32, #tpu.memory_space<vmem_shared>>)
    %dma_wait3A_346 = arith.constant 0 : i32
    %dma_wait3A_347 = arith.constant 0 : i32
    %dma_wait3A_348 = tpu.memref_slice %arg22[%dma_wait3A_346, %dma_wait3A_347] : memref<10336x128xf32, #tpu.memory_space<vmem_shared>> -> memref<10336x128xf32, #tpu.memory_space<vmem_shared>>
    tpu.wait_indirect_dma semaphore(%arg32 : memref<!tpu.dma_semaphore, #tpu.memory_space<semaphore_mem>>) src(%arg19 : memref<120x128xf32, #tpu.memory_space<vmem>>) dst(%dma_wait3A_348 : memref<10336x128xf32, #tpu.memory_space<vmem_shared>>)
    %barrier3A_349 = arith.constant 0 : index
    tpu.barrier barrier_id(%barrier3A_349)
    %sub3A_350 = arith.constant 125 : i32
    %sub3A_351 = arith.subi %sub3A_350, %arg1 : i32
    %sub3A_352 = arith.constant 16 : i32
    %sub3A_353 = arith.constant 1 : i32
    %sub3A_354 = arith.subi %sub3A_352, %sub3A_353 : i32
    %add3A_355 = arith.addi %sub3A_351, %sub3A_354 : i32
    %div3A_356 = arith.constant 16 : i32
    %div3A_357 = arith.divsi %add3A_355, %div3A_356 : i32
    %while3A_358 = arith.constant 16 : i32
    %while3A_359 = arith.constant 0 : i32
    %while3A_360 = arith.subi %div3A_357, %while3A_359 : i32
    %while3A_361 = arith.addi %while3A_359, %while3A_360 : i32
    %while3A_362 = arith.constant 1 : i32
    %while3A_363 = arith.divsi %while3A_360, %while3A_362 : i32
    %while3A_364 = arith.muli %while3A_363, %while3A_362 : i32
    %while3A_365 = arith.addi %while3A_359, %while3A_364 : i32
    %while3A_366 = arith.constant 1 : i32
    scf.for %while3A_368 = %while3A_359 to %while3A_365 step %while3A_366  : i32 {
      %mul3A_369 = arith.muli %while3A_368, %while3A_358 : i32
      %add3A_370 = arith.addi %arg1, %mul3A_369 : i32
      %mul3A_371 = arith.constant 80 : i32
      %mul3A_372 = arith.muli %add3A_370, %mul3A_371 : i32
      %mul3A_373 = arith.constant 80 : i32
      %mul3A_374 = arith.muli %add3A_370, %mul3A_373 : i32
      "tpu.region"() ({
        %run_scoped3A = tpu.sem_alloc : memref<!tpu.dma_semaphore, #tpu.memory_space<semaphore_mem>>
        %dma_start3A_375 = arith.constant 0 : i32
        %dma_start3A_376 = arith.constant 0 : i32
        %dma_start3A_377 = tpu.memref_slice %arg9[%arg0, %dma_start3A_375, %dma_start3A_376] : memref<2x10000x128xf32, #tpu.memory_space<hbm>> -> memref<1x10000x128xf32, #tpu.memory_space<hbm>>
        %dma_start3A_378 = tpu.memref_squeeze %dma_start3A_377 : memref<1x10000x128xf32, #tpu.memory_space<hbm>> -> memref<10000x128xf32, #tpu.memory_space<hbm>>
        %dma_start3A_379 = arith.constant 0 : i32
        %dma_start3A_380 = tpu.memref_slice %dma_start3A_378[%mul3A_374, %dma_start3A_379] : memref<10000x128xf32, #tpu.memory_space<hbm>> -> memref<80x128xf32, #tpu.memory_space<hbm>>
        %dma_start3A_381 = arith.constant 0 : i32
        %dma_start3A_382 = tpu.memref_slice %arg22[%mul3A_372, %dma_start3A_381] : memref<10336x128xf32, #tpu.memory_space<vmem_shared>> -> memref<80x128xf32, #tpu.memory_space<vmem_shared>>
        tpu.enqueue_dma source(%dma_start3A_382 : memref<80x128xf32, #tpu.memory_space<vmem_shared>>) target(%dma_start3A_380 : memref<80x128xf32, #tpu.memory_space<hbm>>) target_semaphore(%run_scoped3A : memref<!tpu.dma_semaphore, #tpu.memory_space<semaphore_mem>>)
        %dma_wait3A_383 = arith.constant 0 : i32
        %dma_wait3A_384 = arith.constant 0 : i32
        %dma_wait3A_385 = tpu.memref_slice %arg9[%arg0, %dma_wait3A_383, %dma_wait3A_384] : memref<2x10000x128xf32, #tpu.memory_space<hbm>> -> memref<1x10000x128xf32, #tpu.memory_space<hbm>>
        %dma_wait3A_386 = tpu.memref_squeeze %dma_wait3A_385 : memref<1x10000x128xf32, #tpu.memory_space<hbm>> -> memref<10000x128xf32, #tpu.memory_space<hbm>>
        %dma_wait3A_387 = arith.constant 0 : i32
        %dma_wait3A_388 = tpu.memref_slice %dma_wait3A_386[%mul3A_374, %dma_wait3A_387] : memref<10000x128xf32, #tpu.memory_space<hbm>> -> memref<80x128xf32, #tpu.memory_space<hbm>>
        %dma_wait3A_389 = arith.constant 0 : i32
        %dma_wait3A_390 = tpu.memref_slice %arg22[%mul3A_372, %dma_wait3A_389] : memref<10336x128xf32, #tpu.memory_space<vmem_shared>> -> memref<80x128xf32, #tpu.memory_space<vmem_shared>>
        tpu.wait_dma2 semaphore(%run_scoped3A : memref<!tpu.dma_semaphore, #tpu.memory_space<semaphore_mem>>) src(%dma_wait3A_390 : memref<80x128xf32, #tpu.memory_space<vmem_shared>>) dst(%dma_wait3A_388 : memref<80x128xf32, #tpu.memory_space<hbm>>)
        tpu.yield
      }) : () -> ()
    }
    %while3A_367 = arith.constant 1 : i32
    scf.for %while3A_368 = %while3A_365 to %while3A_361 step %while3A_367  : i32 {
      %mul3A_369 = arith.muli %while3A_368, %while3A_358 : i32
      %add3A_370 = arith.addi %arg1, %mul3A_369 : i32
      %mul3A_371 = arith.constant 80 : i32
      %mul3A_372 = arith.muli %add3A_370, %mul3A_371 : i32
      %mul3A_373 = arith.constant 80 : i32
      %mul3A_374 = arith.muli %add3A_370, %mul3A_373 : i32
      "tpu.region"() ({
        %run_scoped3A = tpu.sem_alloc : memref<!tpu.dma_semaphore, #tpu.memory_space<semaphore_mem>>
        %dma_start3A_375 = arith.constant 0 : i32
        %dma_start3A_376 = arith.constant 0 : i32
        %dma_start3A_377 = tpu.memref_slice %arg9[%arg0, %dma_start3A_375, %dma_start3A_376] : memref<2x10000x128xf32, #tpu.memory_space<hbm>> -> memref<1x10000x128xf32, #tpu.memory_space<hbm>>
        %dma_start3A_378 = tpu.memref_squeeze %dma_start3A_377 : memref<1x10000x128xf32, #tpu.memory_space<hbm>> -> memref<10000x128xf32, #tpu.memory_space<hbm>>
        %dma_start3A_379 = arith.constant 0 : i32
        %dma_start3A_380 = tpu.memref_slice %dma_start3A_378[%mul3A_374, %dma_start3A_379] : memref<10000x128xf32, #tpu.memory_space<hbm>> -> memref<80x128xf32, #tpu.memory_space<hbm>>
        %dma_start3A_381 = arith.constant 0 : i32
        %dma_start3A_382 = tpu.memref_slice %arg22[%mul3A_372, %dma_start3A_381] : memref<10336x128xf32, #tpu.memory_space<vmem_shared>> -> memref<80x128xf32, #tpu.memory_space<vmem_shared>>
        tpu.enqueue_dma source(%dma_start3A_382 : memref<80x128xf32, #tpu.memory_space<vmem_shared>>) target(%dma_start3A_380 : memref<80x128xf32, #tpu.memory_space<hbm>>) target_semaphore(%run_scoped3A : memref<!tpu.dma_semaphore, #tpu.memory_space<semaphore_mem>>)
        %dma_wait3A_383 = arith.constant 0 : i32
        %dma_wait3A_384 = arith.constant 0 : i32
        %dma_wait3A_385 = tpu.memref_slice %arg9[%arg0, %dma_wait3A_383, %dma_wait3A_384] : memref<2x10000x128xf32, #tpu.memory_space<hbm>> -> memref<1x10000x128xf32, #tpu.memory_space<hbm>>
        %dma_wait3A_386 = tpu.memref_squeeze %dma_wait3A_385 : memref<1x10000x128xf32, #tpu.memory_space<hbm>> -> memref<10000x128xf32, #tpu.memory_space<hbm>>
        %dma_wait3A_387 = arith.constant 0 : i32
        %dma_wait3A_388 = tpu.memref_slice %dma_wait3A_386[%mul3A_374, %dma_wait3A_387] : memref<10000x128xf32, #tpu.memory_space<hbm>> -> memref<80x128xf32, #tpu.memory_space<hbm>>
        %dma_wait3A_389 = arith.constant 0 : i32
        %dma_wait3A_390 = tpu.memref_slice %arg22[%mul3A_372, %dma_wait3A_389] : memref<10336x128xf32, #tpu.memory_space<vmem_shared>> -> memref<80x128xf32, #tpu.memory_space<vmem_shared>>
        tpu.wait_dma2 semaphore(%run_scoped3A : memref<!tpu.dma_semaphore, #tpu.memory_space<semaphore_mem>>) src(%dma_wait3A_390 : memref<80x128xf32, #tpu.memory_space<vmem_shared>>) dst(%dma_wait3A_388 : memref<80x128xf32, #tpu.memory_space<hbm>>)
        tpu.yield
      }) : () -> ()
    }
    return
  }
}

</mosaic_0001>

<sc_bundles>
// kernel: _aggregate.3.cloned.1.call-start
scs
__scs_entry_jumppad:
0x0: {  	(pc) =	sbr.rel $0x88, $3  }
0x1: {  	(tag) =	ssettag $0x0;
	lr =	simm.s32 $0x1  }
0x2: {  	[smem:$0x3F9B] =	sst lr;
	_ =	strace $0xD0000000  }
0x3: {  	_ = 	snop  }
0x4: {  	_ = 	snop  }
0x5: {  	_ = 	snop  }
0x6: {  	_ = 	snop  }
0x7: {  	_ = 	snop  }
__scs_overlays_trampoline_lowered:
0x8: {  	[smem:$0x3FAA] =	sst s0  }
0x9: {  	[smem:$0x3FAB] =	sst s1  }
0xa: {  	[smem:$0x3FAC] =	sst s2  }
0xb: {  	[smem:$0x3FAD] =	sst s3  }
0xc: {  	[smem:$0x3FAE] =	sst s4  }
0xd: {  	[smem:$0x3FAF] =	sst s5  }
0xe: {  	[smem:$0x3FB0] =	sst s6  }
0xf: {  	[smem:$0x3FB1] =	sst s7  }
0x10: {  	[smem:$0x3FB2] =	sst s8  }
0x11: {  	[smem:$0x3FB3] =	sst s9;
	s0 =	simm.s32 @!p0 $0x0  }
0x12: {  	s1 =	sld [smem:$0x3F99];
	s0 =	simm.s32 @p0 $0x1  }
0x13: {  	[smem:$0x3FB4] =	sst s0;
	s0 =	simm.s32 @!p1 $0x0  }
0x14: {  	s2 =	sld [smem:$0x3F98];
	s0 =	simm.s32 @p1 $0x1  }
0x15: {  	[smem:$0x3FB5] =	sst s0;
	s0 =	simm.s32 @!p2 $0x0  }
0x16: {  	s3 =	sld [smem:$0x3FDB];
	s0 =	simm.s32 @p2 $0x1  }
0x17: {  	s4 =	simm.s32 $0x1BF5;
	[smem:$0x3FB7] =	sst s0  }
0x18: {  	s0 =	sld [smem:$0x3F9A];
	_ =	swait.ge [sflag:s4], $0x0  }
0x19: {  	s7 =	sld [smem:$0x3F9B]  }
0x1a: {  	s8 =	sadd.s32 $0xFFFFE003, lr  }
0x1b: {  	s9 =	sadd.s32 $0xFFFFFEF7, lr;
	s5 =	simm.s32 $0xFFFFFFFF;
	p2 =	slt.u32 s8, $0xFFFFF086  }
0x1c: {  	p1 =	slt.u32 s9, $0xF7A;
	s5 =	simm.s32 @!p2 $0x0  }
0x1d: {  	s5 =	simm.s32 @p1 $0x1;
	p0 =	seq.s32 s7, s2  }
0x1e: {  	s7 =	smul.u32 @!p0 $0xF7A, s2;
	p2 =	seq.s32 @!p0 s5, $0x0  }
0x1f: {  	s9 =	smul.u32 $0xF7A, s1;
	s8 =	simm.s32 @!p0 $0x1BF5;
	p2 =	por !p2, p0  }
0x20: {  	[sflag:s8] =	ssyncset.s32 @!p0 $0xFFFFF086;
	s6 =	sadd.s32 @!p0 s3, s7;
	s7 =	simm.s32 @!p0 $0x108  }
0x21: {  	s3 =	sadd.s32 s3, s9;
	s6 =	sadd.s32 @!p0 $0x88, s6;
	s7 =	simm.s32 @p2 $0x1082  }
0x22: {  	[simem:s7], [sflag:s8] =	dma.local @!p0 [hbm:s6], $0xF7A  }
0x23: {  	s9 =	sor.u32 $0xD0000000, s2;
	s6 =	simm.s32 $0x108;
	_ =	swait.ge @!p0 [sflag:s8], $0x0  }
0x24: {  	s3 =	sadd.s32 $0x88, s3;
	s6 =	simm.s32 @!p1 $0x1082;
	[sflag:s4] =	ssyncset.s32 $0xFFFFF086  }
0x25: {  	[simem:s6], [sflag:s4] =	dma.local [hbm:s3], $0xF7A  }
0x26: {  	[smem:$0x3F9B] =	sst s1;
	(tag) =	ssettag s2;
	_ =	strace s9  }
0x27: {  	s1 =	sld [smem:$0x3FAB]  }
0x28: {  	s2 =	sld [smem:$0x3FAC]  }
0x29: {  	s4 =	sld [smem:$0x3FAE]  }
0x2a: {  	p0 =	seq.s32 s5, $0x0;
	s5 =	sld [smem:$0x3FAF]  }
0x2b: {  	s6 =	sld [smem:$0x3FB0]  }
0x2c: {  	s7 =	sld [smem:$0x3FB1]  }
0x2d: {  	s3 =	simm.s32 $0x108;
	s8 =	sld [smem:$0x3FB2]  }
0x2e: {  	s3 =	simm.s32 @!p0 $0x1082;
	s9 =	sld [smem:$0x3FB3]  }
0x2f: {  	lr =	sadd.s32 s0, s3;
	s0 =	sld [smem:$0x3FAA]  }
0x30: {  	s3 =	sld [smem:$0x3FAD]  }
0x31: {  	[smem:$0x3FB6] =	sst s10  }
0x32: {  	s10 =	sld [smem:$0x3FB4];
	_ =	sdelay $0x3  }
0x33: {  	p0 =	seq.s32 s10, $0x1;
	s10 =	sld [smem:$0x3FB6];
	_ =	sdelay $0x3  }
0x34: {  	[smem:$0x3FB6] =	sst s10  }
0x35: {  	s10 =	sld [smem:$0x3FB5];
	_ =	sdelay $0x3  }
0x36: {  	p1 =	seq.s32 s10, $0x1;
	s10 =	sld [smem:$0x3FB6];
	_ =	sdelay $0x3  }
0x37: {  	[smem:$0x3FB6] =	sst s10  }
0x38: {  	s10 =	sld [smem:$0x3FB7]  }
0x39: {  	_ = 	snop;
	(pc) =	sbr.ind lr, $3  }
0x3a: {  	_ = 	snop  }
0x3b: {  	_ = 	snop  }
0x3c: {  	p2 =	seq.s32 s10, $0x1;
	s10 =	sld [smem:$0x3FB6]  }
0x3d: {  	_ =	shalt  }
0x3e: {  	_ =	shalt  }
0x3f: {  	_ =	shalt  }
0x40: {  	_ =	shalt  }
0x41: {  	_ =	shalt  }
0x42: {  	_ =	shalt  }
0x43: {  	_ =	shalt  }
0x44: {  	_ =	shalt  }
0x45: {  	_ =	shalt  }
0x46: {  	_ =	shalt  }
0x47: {  	_ =	shalt  }
0x48: {  	_ =	shalt  }
0x49: {  	_ =	shalt  }
0x4a: {  	_ =	shalt  }
0x4b: {  	_ =	shalt  }
0x4c: {  	_ =	shalt  }
0x4d: {  	_ =	shalt  }
0x4e: {  	_ =	shalt  }
0x4f: {  	_ =	shalt  }
0x50: {  	_ =	shalt  }
0x51: {  	_ =	shalt  }
0x52: {  	_ =	shalt  }
0x53: {  	_ =	shalt  }
0x54: {  	_ =	shalt  }
0x55: {  	_ =	shalt  }
0x56: {  	_ =	shalt  }
0x57: {  	_ =	shalt  }
0x58: {  	_ =	shalt  }
0x59: {  	_ =	shalt  }
0x5a: {  	_ =	shalt  }
0x5b: {  	_ =	shalt  }
0x5c: {  	_ =	shalt  }
0x5d: {  	_ =	shalt  }
0x5e: {  	_ =	shalt  }
0x5f: {  	_ =	shalt  }
0x60: {  	_ =	shalt  }
0x61: {  	_ =	shalt  }
0x62: {  	_ =	shalt  }
0x63: {  	_ =	shalt  }
0x64: {  	_ =	shalt  }
0x65: {  	_ =	shalt  }
0x66: {  	_ =	shalt  }
0x67: {  	_ =	shalt  }
0x68: {  	_ =	shalt  }
0x69: {  	_ =	shalt  }
0x6a: {  	_ =	shalt  }
0x6b: {  	_ =	shalt  }
0x6c: {  	_ =	shalt  }
0x6d: {  	_ =	shalt  }
0x6e: {  	_ =	shalt  }
0x6f: {  	_ =	shalt  }
0x70: {  	_ =	shalt  }
0x71: {  	_ =	shalt  }
0x72: {  	_ =	shalt  }
0x73: {  	_ =	shalt  }
0x74: {  	_ =	shalt  }
0x75: {  	_ =	shalt  }
0x76: {  	_ =	shalt  }
0x77: {  	_ =	shalt  }
0x78: {  	_ =	shalt  }
0x79: {  	_ =	shalt  }
0x7a: {  	_ =	shalt  }
0x7b: {  	_ =	shalt  }
0x7c: {  	_ =	shalt  }
0x7d: {  	_ =	shalt  }
0x7e: {  	_ =	shalt  }
0x7f: {  	_ =	shalt  }
0x80: {  	_ =	shalt  }
0x81: {  	_ =	shalt  }
0x82: {  	_ =	shalt  }
0x83: {  	_ =	shalt  }
0x84: {  	_ =	shalt  }
0x85: {  	_ =	shalt  }
0x86: {  	_ =	shalt  }
0x87: {  	_ =	shalt  }
.Lfunc_end0:
.L_simem_size_0:
called_computation_lowered:
.L_overlay_start_0:
0x88: {  	s2 =	sld [smem:$0x3FD9]  }
0x89: {  	s3 =	sld [smem:$0x3FFE];
	_ =	sdelay $0x1  }
0x8a: {  	s1 =	srdreg.scid  }
0x8b: {  	s0 =	sand.u32 $0x1, s1  }
0x8c: {  	s15 =	sshll.u32 s0, $0xA;
	s2 =	sadd.s32 s3, s2  }
0x8d: {  	s2 =	sadd.s32 s2, s15  }
0x8e: {  	[smem:$0x3FC2] =	sst s2  }
0x8f: {  	_ = 	snop  }
0x90: {  	s2 =	sld [smem:$0x3FC9]  }
0x91: {  	s16 =	sld [smem:$0x3FC8]  }
0x92: {  	s4 =	sld [smem:$0x3FC7]  }
0x93: {  	s5 =	sld [smem:$0x3FD0]  }
0x94: {  	s6 =	sld [smem:$0x3FC6]  }
0x95: {  	s7 =	sld [smem:$0x3FC5]  }
0x96: {  	s9 =	simm.s32 $0xA;
	s10 =	simm.s32 $0x10;
	s8 =	sld [smem:$0x3FC4]  }
0x97: {  	[smem:s10], [sflag:s9] =	dma.local [hbm:s5], $0x1  }
0x98: {  	_ =	swait.eq [sflag:s9], $0x1  }
0x99: {  	[sflag:s9] =	ssyncset.done $0x0  }
0x9a: {  	s17 =	sld [smem:$0x10];
	[sflag:s9] =	ssyncadd.s32 $0xFFFFFFFF  }
0x9b: {  	s18 =	sld [smem:$0x11];
	(tm) =	ssettm $0x1  }
0x9c: {  	s19 =	sld [smem:$0x3FFB];
	_ =	sdelay $0x3  }
0x9d: {  	_ =	strace s19  }
0x9e: {  	s10 =	sld [smem:$0x3FFC];
	_ =	sdelay $0x3  }
0x9f: {  	_ =	strace s10  }
0xa0: {  	s10 =	sld [smem:$0x3FFD];
	_ =	sdelay $0x3  }
0xa1: {  	_ =	strace s10  }
0xa2: {  	_ =	strace $0x8FFFFFFF  }
0xa3: {  	s20 =	sld [smem:$0x3FDB];
	_ =	sdelay $0x1  }
0xa4: {  	s11 =	simm.s32 $_scs_section_size  }
0xa5: {  	s12 =	simm.s32 $_size__tile_overlayer_lowered;
	s13 =	simm.s32 $_tile_overlayer_lowered  }
0xa6: {  	s23 =	simm.s32 $0x1BFF;
	s22 =	sshll.u32 s13, $0x1;
	s10 =	sadd.s32 s11, s20  }
0xa7: {  	s14 =	simm.s32 $0x0;
	s21 =	sshll.u32 s12, $0x1;
	s12 =	sadd.s32 s22, s10  }
0xa8: {  	[timem:s14], [sflag:s23] =	dma.local [hbm:s12], s21  }
0xa9: {  	_ =	swait.ge [sflag:s23], s21  }
0xaa: {  	s11 =	ssub.s32 $0x0, s21;
	[sflag:s23] =	ssyncset.done $0x0  }
0xab: {  	[sflag:s23] =	ssyncadd.s32 s11;
	_ =	sdelay $0x1  }
0xac: {  	s24 =	simm.s32 $0x1B8B  }
0xad: {  	_ =	swait.ge [sflag:s24], $0x1  }
0xae: {  	[sflag:s24] =	ssyncset.done $0x0  }
0xaf: {  	s25 =	simm.s32 $0x1B8E;
	[sflag:s24] =	ssyncadd.s32 $0xFFFFFFFF  }
0xb0: {  	s26 =	simm.s32 $execute0_lowered;
	[smem:$0x3FD2] =	sst s25  }
0xb1: {  	s11 =	sshll.u32 s26, $0x1;
	_ =	strace $0x80000046;
	[dreg:$0x1] =	wrdreg $0xFFFFFFFF  }
0xb2: {  	s28 =	simm.s32 $_size_execute0_lowered;
	s10 =	sadd.s32 s10, s11;
	[dreg:$0x0] =	wrdreg $0x0  }
0xb3: {  	s11 =	sshll.u32 s28, $0x1;
	[dreg:$0x2] =	wrdreg s10  }
0xb4: {  	[dreg:$0x3] =	wrdreg s11  }
0xb5: {  	[dreg:$0x4] =	wrdreg $0xC0  }
0xb6: {  	_ =	task [dreg:s14], $0x5FFFF  }
0xb7: {  	[dreg:$0x1] =	wrdreg $0xFFFFFFFF  }
0xb8: {  	[dreg:$0x0] =	wrdreg $0x60  }
0xb9: {  	[dreg:$0x2] =	wrdreg s2  }
0xba: {  	[dreg:$0x3] =	wrdreg s16  }
0xbb: {  	[dreg:$0x4] =	wrdreg s4  }
0xbc: {  	[dreg:$0x5] =	wrdreg s6  }
0xbd: {  	[dreg:$0x6] =	wrdreg s7  }
0xbe: {  	[dreg:$0x7] =	wrdreg s8  }
0xbf: {  	[dreg:$0x8] =	wrdreg s17  }
0xc0: {  	[dreg:$0x9] =	wrdreg s18  }
0xc1: {  	[dreg:$0xa] =	wrdreg $0xB8800  }
0xc2: {  	[dreg:$0xb] =	wrdreg $0x9  }
0xc3: {  	_ =	task.clear_ibuf [dreg:s14], $0xCFFFF;
	_ =	strace $0x90000046  }
0xc4: {  	s29 =	simm.s32 $0x9;
	_ =	strace $0x80000048  }
0xc5: {  	_ =	swait.ge [sflag:s29], $0x1  }
0xc6: {  	[sflag:s29] =	ssyncadd.s32 $0xFFFFFFFF  }
0xc7: {  	_ =	strace $0x90000048  }
0xc8: {  	_ =	sfence  }
0xc9: {  	s30 =	sld [smem:$0x0];
	_ =	sdelay $0x2  }
0xca: {  	s31 =	sshll.u32 s1, $0xD;
	s1 =	sshrl.u32 s1, $0x2  }
0xcb: {  	s3 =	sand.u32 $0x4000, s31;
	s1 =	sadd.s32 s1, s30  }
0xcc: {  	s0 =	sor.u32 s3, s0;
	s1 =	sshll.u32 s1, $0x11  }
0xcd: {  	s0 =	sor.u32 s1, s0  }
0xce: {  	s0 =	sadd.s32 $0x8F2B, s0  }
0xcf: {  	[sflag:s0] =	ssyncadd.remote.s32 $0x1  }
0xd0: {  	_ =	sfence.sel $0xFFFF  }
0xd1: {  	[dreg:$0x0] =	wrdreg $0xFFFFFFFF;
	(pc) =	sbr.abs _section_cstart, $3  }
0xd2: {  	[dreg:$0x1] =	wrdreg $0xFFFFFFFF  }
0xd3: {  	_ =	task.clear_ibuf [dreg:s14], $0x2FFFF;
	_ =	strace $0x9FFFFFFF  }
0xd4: {  	(tm) =	ssettm $0x7FFFFFFF  }
0xd5: {  	_ =	shalt  }
tec
execute0_lowered:
.L_overlay_start_1:
0x0: {  	(tag) =	ssettag $0x1  }
0x1: {  	s0 =	rddreg [dreg:$0x0]  }
0x2: {  	s15 =	rddreg [dreg:$0x1]  }
0x3: {  	s16 =	rddreg [dreg:$0x2]  }
0x4: {  	s17 =	rddreg [dreg:$0x3]  }
0x5: {  	s1 =	rddreg [dreg:$0x4]  }
0x6: {  	s19 =	rddreg [dreg:$0x5]  }
0x7: {  	s2 =	rddreg [dreg:$0x6]  }
0x8: {  	s3 =	srdreg.scid;
	s18 =	stileid.u32  }
0x9: {  	s4 =	rddreg [dreg:$0x7];
	s8 =	simm.s32 $0x0;
	s10 =	smul.u32 $0x2850, s18  }
0xa: {  	s3 =	sand.u32 $0x1, s3;
	[smem:$0x7FF] =	sst s8;
	s8 =	smul.u32 $0x500, s18  }
0xb: {  	s7 =	rddreg [dreg:$0x8];
	s5 =	sshll.u32 s18, $0x1;
	s12 =	smul.u32 $0x1428, s3  }
0xc: {  	s5 =	sor.u32 s3, s5;
	s9 =	ssub.s32 $0x2, s3;
	s3 =	smul.u32 $0x27100, s3  }
0xd: {  	s20 =	ssub.s32 $0x8C, s18;
	s6 =	smul.u32 $0x27D8, s5;
	s11 =	sshrl.u32 s9, $0x1  }
0xe: {  	_ =	strace $0x80000047;
	s9 =	ssub.s32 s9, s11;
	s11 =	sshrl.u32 s20, $0x4  }
0xf: {  	s10 =	sadd.s32 s12, s10;
	s2 =	sadd.s32 s2, s3;
	s13 =	sshrl.u32 s6, $0x3  }
0x10: {  	[dreg:$0xf] =	wrdreg s11;
	s23 =	sadd.s32 $0x78, s6;
	s2 =	sadd.s32 s2, s8  }
0x11: {  	s12 =	sadd.s32 $0x2D0, s10;
	s21 =	sadd.s32 s15, s13;
	[dreg:$0x17] =	wrdreg s2  }
0x12: {  	s22 =	sadd.s32 s17, s13;
	s11 =	sshrl.u32 s23, $0x3;
	[dreg:$0x10] =	wrdreg s21  }
0x13: {  	s12 =	sshrl.u32 s12, $0x3;
	[dreg:$0x11] =	wrdreg s22;
	s20 =	sadd.s32 s15, s11  }
0x14: {  	s14 =	sadd.s32 $0x258, s10;
	s12 =	sadd.s32 s12, s1;
	[dreg:$0x12] =	wrdreg s20  }
0x15: {  	s14 =	sshrl.u32 s14, $0x3;
	s25 =	sadd.s32 s17, s11;
	[dreg:$0xa] =	wrdreg s12  }
0x16: {  	s24 =	sadd.s32 s14, s19;
	[dreg:$0x13] =	wrdreg s25  }
0x17: {  	s14 =	sadd.s32 s14, s1;
	[dreg:$0xb] =	wrdreg s24  }
0x18: {  	s3 =	sadd.s32 s4, s3;
	s11 =	sadd.s32 s16, s11;
	[dreg:$0xc] =	wrdreg s14  }
0x19: {  	s22 =	sadd.s32 s3, s8;
	[dreg:$0x15] =	wrdreg s11  }
0x1a: {  	s26 =	sadd.s32 $0x1E0, s10;
	s8 =	sadd.s32 $0x258, s6;
	[dreg:$0x18] =	wrdreg s22  }
0x1b: {  	s12 =	sshrl.u32 s26, $0x3;
	s24 =	sadd.s32 $0x168, s6;
	[dreg:$0x1f] =	wrdreg s8  }
0x1c: {  	s26 =	smul.u32 $0x1428, s5;
	s5 =	sadd.s32 $0x1E0, s6;
	[dreg:$0x1a] =	wrdreg s24  }
0x1d: {  	s14 =	sadd.s32 s16, s13;
	[dreg:$0x1e] =	wrdreg s5  }
0x1e: {  	s30 =	sadd.s32 s12, s19;
	[dreg:$0x14] =	wrdreg s14  }
0x1f: {  	s20 =	sadd.s32 $0x1E, s13;
	s12 =	sadd.s32 s12, s1;
	[dreg:$0xd] =	wrdreg s30  }
0x20: {  	s28 =	simm.s32 $0x380;
	s21 =	sadd.s32 s15, s20;
	[dreg:$0xe] =	wrdreg s12  }
0x21: {  	s31 =	simm.s32 $0x1;
	s23 =	sadd.s32 s17, s20;
	[dreg:$0x16] =	wrdreg s21  }
0x22: {  	s29 =	simm.s32 $0x4;
	s25 =	sadd.s32 s16, s20;
	[dreg:$0x19] =	wrdreg s23  }
0x23: {  	s11 =	smov.u32 s15;
	s3 =	sshrl.u32 s24, $0x3;
	[dreg:$0x1b] =	wrdreg s25  }
0x24: {  	s30 =	sadd.s32 s15, s3;
	s3 =	sadd.s32 s17, s3;
	s12 =	sshrl.u32 s26, $0x3  }
0x25: {  	s13 =	sadd.s32 $0x78, s26;
	s15 =	sadd.s32 $0x2D0, s6;
	s2 =	sadd.s32 $0x168, s26  }
0x26: {  	s21 =	smul.u32 $0xA000, s18;
	s23 =	smax.u32 s9, $0x1;
	s25 =	sadd.s32 $0x168, s10  }
0x27: {  	s26 =	sadd.s32 $0x4EC, s14;
	s6 =	simm.s32 $0x78;
	[dreg:$0x1c] =	wrdreg s30  }
0x28: {  	s10 =	simm.s32 $0x2;
	s18 =	simm.s32 $0x100;
	[dreg:$0x1d] =	wrdreg s3  }
0x29: {  	s14 =	simm.s32 $0x400;
	s9 =	simm.s32 $0x280;
	[smem:$0x7F1] =	sst s15  }
0x2a: {  	s4 =	sshrl.u32 s13, $0x3;
	s16 =	sadd.s32 s1, s12;
	[smem:$0x7F8] =	sst s23  }
0x2b: {  	s17 =	sadd.s32 s19, s12;
	s3 =	sadd.s32 $0x1E, s12;
	[smem:$0x7FA] =	sst s25  }
0x2c: {  	s2 =	sshrl.u32 s2, $0x3;
	[smem:$0x7FB] =	sst s26;
	s15 =	simm.s32 $0x7  }
0x2d: {  	s13 =	simm.s32 $0x3;
	s25 =	simm.s32 $0x5;
	[smem:$0x7F2] =	sst s16  }
0x2e: {  	s26 =	simm.s32 $0x9;
	s20 =	sadd.s32 s1, s4;
	[smem:$0x7FC] =	sst s17  }
0x2f: {  	s4 =	sadd.s32 s19, s4;
	s2 =	sadd.s32 s1, s2;
	[smem:$0x7F3] =	sst s20  }
0x30: {  	s1 =	sadd.s32 s1, s3;
	s22 =	sadd.s32 s19, s3;
	[smem:$0x7F4] =	sst s4  }
0x31: {  	s24 =	sshrl.u32 s21, $0x2;
	s30 =	sadd.s32 $0x276, s17;
	[smem:$0x7F5] =	sst s2  }
0x32: {  	s19 =	simm.s32 $0x480;
	s21 =	simm.s32 $0xD;
	[smem:$0x7F6] =	sst s1  }
0x33: {  	s16 =	simm.s32 $0x200;
	s17 =	simm.s32 $0x4080;
	[smem:$0x7F7] =	sst s22  }
0x34: {  	s3 =	simm.s32 $0x0;
	s1 =	sadd.s32 s24, s7;
	[smem:$0x7FD] =	sst s30  }
0x35: {  	s22 =	simm.s32 $0x300;
	s4 =	simm.s32 $0x80;
	s24 =	simm.s32 $0x8  }
0x36: {  	v0 =	vimm.f32 $0.0e+00;
	s20 =	simm.s32 $0xA;
	s2 =	simm.s32 $0x6;
	[smem:$0x7F9] =	sst s1  }
.LBB2_1:
0x37: {  	[smem:$0x7F0] =	sst s3;
	s1 =	simm.s32 $0x0;
	s3 =	simm.s32 $0x200  }
.LBB2_2:
0x38: {  	p0 =	sne.s32 s3, $0x9E00;
	[tilespmem:s1+$0x4F0] =	vst v0  }
0x39: {  	[tilespmem:s1+$0x480] =	vst v0  }
0x3a: {  	[tilespmem:s1+$0x490] =	vst v0  }
.Ltmp0:
0x3b: {  	[tilespmem:s1+$0x4A0] =	vst v0;
	(pc) =	sbr.rel @p0 .LBB2_2-.Ltmp0, $4  }
0x3c: {  	[tilespmem:s1+$0x4B0] =	vst v0  }
0x3d: {  	[tilespmem:s1+$0x4C0] =	vst v0  }
0x3e: {  	[tilespmem:s1+$0x4D0] =	vst v0  }
0x3f: {  	[tilespmem:s1+$0x4E0] =	vst v0;
	s1 =	sshra.s32 s3, $0x2;
	s3 =	sadd.s32 $0x200, s3  }
0x40: {  	[tilespmem:s1+$0x4F0] =	vst v0  }
0x41: {  	[tilespmem:s1+$0x480] =	vst v0  }
0x42: {  	[tilespmem:s1+$0x490] =	vst v0  }
0x43: {  	[tilespmem:s1+$0x4A0] =	vst v0  }
0x44: {  	[tilespmem:s1+$0x4B0] =	vst v0;
	s30 =	rddreg [dreg:$0xf]  }
0x45: {  	[tilespmem:s1+$0x4C0] =	vst v0;
	s3 =	sld [smem:$0x7F9];
	p0 =	sne.s32 s30, $0x1  }
.Ltmp1:
0x46: {  	[tilespmem:s1+$0x4D0] =	vst v0;
	(pc) =	sbr.rel @!p0 .LBB2_5-.Ltmp1, $4  }
0x47: {  	[tilespmem:s1+$0x4E0] =	vst v0  }
0x48: {  	[spmem:s3] =	stream.linear.scatter [tilespmem:s19], [sflag:$0xD], $0x2800, $0x38;
	[tilespmem:$0x1FB80] =	vst v63  }
0x49: {  	_ =	swait.ge [sflag:s21], $0x2800  }
0x4a: {  	s1 =	sadd.s32 $0xFFFFFFFF, s30;
	[sflag:s21] =	ssyncset.done $0x0  }
.LBB2_4:
0x4b: {  	p1 =	sne.s32 s1, $0x1;
	[sflag:s21] =	ssyncadd.s32 $0xFFFFD800;
	s3 =	sadd.s32 $0x28000, s3  }
.Ltmp2:
0x4c: {  	s1 =	sadd.s32 $0xFFFFFFFF, s1;
	(pc) =	sbr.rel @p1 .LBB2_4-.Ltmp2, $4  }
0x4d: {  	_ = 	snop  }
0x4e: {  	[spmem:s3] =	stream.linear.scatter [tilespmem:s19], [sflag:$0xD], $0x2800, $0x38;
	[tilespmem:$0x1FB80] =	vst v63  }
0x4f: {  	_ =	swait.ge [sflag:s21], $0x2800  }
0x50: {  	[sflag:s21] =	ssyncset.done $0x0  }
.LBB2_5:
0x51: {  	[sflag:s21] =	ssyncadd.s32 $0xFFFFD800  }
0x52: {  	[bflag:$0x0] =	sbarrier.arrive $0xFFFF  }
0x53: {  	s1 =	simm.s32 $0x0;
	s3 =	rddreg [dreg:$0x10]  }
0x54: {  	[tilespmem:s1], [sflag:$0x1] =	stream.linear.gather [hbm4b:s3+s1], $0x78, $0x38;
	[tilespmem:$0x1FB80] =	vst v63  }
0x55: {  	s23 =	rddreg [dreg:$0x11]  }
0x56: {  	[tilespmem:s22], [sflag:$0x1] =	stream.linear.gather [hbm4b:s23+s1], $0x78, $0x38;
	[tilespmem:$0x1FB80] =	vst v63  }
0x57: {  	s30 =	rddreg [dreg:$0x12]  }
0x58: {  	[tilespmem:s4], [sflag:$0x2] =	stream.linear.gather [hbm4b:s30+s1], $0x78, $0x38;
	[tilespmem:$0x1FB80] =	vst v63  }
0x59: {  	s5 =	rddreg [dreg:$0x13]  }
0x5a: {  	[tilespmem:s28], [sflag:$0x2] =	stream.linear.gather [hbm4b:s5+s1], $0x78, $0x38;
	[tilespmem:$0x1FB80] =	vst v63  }
0x5b: {  	s8 =	rddreg [dreg:$0x14];
	s5 =	simm.s32 $0x180  }
0x5c: {  	[tilespmem:s5], [sflag:$0x4] =	stream.linear.gather [hbm4b:s8+s1], $0x78, $0x38;
	[tilespmem:$0x1FB80] =	vst v63  }
0x5d: {  	_ =	swait.ge [sflag:s31], $0x78  }
0x5e: {  	[sflag:s31] =	ssyncset.done $0x0  }
0x5f: {  	[sflag:s31] =	ssyncadd.s32 $0xFFFFFF88  }
0x60: {  	_ =	swait.ge [sflag:s31], $0x78  }
0x61: {  	[sflag:s31] =	ssyncset.done $0x0  }
0x62: {  	[sflag:s31] =	ssyncadd.s32 $0xFFFFFF88  }
0x63: {  	[tilespmem:s19], [sflag:$0x7] =	stream.indirect.gather [hbm4b:s0+s6], $0x80, s1, s6, $0xb8;
	[tilespmem:$0x1FB80] =	vst v63  }
0x64: {  	s12 =	rddreg [dreg:$0x15]  }
0x65: {  	[tilespmem:s16], [sflag:$0x5] =	stream.linear.gather [hbm4b:s12+s1], $0x78, $0x38;
	[tilespmem:$0x1FB80] =	vst v63  }
0x66: {  	_ =	swait.ge [sflag:s10], $0x78  }
0x67: {  	[sflag:s10] =	ssyncset.done $0x0  }
0x68: {  	[sflag:s10] =	ssyncadd.s32 $0xFFFFFF88  }
0x69: {  	_ =	swait.ge [sflag:s10], $0x78  }
0x6a: {  	[sflag:s10] =	ssyncset.done $0x0  }
0x6b: {  	v1 =	vmov s1;
	s23 =	simm.s32 $0x2;
	[sflag:s10] =	ssyncadd.s32 $0xFFFFFF88  }
0x6c: {  	v1 =	vand.u32 $0xFFFFFFFC, v1;
	v2 =	vmov s23;
	[tilespmem:s17], [sflag:$0x8] =	stream.indirect.gather [hbm4b:s0+s6], $0x80, s4, s6, $0xb8;
	[tilespmem:$0x1FB80] =	vst v63  }
0x6d: {  	v1 =	vbroadcast v1, $0x0;
	v2 =	vand.u32 $0xFFFFFFFE, v2;
	_ =	swait.ge [sflag:s15], $0x3C00  }
0x6e: {  	v2 =	vbroadcast v2, $0x0;
	[sflag:s15] =	ssyncset.done $0x0  }
0x6f: {  	s30 =	rddreg [dreg:$0x16];
	[sflag:s15] =	ssyncadd.s32 $0xFFFFC400  }
0x70: {  	[tilespmem:s18], [sflag:$0x3] =	stream.linear.gather [hbm4b:s30+s1], $0x78, $0x38;
	[tilespmem:$0x1FB80] =	vst v63  }
0x71: {  	s4 =	rddreg [dreg:$0x19]  }
0x72: {  	[tilespmem:s14], [sflag:$0x3] =	stream.linear.gather [hbm4b:s4+s1], $0x78, $0x38;
	[tilespmem:$0x1FB80] =	vst v63  }
0x73: {  	v1 =	vld.idx.msk [tilespmem:v1+s22+$0x0], $0xffff  }
0x74: {  	s5 =	simm.s32 $0x1;
	s1 =	simm.s32 $0x580;
	v2 =	vld.idx.msk [tilespmem:v2+s22+$0x0], $0xffff  }
0x75: {  	v3 =	vmov s5;
	v4 =	vld [tilespmem:s1+$0x70]  }
0x76: {  	v3 =	vand.u32 $0xFFFFFFFD, v3;
	v5 =	vld [tilespmem:s1+$0xFFFFFF00]  }
0x77: {  	v3 =	vbroadcast v3, $0x0;
	v6 =	vld [tilespmem:s1+$0xFFFFFF10]  }
0x78: {  	v7 =	vld [tilespmem:s1+$0xFFFFFF20]  }
0x79: {  	v8 =	vld [tilespmem:s1+$0xFFFFFF30]  }
0x7a: {  	v9 =	vld [tilespmem:s1+$0xFFFFFF40]  }
0x7b: {  	v10 =	vld [tilespmem:s1+$0xFFFFFF50]  }
0x7c: {  	v11 =	vld [tilespmem:s1+$0xFFFFFF60];
	v5 =	vmul.f32 v5, v1  }
0x7d: {  	v3 =	vld.idx.msk [tilespmem:v3+s22+$0x0], $0xffff;
	v4 =	vmul.f32 v4, v2  }
0x7e: {  	v13 =	vld [tilespmem:s1+$0x40];
	[tilespmem:s1+$0xFFFFFF00] =	vst v5;
	v5 =	vmul.f32 v6, v1  }
0x7f: {  	v6 =	vld [tilespmem:s1+$0xFFFFFF70];
	[tilespmem:s1+$0x70] =	vst v4;
	v4 =	vmul.f32 v7, v1  }
0x80: {  	v7 =	vld [tilespmem:s1+$0xFFFFFF80];
	[tilespmem:s1+$0xFFFFFF10] =	vst v5;
	v5 =	vmul.f32 v8, v1  }
0x81: {  	v8 =	vld [tilespmem:s1+$0xFFFFFF90];
	[tilespmem:s1+$0xFFFFFF20] =	vst v4;
	v4 =	vmul.f32 v9, v1  }
0x82: {  	v9 =	vld [tilespmem:s1+$0xFFFFFFA0];
	[tilespmem:s1+$0xFFFFFF30] =	vst v5;
	v5 =	vmul.f32 v10, v1  }
0x83: {  	v10 =	vld [tilespmem:s1+$0xFFFFFFB0];
	[tilespmem:s1+$0xFFFFFF40] =	vst v4;
	v4 =	vmul.f32 v11, v1  }
0x84: {  	v11 =	vld [tilespmem:s1+$0xFFFFFFC0];
	v6 =	vmul.f32 v6, v1;
	[tilespmem:s1+$0xFFFFFF50] =	vst v5  }
0x85: {  	v5 =	vmul.f32 v7, v3;
	v7 =	vld [tilespmem:s1+$0xFFFFFFD0];
	[tilespmem:s1+$0xFFFFFF60] =	vst v4  }
0x86: {  	s8 =	simm.s32 $0x3;
	v4 =	vld [tilespmem:s1+$0xFFFFFFE0];
	v8 =	vmul.f32 v8, v3;
	[tilespmem:s1+$0xFFFFFF70] =	vst v6  }
0x87: {  	v12 =	vmov s8;
	v6 =	vld [tilespmem:s1+$0xFFFFFFF0];
	[tilespmem:s1+$0xFFFFFF80] =	vst v5;
	v5 =	vmul.f32 v9, v3  }
0x88: {  	v9 =	vld [tilespmem:s1+$0x0];
	[tilespmem:s1+$0xFFFFFF90] =	vst v8;
	v8 =	vmul.f32 v10, v3  }
0x89: {  	v10 =	vld [tilespmem:s1+$0x10];
	[tilespmem:s1+$0xFFFFFFA0] =	vst v5;
	v5 =	vmul.f32 v11, v3  }
0x8a: {  	[tilespmem:s1+$0xFFFFFFB0] =	vst v8;
	v7 =	vmul.f32 v7, v3;
	v8 =	vld [tilespmem:s1+$0x20]  }
0x8b: {  	v11 =	vld [tilespmem:s1+$0x30];
	v4 =	vmul.f32 v4, v3;
	[tilespmem:s1+$0xFFFFFFC0] =	vst v5  }
0x8c: {  	v1 =	vld.idx.msk [tilespmem:v12+s22+$0x0], $0xffff;
	v3 =	vmul.f32 v6, v3;
	[tilespmem:s1+$0xFFFFFFD0] =	vst v7  }
0x8d: {  	[tilespmem:s1+$0xFFFFFFE0] =	vst v4;
	v5 =	vmul.f32 v9, v2;
	v4 =	vld [tilespmem:s1+$0x50]  }
0x8e: {  	s12 =	simm.s32 $0x4;
	[tilespmem:s1+$0xFFFFFFF0] =	vst v3;
	v6 =	vmul.f32 v10, v2;
	v3 =	vld [tilespmem:s1+$0x60]  }
0x8f: {  	s23 =	simm.s32 $0x7;
	v7 =	vmov s12;
	[tilespmem:s1+$0x0] =	vst v5;
	v9 =	vmul.f32 v8, v2;
	v8 =	vld [tilespmem:s1+$0x80]  }
0x90: {  	s30 =	simm.s32 $0x5;
	v12 =	vand.u32 $0xFFFFFFFC, v7;
	v7 =	vld [tilespmem:s1+$0x90];
	v5 =	vmov s23;
	v10 =	vmul.f32 v11, v2;
	[tilespmem:s1+$0x10] =	vst v6  }
0x91: {  	s3 =	simm.s32 $0x580;
	s5 =	simm.s32 $0x8;
	s4 =	simm.s32 $0x6;
	v11 =	vmul.f32 v13, v2;
	v6 =	vbroadcast v12, $0x0;
	v12 =	vmov s30;
	[tilespmem:s1+$0x20] =	vst v9;
	v9 =	vld [tilespmem:s1+$0xA0]  }
.LBB2_6:
0x92: {  	p1 =	slt.u32 s5, $0x74;
	v12 =	vand.u32 $0xFFFFFFFD, v12;
	v13 =	vmov s4;
	[tilespmem:s1+$0x30] =	vst v10;
	v4 =	vmul.f32 v4, v2;
	v10 =	vld [tilespmem:s1+$0xB0]  }
0x93: {  	v12 =	vbroadcast v12, $0x0;
	v13 =	vand.u32 $0xFFFFFFFE, v13;
	[tilespmem:s1+$0x40] =	vst v11;
	v2 =	vmul.f32 v3, v2;
	v3 =	vld [tilespmem:s1+$0xC0]  }
0x94: {  	v11 =	vbroadcast v13, $0x0;
	[tilespmem:s1+$0x50] =	vst v4;
	v4 =	vmul.f32 v8, v1;
	v8 =	vld [tilespmem:s1+$0xD0]  }
0x95: {  	[tilespmem:s1+$0x60] =	vst v2;
	v2 =	vmul.f32 v7, v1;
	v7 =	vld [tilespmem:s1+$0xE0]  }
0x96: {  	[tilespmem:s1+$0x80] =	vst v4;
	v4 =	vmul.f32 v9, v1;
	v9 =	vld [tilespmem:s1+$0xF0]  }
0x97: {  	v5 =	vld.idx.msk [tilespmem:v5+s22+$0x0], $0xffff;
	[tilespmem:s1+$0x90] =	vst v2;
	v2 =	vmul.f32 v10, v1  }
0x98: {  	v6 =	vld.idx.msk [tilespmem:v6+s22+$0x0], $0xffff;
	[tilespmem:s1+$0xA0] =	vst v4;
	v3 =	vmul.f32 v3, v1  }
0x99: {  	v4 =	vld.idx.msk [tilespmem:v12+s22+$0x0], $0xffff;
	[tilespmem:s1+$0xB0] =	vst v2;
	v8 =	vmul.f32 v8, v1  }
0x9a: {  	s1 =	sadd.s32 $0x200, s1;
	v2 =	vld.idx.msk [tilespmem:v11+s22+$0x0], $0xffff;
	[tilespmem:s3+$0xC0] =	vst v3;
	v3 =	vmul.f32 v7, v1  }
0x9b: {  	v7 =	vld [tilespmem:s1+$0x70];
	[tilespmem:s3+$0xD0] =	vst v8;
	v9 =	vmul.f32 v9, v1  }
0x9c: {  	v8 =	vld [tilespmem:s1+$0xFFFFFF00];
	[tilespmem:s3+$0xE0] =	vst v3  }
0x9d: {  	v1 =	vmov v5;
	v3 =	vld [tilespmem:s1+$0xFFFFFF10];
	[tilespmem:s3+$0xF0] =	vst v9;
	s3 =	smov.u32 s1  }
0x9e: {  	v5 =	vld [tilespmem:s1+$0xFFFFFF20]  }
0x9f: {  	v9 =	vld [tilespmem:s1+$0xFFFFFF30]  }
0xa0: {  	v10 =	vld [tilespmem:s1+$0xFFFFFF40];
	v7 =	vmul.f32 v7, v2  }
0xa1: {  	v8 =	vmul.f32 v8, v6;
	v11 =	vld [tilespmem:s1+$0xFFFFFF50]  }
0xa2: {  	v3 =	vmul.f32 v3, v6;
	v12 =	vld [tilespmem:s1+$0xFFFFFF60];
	[tilespmem:s1+$0x70] =	vst v7  }
0xa3: {  	[tilespmem:s1+$0xFFFFFF00] =	vst v8;
	v5 =	vmul.f32 v5, v6;
	v7 =	vld [tilespmem:s1+$0xFFFFFF70]  }
0xa4: {  	[tilespmem:s1+$0xFFFFFF10] =	vst v3;
	v3 =	vmul.f32 v9, v6;
	v8 =	vld [tilespmem:s1+$0xFFFFFF80]  }
0xa5: {  	[tilespmem:s1+$0xFFFFFF20] =	vst v5;
	v5 =	vmul.f32 v10, v6;
	v9 =	vld [tilespmem:s1+$0xFFFFFF90]  }
0xa6: {  	[tilespmem:s1+$0xFFFFFF30] =	vst v3;
	v3 =	vmul.f32 v11, v6;
	v10 =	vld [tilespmem:s1+$0xFFFFFFA0]  }
0xa7: {  	[tilespmem:s1+$0xFFFFFF40] =	vst v5;
	v5 =	vmul.f32 v12, v6;
	v11 =	vld [tilespmem:s1+$0xFFFFFFB0]  }
0xa8: {  	[tilespmem:s1+$0xFFFFFF50] =	vst v3;
	v3 =	vmul.f32 v7, v6;
	v6 =	vld [tilespmem:s1+$0xFFFFFFC0]  }
0xa9: {  	[tilespmem:s1+$0xFFFFFF60] =	vst v5;
	v5 =	vmul.f32 v8, v4;
	v7 =	vld [tilespmem:s1+$0xFFFFFFD0]  }
0xaa: {  	[tilespmem:s1+$0xFFFFFF70] =	vst v3;
	v3 =	vmul.f32 v9, v4;
	v8 =	vld [tilespmem:s1+$0xFFFFFFE0]  }
0xab: {  	[tilespmem:s1+$0xFFFFFF80] =	vst v5;
	v5 =	vmul.f32 v10, v4;
	v9 =	vld [tilespmem:s1+$0xFFFFFFF0]  }
0xac: {  	[tilespmem:s1+$0xFFFFFF90] =	vst v3;
	v3 =	vmul.f32 v11, v4;
	v10 =	vld [tilespmem:s1+$0x0]  }
0xad: {  	[tilespmem:s1+$0xFFFFFFA0] =	vst v5;
	v5 =	vmul.f32 v6, v4;
	v6 =	vld [tilespmem:s1+$0x10]  }
0xae: {  	[tilespmem:s1+$0xFFFFFFB0] =	vst v3;
	v3 =	vmul.f32 v7, v4;
	v7 =	vld [tilespmem:s1+$0x20]  }
0xaf: {  	[tilespmem:s1+$0xFFFFFFC0] =	vst v5;
	v5 =	vmul.f32 v8, v4;
	v11 =	vld [tilespmem:s1+$0x30]  }
0xb0: {  	[tilespmem:s1+$0xFFFFFFD0] =	vst v3;
	v3 =	vmul.f32 v9, v4;
	v9 =	vld [tilespmem:s1+$0x40]  }
.Ltmp3:
0xb1: {  	[tilespmem:s1+$0xFFFFFFE0] =	vst v5;
	v5 =	vmul.f32 v10, v2;
	v4 =	vld [tilespmem:s1+$0x50];
	(pc) =	sbr.rel @p1 .LBB2_6-.Ltmp3, $4  }
0xb2: {  	[tilespmem:s1+$0xFFFFFFF0] =	vst v3;
	v6 =	vmul.f32 v6, v2;
	v3 =	vld [tilespmem:s1+$0x60]  }
0xb3: {  	s4 =	sadd.s32 $0x3, s5;
	v10 =	vmov s5;
	[tilespmem:s1+$0x0] =	vst v5;
	v13 =	vmul.f32 v7, v2;
	v8 =	vld [tilespmem:s1+$0x80]  }
0xb4: {  	s23 =	sadd.s32 $0x1, s5;
	v12 =	vand.u32 $0xFFFFFFFC, v10;
	v5 =	vmov s4;
	[tilespmem:s1+$0x10] =	vst v6;
	v10 =	vmul.f32 v11, v2;
	v7 =	vld [tilespmem:s1+$0x90]  }
0xb5: {  	s4 =	sadd.s32 $0x2, s5;
	s5 =	sadd.s32 $0x4, s5;
	v6 =	vbroadcast v12, $0x0;
	v12 =	vmov s23;
	[tilespmem:s1+$0x20] =	vst v13;
	v11 =	vmul.f32 v9, v2;
	v9 =	vld [tilespmem:s1+$0xA0]  }
0xb6: {  	v13 =	vld [tilespmem:s1+$0xB0]  }
0xb7: {  	v15 =	vld [tilespmem:s1+$0xC0]  }
0xb8: {  	v14 =	vmov s4;
	v16 =	vld [tilespmem:s1+$0xD0]  }
0xb9: {  	v17 =	vld [tilespmem:s1+$0xE0];
	[tilespmem:s1+$0x30] =	vst v10;
	v4 =	vmul.f32 v4, v2;
	v14 =	vand.u32 $0xFFFFFFFE, v14  }
0xba: {  	v12 =	vand.u32 $0xFFFFFFFD, v12;
	v5 =	vld.idx.msk [tilespmem:v5+s22+$0x0], $0xffff;
	[tilespmem:s1+$0x40] =	vst v11;
	v2 =	vmul.f32 v3, v2;
	v14 =	vbroadcast v14, $0x0  }
0xbb: {  	s5 =	sadd.s32 $0x200, s1;
	v12 =	vbroadcast v12, $0x0;
	v3 =	vld.idx.msk [tilespmem:v6+s22+$0x0], $0xffff;
	v8 =	vmul.f32 v8, v1;
	[tilespmem:s1+$0x50] =	vst v4  }
0xbc: {  	v10 =	vld [tilespmem:s5+$0xFFFFFF00];
	v4 =	vmul.f32 v7, v1;
	[tilespmem:s1+$0x60] =	vst v2  }
0xbd: {  	[tilespmem:s1+$0x80] =	vst v8;
	v8 =	vld [tilespmem:s1+$0xF0];
	v2 =	vmul.f32 v9, v1  }
0xbe: {  	v11 =	vld [tilespmem:s5+$0xFFFFFF10];
	[tilespmem:s1+$0x90] =	vst v4;
	v4 =	vmul.f32 v13, v1  }
0xbf: {  	v9 =	vld [tilespmem:s5+$0x70];
	[tilespmem:s1+$0xA0] =	vst v2;
	v2 =	vmul.f32 v15, v1  }
0xc0: {  	[tilespmem:s1+$0xB0] =	vst v4;
	v4 =	vmul.f32 v16, v1;
	v7 =	vld.idx.msk [tilespmem:v14+s22+$0x0], $0xffff  }
0xc1: {  	v6 =	vld.idx.msk [tilespmem:v12+s22+$0x0], $0xffff;
	[tilespmem:s3+$0xC0] =	vst v2;
	v2 =	vmul.f32 v17, v1  }
0xc2: {  	v12 =	vld [tilespmem:s5+$0xFFFFFF20];
	[tilespmem:s3+$0xD0] =	vst v4;
	v1 =	vmul.f32 v8, v1  }
0xc3: {  	v4 =	vld [tilespmem:s5+$0xFFFFFF30];
	[tilespmem:s3+$0xE0] =	vst v2  }
0xc4: {  	v2 =	vld [tilespmem:s5+$0xFFFFFF40];
	[tilespmem:s3+$0xF0] =	vst v1;
	v1 =	vmul.f32 v10, v3  }
0xc5: {  	v8 =	vmul.f32 v9, v7;
	v9 =	vld [tilespmem:s5+$0xFFFFFF50]  }
0xc6: {  	v10 =	vmul.f32 v11, v3;
	v11 =	vld [tilespmem:s5+$0xFFFFFF60];
	[tilespmem:s5+$0xFFFFFF00] =	vst v1  }
0xc7: {  	v1 =	vmul.f32 v12, v3;
	[tilespmem:s5+$0x70] =	vst v8;
	v8 =	vld [tilespmem:s5+$0xFFFFFF70]  }
0xc8: {  	[tilespmem:s5+$0xFFFFFF10] =	vst v10;
	v10 =	vld [tilespmem:s5+$0xFFFFFF80];
	v4 =	vmul.f32 v4, v3  }
0xc9: {  	[tilespmem:s5+$0xFFFFFF20] =	vst v1;
	v1 =	vmul.f32 v2, v3;
	v2 =	vld [tilespmem:s5+$0xFFFFFF90]  }
0xca: {  	[tilespmem:s5+$0xFFFFFF30] =	vst v4;
	v4 =	vmul.f32 v9, v3;
	v9 =	vld [tilespmem:s5+$0xFFFFFFA0]  }
0xcb: {  	[tilespmem:s5+$0xFFFFFF40] =	vst v1;
	v1 =	vmul.f32 v11, v3;
	v11 =	vld [tilespmem:s5+$0xFFFFFFB0]  }
0xcc: {  	[tilespmem:s5+$0xFFFFFF50] =	vst v4;
	v3 =	vmul.f32 v8, v3;
	v4 =	vld [tilespmem:s5+$0xFFFFFFC0]  }
0xcd: {  	[tilespmem:s5+$0xFFFFFF60] =	vst v1;
	v1 =	vmul.f32 v10, v6;
	v8 =	vld [tilespmem:s5+$0xFFFFFFD0]  }
0xce: {  	v2 =	vmul.f32 v2, v6;
	[tilespmem:s5+$0xFFFFFF70] =	vst v3;
	v3 =	vld [tilespmem:s5+$0xFFFFFFE0]  }
0xcf: {  	[tilespmem:s5+$0xFFFFFF80] =	vst v1;
	v1 =	vmul.f32 v9, v6;
	v9 =	vld [tilespmem:s5+$0xFFFFFFF0]  }
0xd0: {  	v10 =	vld [tilespmem:s5+$0x0];
	[tilespmem:s5+$0xFFFFFF90] =	vst v2;
	v2 =	vmul.f32 v11, v6  }
0xd1: {  	[tilespmem:s5+$0xFFFFFFA0] =	vst v1;
	v1 =	vmul.f32 v4, v6;
	v4 =	vld [tilespmem:s5+$0x10]  }
0xd2: {  	[tilespmem:s5+$0xFFFFFFB0] =	vst v2;
	v2 =	vmul.f32 v8, v6;
	v8 =	vld [tilespmem:s5+$0x20]  }
0xd3: {  	[tilespmem:s5+$0xFFFFFFC0] =	vst v1;
	v1 =	vmul.f32 v3, v6;
	v3 =	vld [tilespmem:s5+$0x30]  }
0xd4: {  	[tilespmem:s5+$0xFFFFFFD0] =	vst v2;
	v2 =	vmul.f32 v9, v6;
	v6 =	vld [tilespmem:s5+$0x40]  }
0xd5: {  	v9 =	vld [tilespmem:s5+$0x50];
	[tilespmem:s5+$0xFFFFFFE0] =	vst v1;
	v1 =	vmul.f32 v10, v7  }
0xd6: {  	[tilespmem:s5+$0xFFFFFFF0] =	vst v2;
	v2 =	vmul.f32 v4, v7;
	v4 =	vld [tilespmem:s5+$0x60]  }
0xd7: {  	[tilespmem:s5+$0x0] =	vst v1;
	v1 =	vmul.f32 v8, v7;
	v8 =	vld [tilespmem:s5+$0x80]  }
0xd8: {  	[tilespmem:s5+$0x10] =	vst v2;
	v2 =	vmul.f32 v3, v7;
	v3 =	vld [tilespmem:s5+$0x90]  }
0xd9: {  	[tilespmem:s5+$0x20] =	vst v1;
	v1 =	vmul.f32 v6, v7;
	v6 =	vld [tilespmem:s5+$0xA0]  }
0xda: {  	[tilespmem:s5+$0x30] =	vst v2;
	v2 =	vmul.f32 v9, v7;
	v9 =	vld [tilespmem:s5+$0xB0]  }
0xdb: {  	[tilespmem:s5+$0x40] =	vst v1;
	v1 =	vmul.f32 v4, v7;
	v4 =	vld [tilespmem:s5+$0xC0]  }
0xdc: {  	v7 =	vld [tilespmem:s5+$0xD0];
	[tilespmem:s5+$0x50] =	vst v2;
	v2 =	vmul.f32 v8, v5  }
0xdd: {  	[tilespmem:s5+$0x60] =	vst v1;
	v1 =	vmul.f32 v3, v5;
	v3 =	vld [tilespmem:s5+$0xE0]  }
0xde: {  	[tilespmem:s5+$0x80] =	vst v2;
	v2 =	vmul.f32 v6, v5;
	v6 =	vld [tilespmem:s5+$0xF0]  }
0xdf: {  	[tilespmem:s5+$0x90] =	vst v1;
	v1 =	vmul.f32 v9, v5  }
0xe0: {  	[tilespmem:s5+$0xA0] =	vst v2;
	v2 =	vmul.f32 v4, v5  }
0xe1: {  	[tilespmem:s5+$0xB0] =	vst v1;
	v1 =	vmul.f32 v7, v5  }
0xe2: {  	[tilespmem:s5+$0xC0] =	vst v2;
	v2 =	vmul.f32 v3, v5  }
0xe3: {  	[tilespmem:s5+$0xD0] =	vst v1;
	v1 =	vmul.f32 v6, v5  }
0xe4: {  	[tilespmem:s5+$0xE0] =	vst v2  }
0xe5: {  	[tilespmem:s5+$0xF0] =	vst v1  }
0xe6: {  	_ =	swait.ge [sflag:s29], $0x78  }
0xe7: {  	[sflag:s29] =	ssyncset.done $0x0  }
0xe8: {  	s4 =	simm.s32 $0x180;
	[sflag:s29] =	ssyncadd.s32 $0xFFFFFF88  }
0xe9: {  	[spmem:s7] =	stream.indirect.scatter.add.f32 [tilespmem:s19], [sflag:$0xA], $0x80, s4, s6, $0xb8;
	[tilespmem:$0x1FB80] =	vst v63  }
0xea: {  	s5 =	simm.s32 $0x0;
	s8 =	rddreg [dreg:$0x1b]  }
0xeb: {  	[tilespmem:s9], [sflag:$0x6] =	stream.linear.gather [hbm4b:s8+s5], $0x78, $0x38;
	[tilespmem:$0x1FB80] =	vst v63  }
0xec: {  	_ =	swait.ge [sflag:s13], $0x78  }
0xed: {  	[sflag:s13] =	ssyncset.done $0x0  }
0xee: {  	[sflag:s13] =	ssyncadd.s32 $0xFFFFFF88  }
0xef: {  	_ =	swait.ge [sflag:s13], $0x78  }
0xf0: {  	[sflag:s13] =	ssyncset.done $0x0  }
0xf1: {  	s12 =	simm.s32 $0x2;
	s23 =	simm.s32 $0x7C80;
	v1 =	vmov s5;
	[sflag:s13] =	ssyncadd.s32 $0xFFFFFF88  }
0xf2: {  	v2 =	vmov s12;
	v1 =	vand.u32 $0xFFFFFFFC, v1;
	[tilespmem:s23], [sflag:$0x9] =	stream.indirect.gather [hbm4b:s0+s6], $0x80, s18, s6, $0xb8;
	[tilespmem:$0x1FB80] =	vst v63  }
0xf3: {  	v2 =	vand.u32 $0xFFFFFFFE, v2;
	v1 =	vbroadcast v1, $0x0;
	_ =	swait.ge [sflag:s24], $0x3C00  }
0xf4: {  	v2 =	vbroadcast v2, $0x0;
	[sflag:s24] =	ssyncset.done $0x0  }
0xf5: {  	s30 =	rddreg [dreg:$0x1c];
	[sflag:s24] =	ssyncadd.s32 $0xFFFFC400  }
0xf6: {  	[tilespmem:s5], [sflag:$0x1] =	stream.linear.gather [hbm4b:s30+s5], $0x78, $0x38;
	[tilespmem:$0x1FB80] =	vst v63  }
0xf7: {  	s4 =	rddreg [dreg:$0x1d]  }
0xf8: {  	[tilespmem:s22], [sflag:$0x1] =	stream.linear.gather [hbm4b:s4+s5], $0x78, $0x38;
	[tilespmem:$0x1FB80] =	vst v63  }
0xf9: {  	v1 =	vld.idx.msk [tilespmem:v1+s28+$0x0], $0xffff  }
0xfa: {  	s1 =	simm.s32 $0x4180;
	v2 =	vld.idx.msk [tilespmem:v2+s28+$0x0], $0xffff  }
0xfb: {  	v4 =	vld [tilespmem:s1+$0x70]  }
0xfc: {  	v5 =	vld [tilespmem:s1+$0xFFFFFF00]  }
0xfd: {  	s5 =	simm.s32 $0x1;
	v6 =	vld [tilespmem:s1+$0xFFFFFF10]  }
0xfe: {  	v3 =	vmov s5;
	v7 =	vld [tilespmem:s1+$0xFFFFFF20]  }
0xff: {  	v8 =	vld [tilespmem:s1+$0xFFFFFF30];
	v3 =	vand.u32 $0xFFFFFFFD, v3  }
0x100: {  	v9 =	vld [tilespmem:s1+$0xFFFFFF40];
	v3 =	vbroadcast v3, $0x0  }
0x101: {  	v10 =	vld [tilespmem:s1+$0xFFFFFF50]  }
0x102: {  	v11 =	vld [tilespmem:s1+$0xFFFFFF60];
	v5 =	vmul.f32 v5, v1  }
0x103: {  	v13 =	vld [tilespmem:s1+$0x40];
	v4 =	vmul.f32 v4, v2  }
0x104: {  	[tilespmem:s1+$0xFFFFFF00] =	vst v5;
	v5 =	vmul.f32 v6, v1;
	v6 =	vld [tilespmem:s1+$0xFFFFFF70]  }
0x105: {  	[tilespmem:s1+$0x70] =	vst v4;
	v4 =	vmul.f32 v7, v1;
	v7 =	vld [tilespmem:s1+$0xFFFFFF80]  }
0x106: {  	v3 =	vld.idx.msk [tilespmem:v3+s28+$0x0], $0xffff;
	[tilespmem:s1+$0xFFFFFF10] =	vst v5;
	v5 =	vmul.f32 v8, v1  }
0x107: {  	v8 =	vld [tilespmem:s1+$0xFFFFFF90];
	[tilespmem:s1+$0xFFFFFF20] =	vst v4;
	v4 =	vmul.f32 v9, v1  }
0x108: {  	v9 =	vld [tilespmem:s1+$0xFFFFFFA0];
	[tilespmem:s1+$0xFFFFFF30] =	vst v5;
	v5 =	vmul.f32 v10, v1  }
0x109: {  	v10 =	vld [tilespmem:s1+$0xFFFFFFB0];
	[tilespmem:s1+$0xFFFFFF40] =	vst v4;
	v4 =	vmul.f32 v11, v1  }
0x10a: {  	v11 =	vld [tilespmem:s1+$0xFFFFFFC0];
	v6 =	vmul.f32 v6, v1;
	[tilespmem:s1+$0xFFFFFF50] =	vst v5  }
0x10b: {  	v5 =	vmul.f32 v7, v3;
	v7 =	vld [tilespmem:s1+$0xFFFFFFD0];
	[tilespmem:s1+$0xFFFFFF60] =	vst v4  }
0x10c: {  	s8 =	simm.s32 $0x3;
	v4 =	vld [tilespmem:s1+$0xFFFFFFE0];
	v8 =	vmul.f32 v8, v3;
	[tilespmem:s1+$0xFFFFFF70] =	vst v6  }
0x10d: {  	v12 =	vmov s8;
	v6 =	vld [tilespmem:s1+$0xFFFFFFF0];
	[tilespmem:s1+$0xFFFFFF80] =	vst v5;
	v5 =	vmul.f32 v9, v3  }
0x10e: {  	v9 =	vld [tilespmem:s1+$0x0];
	[tilespmem:s1+$0xFFFFFF90] =	vst v8;
	v8 =	vmul.f32 v10, v3  }
0x10f: {  	v10 =	vld [tilespmem:s1+$0x10];
	[tilespmem:s1+$0xFFFFFFA0] =	vst v5;
	v5 =	vmul.f32 v11, v3  }
0x110: {  	[tilespmem:s1+$0xFFFFFFB0] =	vst v8;
	v7 =	vmul.f32 v7, v3;
	v8 =	vld [tilespmem:s1+$0x20]  }
0x111: {  	v11 =	vld [tilespmem:s1+$0x30];
	v4 =	vmul.f32 v4, v3;
	[tilespmem:s1+$0xFFFFFFC0] =	vst v5  }
0x112: {  	v1 =	vld.idx.msk [tilespmem:v12+s28+$0x0], $0xffff;
	v3 =	vmul.f32 v6, v3;
	[tilespmem:s1+$0xFFFFFFD0] =	vst v7  }
0x113: {  	[tilespmem:s1+$0xFFFFFFE0] =	vst v4;
	v5 =	vmul.f32 v9, v2;
	v4 =	vld [tilespmem:s1+$0x50]  }
0x114: {  	s12 =	simm.s32 $0x4;
	[tilespmem:s1+$0xFFFFFFF0] =	vst v3;
	v6 =	vmul.f32 v10, v2;
	v3 =	vld [tilespmem:s1+$0x60]  }
0x115: {  	s23 =	simm.s32 $0x7;
	v7 =	vmov s12;
	[tilespmem:s1+$0x0] =	vst v5;
	v9 =	vmul.f32 v8, v2;
	v8 =	vld [tilespmem:s1+$0x80]  }
0x116: {  	s30 =	simm.s32 $0x5;
	v12 =	vand.u32 $0xFFFFFFFC, v7;
	v7 =	vld [tilespmem:s1+$0x90];
	v5 =	vmov s23;
	v10 =	vmul.f32 v11, v2;
	[tilespmem:s1+$0x10] =	vst v6  }
0x117: {  	s3 =	simm.s32 $0x4180;
	s4 =	simm.s32 $0x6;
	s5 =	simm.s32 $0x8;
	v11 =	vmul.f32 v13, v2;
	v6 =	vbroadcast v12, $0x0;
	v12 =	vmov s30;
	[tilespmem:s1+$0x20] =	vst v9;
	v9 =	vld [tilespmem:s1+$0xA0]  }
.LBB2_8:
0x118: {  	p1 =	slt.u32 s5, $0x74;
	v12 =	vand.u32 $0xFFFFFFFD, v12;
	v13 =	vmov s4;
	[tilespmem:s1+$0x30] =	vst v10;
	v4 =	vmul.f32 v4, v2;
	v10 =	vld [tilespmem:s1+$0xB0]  }
0x119: {  	v12 =	vbroadcast v12, $0x0;
	v13 =	vand.u32 $0xFFFFFFFE, v13;
	[tilespmem:s1+$0x40] =	vst v11;
	v2 =	vmul.f32 v3, v2;
	v3 =	vld [tilespmem:s1+$0xC0]  }
0x11a: {  	v11 =	vbroadcast v13, $0x0;
	[tilespmem:s1+$0x50] =	vst v4;
	v4 =	vmul.f32 v8, v1;
	v8 =	vld [tilespmem:s1+$0xD0]  }
0x11b: {  	[tilespmem:s1+$0x60] =	vst v2;
	v2 =	vmul.f32 v7, v1;
	v7 =	vld [tilespmem:s1+$0xE0]  }
0x11c: {  	[tilespmem:s1+$0x80] =	vst v4;
	v4 =	vmul.f32 v9, v1;
	v9 =	vld [tilespmem:s1+$0xF0]  }
0x11d: {  	v5 =	vld.idx.msk [tilespmem:v5+s28+$0x0], $0xffff;
	[tilespmem:s1+$0x90] =	vst v2;
	v2 =	vmul.f32 v10, v1  }
0x11e: {  	v6 =	vld.idx.msk [tilespmem:v6+s28+$0x0], $0xffff;
	[tilespmem:s1+$0xA0] =	vst v4;
	v3 =	vmul.f32 v3, v1  }
0x11f: {  	v4 =	vld.idx.msk [tilespmem:v12+s28+$0x0], $0xffff;
	[tilespmem:s1+$0xB0] =	vst v2;
	v8 =	vmul.f32 v8, v1  }
0x120: {  	s1 =	sadd.s32 $0x200, s1;
	v2 =	vld.idx.msk [tilespmem:v11+s28+$0x0], $0xffff;
	[tilespmem:s3+$0xC0] =	vst v3;
	v3 =	vmul.f32 v7, v1  }
0x121: {  	v7 =	vld [tilespmem:s1+$0x70];
	[tilespmem:s3+$0xD0] =	vst v8;
	v9 =	vmul.f32 v9, v1  }
0x122: {  	v8 =	vld [tilespmem:s1+$0xFFFFFF00];
	[tilespmem:s3+$0xE0] =	vst v3  }
0x123: {  	v1 =	vmov v5;
	v3 =	vld [tilespmem:s1+$0xFFFFFF10];
	[tilespmem:s3+$0xF0] =	vst v9;
	s3 =	smov.u32 s1  }
0x124: {  	v5 =	vld [tilespmem:s1+$0xFFFFFF20]  }
0x125: {  	v9 =	vld [tilespmem:s1+$0xFFFFFF30]  }
0x126: {  	v10 =	vld [tilespmem:s1+$0xFFFFFF40];
	v7 =	vmul.f32 v7, v2  }
0x127: {  	v8 =	vmul.f32 v8, v6;
	v11 =	vld [tilespmem:s1+$0xFFFFFF50]  }
0x128: {  	v3 =	vmul.f32 v3, v6;
	v12 =	vld [tilespmem:s1+$0xFFFFFF60];
	[tilespmem:s1+$0x70] =	vst v7  }
0x129: {  	[tilespmem:s1+$0xFFFFFF00] =	vst v8;
	v5 =	vmul.f32 v5, v6;
	v7 =	vld [tilespmem:s1+$0xFFFFFF70]  }
0x12a: {  	[tilespmem:s1+$0xFFFFFF10] =	vst v3;
	v3 =	vmul.f32 v9, v6;
	v8 =	vld [tilespmem:s1+$0xFFFFFF80]  }
0x12b: {  	[tilespmem:s1+$0xFFFFFF20] =	vst v5;
	v5 =	vmul.f32 v10, v6;
	v9 =	vld [tilespmem:s1+$0xFFFFFF90]  }
0x12c: {  	[tilespmem:s1+$0xFFFFFF30] =	vst v3;
	v3 =	vmul.f32 v11, v6;
	v10 =	vld [tilespmem:s1+$0xFFFFFFA0]  }
0x12d: {  	[tilespmem:s1+$0xFFFFFF40] =	vst v5;
	v5 =	vmul.f32 v12, v6;
	v11 =	vld [tilespmem:s1+$0xFFFFFFB0]  }
0x12e: {  	[tilespmem:s1+$0xFFFFFF50] =	vst v3;
	v3 =	vmul.f32 v7, v6;
	v6 =	vld [tilespmem:s1+$0xFFFFFFC0]  }
0x12f: {  	[tilespmem:s1+$0xFFFFFF60] =	vst v5;
	v5 =	vmul.f32 v8, v4;
	v7 =	vld [tilespmem:s1+$0xFFFFFFD0]  }
0x130: {  	[tilespmem:s1+$0xFFFFFF70] =	vst v3;
	v3 =	vmul.f32 v9, v4;
	v8 =	vld [tilespmem:s1+$0xFFFFFFE0]  }
0x131: {  	[tilespmem:s1+$0xFFFFFF80] =	vst v5;
	v5 =	vmul.f32 v10, v4;
	v9 =	vld [tilespmem:s1+$0xFFFFFFF0]  }
0x132: {  	[tilespmem:s1+$0xFFFFFF90] =	vst v3;
	v3 =	vmul.f32 v11, v4;
	v10 =	vld [tilespmem:s1+$0x0]  }
0x133: {  	[tilespmem:s1+$0xFFFFFFA0] =	vst v5;
	v5 =	vmul.f32 v6, v4;
	v6 =	vld [tilespmem:s1+$0x10]  }
0x134: {  	[tilespmem:s1+$0xFFFFFFB0] =	vst v3;
	v3 =	vmul.f32 v7, v4;
	v7 =	vld [tilespmem:s1+$0x20]  }
0x135: {  	[tilespmem:s1+$0xFFFFFFC0] =	vst v5;
	v5 =	vmul.f32 v8, v4;
	v11 =	vld [tilespmem:s1+$0x30]  }
0x136: {  	[tilespmem:s1+$0xFFFFFFD0] =	vst v3;
	v3 =	vmul.f32 v9, v4;
	v9 =	vld [tilespmem:s1+$0x40]  }
.Ltmp4:
0x137: {  	[tilespmem:s1+$0xFFFFFFE0] =	vst v5;
	v5 =	vmul.f32 v10, v2;
	v4 =	vld [tilespmem:s1+$0x50];
	(pc) =	sbr.rel @p1 .LBB2_8-.Ltmp4, $4  }
0x138: {  	[tilespmem:s1+$0xFFFFFFF0] =	vst v3;
	v6 =	vmul.f32 v6, v2;
	v3 =	vld [tilespmem:s1+$0x60]  }
0x139: {  	s4 =	sadd.s32 $0x3, s5;
	v10 =	vmov s5;
	[tilespmem:s1+$0x0] =	vst v5;
	v13 =	vmul.f32 v7, v2;
	v8 =	vld [tilespmem:s1+$0x80]  }
0x13a: {  	s23 =	sadd.s32 $0x1, s5;
	v12 =	vand.u32 $0xFFFFFFFC, v10;
	v5 =	vmov s4;
	[tilespmem:s1+$0x10] =	vst v6;
	v10 =	vmul.f32 v11, v2;
	v7 =	vld [tilespmem:s1+$0x90]  }
0x13b: {  	s4 =	sadd.s32 $0x2, s5;
	s5 =	sadd.s32 $0x4, s5;
	v6 =	vbroadcast v12, $0x0;
	v12 =	vmov s23;
	[tilespmem:s1+$0x20] =	vst v13;
	v11 =	vmul.f32 v9, v2;
	v9 =	vld [tilespmem:s1+$0xA0]  }
0x13c: {  	v13 =	vld [tilespmem:s1+$0xB0]  }
0x13d: {  	v15 =	vld [tilespmem:s1+$0xC0]  }
0x13e: {  	v16 =	vld [tilespmem:s1+$0xD0]  }
0x13f: {  	v17 =	vld [tilespmem:s1+$0xE0]  }
0x140: {  	v29 =	vld [tilespmem:s1+$0xF0];
	[tilespmem:s1+$0x30] =	vst v10;
	v4 =	vmul.f32 v4, v2  }
0x141: {  	v5 =	vld.idx.msk [tilespmem:v5+s28+$0x0], $0xffff;
	[tilespmem:s1+$0x40] =	vst v11;
	v2 =	vmul.f32 v3, v2  }
0x142: {  	s5 =	sadd.s32 $0x200, s1;
	v3 =	vld.idx.msk [tilespmem:v6+s28+$0x0], $0xffff;
	v8 =	vmul.f32 v8, v1;
	[tilespmem:s1+$0x50] =	vst v4  }
0x143: {  	v14 =	vmov s4;
	v34 =	vld [tilespmem:s5+$0x70];
	v30 =	vmul.f32 v7, v1;
	[tilespmem:s1+$0x60] =	vst v2  }
0x144: {  	v14 =	vand.u32 $0xFFFFFFFE, v14;
	v35 =	vld [tilespmem:s5+$0xFFFFFF00];
	[tilespmem:s1+$0x80] =	vst v8;
	v2 =	vmul.f32 v9, v1  }
0x145: {  	v37 =	vld [tilespmem:s5+$0xFFFFFF10];
	v14 =	vbroadcast v14, $0x0;
	[tilespmem:s1+$0x90] =	vst v30;
	v33 =	vmul.f32 v13, v1  }
0x146: {  	v38 =	vld [tilespmem:s5+$0xFFFFFF20];
	[tilespmem:s1+$0xA0] =	vst v2;
	v2 =	vmul.f32 v15, v1  }
0x147: {  	v12 =	vand.u32 $0xFFFFFFFD, v12;
	v39 =	vld [tilespmem:s5+$0xFFFFFF30];
	v36 =	vmul.f32 v16, v1;
	[tilespmem:s1+$0xB0] =	vst v33  }
0x148: {  	v12 =	vbroadcast v12, $0x0;
	v41 =	vld [tilespmem:s5+$0xFFFFFF50];
	[tilespmem:s3+$0xC0] =	vst v2;
	v2 =	vmul.f32 v17, v1  }
0x149: {  	v43 =	vld [tilespmem:s5+$0xFFFFFF60];
	[tilespmem:s3+$0xD0] =	vst v36;
	v1 =	vmul.f32 v29, v1  }
0x14a: {  	v42 =	vmul.f32 v37, v3;
	[tilespmem:s3+$0xE0] =	vst v2;
	v2 =	vld [tilespmem:s5+$0xFFFFFF40]  }
0x14b: {  	v32 =	vld.idx.msk [tilespmem:v14+s28+$0x0], $0xffff;
	[tilespmem:s3+$0xF0] =	vst v1;
	v1 =	vmul.f32 v35, v3  }
0x14c: {  	v44 =	vld [tilespmem:s5+$0xFFFFFF70];
	v4 =	vmul.f32 v39, v3;
	[tilespmem:s5+$0xFFFFFF10] =	vst v42  }
0x14d: {  	v45 =	vld [tilespmem:s5+$0xFFFFFF80];
	[tilespmem:s5+$0xFFFFFF00] =	vst v1;
	v1 =	vmul.f32 v38, v3  }
0x14e: {  	v46 =	vmul.f32 v41, v3;
	v31 =	vld.idx.msk [tilespmem:v12+s28+$0x0], $0xffff;
	[tilespmem:s5+$0xFFFFFF30] =	vst v4  }
0x14f: {  	[tilespmem:s5+$0xFFFFFF20] =	vst v1;
	v1 =	vmul.f32 v2, v3;
	v2 =	vld [tilespmem:s5+$0xFFFFFF90]  }
0x150: {  	v47 =	vld [tilespmem:s5+$0xFFFFFFA0];
	[tilespmem:s5+$0xFFFFFF50] =	vst v46;
	v40 =	vmul.f32 v34, v32  }
0x151: {  	v48 =	vld [tilespmem:s5+$0xFFFFFFB0];
	[tilespmem:s5+$0xFFFFFF40] =	vst v1;
	v1 =	vmul.f32 v43, v3  }
0x152: {  	v49 =	vld [tilespmem:s5+$0xFFFFFFC0];
	[tilespmem:s5+$0x70] =	vst v40;
	v3 =	vmul.f32 v44, v3  }
0x153: {  	v50 =	vld [tilespmem:s5+$0xFFFFFFD0];
	[tilespmem:s5+$0xFFFFFF60] =	vst v1;
	v1 =	vmul.f32 v45, v31  }
0x154: {  	[tilespmem:s5+$0xFFFFFF70] =	vst v3;
	v3 =	vld [tilespmem:s5+$0xFFFFFFE0];
	v2 =	vmul.f32 v2, v31  }
0x155: {  	v51 =	vld [tilespmem:s5+$0xFFFFFFF0];
	[tilespmem:s5+$0xFFFFFF80] =	vst v1;
	v1 =	vmul.f32 v47, v31  }
0x156: {  	v52 =	vld [tilespmem:s5+$0x0];
	[tilespmem:s5+$0xFFFFFF90] =	vst v2;
	v2 =	vmul.f32 v48, v31  }
0x157: {  	v53 =	vld [tilespmem:s5+$0x10];
	[tilespmem:s5+$0xFFFFFFA0] =	vst v1;
	v1 =	vmul.f32 v49, v31  }
0x158: {  	v54 =	vld [tilespmem:s5+$0x20];
	[tilespmem:s5+$0xFFFFFFB0] =	vst v2;
	v2 =	vmul.f32 v50, v31  }
0x159: {  	[tilespmem:s5+$0xFFFFFFC0] =	vst v1;
	v1 =	vmul.f32 v3, v31;
	v3 =	vld [tilespmem:s5+$0x30]  }
0x15a: {  	v55 =	vld [tilespmem:s5+$0x40];
	[tilespmem:s5+$0xFFFFFFD0] =	vst v2;
	v2 =	vmul.f32 v51, v31  }
0x15b: {  	v56 =	vld [tilespmem:s5+$0x50];
	[tilespmem:s5+$0xFFFFFFE0] =	vst v1;
	v1 =	vmul.f32 v52, v32  }
0x15c: {  	v57 =	vld [tilespmem:s5+$0x60];
	[tilespmem:s5+$0xFFFFFFF0] =	vst v2;
	v2 =	vmul.f32 v53, v32  }
0x15d: {  	v58 =	vld [tilespmem:s5+$0x80];
	[tilespmem:s5+$0x0] =	vst v1;
	v1 =	vmul.f32 v54, v32  }
0x15e: {  	[tilespmem:s5+$0x10] =	vst v2;
	v2 =	vmul.f32 v3, v32;
	v3 =	vld [tilespmem:s5+$0x90]  }
0x15f: {  	v59 =	vld [tilespmem:s5+$0xA0];
	[tilespmem:s5+$0x20] =	vst v1;
	v1 =	vmul.f32 v55, v32  }
0x160: {  	v60 =	vld [tilespmem:s5+$0xB0];
	[tilespmem:s5+$0x30] =	vst v2;
	v2 =	vmul.f32 v56, v32  }
0x161: {  	v61 =	vld [tilespmem:s5+$0xC0];
	[tilespmem:s5+$0x40] =	vst v1;
	v1 =	vmul.f32 v57, v32  }
0x162: {  	v62 =	vld [tilespmem:s5+$0xD0];
	[tilespmem:s5+$0x50] =	vst v2;
	v2 =	vmul.f32 v58, v5  }
0x163: {  	[tilespmem:s5+$0x60] =	vst v1;
	v1 =	vmul.f32 v3, v5;
	v3 =	vld [tilespmem:s5+$0xE0]  }
0x164: {  	v63 =	vld [tilespmem:s5+$0xF0];
	[tilespmem:s5+$0x80] =	vst v2;
	v2 =	vmul.f32 v59, v5  }
0x165: {  	[tilespmem:s5+$0x90] =	vst v1;
	v1 =	vmul.f32 v60, v5  }
0x166: {  	[tilespmem:s5+$0xA0] =	vst v2;
	v2 =	vmul.f32 v61, v5  }
0x167: {  	[tilespmem:s5+$0xB0] =	vst v1;
	v1 =	vmul.f32 v62, v5  }
0x168: {  	[tilespmem:s5+$0xC0] =	vst v2;
	v2 =	vmul.f32 v3, v5  }
0x169: {  	[tilespmem:s5+$0xD0] =	vst v1;
	v1 =	vmul.f32 v63, v5  }
0x16a: {  	[tilespmem:s5+$0xE0] =	vst v2  }
0x16b: {  	[tilespmem:s5+$0xF0] =	vst v1  }
0x16c: {  	_ =	swait.ge [sflag:s25], $0x78  }
0x16d: {  	[sflag:s25] =	ssyncset.done $0x0  }
0x16e: {  	s1 =	simm.s32 $0x0;
	[sflag:s25] =	ssyncadd.s32 $0xFFFFFF88  }
0x16f: {  	[spmem:s7] =	stream.indirect.scatter.add.f32 [tilespmem:s17], [sflag:$0xB], $0x80, s16, s6, $0xb8;
	[tilespmem:$0x1FB80] =	vst v63  }
.LBB2_10:
0x170: {  	s5 =	smul.u32 $0x168, s1;
	_ =	swait.ge [sflag:s20], $0x3C00  }
0x171: {  	s12 =	rddreg [dreg:$0x1a];
	[sflag:s20] =	ssyncset.done $0x0  }
0x172: {  	s8 =	smov.u32 s1;
	s1 =	sadd.s32 s5, s12;
	[sflag:s20] =	ssyncadd.s32 $0xFFFFC400  }
0x173: {  	s1 =	sshrl.u32 s1, $0x3;
	s3 =	rddreg [dreg:$0x2]  }
0x174: {  	s4 =	simm.s32 $0x0;
	s23 =	simm.s32 $0x180;
	s1 =	sadd.s32 s3, s1  }
0x175: {  	[tilespmem:s23], [sflag:$0x4] =	stream.linear.gather [hbm4b:s1+s4], $0x78, $0x38;
	[tilespmem:$0x1FB80] =	vst v63  }
0x176: {  	_ =	swait.ge [sflag:s31], $0x78  }
0x177: {  	[sflag:s31] =	ssyncset.done $0x0  }
0x178: {  	[sflag:s31] =	ssyncadd.s32 $0xFFFFFF88  }
0x179: {  	_ =	swait.ge [sflag:s31], $0x78  }
0x17a: {  	[sflag:s31] =	ssyncset.done $0x0  }
0x17b: {  	[sflag:s31] =	ssyncadd.s32 $0xFFFFFF88  }
0x17c: {  	[tilespmem:s19], [sflag:$0x7] =	stream.indirect.gather [hbm4b:s0+s6], $0x80, s4, s6, $0xb8;
	[tilespmem:$0x1FB80] =	vst v63  }
0x17d: {  	v1 =	vmov s4;
	s3 =	simm.s32 $0x2;
	_ =	swait.ge [sflag:s26], $0x3C00  }
0x17e: {  	v1 =	vand.u32 $0xFFFFFFFC, v1;
	v2 =	vmov s3;
	s12 =	rddreg [dreg:$0x1e]  }
0x17f: {  	v1 =	vbroadcast v1, $0x0;
	v2 =	vand.u32 $0xFFFFFFFE, v2;
	[sflag:s26] =	ssyncset.done $0x0;
	s1 =	sadd.s32 s5, s12  }
0x180: {  	s30 =	smov.u32 s5;
	v2 =	vbroadcast v2, $0x0;
	[sflag:s26] =	ssyncadd.s32 $0xFFFFC400;
	s5 =	sshrl.u32 s1, $0x3  }
0x181: {  	s23 =	simm.s32 $0x80;
	s3 =	rddreg [dreg:$0x3];
	s1 =	sadd.s32 s11, s5  }
0x182: {  	[tilespmem:s23], [sflag:$0x2] =	stream.linear.gather [hbm4b:s1+s4], $0x78, $0x38;
	[tilespmem:$0x1FB80] =	vst v63  }
0x183: {  	s1 =	sadd.s32 s3, s5  }
0x184: {  	[tilespmem:s28], [sflag:$0x2] =	stream.linear.gather [hbm4b:s1+s4], $0x78, $0x38;
	[tilespmem:$0x1FB80] =	vst v63  }
0x185: {  	v1 =	vld.idx.msk [tilespmem:v1+s14+$0x0], $0xffff  }
0x186: {  	s1 =	simm.s32 $0x7D80;
	v2 =	vld.idx.msk [tilespmem:v2+s14+$0x0], $0xffff  }
0x187: {  	s12 =	smov.u32 s5;
	s5 =	simm.s32 $0x1;
	v4 =	vld [tilespmem:s1+$0x70]  }
0x188: {  	v3 =	vmov s5;
	v5 =	vld [tilespmem:s1+$0xFFFFFF00]  }
0x189: {  	v3 =	vand.u32 $0xFFFFFFFD, v3;
	v6 =	vld [tilespmem:s1+$0xFFFFFF10]  }
0x18a: {  	v3 =	vbroadcast v3, $0x0;
	v7 =	vld [tilespmem:s1+$0xFFFFFF20]  }
0x18b: {  	v8 =	vld [tilespmem:s1+$0xFFFFFF30]  }
0x18c: {  	v9 =	vld [tilespmem:s1+$0xFFFFFF40]  }
0x18d: {  	v10 =	vld [tilespmem:s1+$0xFFFFFF50]  }
0x18e: {  	v11 =	vld [tilespmem:s1+$0xFFFFFF60];
	v5 =	vmul.f32 v5, v1  }
0x18f: {  	v13 =	vld [tilespmem:s1+$0x40];
	v4 =	vmul.f32 v4, v2  }
0x190: {  	v3 =	vld.idx.msk [tilespmem:v3+s14+$0x0], $0xffff;
	[tilespmem:s1+$0xFFFFFF00] =	vst v5;
	v5 =	vmul.f32 v6, v1  }
0x191: {  	v6 =	vld [tilespmem:s1+$0xFFFFFF70];
	[tilespmem:s1+$0x70] =	vst v4;
	v4 =	vmul.f32 v7, v1  }
0x192: {  	v7 =	vld [tilespmem:s1+$0xFFFFFF80];
	[tilespmem:s1+$0xFFFFFF10] =	vst v5;
	v5 =	vmul.f32 v8, v1  }
0x193: {  	v8 =	vld [tilespmem:s1+$0xFFFFFF90];
	[tilespmem:s1+$0xFFFFFF20] =	vst v4;
	v4 =	vmul.f32 v9, v1  }
0x194: {  	v9 =	vld [tilespmem:s1+$0xFFFFFFA0];
	[tilespmem:s1+$0xFFFFFF30] =	vst v5;
	v5 =	vmul.f32 v10, v1  }
0x195: {  	v10 =	vld [tilespmem:s1+$0xFFFFFFB0];
	[tilespmem:s1+$0xFFFFFF40] =	vst v4;
	v4 =	vmul.f32 v11, v1  }
0x196: {  	v11 =	vld [tilespmem:s1+$0xFFFFFFC0];
	v6 =	vmul.f32 v6, v1;
	[tilespmem:s1+$0xFFFFFF50] =	vst v5  }
0x197: {  	v5 =	vmul.f32 v7, v3;
	v7 =	vld [tilespmem:s1+$0xFFFFFFD0];
	[tilespmem:s1+$0xFFFFFF60] =	vst v4  }
0x198: {  	s23 =	simm.s32 $0x3;
	v4 =	vld [tilespmem:s1+$0xFFFFFFE0];
	v8 =	vmul.f32 v8, v3;
	[tilespmem:s1+$0xFFFFFF70] =	vst v6  }
0x199: {  	v12 =	vmov s23;
	v6 =	vld [tilespmem:s1+$0xFFFFFFF0];
	[tilespmem:s1+$0xFFFFFF80] =	vst v5;
	v5 =	vmul.f32 v9, v3  }
0x19a: {  	v9 =	vld [tilespmem:s1+$0x0];
	[tilespmem:s1+$0xFFFFFF90] =	vst v8;
	v8 =	vmul.f32 v10, v3  }
0x19b: {  	v10 =	vld [tilespmem:s1+$0x10];
	[tilespmem:s1+$0xFFFFFFA0] =	vst v5;
	v5 =	vmul.f32 v11, v3  }
0x19c: {  	[tilespmem:s1+$0xFFFFFFB0] =	vst v8;
	v7 =	vmul.f32 v7, v3;
	v8 =	vld [tilespmem:s1+$0x20]  }
0x19d: {  	v11 =	vld [tilespmem:s1+$0x30];
	v4 =	vmul.f32 v4, v3;
	[tilespmem:s1+$0xFFFFFFC0] =	vst v5  }
0x19e: {  	v1 =	vld.idx.msk [tilespmem:v12+s14+$0x0], $0xffff;
	v3 =	vmul.f32 v6, v3;
	[tilespmem:s1+$0xFFFFFFD0] =	vst v7  }
0x19f: {  	[tilespmem:s1+$0xFFFFFFE0] =	vst v4;
	v5 =	vmul.f32 v9, v2;
	v4 =	vld [tilespmem:s1+$0x50]  }
0x1a0: {  	s4 =	simm.s32 $0x4;
	[tilespmem:s1+$0xFFFFFFF0] =	vst v3;
	v6 =	vmul.f32 v10, v2;
	v3 =	vld [tilespmem:s1+$0x60]  }
0x1a1: {  	s5 =	simm.s32 $0x7;
	v7 =	vmov s4;
	[tilespmem:s1+$0x0] =	vst v5;
	v9 =	vmul.f32 v8, v2;
	v8 =	vld [tilespmem:s1+$0x80]  }
0x1a2: {  	s23 =	simm.s32 $0x5;
	v12 =	vand.u32 $0xFFFFFFFC, v7;
	v7 =	vld [tilespmem:s1+$0x90];
	v5 =	vmov s5;
	v10 =	vmul.f32 v11, v2;
	[tilespmem:s1+$0x10] =	vst v6  }
0x1a3: {  	s3 =	simm.s32 $0x7D80;
	s4 =	simm.s32 $0x6;
	s5 =	simm.s32 $0x8;
	v11 =	vmul.f32 v13, v2;
	v6 =	vbroadcast v12, $0x0;
	v12 =	vmov s23;
	[tilespmem:s1+$0x20] =	vst v9;
	v9 =	vld [tilespmem:s1+$0xA0]  }
.LBB2_11:
0x1a4: {  	p1 =	slt.u32 s5, $0x74;
	v12 =	vand.u32 $0xFFFFFFFD, v12;
	v13 =	vmov s4;
	[tilespmem:s1+$0x30] =	vst v10;
	v4 =	vmul.f32 v4, v2;
	v10 =	vld [tilespmem:s1+$0xB0]  }
0x1a5: {  	v12 =	vbroadcast v12, $0x0;
	v13 =	vand.u32 $0xFFFFFFFE, v13;
	[tilespmem:s1+$0x40] =	vst v11;
	v2 =	vmul.f32 v3, v2;
	v3 =	vld [tilespmem:s1+$0xC0]  }
0x1a6: {  	v11 =	vbroadcast v13, $0x0;
	[tilespmem:s1+$0x50] =	vst v4;
	v4 =	vmul.f32 v8, v1;
	v8 =	vld [tilespmem:s1+$0xD0]  }
0x1a7: {  	[tilespmem:s1+$0x60] =	vst v2;
	v2 =	vmul.f32 v7, v1;
	v7 =	vld [tilespmem:s1+$0xE0]  }
0x1a8: {  	[tilespmem:s1+$0x80] =	vst v4;
	v4 =	vmul.f32 v9, v1;
	v9 =	vld [tilespmem:s1+$0xF0]  }
0x1a9: {  	v5 =	vld.idx.msk [tilespmem:v5+s14+$0x0], $0xffff;
	[tilespmem:s1+$0x90] =	vst v2;
	v2 =	vmul.f32 v10, v1  }
0x1aa: {  	v6 =	vld.idx.msk [tilespmem:v6+s14+$0x0], $0xffff;
	[tilespmem:s1+$0xA0] =	vst v4;
	v3 =	vmul.f32 v3, v1  }
0x1ab: {  	v4 =	vld.idx.msk [tilespmem:v12+s14+$0x0], $0xffff;
	[tilespmem:s1+$0xB0] =	vst v2;
	v8 =	vmul.f32 v8, v1  }
0x1ac: {  	s1 =	sadd.s32 $0x200, s1;
	v2 =	vld.idx.msk [tilespmem:v11+s14+$0x0], $0xffff;
	[tilespmem:s3+$0xC0] =	vst v3;
	v3 =	vmul.f32 v7, v1  }
0x1ad: {  	v7 =	vld [tilespmem:s1+$0x70];
	[tilespmem:s3+$0xD0] =	vst v8;
	v9 =	vmul.f32 v9, v1  }
0x1ae: {  	v8 =	vld [tilespmem:s1+$0xFFFFFF00];
	[tilespmem:s3+$0xE0] =	vst v3  }
0x1af: {  	v1 =	vmov v5;
	v3 =	vld [tilespmem:s1+$0xFFFFFF10];
	[tilespmem:s3+$0xF0] =	vst v9;
	s3 =	smov.u32 s1  }
0x1b0: {  	v5 =	vld [tilespmem:s1+$0xFFFFFF20]  }
0x1b1: {  	v9 =	vld [tilespmem:s1+$0xFFFFFF30]  }
0x1b2: {  	v10 =	vld [tilespmem:s1+$0xFFFFFF40];
	v7 =	vmul.f32 v7, v2  }
0x1b3: {  	v8 =	vmul.f32 v8, v6;
	v11 =	vld [tilespmem:s1+$0xFFFFFF50]  }
0x1b4: {  	v3 =	vmul.f32 v3, v6;
	v12 =	vld [tilespmem:s1+$0xFFFFFF60];
	[tilespmem:s1+$0x70] =	vst v7  }
0x1b5: {  	[tilespmem:s1+$0xFFFFFF00] =	vst v8;
	v5 =	vmul.f32 v5, v6;
	v7 =	vld [tilespmem:s1+$0xFFFFFF70]  }
0x1b6: {  	[tilespmem:s1+$0xFFFFFF10] =	vst v3;
	v3 =	vmul.f32 v9, v6;
	v8 =	vld [tilespmem:s1+$0xFFFFFF80]  }
0x1b7: {  	[tilespmem:s1+$0xFFFFFF20] =	vst v5;
	v5 =	vmul.f32 v10, v6;
	v9 =	vld [tilespmem:s1+$0xFFFFFF90]  }
0x1b8: {  	[tilespmem:s1+$0xFFFFFF30] =	vst v3;
	v3 =	vmul.f32 v11, v6;
	v10 =	vld [tilespmem:s1+$0xFFFFFFA0]  }
0x1b9: {  	[tilespmem:s1+$0xFFFFFF40] =	vst v5;
	v5 =	vmul.f32 v12, v6;
	v11 =	vld [tilespmem:s1+$0xFFFFFFB0]  }
0x1ba: {  	[tilespmem:s1+$0xFFFFFF50] =	vst v3;
	v3 =	vmul.f32 v7, v6;
	v6 =	vld [tilespmem:s1+$0xFFFFFFC0]  }
0x1bb: {  	[tilespmem:s1+$0xFFFFFF60] =	vst v5;
	v5 =	vmul.f32 v8, v4;
	v7 =	vld [tilespmem:s1+$0xFFFFFFD0]  }
0x1bc: {  	[tilespmem:s1+$0xFFFFFF70] =	vst v3;
	v3 =	vmul.f32 v9, v4;
	v8 =	vld [tilespmem:s1+$0xFFFFFFE0]  }
0x1bd: {  	[tilespmem:s1+$0xFFFFFF80] =	vst v5;
	v5 =	vmul.f32 v10, v4;
	v9 =	vld [tilespmem:s1+$0xFFFFFFF0]  }
0x1be: {  	[tilespmem:s1+$0xFFFFFF90] =	vst v3;
	v3 =	vmul.f32 v11, v4;
	v10 =	vld [tilespmem:s1+$0x0]  }
0x1bf: {  	[tilespmem:s1+$0xFFFFFFA0] =	vst v5;
	v5 =	vmul.f32 v6, v4;
	v6 =	vld [tilespmem:s1+$0x10]  }
0x1c0: {  	[tilespmem:s1+$0xFFFFFFB0] =	vst v3;
	v3 =	vmul.f32 v7, v4;
	v7 =	vld [tilespmem:s1+$0x20]  }
0x1c1: {  	[tilespmem:s1+$0xFFFFFFC0] =	vst v5;
	v5 =	vmul.f32 v8, v4;
	v11 =	vld [tilespmem:s1+$0x30]  }
0x1c2: {  	[tilespmem:s1+$0xFFFFFFD0] =	vst v3;
	v3 =	vmul.f32 v9, v4;
	v9 =	vld [tilespmem:s1+$0x40]  }
.Ltmp5:
0x1c3: {  	[tilespmem:s1+$0xFFFFFFE0] =	vst v5;
	v5 =	vmul.f32 v10, v2;
	v4 =	vld [tilespmem:s1+$0x50];
	(pc) =	sbr.rel @p1 .LBB2_11-.Ltmp5, $4  }
0x1c4: {  	[tilespmem:s1+$0xFFFFFFF0] =	vst v3;
	v6 =	vmul.f32 v6, v2;
	v3 =	vld [tilespmem:s1+$0x60]  }
0x1c5: {  	s4 =	sadd.s32 $0x3, s5;
	v10 =	vmov s5;
	[tilespmem:s1+$0x0] =	vst v5;
	v13 =	vmul.f32 v7, v2;
	v8 =	vld [tilespmem:s1+$0x80]  }
0x1c6: {  	s23 =	sadd.s32 $0x1, s5;
	v12 =	vand.u32 $0xFFFFFFFC, v10;
	v5 =	vmov s4;
	[tilespmem:s1+$0x10] =	vst v6;
	v10 =	vmul.f32 v11, v2;
	v7 =	vld [tilespmem:s1+$0x90]  }
0x1c7: {  	s4 =	sadd.s32 $0x2, s5;
	s5 =	sadd.s32 $0x4, s5;
	v6 =	vbroadcast v12, $0x0;
	v12 =	vmov s23;
	[tilespmem:s1+$0x20] =	vst v13;
	v11 =	vmul.f32 v9, v2;
	v9 =	vld [tilespmem:s1+$0xA0]  }
0x1c8: {  	v13 =	vld [tilespmem:s1+$0xB0]  }
0x1c9: {  	v15 =	vld [tilespmem:s1+$0xC0]  }
0x1ca: {  	v14 =	vmov s4;
	v16 =	vld [tilespmem:s1+$0xD0]  }
0x1cb: {  	v17 =	vld [tilespmem:s1+$0xE0];
	[tilespmem:s1+$0x30] =	vst v10;
	v4 =	vmul.f32 v4, v2;
	v14 =	vand.u32 $0xFFFFFFFE, v14  }
0x1cc: {  	v12 =	vand.u32 $0xFFFFFFFD, v12;
	v5 =	vld.idx.msk [tilespmem:v5+s14+$0x0], $0xffff;
	[tilespmem:s1+$0x40] =	vst v11;
	v2 =	vmul.f32 v3, v2;
	v14 =	vbroadcast v14, $0x0  }
0x1cd: {  	s5 =	sadd.s32 $0x200, s1;
	v12 =	vbroadcast v12, $0x0;
	v3 =	vld.idx.msk [tilespmem:v6+s14+$0x0], $0xffff;
	v8 =	vmul.f32 v8, v1;
	[tilespmem:s1+$0x50] =	vst v4  }
0x1ce: {  	v10 =	vld [tilespmem:s5+$0xFFFFFF00];
	v4 =	vmul.f32 v7, v1;
	[tilespmem:s1+$0x60] =	vst v2  }
0x1cf: {  	[tilespmem:s1+$0x80] =	vst v8;
	v8 =	vld [tilespmem:s1+$0xF0];
	v2 =	vmul.f32 v9, v1  }
0x1d0: {  	v11 =	vld [tilespmem:s5+$0xFFFFFF10];
	[tilespmem:s1+$0x90] =	vst v4;
	v4 =	vmul.f32 v13, v1  }
0x1d1: {  	v9 =	vld [tilespmem:s5+$0x70];
	[tilespmem:s1+$0xA0] =	vst v2;
	v2 =	vmul.f32 v15, v1  }
0x1d2: {  	[tilespmem:s1+$0xB0] =	vst v4;
	v4 =	vmul.f32 v16, v1;
	v7 =	vld.idx.msk [tilespmem:v14+s14+$0x0], $0xffff  }
0x1d3: {  	v6 =	vld.idx.msk [tilespmem:v12+s14+$0x0], $0xffff;
	[tilespmem:s3+$0xC0] =	vst v2;
	v2 =	vmul.f32 v17, v1  }
0x1d4: {  	v12 =	vld [tilespmem:s5+$0xFFFFFF20];
	[tilespmem:s3+$0xD0] =	vst v4;
	v1 =	vmul.f32 v8, v1  }
0x1d5: {  	v4 =	vld [tilespmem:s5+$0xFFFFFF30];
	[tilespmem:s3+$0xE0] =	vst v2  }
0x1d6: {  	v2 =	vld [tilespmem:s5+$0xFFFFFF40];
	[tilespmem:s3+$0xF0] =	vst v1;
	v1 =	vmul.f32 v10, v3  }
0x1d7: {  	v8 =	vmul.f32 v9, v7;
	v9 =	vld [tilespmem:s5+$0xFFFFFF50]  }
0x1d8: {  	v10 =	vmul.f32 v11, v3;
	v11 =	vld [tilespmem:s5+$0xFFFFFF60];
	[tilespmem:s5+$0xFFFFFF00] =	vst v1  }
0x1d9: {  	v1 =	vmul.f32 v12, v3;
	[tilespmem:s5+$0x70] =	vst v8;
	v8 =	vld [tilespmem:s5+$0xFFFFFF70]  }
0x1da: {  	[tilespmem:s5+$0xFFFFFF10] =	vst v10;
	v10 =	vld [tilespmem:s5+$0xFFFFFF80];
	v4 =	vmul.f32 v4, v3  }
0x1db: {  	[tilespmem:s5+$0xFFFFFF20] =	vst v1;
	v1 =	vmul.f32 v2, v3;
	v2 =	vld [tilespmem:s5+$0xFFFFFF90]  }
0x1dc: {  	[tilespmem:s5+$0xFFFFFF30] =	vst v4;
	v4 =	vmul.f32 v9, v3;
	v9 =	vld [tilespmem:s5+$0xFFFFFFA0]  }
0x1dd: {  	[tilespmem:s5+$0xFFFFFF40] =	vst v1;
	v1 =	vmul.f32 v11, v3;
	v11 =	vld [tilespmem:s5+$0xFFFFFFB0]  }
0x1de: {  	[tilespmem:s5+$0xFFFFFF50] =	vst v4;
	v3 =	vmul.f32 v8, v3;
	v4 =	vld [tilespmem:s5+$0xFFFFFFC0]  }
0x1df: {  	[tilespmem:s5+$0xFFFFFF60] =	vst v1;
	v1 =	vmul.f32 v10, v6;
	v8 =	vld [tilespmem:s5+$0xFFFFFFD0]  }
0x1e0: {  	v2 =	vmul.f32 v2, v6;
	[tilespmem:s5+$0xFFFFFF70] =	vst v3;
	v3 =	vld [tilespmem:s5+$0xFFFFFFE0]  }
0x1e1: {  	[tilespmem:s5+$0xFFFFFF80] =	vst v1;
	v1 =	vmul.f32 v9, v6;
	v9 =	vld [tilespmem:s5+$0xFFFFFFF0]  }
0x1e2: {  	v10 =	vld [tilespmem:s5+$0x0];
	[tilespmem:s5+$0xFFFFFF90] =	vst v2;
	v2 =	vmul.f32 v11, v6  }
0x1e3: {  	[tilespmem:s5+$0xFFFFFFA0] =	vst v1;
	v1 =	vmul.f32 v4, v6;
	v4 =	vld [tilespmem:s5+$0x10]  }
0x1e4: {  	[tilespmem:s5+$0xFFFFFFB0] =	vst v2;
	v2 =	vmul.f32 v8, v6;
	v8 =	vld [tilespmem:s5+$0x20]  }
0x1e5: {  	[tilespmem:s5+$0xFFFFFFC0] =	vst v1;
	v1 =	vmul.f32 v3, v6;
	v3 =	vld [tilespmem:s5+$0x30]  }
0x1e6: {  	[tilespmem:s5+$0xFFFFFFD0] =	vst v2;
	v2 =	vmul.f32 v9, v6;
	v6 =	vld [tilespmem:s5+$0x40]  }
0x1e7: {  	v9 =	vld [tilespmem:s5+$0x50];
	[tilespmem:s5+$0xFFFFFFE0] =	vst v1;
	v1 =	vmul.f32 v10, v7  }
0x1e8: {  	[tilespmem:s5+$0xFFFFFFF0] =	vst v2;
	v2 =	vmul.f32 v4, v7;
	v4 =	vld [tilespmem:s5+$0x60]  }
0x1e9: {  	[tilespmem:s5+$0x0] =	vst v1;
	v1 =	vmul.f32 v8, v7;
	v8 =	vld [tilespmem:s5+$0x80]  }
0x1ea: {  	[tilespmem:s5+$0x10] =	vst v2;
	v2 =	vmul.f32 v3, v7;
	v3 =	vld [tilespmem:s5+$0x90]  }
0x1eb: {  	[tilespmem:s5+$0x20] =	vst v1;
	v1 =	vmul.f32 v6, v7;
	v6 =	vld [tilespmem:s5+$0xA0]  }
0x1ec: {  	[tilespmem:s5+$0x30] =	vst v2;
	v2 =	vmul.f32 v9, v7;
	v9 =	vld [tilespmem:s5+$0xB0]  }
0x1ed: {  	[tilespmem:s5+$0x40] =	vst v1;
	v1 =	vmul.f32 v4, v7;
	v4 =	vld [tilespmem:s5+$0xC0]  }
0x1ee: {  	v7 =	vld [tilespmem:s5+$0xD0];
	[tilespmem:s5+$0x50] =	vst v2;
	v2 =	vmul.f32 v8, v5  }
0x1ef: {  	[tilespmem:s5+$0x60] =	vst v1;
	v1 =	vmul.f32 v3, v5;
	v3 =	vld [tilespmem:s5+$0xE0]  }
0x1f0: {  	[tilespmem:s5+$0x80] =	vst v2;
	v2 =	vmul.f32 v6, v5;
	v6 =	vld [tilespmem:s5+$0xF0]  }
0x1f1: {  	[tilespmem:s5+$0x90] =	vst v1;
	v1 =	vmul.f32 v9, v5  }
0x1f2: {  	[tilespmem:s5+$0xA0] =	vst v2;
	v2 =	vmul.f32 v4, v5  }
0x1f3: {  	[tilespmem:s5+$0xB0] =	vst v1;
	v1 =	vmul.f32 v7, v5  }
0x1f4: {  	[tilespmem:s5+$0xC0] =	vst v2;
	v2 =	vmul.f32 v3, v5  }
0x1f5: {  	[tilespmem:s5+$0xD0] =	vst v1;
	v1 =	vmul.f32 v6, v5  }
0x1f6: {  	[tilespmem:s5+$0xE0] =	vst v2  }
0x1f7: {  	[tilespmem:s5+$0xF0] =	vst v1  }
0x1f8: {  	_ =	swait.ge [sflag:s2], $0x78  }
0x1f9: {  	[sflag:s2] =	ssyncset.done $0x0  }
0x1fa: {  	s4 =	simm.s32 $0xB;
	s3 =	simm.s32 $0x7C80;
	[sflag:s2] =	ssyncadd.s32 $0xFFFFFF88  }
0x1fb: {  	[spmem:s7] =	stream.indirect.scatter.add.f32 [tilespmem:s3], [sflag:$0xC], $0x80, s9, s6, $0xb8;
	[tilespmem:$0x1FB80] =	vst v63  }
0x1fc: {  	_ =	swait.ge [sflag:s4], $0x3C00  }
0x1fd: {  	[sflag:s4] =	ssyncset.done $0x0  }
0x1fe: {  	[sflag:s4] =	ssyncadd.s32 $0xFFFFC400  }
0x1ff: {  	s1 =	rddreg [dreg:$0x2]  }
0x200: {  	s3 =	simm.s32 $0x0;
	s1 =	sadd.s32 s1, s12  }
0x201: {  	[tilespmem:s16], [sflag:$0x5] =	stream.linear.gather [hbm4b:s1+s3], $0x78, $0x38;
	[tilespmem:$0x1FB80] =	vst v63  }
0x202: {  	_ =	swait.ge [sflag:s10], $0x78  }
0x203: {  	[sflag:s10] =	ssyncset.done $0x0  }
0x204: {  	[sflag:s10] =	ssyncadd.s32 $0xFFFFFF88  }
0x205: {  	_ =	swait.ge [sflag:s10], $0x78  }
0x206: {  	[sflag:s10] =	ssyncset.done $0x0  }
0x207: {  	s12 =	simm.s32 $0x80;
	[sflag:s10] =	ssyncadd.s32 $0xFFFFFF88  }
0x208: {  	[tilespmem:s17], [sflag:$0x8] =	stream.indirect.gather [hbm4b:s0+s6], $0x80, s12, s6, $0xb8;
	[tilespmem:$0x1FB80] =	vst v63  }
0x209: {  	s5 =	simm.s32 $0x2;
	v1 =	vmov s3;
	_ =	swait.ge [sflag:s15], $0x3C00  }
0x20a: {  	v2 =	vmov s5;
	v1 =	vand.u32 $0xFFFFFFFC, v1;
	s23 =	rddreg [dreg:$0x1f]  }
0x20b: {  	v2 =	vand.u32 $0xFFFFFFFE, v2;
	v1 =	vbroadcast v1, $0x0;
	[sflag:s15] =	ssyncset.done $0x0;
	s1 =	sadd.s32 s30, s23  }
0x20c: {  	v2 =	vbroadcast v2, $0x0;
	[sflag:s15] =	ssyncadd.s32 $0xFFFFC400;
	s12 =	sshrl.u32 s1, $0x3  }
0x20d: {  	s4 =	rddreg [dreg:$0x3];
	s1 =	sadd.s32 s11, s12  }
0x20e: {  	[tilespmem:s18], [sflag:$0x3] =	stream.linear.gather [hbm4b:s1+s3], $0x78, $0x38;
	[tilespmem:$0x1FB80] =	vst v63  }
0x20f: {  	s1 =	sadd.s32 s4, s12  }
0x210: {  	[tilespmem:s14], [sflag:$0x3] =	stream.linear.gather [hbm4b:s1+s3], $0x78, $0x38;
	[tilespmem:$0x1FB80] =	vst v63  }
0x211: {  	v1 =	vld.idx.msk [tilespmem:v1+s22+$0x0], $0xffff  }
0x212: {  	s5 =	simm.s32 $0x1;
	s1 =	simm.s32 $0x580;
	v2 =	vld.idx.msk [tilespmem:v2+s22+$0x0], $0xffff  }
0x213: {  	v3 =	vmov s5;
	v4 =	vld [tilespmem:s1+$0x70]  }
0x214: {  	v3 =	vand.u32 $0xFFFFFFFD, v3;
	v5 =	vld [tilespmem:s1+$0xFFFFFF00]  }
0x215: {  	v3 =	vbroadcast v3, $0x0;
	v6 =	vld [tilespmem:s1+$0xFFFFFF10]  }
0x216: {  	v7 =	vld [tilespmem:s1+$0xFFFFFF20]  }
0x217: {  	v8 =	vld [tilespmem:s1+$0xFFFFFF30]  }
0x218: {  	v9 =	vld [tilespmem:s1+$0xFFFFFF40]  }
0x219: {  	v10 =	vld [tilespmem:s1+$0xFFFFFF50]  }
0x21a: {  	v11 =	vld [tilespmem:s1+$0xFFFFFF60];
	v5 =	vmul.f32 v5, v1  }
0x21b: {  	v3 =	vld.idx.msk [tilespmem:v3+s22+$0x0], $0xffff;
	v4 =	vmul.f32 v4, v2  }
0x21c: {  	v13 =	vld [tilespmem:s1+$0x40];
	[tilespmem:s1+$0xFFFFFF00] =	vst v5;
	v5 =	vmul.f32 v6, v1  }
0x21d: {  	v6 =	vld [tilespmem:s1+$0xFFFFFF70];
	[tilespmem:s1+$0x70] =	vst v4;
	v4 =	vmul.f32 v7, v1  }
0x21e: {  	v7 =	vld [tilespmem:s1+$0xFFFFFF80];
	[tilespmem:s1+$0xFFFFFF10] =	vst v5;
	v5 =	vmul.f32 v8, v1  }
0x21f: {  	v8 =	vld [tilespmem:s1+$0xFFFFFF90];
	[tilespmem:s1+$0xFFFFFF20] =	vst v4;
	v4 =	vmul.f32 v9, v1  }
0x220: {  	v9 =	vld [tilespmem:s1+$0xFFFFFFA0];
	[tilespmem:s1+$0xFFFFFF30] =	vst v5;
	v5 =	vmul.f32 v10, v1  }
0x221: {  	v10 =	vld [tilespmem:s1+$0xFFFFFFB0];
	[tilespmem:s1+$0xFFFFFF40] =	vst v4;
	v4 =	vmul.f32 v11, v1  }
0x222: {  	v11 =	vld [tilespmem:s1+$0xFFFFFFC0];
	v6 =	vmul.f32 v6, v1;
	[tilespmem:s1+$0xFFFFFF50] =	vst v5  }
0x223: {  	v5 =	vmul.f32 v7, v3;
	v7 =	vld [tilespmem:s1+$0xFFFFFFD0];
	[tilespmem:s1+$0xFFFFFF60] =	vst v4  }
0x224: {  	s23 =	simm.s32 $0x3;
	v4 =	vld [tilespmem:s1+$0xFFFFFFE0];
	v8 =	vmul.f32 v8, v3;
	[tilespmem:s1+$0xFFFFFF70] =	vst v6  }
0x225: {  	v12 =	vmov s23;
	v6 =	vld [tilespmem:s1+$0xFFFFFFF0];
	[tilespmem:s1+$0xFFFFFF80] =	vst v5;
	v5 =	vmul.f32 v9, v3  }
0x226: {  	v9 =	vld [tilespmem:s1+$0x0];
	[tilespmem:s1+$0xFFFFFF90] =	vst v8;
	v8 =	vmul.f32 v10, v3  }
0x227: {  	v10 =	vld [tilespmem:s1+$0x10];
	[tilespmem:s1+$0xFFFFFFA0] =	vst v5;
	v5 =	vmul.f32 v11, v3  }
0x228: {  	[tilespmem:s1+$0xFFFFFFB0] =	vst v8;
	v7 =	vmul.f32 v7, v3;
	v8 =	vld [tilespmem:s1+$0x20]  }
0x229: {  	v11 =	vld [tilespmem:s1+$0x30];
	v4 =	vmul.f32 v4, v3;
	[tilespmem:s1+$0xFFFFFFC0] =	vst v5  }
0x22a: {  	v1 =	vld.idx.msk [tilespmem:v12+s22+$0x0], $0xffff;
	v3 =	vmul.f32 v6, v3;
	[tilespmem:s1+$0xFFFFFFD0] =	vst v7  }
0x22b: {  	[tilespmem:s1+$0xFFFFFFE0] =	vst v4;
	v5 =	vmul.f32 v9, v2;
	v4 =	vld [tilespmem:s1+$0x50]  }
0x22c: {  	s4 =	simm.s32 $0x4;
	[tilespmem:s1+$0xFFFFFFF0] =	vst v3;
	v6 =	vmul.f32 v10, v2;
	v3 =	vld [tilespmem:s1+$0x60]  }
0x22d: {  	s5 =	simm.s32 $0x7;
	v7 =	vmov s4;
	[tilespmem:s1+$0x0] =	vst v5;
	v9 =	vmul.f32 v8, v2;
	v8 =	vld [tilespmem:s1+$0x80]  }
0x22e: {  	s23 =	simm.s32 $0x5;
	v12 =	vand.u32 $0xFFFFFFFC, v7;
	v7 =	vld [tilespmem:s1+$0x90];
	v5 =	vmov s5;
	v10 =	vmul.f32 v11, v2;
	[tilespmem:s1+$0x10] =	vst v6  }
0x22f: {  	s3 =	simm.s32 $0x580;
	s4 =	simm.s32 $0x6;
	s5 =	simm.s32 $0x8;
	v11 =	vmul.f32 v13, v2;
	v6 =	vbroadcast v12, $0x0;
	v12 =	vmov s23;
	[tilespmem:s1+$0x20] =	vst v9;
	v9 =	vld [tilespmem:s1+$0xA0]  }
.LBB2_13:
0x230: {  	p1 =	slt.u32 s5, $0x74;
	v12 =	vand.u32 $0xFFFFFFFD, v12;
	v13 =	vmov s4;
	[tilespmem:s1+$0x30] =	vst v10;
	v4 =	vmul.f32 v4, v2;
	v10 =	vld [tilespmem:s1+$0xB0]  }
0x231: {  	v12 =	vbroadcast v12, $0x0;
	v13 =	vand.u32 $0xFFFFFFFE, v13;
	[tilespmem:s1+$0x40] =	vst v11;
	v2 =	vmul.f32 v3, v2;
	v3 =	vld [tilespmem:s1+$0xC0]  }
0x232: {  	v11 =	vbroadcast v13, $0x0;
	[tilespmem:s1+$0x50] =	vst v4;
	v4 =	vmul.f32 v8, v1;
	v8 =	vld [tilespmem:s1+$0xD0]  }
0x233: {  	[tilespmem:s1+$0x60] =	vst v2;
	v2 =	vmul.f32 v7, v1;
	v7 =	vld [tilespmem:s1+$0xE0]  }
0x234: {  	[tilespmem:s1+$0x80] =	vst v4;
	v4 =	vmul.f32 v9, v1;
	v9 =	vld [tilespmem:s1+$0xF0]  }
0x235: {  	v5 =	vld.idx.msk [tilespmem:v5+s22+$0x0], $0xffff;
	[tilespmem:s1+$0x90] =	vst v2;
	v2 =	vmul.f32 v10, v1  }
0x236: {  	v6 =	vld.idx.msk [tilespmem:v6+s22+$0x0], $0xffff;
	[tilespmem:s1+$0xA0] =	vst v4;
	v3 =	vmul.f32 v3, v1  }
0x237: {  	v4 =	vld.idx.msk [tilespmem:v12+s22+$0x0], $0xffff;
	[tilespmem:s1+$0xB0] =	vst v2;
	v8 =	vmul.f32 v8, v1  }
0x238: {  	s1 =	sadd.s32 $0x200, s1;
	v2 =	vld.idx.msk [tilespmem:v11+s22+$0x0], $0xffff;
	[tilespmem:s3+$0xC0] =	vst v3;
	v3 =	vmul.f32 v7, v1  }
0x239: {  	v7 =	vld [tilespmem:s1+$0x70];
	[tilespmem:s3+$0xD0] =	vst v8;
	v9 =	vmul.f32 v9, v1  }
0x23a: {  	v8 =	vld [tilespmem:s1+$0xFFFFFF00];
	[tilespmem:s3+$0xE0] =	vst v3  }
0x23b: {  	v1 =	vmov v5;
	v3 =	vld [tilespmem:s1+$0xFFFFFF10];
	[tilespmem:s3+$0xF0] =	vst v9;
	s3 =	smov.u32 s1  }
0x23c: {  	v5 =	vld [tilespmem:s1+$0xFFFFFF20]  }
0x23d: {  	v9 =	vld [tilespmem:s1+$0xFFFFFF30]  }
0x23e: {  	v10 =	vld [tilespmem:s1+$0xFFFFFF40];
	v7 =	vmul.f32 v7, v2  }
0x23f: {  	v8 =	vmul.f32 v8, v6;
	v11 =	vld [tilespmem:s1+$0xFFFFFF50]  }
0x240: {  	v3 =	vmul.f32 v3, v6;
	v12 =	vld [tilespmem:s1+$0xFFFFFF60];
	[tilespmem:s1+$0x70] =	vst v7  }
0x241: {  	[tilespmem:s1+$0xFFFFFF00] =	vst v8;
	v5 =	vmul.f32 v5, v6;
	v7 =	vld [tilespmem:s1+$0xFFFFFF70]  }
0x242: {  	[tilespmem:s1+$0xFFFFFF10] =	vst v3;
	v3 =	vmul.f32 v9, v6;
	v8 =	vld [tilespmem:s1+$0xFFFFFF80]  }
0x243: {  	[tilespmem:s1+$0xFFFFFF20] =	vst v5;
	v5 =	vmul.f32 v10, v6;
	v9 =	vld [tilespmem:s1+$0xFFFFFF90]  }
0x244: {  	[tilespmem:s1+$0xFFFFFF30] =	vst v3;
	v3 =	vmul.f32 v11, v6;
	v10 =	vld [tilespmem:s1+$0xFFFFFFA0]  }
0x245: {  	[tilespmem:s1+$0xFFFFFF40] =	vst v5;
	v5 =	vmul.f32 v12, v6;
	v11 =	vld [tilespmem:s1+$0xFFFFFFB0]  }
0x246: {  	[tilespmem:s1+$0xFFFFFF50] =	vst v3;
	v3 =	vmul.f32 v7, v6;
	v6 =	vld [tilespmem:s1+$0xFFFFFFC0]  }
0x247: {  	[tilespmem:s1+$0xFFFFFF60] =	vst v5;
	v5 =	vmul.f32 v8, v4;
	v7 =	vld [tilespmem:s1+$0xFFFFFFD0]  }
0x248: {  	[tilespmem:s1+$0xFFFFFF70] =	vst v3;
	v3 =	vmul.f32 v9, v4;
	v8 =	vld [tilespmem:s1+$0xFFFFFFE0]  }
0x249: {  	[tilespmem:s1+$0xFFFFFF80] =	vst v5;
	v5 =	vmul.f32 v10, v4;
	v9 =	vld [tilespmem:s1+$0xFFFFFFF0]  }
0x24a: {  	[tilespmem:s1+$0xFFFFFF90] =	vst v3;
	v3 =	vmul.f32 v11, v4;
	v10 =	vld [tilespmem:s1+$0x0]  }
0x24b: {  	[tilespmem:s1+$0xFFFFFFA0] =	vst v5;
	v5 =	vmul.f32 v6, v4;
	v6 =	vld [tilespmem:s1+$0x10]  }
0x24c: {  	[tilespmem:s1+$0xFFFFFFB0] =	vst v3;
	v3 =	vmul.f32 v7, v4;
	v7 =	vld [tilespmem:s1+$0x20]  }
0x24d: {  	[tilespmem:s1+$0xFFFFFFC0] =	vst v5;
	v5 =	vmul.f32 v8, v4;
	v11 =	vld [tilespmem:s1+$0x30]  }
0x24e: {  	[tilespmem:s1+$0xFFFFFFD0] =	vst v3;
	v3 =	vmul.f32 v9, v4;
	v9 =	vld [tilespmem:s1+$0x40]  }
.Ltmp6:
0x24f: {  	[tilespmem:s1+$0xFFFFFFE0] =	vst v5;
	v5 =	vmul.f32 v10, v2;
	v4 =	vld [tilespmem:s1+$0x50];
	(pc) =	sbr.rel @p1 .LBB2_13-.Ltmp6, $4  }
0x250: {  	[tilespmem:s1+$0xFFFFFFF0] =	vst v3;
	v6 =	vmul.f32 v6, v2;
	v3 =	vld [tilespmem:s1+$0x60]  }
0x251: {  	s4 =	sadd.s32 $0x3, s5;
	v10 =	vmov s5;
	[tilespmem:s1+$0x0] =	vst v5;
	v13 =	vmul.f32 v7, v2;
	v8 =	vld [tilespmem:s1+$0x80]  }
0x252: {  	s23 =	sadd.s32 $0x1, s5;
	v12 =	vand.u32 $0xFFFFFFFC, v10;
	v5 =	vmov s4;
	[tilespmem:s1+$0x10] =	vst v6;
	v10 =	vmul.f32 v11, v2;
	v7 =	vld [tilespmem:s1+$0x90]  }
0x253: {  	s4 =	sadd.s32 $0x2, s5;
	s5 =	sadd.s32 $0x4, s5;
	v6 =	vbroadcast v12, $0x0;
	v12 =	vmov s23;
	[tilespmem:s1+$0x20] =	vst v13;
	v11 =	vmul.f32 v9, v2;
	v9 =	vld [tilespmem:s1+$0xA0]  }
0x254: {  	v13 =	vld [tilespmem:s1+$0xB0]  }
0x255: {  	v15 =	vld [tilespmem:s1+$0xC0]  }
0x256: {  	v14 =	vmov s4;
	v16 =	vld [tilespmem:s1+$0xD0]  }
0x257: {  	v17 =	vld [tilespmem:s1+$0xE0];
	[tilespmem:s1+$0x30] =	vst v10;
	v4 =	vmul.f32 v4, v2;
	v14 =	vand.u32 $0xFFFFFFFE, v14  }
0x258: {  	v12 =	vand.u32 $0xFFFFFFFD, v12;
	v5 =	vld.idx.msk [tilespmem:v5+s22+$0x0], $0xffff;
	[tilespmem:s1+$0x40] =	vst v11;
	v2 =	vmul.f32 v3, v2;
	v14 =	vbroadcast v14, $0x0  }
0x259: {  	s5 =	sadd.s32 $0x200, s1;
	v12 =	vbroadcast v12, $0x0;
	v3 =	vld.idx.msk [tilespmem:v6+s22+$0x0], $0xffff;
	v8 =	vmul.f32 v8, v1;
	[tilespmem:s1+$0x50] =	vst v4  }
0x25a: {  	v10 =	vld [tilespmem:s5+$0xFFFFFF00];
	v4 =	vmul.f32 v7, v1;
	[tilespmem:s1+$0x60] =	vst v2  }
0x25b: {  	[tilespmem:s1+$0x80] =	vst v8;
	v8 =	vld [tilespmem:s1+$0xF0];
	v2 =	vmul.f32 v9, v1  }
0x25c: {  	v11 =	vld [tilespmem:s5+$0xFFFFFF10];
	[tilespmem:s1+$0x90] =	vst v4;
	v4 =	vmul.f32 v13, v1  }
0x25d: {  	v9 =	vld [tilespmem:s5+$0x70];
	[tilespmem:s1+$0xA0] =	vst v2;
	v2 =	vmul.f32 v15, v1  }
0x25e: {  	[tilespmem:s1+$0xB0] =	vst v4;
	v4 =	vmul.f32 v16, v1;
	v7 =	vld.idx.msk [tilespmem:v14+s22+$0x0], $0xffff  }
0x25f: {  	v6 =	vld.idx.msk [tilespmem:v12+s22+$0x0], $0xffff;
	[tilespmem:s3+$0xC0] =	vst v2;
	v2 =	vmul.f32 v17, v1  }
0x260: {  	v12 =	vld [tilespmem:s5+$0xFFFFFF20];
	[tilespmem:s3+$0xD0] =	vst v4;
	v1 =	vmul.f32 v8, v1  }
0x261: {  	v4 =	vld [tilespmem:s5+$0xFFFFFF30];
	[tilespmem:s3+$0xE0] =	vst v2  }
0x262: {  	v2 =	vld [tilespmem:s5+$0xFFFFFF40];
	[tilespmem:s3+$0xF0] =	vst v1;
	v1 =	vmul.f32 v10, v3  }
0x263: {  	v8 =	vmul.f32 v9, v7;
	v9 =	vld [tilespmem:s5+$0xFFFFFF50]  }
0x264: {  	v10 =	vmul.f32 v11, v3;
	v11 =	vld [tilespmem:s5+$0xFFFFFF60];
	[tilespmem:s5+$0xFFFFFF00] =	vst v1  }
0x265: {  	v1 =	vmul.f32 v12, v3;
	[tilespmem:s5+$0x70] =	vst v8;
	v8 =	vld [tilespmem:s5+$0xFFFFFF70]  }
0x266: {  	[tilespmem:s5+$0xFFFFFF10] =	vst v10;
	v10 =	vld [tilespmem:s5+$0xFFFFFF80];
	v4 =	vmul.f32 v4, v3  }
0x267: {  	[tilespmem:s5+$0xFFFFFF20] =	vst v1;
	v1 =	vmul.f32 v2, v3;
	v2 =	vld [tilespmem:s5+$0xFFFFFF90]  }
0x268: {  	[tilespmem:s5+$0xFFFFFF30] =	vst v4;
	v4 =	vmul.f32 v9, v3;
	v9 =	vld [tilespmem:s5+$0xFFFFFFA0]  }
0x269: {  	[tilespmem:s5+$0xFFFFFF40] =	vst v1;
	v1 =	vmul.f32 v11, v3;
	v11 =	vld [tilespmem:s5+$0xFFFFFFB0]  }
0x26a: {  	[tilespmem:s5+$0xFFFFFF50] =	vst v4;
	v3 =	vmul.f32 v8, v3;
	v4 =	vld [tilespmem:s5+$0xFFFFFFC0]  }
0x26b: {  	[tilespmem:s5+$0xFFFFFF60] =	vst v1;
	v1 =	vmul.f32 v10, v6;
	v8 =	vld [tilespmem:s5+$0xFFFFFFD0]  }
0x26c: {  	v2 =	vmul.f32 v2, v6;
	[tilespmem:s5+$0xFFFFFF70] =	vst v3;
	v3 =	vld [tilespmem:s5+$0xFFFFFFE0]  }
0x26d: {  	[tilespmem:s5+$0xFFFFFF80] =	vst v1;
	v1 =	vmul.f32 v9, v6;
	v9 =	vld [tilespmem:s5+$0xFFFFFFF0]  }
0x26e: {  	v10 =	vld [tilespmem:s5+$0x0];
	[tilespmem:s5+$0xFFFFFF90] =	vst v2;
	v2 =	vmul.f32 v11, v6  }
0x26f: {  	[tilespmem:s5+$0xFFFFFFA0] =	vst v1;
	v1 =	vmul.f32 v4, v6;
	v4 =	vld [tilespmem:s5+$0x10]  }
0x270: {  	[tilespmem:s5+$0xFFFFFFB0] =	vst v2;
	v2 =	vmul.f32 v8, v6;
	v8 =	vld [tilespmem:s5+$0x20]  }
0x271: {  	[tilespmem:s5+$0xFFFFFFC0] =	vst v1;
	v1 =	vmul.f32 v3, v6;
	v3 =	vld [tilespmem:s5+$0x30]  }
0x272: {  	[tilespmem:s5+$0xFFFFFFD0] =	vst v2;
	v2 =	vmul.f32 v9, v6;
	v6 =	vld [tilespmem:s5+$0x40]  }
0x273: {  	v9 =	vld [tilespmem:s5+$0x50];
	[tilespmem:s5+$0xFFFFFFE0] =	vst v1;
	v1 =	vmul.f32 v10, v7  }
0x274: {  	[tilespmem:s5+$0xFFFFFFF0] =	vst v2;
	v2 =	vmul.f32 v4, v7;
	v4 =	vld [tilespmem:s5+$0x60]  }
0x275: {  	[tilespmem:s5+$0x0] =	vst v1;
	v1 =	vmul.f32 v8, v7;
	v8 =	vld [tilespmem:s5+$0x80]  }
0x276: {  	[tilespmem:s5+$0x10] =	vst v2;
	v2 =	vmul.f32 v3, v7;
	v3 =	vld [tilespmem:s5+$0x90]  }
0x277: {  	[tilespmem:s5+$0x20] =	vst v1;
	v1 =	vmul.f32 v6, v7;
	v6 =	vld [tilespmem:s5+$0xA0]  }
0x278: {  	[tilespmem:s5+$0x30] =	vst v2;
	v2 =	vmul.f32 v9, v7;
	v9 =	vld [tilespmem:s5+$0xB0]  }
0x279: {  	[tilespmem:s5+$0x40] =	vst v1;
	v1 =	vmul.f32 v4, v7;
	v4 =	vld [tilespmem:s5+$0xC0]  }
0x27a: {  	v7 =	vld [tilespmem:s5+$0xD0];
	[tilespmem:s5+$0x50] =	vst v2;
	v2 =	vmul.f32 v8, v5  }
0x27b: {  	[tilespmem:s5+$0x60] =	vst v1;
	v1 =	vmul.f32 v3, v5;
	v3 =	vld [tilespmem:s5+$0xE0]  }
0x27c: {  	[tilespmem:s5+$0x80] =	vst v2;
	v2 =	vmul.f32 v6, v5;
	v6 =	vld [tilespmem:s5+$0xF0]  }
0x27d: {  	[tilespmem:s5+$0x90] =	vst v1;
	v1 =	vmul.f32 v9, v5  }
0x27e: {  	[tilespmem:s5+$0xA0] =	vst v2;
	v2 =	vmul.f32 v4, v5  }
0x27f: {  	[tilespmem:s5+$0xB0] =	vst v1;
	v1 =	vmul.f32 v7, v5  }
0x280: {  	[tilespmem:s5+$0xC0] =	vst v2;
	v2 =	vmul.f32 v3, v5  }
0x281: {  	[tilespmem:s5+$0xD0] =	vst v1;
	v1 =	vmul.f32 v6, v5  }
0x282: {  	[tilespmem:s5+$0xE0] =	vst v2  }
0x283: {  	[tilespmem:s5+$0xF0] =	vst v1  }
0x284: {  	_ =	swait.ge [sflag:s29], $0x78  }
0x285: {  	[sflag:s29] =	ssyncset.done $0x0  }
0x286: {  	s4 =	simm.s32 $0x180;
	s5 =	simm.s32 $0xC;
	[sflag:s29] =	ssyncadd.s32 $0xFFFFFF88  }
0x287: {  	[spmem:s7] =	stream.indirect.scatter.add.f32 [tilespmem:s19], [sflag:$0xA], $0x80, s4, s6, $0xb8;
	[tilespmem:$0x1FB80] =	vst v63  }
0x288: {  	_ =	swait.ge [sflag:s5], $0x3C00  }
0x289: {  	[sflag:s5] =	ssyncset.done $0x0  }
0x28a: {  	[sflag:s5] =	ssyncadd.s32 $0xFFFFC400  }
0x28b: {  	s1 =	rddreg [dreg:$0x2]  }
0x28c: {  	s3 =	simm.s32 $0x0;
	s1 =	sadd.s32 s1, s12  }
0x28d: {  	[tilespmem:s9], [sflag:$0x6] =	stream.linear.gather [hbm4b:s1+s3], $0x78, $0x38;
	[tilespmem:$0x1FB80] =	vst v63  }
0x28e: {  	_ =	swait.ge [sflag:s13], $0x78  }
0x28f: {  	[sflag:s13] =	ssyncset.done $0x0  }
0x290: {  	[sflag:s13] =	ssyncadd.s32 $0xFFFFFF88  }
0x291: {  	_ =	swait.ge [sflag:s13], $0x78  }
0x292: {  	[sflag:s13] =	ssyncset.done $0x0  }
0x293: {  	s5 =	simm.s32 $0x7C80;
	[sflag:s13] =	ssyncadd.s32 $0xFFFFFF88  }
0x294: {  	[tilespmem:s5], [sflag:$0x9] =	stream.indirect.gather [hbm4b:s0+s6], $0x80, s18, s6, $0xb8;
	[tilespmem:$0x1FB80] =	vst v63  }
0x295: {  	_ =	swait.ge [sflag:s24], $0x3C00  }
0x296: {  	s12 =	sld [smem:$0x7F1]  }
0x297: {  	s23 =	simm.s32 $0x2;
	v1 =	vmov s3  }
0x298: {  	v2 =	vmov s23;
	v1 =	vand.u32 $0xFFFFFFFC, v1  }
0x299: {  	v2 =	vand.u32 $0xFFFFFFFE, v2;
	v1 =	vbroadcast v1, $0x0;
	[sflag:s24] =	ssyncset.done $0x0;
	s1 =	sadd.s32 s30, s12  }
0x29a: {  	v2 =	vbroadcast v2, $0x0;
	[sflag:s24] =	ssyncadd.s32 $0xFFFFC400;
	s1 =	sshrl.u32 s1, $0x3  }
0x29b: {  	s30 =	rddreg [dreg:$0x3];
	s23 =	sadd.s32 s11, s1  }
0x29c: {  	[tilespmem:s3], [sflag:$0x1] =	stream.linear.gather [hbm4b:s23+s3], $0x78, $0x38;
	[tilespmem:$0x1FB80] =	vst v63  }
0x29d: {  	s1 =	sadd.s32 s30, s1  }
0x29e: {  	[tilespmem:s22], [sflag:$0x1] =	stream.linear.gather [hbm4b:s1+s3], $0x78, $0x38;
	[tilespmem:$0x1FB80] =	vst v63  }
0x29f: {  	v1 =	vld.idx.msk [tilespmem:v1+s28+$0x0], $0xffff  }
0x2a0: {  	s4 =	simm.s32 $0x1;
	s1 =	simm.s32 $0x4180;
	v2 =	vld.idx.msk [tilespmem:v2+s28+$0x0], $0xffff  }
0x2a1: {  	v3 =	vmov s4;
	v4 =	vld [tilespmem:s1+$0x70]  }
0x2a2: {  	v3 =	vand.u32 $0xFFFFFFFD, v3;
	v5 =	vld [tilespmem:s1+$0xFFFFFF00]  }
0x2a3: {  	v3 =	vbroadcast v3, $0x0;
	v6 =	vld [tilespmem:s1+$0xFFFFFF10]  }
0x2a4: {  	v7 =	vld [tilespmem:s1+$0xFFFFFF20]  }
0x2a5: {  	v8 =	vld [tilespmem:s1+$0xFFFFFF30]  }
0x2a6: {  	v9 =	vld [tilespmem:s1+$0xFFFFFF40]  }
0x2a7: {  	v10 =	vld [tilespmem:s1+$0xFFFFFF50]  }
0x2a8: {  	v11 =	vld [tilespmem:s1+$0xFFFFFF60];
	v5 =	vmul.f32 v5, v1  }
0x2a9: {  	v3 =	vld.idx.msk [tilespmem:v3+s28+$0x0], $0xffff;
	v4 =	vmul.f32 v4, v2  }
0x2aa: {  	v13 =	vld [tilespmem:s1+$0x40];
	[tilespmem:s1+$0xFFFFFF00] =	vst v5;
	v5 =	vmul.f32 v6, v1  }
0x2ab: {  	v6 =	vld [tilespmem:s1+$0xFFFFFF70];
	[tilespmem:s1+$0x70] =	vst v4;
	v4 =	vmul.f32 v7, v1  }
0x2ac: {  	v7 =	vld [tilespmem:s1+$0xFFFFFF80];
	[tilespmem:s1+$0xFFFFFF10] =	vst v5;
	v5 =	vmul.f32 v8, v1  }
0x2ad: {  	v8 =	vld [tilespmem:s1+$0xFFFFFF90];
	[tilespmem:s1+$0xFFFFFF20] =	vst v4;
	v4 =	vmul.f32 v9, v1  }
0x2ae: {  	v9 =	vld [tilespmem:s1+$0xFFFFFFA0];
	[tilespmem:s1+$0xFFFFFF30] =	vst v5;
	v5 =	vmul.f32 v10, v1  }
0x2af: {  	v10 =	vld [tilespmem:s1+$0xFFFFFFB0];
	[tilespmem:s1+$0xFFFFFF40] =	vst v4;
	v4 =	vmul.f32 v11, v1  }
0x2b0: {  	v11 =	vld [tilespmem:s1+$0xFFFFFFC0];
	v6 =	vmul.f32 v6, v1;
	[tilespmem:s1+$0xFFFFFF50] =	vst v5  }
0x2b1: {  	v5 =	vmul.f32 v7, v3;
	v7 =	vld [tilespmem:s1+$0xFFFFFFD0];
	[tilespmem:s1+$0xFFFFFF60] =	vst v4  }
0x2b2: {  	s5 =	simm.s32 $0x3;
	v4 =	vld [tilespmem:s1+$0xFFFFFFE0];
	v8 =	vmul.f32 v8, v3;
	[tilespmem:s1+$0xFFFFFF70] =	vst v6  }
0x2b3: {  	v12 =	vmov s5;
	v6 =	vld [tilespmem:s1+$0xFFFFFFF0];
	[tilespmem:s1+$0xFFFFFF80] =	vst v5;
	v5 =	vmul.f32 v9, v3  }
0x2b4: {  	v9 =	vld [tilespmem:s1+$0x0];
	[tilespmem:s1+$0xFFFFFF90] =	vst v8;
	v8 =	vmul.f32 v10, v3  }
0x2b5: {  	v10 =	vld [tilespmem:s1+$0x10];
	[tilespmem:s1+$0xFFFFFFA0] =	vst v5;
	v5 =	vmul.f32 v11, v3  }
0x2b6: {  	[tilespmem:s1+$0xFFFFFFB0] =	vst v8;
	v7 =	vmul.f32 v7, v3;
	v8 =	vld [tilespmem:s1+$0x20]  }
0x2b7: {  	v11 =	vld [tilespmem:s1+$0x30];
	v4 =	vmul.f32 v4, v3;
	[tilespmem:s1+$0xFFFFFFC0] =	vst v5  }
0x2b8: {  	v1 =	vld.idx.msk [tilespmem:v12+s28+$0x0], $0xffff;
	v3 =	vmul.f32 v6, v3;
	[tilespmem:s1+$0xFFFFFFD0] =	vst v7  }
0x2b9: {  	[tilespmem:s1+$0xFFFFFFE0] =	vst v4;
	v5 =	vmul.f32 v9, v2;
	v4 =	vld [tilespmem:s1+$0x50]  }
0x2ba: {  	s12 =	simm.s32 $0x4;
	[tilespmem:s1+$0xFFFFFFF0] =	vst v3;
	v6 =	vmul.f32 v10, v2;
	v3 =	vld [tilespmem:s1+$0x60]  }
0x2bb: {  	s23 =	simm.s32 $0x7;
	v7 =	vmov s12;
	[tilespmem:s1+$0x0] =	vst v5;
	v9 =	vmul.f32 v8, v2;
	v8 =	vld [tilespmem:s1+$0x80]  }
0x2bc: {  	s30 =	simm.s32 $0x5;
	v12 =	vand.u32 $0xFFFFFFFC, v7;
	v7 =	vld [tilespmem:s1+$0x90];
	v5 =	vmov s23;
	v10 =	vmul.f32 v11, v2;
	[tilespmem:s1+$0x10] =	vst v6  }
0x2bd: {  	s4 =	simm.s32 $0x6;
	s5 =	simm.s32 $0x8;
	s3 =	simm.s32 $0x4180;
	v11 =	vmul.f32 v13, v2;
	v6 =	vbroadcast v12, $0x0;
	v12 =	vmov s30;
	[tilespmem:s1+$0x20] =	vst v9;
	v9 =	vld [tilespmem:s1+$0xA0]  }
.LBB2_15:
0x2be: {  	p1 =	slt.u32 s5, $0x74;
	v12 =	vand.u32 $0xFFFFFFFD, v12;
	v13 =	vmov s4;
	[tilespmem:s1+$0x30] =	vst v10;
	v4 =	vmul.f32 v4, v2;
	v10 =	vld [tilespmem:s1+$0xB0]  }
0x2bf: {  	v12 =	vbroadcast v12, $0x0;
	v13 =	vand.u32 $0xFFFFFFFE, v13;
	[tilespmem:s1+$0x40] =	vst v11;
	v2 =	vmul.f32 v3, v2;
	v3 =	vld [tilespmem:s1+$0xC0]  }
0x2c0: {  	v11 =	vbroadcast v13, $0x0;
	[tilespmem:s1+$0x50] =	vst v4;
	v4 =	vmul.f32 v8, v1;
	v8 =	vld [tilespmem:s1+$0xD0]  }
0x2c1: {  	[tilespmem:s1+$0x60] =	vst v2;
	v2 =	vmul.f32 v7, v1;
	v7 =	vld [tilespmem:s1+$0xE0]  }
0x2c2: {  	[tilespmem:s1+$0x80] =	vst v4;
	v4 =	vmul.f32 v9, v1;
	v9 =	vld [tilespmem:s1+$0xF0]  }
0x2c3: {  	v5 =	vld.idx.msk [tilespmem:v5+s28+$0x0], $0xffff;
	[tilespmem:s1+$0x90] =	vst v2;
	v2 =	vmul.f32 v10, v1  }
0x2c4: {  	v6 =	vld.idx.msk [tilespmem:v6+s28+$0x0], $0xffff;
	[tilespmem:s1+$0xA0] =	vst v4;
	v3 =	vmul.f32 v3, v1  }
0x2c5: {  	v4 =	vld.idx.msk [tilespmem:v12+s28+$0x0], $0xffff;
	[tilespmem:s1+$0xB0] =	vst v2;
	v8 =	vmul.f32 v8, v1  }
0x2c6: {  	s1 =	sadd.s32 $0x200, s1;
	v2 =	vld.idx.msk [tilespmem:v11+s28+$0x0], $0xffff;
	[tilespmem:s3+$0xC0] =	vst v3;
	v3 =	vmul.f32 v7, v1  }
0x2c7: {  	v7 =	vld [tilespmem:s1+$0x70];
	[tilespmem:s3+$0xD0] =	vst v8;
	v9 =	vmul.f32 v9, v1  }
0x2c8: {  	v8 =	vld [tilespmem:s1+$0xFFFFFF00];
	[tilespmem:s3+$0xE0] =	vst v3  }
0x2c9: {  	v1 =	vmov v5;
	v3 =	vld [tilespmem:s1+$0xFFFFFF10];
	[tilespmem:s3+$0xF0] =	vst v9;
	s3 =	smov.u32 s1  }
0x2ca: {  	v5 =	vld [tilespmem:s1+$0xFFFFFF20]  }
0x2cb: {  	v9 =	vld [tilespmem:s1+$0xFFFFFF30]  }
0x2cc: {  	v10 =	vld [tilespmem:s1+$0xFFFFFF40];
	v7 =	vmul.f32 v7, v2  }
0x2cd: {  	v8 =	vmul.f32 v8, v6;
	v11 =	vld [tilespmem:s1+$0xFFFFFF50]  }
0x2ce: {  	v3 =	vmul.f32 v3, v6;
	v12 =	vld [tilespmem:s1+$0xFFFFFF60];
	[tilespmem:s1+$0x70] =	vst v7  }
0x2cf: {  	[tilespmem:s1+$0xFFFFFF00] =	vst v8;
	v5 =	vmul.f32 v5, v6;
	v7 =	vld [tilespmem:s1+$0xFFFFFF70]  }
0x2d0: {  	[tilespmem:s1+$0xFFFFFF10] =	vst v3;
	v3 =	vmul.f32 v9, v6;
	v8 =	vld [tilespmem:s1+$0xFFFFFF80]  }
0x2d1: {  	[tilespmem:s1+$0xFFFFFF20] =	vst v5;
	v5 =	vmul.f32 v10, v6;
	v9 =	vld [tilespmem:s1+$0xFFFFFF90]  }
0x2d2: {  	[tilespmem:s1+$0xFFFFFF30] =	vst v3;
	v3 =	vmul.f32 v11, v6;
	v10 =	vld [tilespmem:s1+$0xFFFFFFA0]  }
0x2d3: {  	[tilespmem:s1+$0xFFFFFF40] =	vst v5;
	v5 =	vmul.f32 v12, v6;
	v11 =	vld [tilespmem:s1+$0xFFFFFFB0]  }
0x2d4: {  	[tilespmem:s1+$0xFFFFFF50] =	vst v3;
	v3 =	vmul.f32 v7, v6;
	v6 =	vld [tilespmem:s1+$0xFFFFFFC0]  }
0x2d5: {  	[tilespmem:s1+$0xFFFFFF60] =	vst v5;
	v5 =	vmul.f32 v8, v4;
	v7 =	vld [tilespmem:s1+$0xFFFFFFD0]  }
0x2d6: {  	[tilespmem:s1+$0xFFFFFF70] =	vst v3;
	v3 =	vmul.f32 v9, v4;
	v8 =	vld [tilespmem:s1+$0xFFFFFFE0]  }
0x2d7: {  	[tilespmem:s1+$0xFFFFFF80] =	vst v5;
	v5 =	vmul.f32 v10, v4;
	v9 =	vld [tilespmem:s1+$0xFFFFFFF0]  }
0x2d8: {  	[tilespmem:s1+$0xFFFFFF90] =	vst v3;
	v3 =	vmul.f32 v11, v4;
	v10 =	vld [tilespmem:s1+$0x0]  }
0x2d9: {  	[tilespmem:s1+$0xFFFFFFA0] =	vst v5;
	v5 =	vmul.f32 v6, v4;
	v6 =	vld [tilespmem:s1+$0x10]  }
0x2da: {  	[tilespmem:s1+$0xFFFFFFB0] =	vst v3;
	v3 =	vmul.f32 v7, v4;
	v7 =	vld [tilespmem:s1+$0x20]  }
0x2db: {  	[tilespmem:s1+$0xFFFFFFC0] =	vst v5;
	v5 =	vmul.f32 v8, v4;
	v11 =	vld [tilespmem:s1+$0x30]  }
0x2dc: {  	[tilespmem:s1+$0xFFFFFFD0] =	vst v3;
	v3 =	vmul.f32 v9, v4;
	v9 =	vld [tilespmem:s1+$0x40]  }
.Ltmp7:
0x2dd: {  	[tilespmem:s1+$0xFFFFFFE0] =	vst v5;
	v5 =	vmul.f32 v10, v2;
	v4 =	vld [tilespmem:s1+$0x50];
	(pc) =	sbr.rel @p1 .LBB2_15-.Ltmp7, $4  }
0x2de: {  	[tilespmem:s1+$0xFFFFFFF0] =	vst v3;
	v6 =	vmul.f32 v6, v2;
	v3 =	vld [tilespmem:s1+$0x60]  }
0x2df: {  	s4 =	sadd.s32 $0x3, s5;
	v10 =	vmov s5;
	[tilespmem:s1+$0x0] =	vst v5;
	v13 =	vmul.f32 v7, v2;
	v8 =	vld [tilespmem:s1+$0x80]  }
0x2e0: {  	s23 =	sadd.s32 $0x1, s5;
	v12 =	vand.u32 $0xFFFFFFFC, v10;
	v5 =	vmov s4;
	[tilespmem:s1+$0x10] =	vst v6;
	v10 =	vmul.f32 v11, v2;
	v7 =	vld [tilespmem:s1+$0x90]  }
0x2e1: {  	s4 =	sadd.s32 $0x2, s5;
	s5 =	sadd.s32 $0x4, s5;
	v6 =	vbroadcast v12, $0x0;
	v12 =	vmov s23;
	[tilespmem:s1+$0x20] =	vst v13;
	v11 =	vmul.f32 v9, v2;
	v9 =	vld [tilespmem:s1+$0xA0]  }
0x2e2: {  	v13 =	vld [tilespmem:s1+$0xB0]  }
0x2e3: {  	v15 =	vld [tilespmem:s1+$0xC0]  }
0x2e4: {  	v16 =	vld [tilespmem:s1+$0xD0]  }
0x2e5: {  	v17 =	vld [tilespmem:s1+$0xE0]  }
0x2e6: {  	v29 =	vld [tilespmem:s1+$0xF0];
	[tilespmem:s1+$0x30] =	vst v10;
	v4 =	vmul.f32 v4, v2  }
0x2e7: {  	v5 =	vld.idx.msk [tilespmem:v5+s28+$0x0], $0xffff;
	[tilespmem:s1+$0x40] =	vst v11;
	v2 =	vmul.f32 v3, v2  }
0x2e8: {  	s5 =	sadd.s32 $0x200, s1;
	v3 =	vld.idx.msk [tilespmem:v6+s28+$0x0], $0xffff;
	v8 =	vmul.f32 v8, v1;
	[tilespmem:s1+$0x50] =	vst v4  }
0x2e9: {  	v14 =	vmov s4;
	v34 =	vld [tilespmem:s5+$0x70];
	v30 =	vmul.f32 v7, v1;
	[tilespmem:s1+$0x60] =	vst v2  }
0x2ea: {  	v14 =	vand.u32 $0xFFFFFFFE, v14;
	v35 =	vld [tilespmem:s5+$0xFFFFFF00];
	[tilespmem:s1+$0x80] =	vst v8;
	v2 =	vmul.f32 v9, v1  }
0x2eb: {  	v37 =	vld [tilespmem:s5+$0xFFFFFF10];
	v14 =	vbroadcast v14, $0x0;
	[tilespmem:s1+$0x90] =	vst v30;
	v33 =	vmul.f32 v13, v1  }
0x2ec: {  	v38 =	vld [tilespmem:s5+$0xFFFFFF20];
	[tilespmem:s1+$0xA0] =	vst v2;
	v2 =	vmul.f32 v15, v1  }
0x2ed: {  	v12 =	vand.u32 $0xFFFFFFFD, v12;
	v39 =	vld [tilespmem:s5+$0xFFFFFF30];
	v36 =	vmul.f32 v16, v1;
	[tilespmem:s1+$0xB0] =	vst v33  }
0x2ee: {  	v12 =	vbroadcast v12, $0x0;
	v41 =	vld [tilespmem:s5+$0xFFFFFF50];
	[tilespmem:s3+$0xC0] =	vst v2;
	v2 =	vmul.f32 v17, v1  }
0x2ef: {  	v43 =	vld [tilespmem:s5+$0xFFFFFF60];
	[tilespmem:s3+$0xD0] =	vst v36;
	v1 =	vmul.f32 v29, v1  }
0x2f0: {  	v42 =	vmul.f32 v37, v3;
	[tilespmem:s3+$0xE0] =	vst v2;
	v2 =	vld [tilespmem:s5+$0xFFFFFF40]  }
0x2f1: {  	v32 =	vld.idx.msk [tilespmem:v14+s28+$0x0], $0xffff;
	[tilespmem:s3+$0xF0] =	vst v1;
	v1 =	vmul.f32 v35, v3  }
0x2f2: {  	v44 =	vld [tilespmem:s5+$0xFFFFFF70];
	v4 =	vmul.f32 v39, v3;
	[tilespmem:s5+$0xFFFFFF10] =	vst v42  }
0x2f3: {  	v45 =	vld [tilespmem:s5+$0xFFFFFF80];
	[tilespmem:s5+$0xFFFFFF00] =	vst v1;
	v1 =	vmul.f32 v38, v3  }
0x2f4: {  	v46 =	vmul.f32 v41, v3;
	v31 =	vld.idx.msk [tilespmem:v12+s28+$0x0], $0xffff;
	[tilespmem:s5+$0xFFFFFF30] =	vst v4  }
0x2f5: {  	[tilespmem:s5+$0xFFFFFF20] =	vst v1;
	v1 =	vmul.f32 v2, v3;
	v2 =	vld [tilespmem:s5+$0xFFFFFF90]  }
0x2f6: {  	v47 =	vld [tilespmem:s5+$0xFFFFFFA0];
	[tilespmem:s5+$0xFFFFFF50] =	vst v46;
	v40 =	vmul.f32 v34, v32  }
0x2f7: {  	v48 =	vld [tilespmem:s5+$0xFFFFFFB0];
	[tilespmem:s5+$0xFFFFFF40] =	vst v1;
	v1 =	vmul.f32 v43, v3  }
0x2f8: {  	v49 =	vld [tilespmem:s5+$0xFFFFFFC0];
	[tilespmem:s5+$0x70] =	vst v40;
	v3 =	vmul.f32 v44, v3  }
0x2f9: {  	v50 =	vld [tilespmem:s5+$0xFFFFFFD0];
	[tilespmem:s5+$0xFFFFFF60] =	vst v1;
	v1 =	vmul.f32 v45, v31  }
0x2fa: {  	[tilespmem:s5+$0xFFFFFF70] =	vst v3;
	v3 =	vld [tilespmem:s5+$0xFFFFFFE0];
	v2 =	vmul.f32 v2, v31  }
0x2fb: {  	v51 =	vld [tilespmem:s5+$0xFFFFFFF0];
	[tilespmem:s5+$0xFFFFFF80] =	vst v1;
	v1 =	vmul.f32 v47, v31  }
0x2fc: {  	v52 =	vld [tilespmem:s5+$0x0];
	[tilespmem:s5+$0xFFFFFF90] =	vst v2;
	v2 =	vmul.f32 v48, v31  }
0x2fd: {  	v53 =	vld [tilespmem:s5+$0x10];
	[tilespmem:s5+$0xFFFFFFA0] =	vst v1;
	v1 =	vmul.f32 v49, v31  }
0x2fe: {  	v54 =	vld [tilespmem:s5+$0x20];
	[tilespmem:s5+$0xFFFFFFB0] =	vst v2;
	v2 =	vmul.f32 v50, v31  }
0x2ff: {  	[tilespmem:s5+$0xFFFFFFC0] =	vst v1;
	v1 =	vmul.f32 v3, v31;
	v3 =	vld [tilespmem:s5+$0x30]  }
0x300: {  	v55 =	vld [tilespmem:s5+$0x40];
	[tilespmem:s5+$0xFFFFFFD0] =	vst v2;
	v2 =	vmul.f32 v51, v31  }
0x301: {  	v56 =	vld [tilespmem:s5+$0x50];
	[tilespmem:s5+$0xFFFFFFE0] =	vst v1;
	v1 =	vmul.f32 v52, v32  }
0x302: {  	v57 =	vld [tilespmem:s5+$0x60];
	[tilespmem:s5+$0xFFFFFFF0] =	vst v2;
	v2 =	vmul.f32 v53, v32  }
0x303: {  	v58 =	vld [tilespmem:s5+$0x80];
	[tilespmem:s5+$0x0] =	vst v1;
	v1 =	vmul.f32 v54, v32  }
0x304: {  	[tilespmem:s5+$0x10] =	vst v2;
	v2 =	vmul.f32 v3, v32;
	v3 =	vld [tilespmem:s5+$0x90]  }
0x305: {  	v59 =	vld [tilespmem:s5+$0xA0];
	[tilespmem:s5+$0x20] =	vst v1;
	v1 =	vmul.f32 v55, v32  }
0x306: {  	v60 =	vld [tilespmem:s5+$0xB0];
	[tilespmem:s5+$0x30] =	vst v2;
	v2 =	vmul.f32 v56, v32  }
0x307: {  	v61 =	vld [tilespmem:s5+$0xC0];
	[tilespmem:s5+$0x40] =	vst v1;
	v1 =	vmul.f32 v57, v32  }
0x308: {  	v62 =	vld [tilespmem:s5+$0xD0];
	[tilespmem:s5+$0x50] =	vst v2;
	v2 =	vmul.f32 v58, v5  }
0x309: {  	[tilespmem:s5+$0x60] =	vst v1;
	v1 =	vmul.f32 v3, v5;
	v3 =	vld [tilespmem:s5+$0xE0]  }
0x30a: {  	v63 =	vld [tilespmem:s5+$0xF0];
	[tilespmem:s5+$0x80] =	vst v2;
	v2 =	vmul.f32 v59, v5  }
0x30b: {  	[tilespmem:s5+$0x90] =	vst v1;
	v1 =	vmul.f32 v60, v5  }
0x30c: {  	[tilespmem:s5+$0xA0] =	vst v2;
	v2 =	vmul.f32 v61, v5  }
0x30d: {  	[tilespmem:s5+$0xB0] =	vst v1;
	v1 =	vmul.f32 v62, v5  }
0x30e: {  	[tilespmem:s5+$0xC0] =	vst v2;
	v2 =	vmul.f32 v3, v5  }
0x30f: {  	s1 =	sadd.s32 $0x1, s8;
	[tilespmem:s5+$0xD0] =	vst v1;
	v1 =	vmul.f32 v63, v5  }
0x310: {  	p1 =	sne.s32 s1, $0x1B;
	[tilespmem:s5+$0xE0] =	vst v2  }
.Ltmp8:
0x311: {  	[tilespmem:s5+$0xF0] =	vst v1;
	(pc) =	sbr.rel @p1 .LBB2_10-.Ltmp8, $4  }
0x312: {  	_ =	swait.ge [sflag:s25], $0x78  }
0x313: {  	[sflag:s25] =	ssyncset.done $0x0  }
0x314: {  	[sflag:s25] =	ssyncadd.s32 $0xFFFFFF88  }
0x315: {  	[spmem:s7] =	stream.indirect.scatter.add.f32 [tilespmem:s17], [sflag:$0xB], $0x80, s16, s6, $0xb8;
	[tilespmem:$0x1FB80] =	vst v63  }
0x316: {  	_ =	swait.ge [sflag:s20], $0x3C00  }
0x317: {  	s3 =	sld [smem:$0x7FB]  }
0x318: {  	[sflag:s20] =	ssyncset.done $0x0  }
0x319: {  	s1 =	simm.s32 $0x0;
	s4 =	simm.s32 $0x180;
	[sflag:s20] =	ssyncadd.s32 $0xFFFFC400  }
0x31a: {  	[tilespmem:s4], [sflag:$0x4] =	stream.linear.gather [hbm4b:s3+s1], $0x78, $0x38;
	[tilespmem:$0x1FB80] =	vst v63  }
0x31b: {  	_ =	swait.ge [sflag:s31], $0x78  }
0x31c: {  	[sflag:s31] =	ssyncset.done $0x0  }
0x31d: {  	s18 =	simm.s32 $0x2;
	v1 =	vmov s1;
	[sflag:s31] =	ssyncadd.s32 $0xFFFFFF88  }
0x31e: {  	v2 =	vmov s18;
	v1 =	vand.u32 $0xFFFFFFFC, v1;
	_ =	swait.ge [sflag:s31], $0x78  }
0x31f: {  	v2 =	vand.u32 $0xFFFFFFFE, v2;
	v1 =	vbroadcast v1, $0x0;
	[sflag:s31] =	ssyncset.done $0x0  }
0x320: {  	v2 =	vbroadcast v2, $0x0;
	[sflag:s31] =	ssyncadd.s32 $0xFFFFFF88  }
0x321: {  	[tilespmem:s19], [sflag:$0x7] =	stream.indirect.gather [hbm4b:s0+s6], $0x80, s1, s6, $0xb8;
	[tilespmem:$0x1FB80] =	vst v63  }
0x322: {  	_ =	swait.ge [sflag:s26], $0x3C00  }
0x323: {  	[sflag:s26] =	ssyncset.done $0x0  }
0x324: {  	[sflag:s26] =	ssyncadd.s32 $0xFFFFC400  }
0x325: {  	v1 =	vld.idx.msk [tilespmem:v1+s14+$0x0], $0xffff  }
0x326: {  	s23 =	simm.s32 $0x1;
	s1 =	simm.s32 $0x7D80;
	v2 =	vld.idx.msk [tilespmem:v2+s14+$0x0], $0xffff  }
0x327: {  	v3 =	vmov s23;
	v4 =	vld [tilespmem:s1+$0x70]  }
0x328: {  	v3 =	vand.u32 $0xFFFFFFFD, v3;
	v5 =	vld [tilespmem:s1+$0xFFFFFF00]  }
0x329: {  	v3 =	vbroadcast v3, $0x0;
	v6 =	vld [tilespmem:s1+$0xFFFFFF10]  }
0x32a: {  	v7 =	vld [tilespmem:s1+$0xFFFFFF20]  }
0x32b: {  	v8 =	vld [tilespmem:s1+$0xFFFFFF30]  }
0x32c: {  	v9 =	vld [tilespmem:s1+$0xFFFFFF40]  }
0x32d: {  	v10 =	vld [tilespmem:s1+$0xFFFFFF50]  }
0x32e: {  	v11 =	vld [tilespmem:s1+$0xFFFFFF60];
	v5 =	vmul.f32 v5, v1  }
0x32f: {  	v3 =	vld.idx.msk [tilespmem:v3+s14+$0x0], $0xffff;
	v4 =	vmul.f32 v4, v2  }
0x330: {  	v13 =	vld [tilespmem:s1+$0x40];
	[tilespmem:s1+$0xFFFFFF00] =	vst v5;
	v5 =	vmul.f32 v6, v1  }
0x331: {  	v6 =	vld [tilespmem:s1+$0xFFFFFF70];
	[tilespmem:s1+$0x70] =	vst v4;
	v4 =	vmul.f32 v7, v1  }
0x332: {  	v7 =	vld [tilespmem:s1+$0xFFFFFF80];
	[tilespmem:s1+$0xFFFFFF10] =	vst v5;
	v5 =	vmul.f32 v8, v1  }
0x333: {  	v8 =	vld [tilespmem:s1+$0xFFFFFF90];
	[tilespmem:s1+$0xFFFFFF20] =	vst v4;
	v4 =	vmul.f32 v9, v1  }
0x334: {  	v9 =	vld [tilespmem:s1+$0xFFFFFFA0];
	[tilespmem:s1+$0xFFFFFF30] =	vst v5;
	v5 =	vmul.f32 v10, v1  }
0x335: {  	v10 =	vld [tilespmem:s1+$0xFFFFFFB0];
	[tilespmem:s1+$0xFFFFFF40] =	vst v4;
	v4 =	vmul.f32 v11, v1  }
0x336: {  	v11 =	vld [tilespmem:s1+$0xFFFFFFC0];
	v6 =	vmul.f32 v6, v1;
	[tilespmem:s1+$0xFFFFFF50] =	vst v5  }
0x337: {  	v5 =	vmul.f32 v7, v3;
	v7 =	vld [tilespmem:s1+$0xFFFFFFD0];
	[tilespmem:s1+$0xFFFFFF60] =	vst v4  }
0x338: {  	s24 =	simm.s32 $0x3;
	v4 =	vld [tilespmem:s1+$0xFFFFFFE0];
	v8 =	vmul.f32 v8, v3;
	[tilespmem:s1+$0xFFFFFF70] =	vst v6  }
0x339: {  	v12 =	vmov s24;
	v6 =	vld [tilespmem:s1+$0xFFFFFFF0];
	[tilespmem:s1+$0xFFFFFF80] =	vst v5;
	v5 =	vmul.f32 v9, v3  }
0x33a: {  	v9 =	vld [tilespmem:s1+$0x0];
	[tilespmem:s1+$0xFFFFFF90] =	vst v8;
	v8 =	vmul.f32 v10, v3  }
0x33b: {  	v10 =	vld [tilespmem:s1+$0x10];
	[tilespmem:s1+$0xFFFFFFA0] =	vst v5;
	v5 =	vmul.f32 v11, v3  }
0x33c: {  	[tilespmem:s1+$0xFFFFFFB0] =	vst v8;
	v7 =	vmul.f32 v7, v3;
	v8 =	vld [tilespmem:s1+$0x20]  }
0x33d: {  	v11 =	vld [tilespmem:s1+$0x30];
	v4 =	vmul.f32 v4, v3;
	[tilespmem:s1+$0xFFFFFFC0] =	vst v5  }
0x33e: {  	v1 =	vld.idx.msk [tilespmem:v12+s14+$0x0], $0xffff;
	v3 =	vmul.f32 v6, v3;
	[tilespmem:s1+$0xFFFFFFD0] =	vst v7  }
0x33f: {  	[tilespmem:s1+$0xFFFFFFE0] =	vst v4;
	v5 =	vmul.f32 v9, v2;
	v4 =	vld [tilespmem:s1+$0x50]  }
0x340: {  	s25 =	simm.s32 $0x4;
	[tilespmem:s1+$0xFFFFFFF0] =	vst v3;
	v6 =	vmul.f32 v10, v2;
	v3 =	vld [tilespmem:s1+$0x60]  }
0x341: {  	s26 =	simm.s32 $0x7;
	v7 =	vmov s25;
	[tilespmem:s1+$0x0] =	vst v5;
	v9 =	vmul.f32 v8, v2;
	v8 =	vld [tilespmem:s1+$0x80]  }
0x342: {  	s30 =	simm.s32 $0x5;
	v12 =	vand.u32 $0xFFFFFFFC, v7;
	v7 =	vld [tilespmem:s1+$0x90];
	v5 =	vmov s26;
	v10 =	vmul.f32 v11, v2;
	[tilespmem:s1+$0x10] =	vst v6  }
0x343: {  	s5 =	simm.s32 $0x8;
	s4 =	simm.s32 $0x6;
	s3 =	simm.s32 $0x7D80;
	v11 =	vmul.f32 v13, v2;
	v6 =	vbroadcast v12, $0x0;
	v12 =	vmov s30;
	[tilespmem:s1+$0x20] =	vst v9;
	v9 =	vld [tilespmem:s1+$0xA0]  }
.LBB2_18:
0x344: {  	p1 =	slt.u32 s5, $0x74;
	v12 =	vand.u32 $0xFFFFFFFD, v12;
	v13 =	vmov s4;
	[tilespmem:s1+$0x30] =	vst v10;
	v4 =	vmul.f32 v4, v2;
	v10 =	vld [tilespmem:s1+$0xB0]  }
0x345: {  	v12 =	vbroadcast v12, $0x0;
	v13 =	vand.u32 $0xFFFFFFFE, v13;
	[tilespmem:s1+$0x40] =	vst v11;
	v2 =	vmul.f32 v3, v2;
	v3 =	vld [tilespmem:s1+$0xC0]  }
0x346: {  	v11 =	vbroadcast v13, $0x0;
	[tilespmem:s1+$0x50] =	vst v4;
	v4 =	vmul.f32 v8, v1;
	v8 =	vld [tilespmem:s1+$0xD0]  }
0x347: {  	[tilespmem:s1+$0x60] =	vst v2;
	v2 =	vmul.f32 v7, v1;
	v7 =	vld [tilespmem:s1+$0xE0]  }
0x348: {  	[tilespmem:s1+$0x80] =	vst v4;
	v4 =	vmul.f32 v9, v1;
	v9 =	vld [tilespmem:s1+$0xF0]  }
0x349: {  	v5 =	vld.idx.msk [tilespmem:v5+s14+$0x0], $0xffff;
	[tilespmem:s1+$0x90] =	vst v2;
	v2 =	vmul.f32 v10, v1  }
0x34a: {  	v6 =	vld.idx.msk [tilespmem:v6+s14+$0x0], $0xffff;
	[tilespmem:s1+$0xA0] =	vst v4;
	v3 =	vmul.f32 v3, v1  }
0x34b: {  	v4 =	vld.idx.msk [tilespmem:v12+s14+$0x0], $0xffff;
	[tilespmem:s1+$0xB0] =	vst v2;
	v8 =	vmul.f32 v8, v1  }
0x34c: {  	s1 =	sadd.s32 $0x200, s1;
	v2 =	vld.idx.msk [tilespmem:v11+s14+$0x0], $0xffff;
	[tilespmem:s3+$0xC0] =	vst v3;
	v3 =	vmul.f32 v7, v1  }
0x34d: {  	v7 =	vld [tilespmem:s1+$0x70];
	[tilespmem:s3+$0xD0] =	vst v8;
	v9 =	vmul.f32 v9, v1  }
0x34e: {  	v8 =	vld [tilespmem:s1+$0xFFFFFF00];
	[tilespmem:s3+$0xE0] =	vst v3  }
0x34f: {  	v1 =	vmov v5;
	v3 =	vld [tilespmem:s1+$0xFFFFFF10];
	[tilespmem:s3+$0xF0] =	vst v9;
	s3 =	smov.u32 s1  }
0x350: {  	v5 =	vld [tilespmem:s1+$0xFFFFFF20]  }
0x351: {  	v9 =	vld [tilespmem:s1+$0xFFFFFF30]  }
0x352: {  	v10 =	vld [tilespmem:s1+$0xFFFFFF40];
	v7 =	vmul.f32 v7, v2  }
0x353: {  	v8 =	vmul.f32 v8, v6;
	v11 =	vld [tilespmem:s1+$0xFFFFFF50]  }
0x354: {  	v3 =	vmul.f32 v3, v6;
	v12 =	vld [tilespmem:s1+$0xFFFFFF60];
	[tilespmem:s1+$0x70] =	vst v7  }
0x355: {  	[tilespmem:s1+$0xFFFFFF00] =	vst v8;
	v5 =	vmul.f32 v5, v6;
	v7 =	vld [tilespmem:s1+$0xFFFFFF70]  }
0x356: {  	[tilespmem:s1+$0xFFFFFF10] =	vst v3;
	v3 =	vmul.f32 v9, v6;
	v8 =	vld [tilespmem:s1+$0xFFFFFF80]  }
0x357: {  	[tilespmem:s1+$0xFFFFFF20] =	vst v5;
	v5 =	vmul.f32 v10, v6;
	v9 =	vld [tilespmem:s1+$0xFFFFFF90]  }
0x358: {  	[tilespmem:s1+$0xFFFFFF30] =	vst v3;
	v3 =	vmul.f32 v11, v6;
	v10 =	vld [tilespmem:s1+$0xFFFFFFA0]  }
0x359: {  	[tilespmem:s1+$0xFFFFFF40] =	vst v5;
	v5 =	vmul.f32 v12, v6;
	v11 =	vld [tilespmem:s1+$0xFFFFFFB0]  }
0x35a: {  	[tilespmem:s1+$0xFFFFFF50] =	vst v3;
	v3 =	vmul.f32 v7, v6;
	v6 =	vld [tilespmem:s1+$0xFFFFFFC0]  }
0x35b: {  	[tilespmem:s1+$0xFFFFFF60] =	vst v5;
	v5 =	vmul.f32 v8, v4;
	v7 =	vld [tilespmem:s1+$0xFFFFFFD0]  }
0x35c: {  	[tilespmem:s1+$0xFFFFFF70] =	vst v3;
	v3 =	vmul.f32 v9, v4;
	v8 =	vld [tilespmem:s1+$0xFFFFFFE0]  }
0x35d: {  	[tilespmem:s1+$0xFFFFFF80] =	vst v5;
	v5 =	vmul.f32 v10, v4;
	v9 =	vld [tilespmem:s1+$0xFFFFFFF0]  }
0x35e: {  	[tilespmem:s1+$0xFFFFFF90] =	vst v3;
	v3 =	vmul.f32 v11, v4;
	v10 =	vld [tilespmem:s1+$0x0]  }
0x35f: {  	[tilespmem:s1+$0xFFFFFFA0] =	vst v5;
	v5 =	vmul.f32 v6, v4;
	v6 =	vld [tilespmem:s1+$0x10]  }
0x360: {  	[tilespmem:s1+$0xFFFFFFB0] =	vst v3;
	v3 =	vmul.f32 v7, v4;
	v7 =	vld [tilespmem:s1+$0x20]  }
0x361: {  	[tilespmem:s1+$0xFFFFFFC0] =	vst v5;
	v5 =	vmul.f32 v8, v4;
	v11 =	vld [tilespmem:s1+$0x30]  }
0x362: {  	[tilespmem:s1+$0xFFFFFFD0] =	vst v3;
	v3 =	vmul.f32 v9, v4;
	v9 =	vld [tilespmem:s1+$0x40]  }
.Ltmp9:
0x363: {  	[tilespmem:s1+$0xFFFFFFE0] =	vst v5;
	v5 =	vmul.f32 v10, v2;
	v4 =	vld [tilespmem:s1+$0x50];
	(pc) =	sbr.rel @p1 .LBB2_18-.Ltmp9, $4  }
0x364: {  	[tilespmem:s1+$0xFFFFFFF0] =	vst v3;
	v6 =	vmul.f32 v6, v2;
	v3 =	vld [tilespmem:s1+$0x60]  }
0x365: {  	s4 =	sadd.s32 $0x3, s5;
	v10 =	vmov s5;
	[tilespmem:s1+$0x0] =	vst v5;
	v13 =	vmul.f32 v7, v2;
	v8 =	vld [tilespmem:s1+$0x80]  }
0x366: {  	s23 =	sadd.s32 $0x1, s5;
	v12 =	vand.u32 $0xFFFFFFFC, v10;
	v5 =	vmov s4;
	[tilespmem:s1+$0x10] =	vst v6;
	v10 =	vmul.f32 v11, v2;
	v7 =	vld [tilespmem:s1+$0x90]  }
0x367: {  	s4 =	sadd.s32 $0x2, s5;
	s5 =	sadd.s32 $0x4, s5;
	v6 =	vbroadcast v12, $0x0;
	v12 =	vmov s23;
	[tilespmem:s1+$0x20] =	vst v13;
	v11 =	vmul.f32 v9, v2;
	v9 =	vld [tilespmem:s1+$0xA0]  }
0x368: {  	v13 =	vld [tilespmem:s1+$0xB0]  }
0x369: {  	v15 =	vld [tilespmem:s1+$0xC0]  }
0x36a: {  	v14 =	vmov s4;
	v16 =	vld [tilespmem:s1+$0xD0]  }
0x36b: {  	v17 =	vld [tilespmem:s1+$0xE0];
	[tilespmem:s1+$0x30] =	vst v10;
	v4 =	vmul.f32 v4, v2;
	v14 =	vand.u32 $0xFFFFFFFE, v14  }
0x36c: {  	v12 =	vand.u32 $0xFFFFFFFD, v12;
	v5 =	vld.idx.msk [tilespmem:v5+s14+$0x0], $0xffff;
	[tilespmem:s1+$0x40] =	vst v11;
	v2 =	vmul.f32 v3, v2;
	v14 =	vbroadcast v14, $0x0  }
0x36d: {  	s5 =	sadd.s32 $0x200, s1;
	v12 =	vbroadcast v12, $0x0;
	v3 =	vld.idx.msk [tilespmem:v6+s14+$0x0], $0xffff;
	v8 =	vmul.f32 v8, v1;
	[tilespmem:s1+$0x50] =	vst v4  }
0x36e: {  	v10 =	vld [tilespmem:s5+$0xFFFFFF00];
	v4 =	vmul.f32 v7, v1;
	[tilespmem:s1+$0x60] =	vst v2  }
0x36f: {  	[tilespmem:s1+$0x80] =	vst v8;
	v8 =	vld [tilespmem:s1+$0xF0];
	v2 =	vmul.f32 v9, v1  }
0x370: {  	v11 =	vld [tilespmem:s5+$0xFFFFFF10];
	[tilespmem:s1+$0x90] =	vst v4;
	v4 =	vmul.f32 v13, v1  }
0x371: {  	v9 =	vld [tilespmem:s5+$0x70];
	[tilespmem:s1+$0xA0] =	vst v2;
	v2 =	vmul.f32 v15, v1  }
0x372: {  	[tilespmem:s1+$0xB0] =	vst v4;
	v4 =	vmul.f32 v16, v1;
	v7 =	vld.idx.msk [tilespmem:v14+s14+$0x0], $0xffff  }
0x373: {  	v6 =	vld.idx.msk [tilespmem:v12+s14+$0x0], $0xffff;
	[tilespmem:s3+$0xC0] =	vst v2;
	v2 =	vmul.f32 v17, v1  }
0x374: {  	v12 =	vld [tilespmem:s5+$0xFFFFFF20];
	[tilespmem:s3+$0xD0] =	vst v4;
	v1 =	vmul.f32 v8, v1  }
0x375: {  	v4 =	vld [tilespmem:s5+$0xFFFFFF30];
	[tilespmem:s3+$0xE0] =	vst v2  }
0x376: {  	v2 =	vld [tilespmem:s5+$0xFFFFFF40];
	[tilespmem:s3+$0xF0] =	vst v1;
	v1 =	vmul.f32 v10, v3  }
0x377: {  	v8 =	vmul.f32 v9, v7;
	v9 =	vld [tilespmem:s5+$0xFFFFFF50]  }
0x378: {  	v10 =	vmul.f32 v11, v3;
	v11 =	vld [tilespmem:s5+$0xFFFFFF60];
	[tilespmem:s5+$0xFFFFFF00] =	vst v1  }
0x379: {  	v1 =	vmul.f32 v12, v3;
	[tilespmem:s5+$0x70] =	vst v8;
	v8 =	vld [tilespmem:s5+$0xFFFFFF70]  }
0x37a: {  	[tilespmem:s5+$0xFFFFFF10] =	vst v10;
	v10 =	vld [tilespmem:s5+$0xFFFFFF80];
	v4 =	vmul.f32 v4, v3  }
0x37b: {  	[tilespmem:s5+$0xFFFFFF20] =	vst v1;
	v1 =	vmul.f32 v2, v3;
	v2 =	vld [tilespmem:s5+$0xFFFFFF90]  }
0x37c: {  	[tilespmem:s5+$0xFFFFFF30] =	vst v4;
	v4 =	vmul.f32 v9, v3;
	v9 =	vld [tilespmem:s5+$0xFFFFFFA0]  }
0x37d: {  	[tilespmem:s5+$0xFFFFFF40] =	vst v1;
	v1 =	vmul.f32 v11, v3;
	v11 =	vld [tilespmem:s5+$0xFFFFFFB0]  }
0x37e: {  	[tilespmem:s5+$0xFFFFFF50] =	vst v4;
	v3 =	vmul.f32 v8, v3;
	v4 =	vld [tilespmem:s5+$0xFFFFFFC0]  }
0x37f: {  	[tilespmem:s5+$0xFFFFFF60] =	vst v1;
	v1 =	vmul.f32 v10, v6;
	v8 =	vld [tilespmem:s5+$0xFFFFFFD0]  }
0x380: {  	v2 =	vmul.f32 v2, v6;
	[tilespmem:s5+$0xFFFFFF70] =	vst v3;
	v3 =	vld [tilespmem:s5+$0xFFFFFFE0]  }
0x381: {  	[tilespmem:s5+$0xFFFFFF80] =	vst v1;
	v1 =	vmul.f32 v9, v6;
	v9 =	vld [tilespmem:s5+$0xFFFFFFF0]  }
0x382: {  	v10 =	vld [tilespmem:s5+$0x0];
	[tilespmem:s5+$0xFFFFFF90] =	vst v2;
	v2 =	vmul.f32 v11, v6  }
0x383: {  	[tilespmem:s5+$0xFFFFFFA0] =	vst v1;
	v1 =	vmul.f32 v4, v6;
	v4 =	vld [tilespmem:s5+$0x10]  }
0x384: {  	[tilespmem:s5+$0xFFFFFFB0] =	vst v2;
	v2 =	vmul.f32 v8, v6;
	v8 =	vld [tilespmem:s5+$0x20]  }
0x385: {  	[tilespmem:s5+$0xFFFFFFC0] =	vst v1;
	v1 =	vmul.f32 v3, v6;
	v3 =	vld [tilespmem:s5+$0x30]  }
0x386: {  	[tilespmem:s5+$0xFFFFFFD0] =	vst v2;
	v2 =	vmul.f32 v9, v6;
	v6 =	vld [tilespmem:s5+$0x40]  }
0x387: {  	v9 =	vld [tilespmem:s5+$0x50];
	[tilespmem:s5+$0xFFFFFFE0] =	vst v1;
	v1 =	vmul.f32 v10, v7  }
0x388: {  	[tilespmem:s5+$0xFFFFFFF0] =	vst v2;
	v2 =	vmul.f32 v4, v7;
	v4 =	vld [tilespmem:s5+$0x60]  }
0x389: {  	[tilespmem:s5+$0x0] =	vst v1;
	v1 =	vmul.f32 v8, v7;
	v8 =	vld [tilespmem:s5+$0x80]  }
0x38a: {  	[tilespmem:s5+$0x10] =	vst v2;
	v2 =	vmul.f32 v3, v7;
	v3 =	vld [tilespmem:s5+$0x90]  }
0x38b: {  	[tilespmem:s5+$0x20] =	vst v1;
	v1 =	vmul.f32 v6, v7;
	v6 =	vld [tilespmem:s5+$0xA0]  }
0x38c: {  	[tilespmem:s5+$0x30] =	vst v2;
	v2 =	vmul.f32 v9, v7;
	v9 =	vld [tilespmem:s5+$0xB0]  }
0x38d: {  	[tilespmem:s5+$0x40] =	vst v1;
	v1 =	vmul.f32 v4, v7;
	v4 =	vld [tilespmem:s5+$0xC0]  }
0x38e: {  	v7 =	vld [tilespmem:s5+$0xD0];
	[tilespmem:s5+$0x50] =	vst v2;
	v2 =	vmul.f32 v8, v5  }
0x38f: {  	[tilespmem:s5+$0x60] =	vst v1;
	v1 =	vmul.f32 v3, v5;
	v3 =	vld [tilespmem:s5+$0xE0]  }
0x390: {  	[tilespmem:s5+$0x80] =	vst v2;
	v2 =	vmul.f32 v6, v5;
	v6 =	vld [tilespmem:s5+$0xF0]  }
0x391: {  	[tilespmem:s5+$0x90] =	vst v1;
	v1 =	vmul.f32 v9, v5  }
0x392: {  	[tilespmem:s5+$0xA0] =	vst v2;
	v2 =	vmul.f32 v4, v5  }
0x393: {  	[tilespmem:s5+$0xB0] =	vst v1;
	v1 =	vmul.f32 v7, v5  }
0x394: {  	[tilespmem:s5+$0xC0] =	vst v2;
	v2 =	vmul.f32 v3, v5  }
0x395: {  	[tilespmem:s5+$0xD0] =	vst v1;
	v1 =	vmul.f32 v6, v5  }
0x396: {  	[tilespmem:s5+$0xE0] =	vst v2  }
0x397: {  	[tilespmem:s5+$0xF0] =	vst v1  }
0x398: {  	_ =	swait.ge [sflag:s2], $0x78  }
0x399: {  	s12 =	simm.s32 $0x0;
	s16 =	simm.s32 $0x2;
	[sflag:s2] =	ssyncset.done $0x0  }
0x39a: {  	s17 =	simm.s32 $0x7C80;
	s18 =	simm.s32 $0xB;
	v1 =	vmov s12;
	[sflag:s2] =	ssyncadd.s32 $0xFFFFFF88  }
0x39b: {  	v2 =	vmov s16;
	v1 =	vand.u32 $0xFFFFFFFC, v1;
	[spmem:s7] =	stream.indirect.scatter.add.f32 [tilespmem:s17], [sflag:$0xC], $0x80, s9, s6, $0xb8;
	[tilespmem:$0x1FB80] =	vst v63  }
0x39c: {  	v2 =	vand.u32 $0xFFFFFFFE, v2;
	v1 =	vbroadcast v1, $0x0;
	_ =	swait.ge [sflag:s18], $0x3C00  }
0x39d: {  	v2 =	vbroadcast v2, $0x0;
	[sflag:s18] =	ssyncset.done $0x0  }
0x39e: {  	[sflag:s18] =	ssyncadd.s32 $0xFFFFC400  }
0x39f: {  	_ =	swait.ge [sflag:s15], $0x3C00  }
0x3a0: {  	[sflag:s15] =	ssyncset.done $0x0  }
0x3a1: {  	[sflag:s15] =	ssyncadd.s32 $0xFFFFC400  }
0x3a2: {  	v1 =	vld.idx.msk [tilespmem:v1+s22+$0x0], $0xffff  }
0x3a3: {  	s23 =	simm.s32 $0x1;
	s1 =	simm.s32 $0x580;
	v2 =	vld.idx.msk [tilespmem:v2+s22+$0x0], $0xffff  }
0x3a4: {  	v3 =	vmov s23;
	v4 =	vld [tilespmem:s1+$0x70]  }
0x3a5: {  	v3 =	vand.u32 $0xFFFFFFFD, v3;
	v5 =	vld [tilespmem:s1+$0xFFFFFF00]  }
0x3a6: {  	v3 =	vbroadcast v3, $0x0;
	v6 =	vld [tilespmem:s1+$0xFFFFFF10]  }
0x3a7: {  	v7 =	vld [tilespmem:s1+$0xFFFFFF20]  }
0x3a8: {  	v8 =	vld [tilespmem:s1+$0xFFFFFF30]  }
0x3a9: {  	v9 =	vld [tilespmem:s1+$0xFFFFFF40]  }
0x3aa: {  	v10 =	vld [tilespmem:s1+$0xFFFFFF50]  }
0x3ab: {  	v11 =	vld [tilespmem:s1+$0xFFFFFF60];
	v5 =	vmul.f32 v5, v1  }
0x3ac: {  	v3 =	vld.idx.msk [tilespmem:v3+s22+$0x0], $0xffff;
	v4 =	vmul.f32 v4, v2  }
0x3ad: {  	v13 =	vld [tilespmem:s1+$0x40];
	[tilespmem:s1+$0xFFFFFF00] =	vst v5;
	v5 =	vmul.f32 v6, v1  }
0x3ae: {  	v6 =	vld [tilespmem:s1+$0xFFFFFF70];
	[tilespmem:s1+$0x70] =	vst v4;
	v4 =	vmul.f32 v7, v1  }
0x3af: {  	v7 =	vld [tilespmem:s1+$0xFFFFFF80];
	[tilespmem:s1+$0xFFFFFF10] =	vst v5;
	v5 =	vmul.f32 v8, v1  }
0x3b0: {  	v8 =	vld [tilespmem:s1+$0xFFFFFF90];
	[tilespmem:s1+$0xFFFFFF20] =	vst v4;
	v4 =	vmul.f32 v9, v1  }
0x3b1: {  	v9 =	vld [tilespmem:s1+$0xFFFFFFA0];
	[tilespmem:s1+$0xFFFFFF30] =	vst v5;
	v5 =	vmul.f32 v10, v1  }
0x3b2: {  	v10 =	vld [tilespmem:s1+$0xFFFFFFB0];
	[tilespmem:s1+$0xFFFFFF40] =	vst v4;
	v4 =	vmul.f32 v11, v1  }
0x3b3: {  	v11 =	vld [tilespmem:s1+$0xFFFFFFC0];
	v6 =	vmul.f32 v6, v1;
	[tilespmem:s1+$0xFFFFFF50] =	vst v5  }
0x3b4: {  	v5 =	vmul.f32 v7, v3;
	v7 =	vld [tilespmem:s1+$0xFFFFFFD0];
	[tilespmem:s1+$0xFFFFFF60] =	vst v4  }
0x3b5: {  	s24 =	simm.s32 $0x3;
	v4 =	vld [tilespmem:s1+$0xFFFFFFE0];
	v8 =	vmul.f32 v8, v3;
	[tilespmem:s1+$0xFFFFFF70] =	vst v6  }
0x3b6: {  	v12 =	vmov s24;
	v6 =	vld [tilespmem:s1+$0xFFFFFFF0];
	[tilespmem:s1+$0xFFFFFF80] =	vst v5;
	v5 =	vmul.f32 v9, v3  }
0x3b7: {  	v9 =	vld [tilespmem:s1+$0x0];
	[tilespmem:s1+$0xFFFFFF90] =	vst v8;
	v8 =	vmul.f32 v10, v3  }
0x3b8: {  	v10 =	vld [tilespmem:s1+$0x10];
	[tilespmem:s1+$0xFFFFFFA0] =	vst v5;
	v5 =	vmul.f32 v11, v3  }
0x3b9: {  	[tilespmem:s1+$0xFFFFFFB0] =	vst v8;
	v7 =	vmul.f32 v7, v3;
	v8 =	vld [tilespmem:s1+$0x20]  }
0x3ba: {  	v11 =	vld [tilespmem:s1+$0x30];
	v4 =	vmul.f32 v4, v3;
	[tilespmem:s1+$0xFFFFFFC0] =	vst v5  }
0x3bb: {  	v1 =	vld.idx.msk [tilespmem:v12+s22+$0x0], $0xffff;
	v3 =	vmul.f32 v6, v3;
	[tilespmem:s1+$0xFFFFFFD0] =	vst v7  }
0x3bc: {  	[tilespmem:s1+$0xFFFFFFE0] =	vst v4;
	v5 =	vmul.f32 v9, v2;
	v4 =	vld [tilespmem:s1+$0x50]  }
0x3bd: {  	s25 =	simm.s32 $0x4;
	[tilespmem:s1+$0xFFFFFFF0] =	vst v3;
	v6 =	vmul.f32 v10, v2;
	v3 =	vld [tilespmem:s1+$0x60]  }
0x3be: {  	s26 =	simm.s32 $0x7;
	v7 =	vmov s25;
	[tilespmem:s1+$0x0] =	vst v5;
	v9 =	vmul.f32 v8, v2;
	v8 =	vld [tilespmem:s1+$0x80]  }
0x3bf: {  	s30 =	simm.s32 $0x5;
	s4 =	simm.s32 $0x6;
	v12 =	vand.u32 $0xFFFFFFFC, v7;
	v7 =	vld [tilespmem:s1+$0x90];
	v5 =	vmov s26;
	v10 =	vmul.f32 v11, v2;
	[tilespmem:s1+$0x10] =	vst v6  }
0x3c0: {  	s8 =	simm.s32 $0x0;
	s3 =	simm.s32 $0x580;
	s5 =	simm.s32 $0x8;
	v11 =	vmul.f32 v13, v2;
	v6 =	vbroadcast v12, $0x0;
	v12 =	vmov s30;
	[tilespmem:s1+$0x20] =	vst v9;
	v9 =	vld [tilespmem:s1+$0xA0]  }
.LBB2_20:
0x3c1: {  	p1 =	slt.u32 s5, $0x74;
	v12 =	vand.u32 $0xFFFFFFFD, v12;
	v13 =	vmov s4;
	[tilespmem:s1+$0x30] =	vst v10;
	v4 =	vmul.f32 v4, v2;
	v10 =	vld [tilespmem:s1+$0xB0]  }
0x3c2: {  	v12 =	vbroadcast v12, $0x0;
	v13 =	vand.u32 $0xFFFFFFFE, v13;
	[tilespmem:s1+$0x40] =	vst v11;
	v2 =	vmul.f32 v3, v2;
	v3 =	vld [tilespmem:s1+$0xC0]  }
0x3c3: {  	v11 =	vbroadcast v13, $0x0;
	[tilespmem:s1+$0x50] =	vst v4;
	v4 =	vmul.f32 v8, v1;
	v8 =	vld [tilespmem:s1+$0xD0]  }
0x3c4: {  	[tilespmem:s1+$0x60] =	vst v2;
	v2 =	vmul.f32 v7, v1;
	v7 =	vld [tilespmem:s1+$0xE0]  }
0x3c5: {  	[tilespmem:s1+$0x80] =	vst v4;
	v4 =	vmul.f32 v9, v1;
	v9 =	vld [tilespmem:s1+$0xF0]  }
0x3c6: {  	v5 =	vld.idx.msk [tilespmem:v5+s22+$0x0], $0xffff;
	[tilespmem:s1+$0x90] =	vst v2;
	v2 =	vmul.f32 v10, v1  }
0x3c7: {  	v6 =	vld.idx.msk [tilespmem:v6+s22+$0x0], $0xffff;
	[tilespmem:s1+$0xA0] =	vst v4;
	v3 =	vmul.f32 v3, v1  }
0x3c8: {  	v4 =	vld.idx.msk [tilespmem:v12+s22+$0x0], $0xffff;
	[tilespmem:s1+$0xB0] =	vst v2;
	v8 =	vmul.f32 v8, v1  }
0x3c9: {  	s1 =	sadd.s32 $0x200, s1;
	v2 =	vld.idx.msk [tilespmem:v11+s22+$0x0], $0xffff;
	[tilespmem:s3+$0xC0] =	vst v3;
	v3 =	vmul.f32 v7, v1  }
0x3ca: {  	v7 =	vld [tilespmem:s1+$0x70];
	[tilespmem:s3+$0xD0] =	vst v8;
	v9 =	vmul.f32 v9, v1  }
0x3cb: {  	v8 =	vld [tilespmem:s1+$0xFFFFFF00];
	[tilespmem:s3+$0xE0] =	vst v3  }
0x3cc: {  	v1 =	vmov v5;
	v3 =	vld [tilespmem:s1+$0xFFFFFF10];
	[tilespmem:s3+$0xF0] =	vst v9;
	s3 =	smov.u32 s1  }
0x3cd: {  	v5 =	vld [tilespmem:s1+$0xFFFFFF20]  }
0x3ce: {  	v9 =	vld [tilespmem:s1+$0xFFFFFF30]  }
0x3cf: {  	v10 =	vld [tilespmem:s1+$0xFFFFFF40];
	v7 =	vmul.f32 v7, v2  }
0x3d0: {  	v8 =	vmul.f32 v8, v6;
	v11 =	vld [tilespmem:s1+$0xFFFFFF50]  }
0x3d1: {  	v3 =	vmul.f32 v3, v6;
	v12 =	vld [tilespmem:s1+$0xFFFFFF60];
	[tilespmem:s1+$0x70] =	vst v7  }
0x3d2: {  	[tilespmem:s1+$0xFFFFFF00] =	vst v8;
	v5 =	vmul.f32 v5, v6;
	v7 =	vld [tilespmem:s1+$0xFFFFFF70]  }
0x3d3: {  	[tilespmem:s1+$0xFFFFFF10] =	vst v3;
	v3 =	vmul.f32 v9, v6;
	v8 =	vld [tilespmem:s1+$0xFFFFFF80]  }
0x3d4: {  	[tilespmem:s1+$0xFFFFFF20] =	vst v5;
	v5 =	vmul.f32 v10, v6;
	v9 =	vld [tilespmem:s1+$0xFFFFFF90]  }
0x3d5: {  	[tilespmem:s1+$0xFFFFFF30] =	vst v3;
	v3 =	vmul.f32 v11, v6;
	v10 =	vld [tilespmem:s1+$0xFFFFFFA0]  }
0x3d6: {  	[tilespmem:s1+$0xFFFFFF40] =	vst v5;
	v5 =	vmul.f32 v12, v6;
	v11 =	vld [tilespmem:s1+$0xFFFFFFB0]  }
0x3d7: {  	[tilespmem:s1+$0xFFFFFF50] =	vst v3;
	v3 =	vmul.f32 v7, v6;
	v6 =	vld [tilespmem:s1+$0xFFFFFFC0]  }
0x3d8: {  	[tilespmem:s1+$0xFFFFFF60] =	vst v5;
	v5 =	vmul.f32 v8, v4;
	v7 =	vld [tilespmem:s1+$0xFFFFFFD0]  }
0x3d9: {  	[tilespmem:s1+$0xFFFFFF70] =	vst v3;
	v3 =	vmul.f32 v9, v4;
	v8 =	vld [tilespmem:s1+$0xFFFFFFE0]  }
0x3da: {  	[tilespmem:s1+$0xFFFFFF80] =	vst v5;
	v5 =	vmul.f32 v10, v4;
	v9 =	vld [tilespmem:s1+$0xFFFFFFF0]  }
0x3db: {  	[tilespmem:s1+$0xFFFFFF90] =	vst v3;
	v3 =	vmul.f32 v11, v4;
	v10 =	vld [tilespmem:s1+$0x0]  }
0x3dc: {  	[tilespmem:s1+$0xFFFFFFA0] =	vst v5;
	v5 =	vmul.f32 v6, v4;
	v6 =	vld [tilespmem:s1+$0x10]  }
0x3dd: {  	[tilespmem:s1+$0xFFFFFFB0] =	vst v3;
	v3 =	vmul.f32 v7, v4;
	v7 =	vld [tilespmem:s1+$0x20]  }
0x3de: {  	[tilespmem:s1+$0xFFFFFFC0] =	vst v5;
	v5 =	vmul.f32 v8, v4;
	v11 =	vld [tilespmem:s1+$0x30]  }
0x3df: {  	[tilespmem:s1+$0xFFFFFFD0] =	vst v3;
	v3 =	vmul.f32 v9, v4;
	v9 =	vld [tilespmem:s1+$0x40]  }
.Ltmp10:
0x3e0: {  	[tilespmem:s1+$0xFFFFFFE0] =	vst v5;
	v5 =	vmul.f32 v10, v2;
	v4 =	vld [tilespmem:s1+$0x50];
	(pc) =	sbr.rel @p1 .LBB2_20-.Ltmp10, $4  }
0x3e1: {  	[tilespmem:s1+$0xFFFFFFF0] =	vst v3;
	v6 =	vmul.f32 v6, v2;
	v3 =	vld [tilespmem:s1+$0x60]  }
0x3e2: {  	s4 =	sadd.s32 $0x3, s5;
	v10 =	vmov s5;
	[tilespmem:s1+$0x0] =	vst v5;
	v13 =	vmul.f32 v7, v2;
	v8 =	vld [tilespmem:s1+$0x80]  }
0x3e3: {  	s23 =	sadd.s32 $0x1, s5;
	v12 =	vand.u32 $0xFFFFFFFC, v10;
	v5 =	vmov s4;
	[tilespmem:s1+$0x10] =	vst v6;
	v10 =	vmul.f32 v11, v2;
	v7 =	vld [tilespmem:s1+$0x90]  }
0x3e4: {  	s4 =	sadd.s32 $0x2, s5;
	s5 =	sadd.s32 $0x4, s5;
	v6 =	vbroadcast v12, $0x0;
	v12 =	vmov s23;
	[tilespmem:s1+$0x20] =	vst v13;
	v11 =	vmul.f32 v9, v2;
	v9 =	vld [tilespmem:s1+$0xA0]  }
0x3e5: {  	v13 =	vld [tilespmem:s1+$0xB0]  }
0x3e6: {  	v15 =	vld [tilespmem:s1+$0xC0]  }
0x3e7: {  	v16 =	vld [tilespmem:s1+$0xD0]  }
0x3e8: {  	v17 =	vld [tilespmem:s1+$0xE0]  }
0x3e9: {  	v29 =	vld [tilespmem:s1+$0xF0];
	[tilespmem:s1+$0x30] =	vst v10;
	v4 =	vmul.f32 v4, v2  }
0x3ea: {  	v5 =	vld.idx.msk [tilespmem:v5+s22+$0x0], $0xffff;
	[tilespmem:s1+$0x40] =	vst v11;
	v2 =	vmul.f32 v3, v2  }
0x3eb: {  	s5 =	sadd.s32 $0x200, s1;
	v3 =	vld.idx.msk [tilespmem:v6+s22+$0x0], $0xffff;
	v8 =	vmul.f32 v8, v1;
	[tilespmem:s1+$0x50] =	vst v4  }
0x3ec: {  	v14 =	vmov s4;
	v34 =	vld [tilespmem:s5+$0x70];
	v30 =	vmul.f32 v7, v1;
	[tilespmem:s1+$0x60] =	vst v2  }
0x3ed: {  	v14 =	vand.u32 $0xFFFFFFFE, v14;
	v35 =	vld [tilespmem:s5+$0xFFFFFF00];
	[tilespmem:s1+$0x80] =	vst v8;
	v2 =	vmul.f32 v9, v1  }
0x3ee: {  	v37 =	vld [tilespmem:s5+$0xFFFFFF10];
	v14 =	vbroadcast v14, $0x0;
	[tilespmem:s1+$0x90] =	vst v30;
	v33 =	vmul.f32 v13, v1  }
0x3ef: {  	v38 =	vld [tilespmem:s5+$0xFFFFFF20];
	[tilespmem:s1+$0xA0] =	vst v2;
	v2 =	vmul.f32 v15, v1  }
0x3f0: {  	v12 =	vand.u32 $0xFFFFFFFD, v12;
	v39 =	vld [tilespmem:s5+$0xFFFFFF30];
	v36 =	vmul.f32 v16, v1;
	[tilespmem:s1+$0xB0] =	vst v33  }
0x3f1: {  	v12 =	vbroadcast v12, $0x0;
	v41 =	vld [tilespmem:s5+$0xFFFFFF50];
	[tilespmem:s3+$0xC0] =	vst v2;
	v2 =	vmul.f32 v17, v1  }
0x3f2: {  	v43 =	vld [tilespmem:s5+$0xFFFFFF60];
	[tilespmem:s3+$0xD0] =	vst v36;
	v1 =	vmul.f32 v29, v1  }
0x3f3: {  	v42 =	vmul.f32 v37, v3;
	[tilespmem:s3+$0xE0] =	vst v2;
	v2 =	vld [tilespmem:s5+$0xFFFFFF40]  }
0x3f4: {  	v32 =	vld.idx.msk [tilespmem:v14+s22+$0x0], $0xffff;
	[tilespmem:s3+$0xF0] =	vst v1;
	v1 =	vmul.f32 v35, v3  }
0x3f5: {  	v44 =	vld [tilespmem:s5+$0xFFFFFF70];
	v4 =	vmul.f32 v39, v3;
	[tilespmem:s5+$0xFFFFFF10] =	vst v42  }
0x3f6: {  	v45 =	vld [tilespmem:s5+$0xFFFFFF80];
	[tilespmem:s5+$0xFFFFFF00] =	vst v1;
	v1 =	vmul.f32 v38, v3  }
0x3f7: {  	v46 =	vmul.f32 v41, v3;
	v31 =	vld.idx.msk [tilespmem:v12+s22+$0x0], $0xffff;
	[tilespmem:s5+$0xFFFFFF30] =	vst v4  }
0x3f8: {  	[tilespmem:s5+$0xFFFFFF20] =	vst v1;
	v1 =	vmul.f32 v2, v3;
	v2 =	vld [tilespmem:s5+$0xFFFFFF90]  }
0x3f9: {  	v47 =	vld [tilespmem:s5+$0xFFFFFFA0];
	[tilespmem:s5+$0xFFFFFF50] =	vst v46;
	v40 =	vmul.f32 v34, v32  }
0x3fa: {  	v48 =	vld [tilespmem:s5+$0xFFFFFFB0];
	[tilespmem:s5+$0xFFFFFF40] =	vst v1;
	v1 =	vmul.f32 v43, v3  }
0x3fb: {  	v49 =	vld [tilespmem:s5+$0xFFFFFFC0];
	[tilespmem:s5+$0x70] =	vst v40;
	v3 =	vmul.f32 v44, v3  }
0x3fc: {  	v50 =	vld [tilespmem:s5+$0xFFFFFFD0];
	[tilespmem:s5+$0xFFFFFF60] =	vst v1;
	v1 =	vmul.f32 v45, v31  }
0x3fd: {  	[tilespmem:s5+$0xFFFFFF70] =	vst v3;
	v3 =	vld [tilespmem:s5+$0xFFFFFFE0];
	v2 =	vmul.f32 v2, v31  }
0x3fe: {  	v51 =	vld [tilespmem:s5+$0xFFFFFFF0];
	[tilespmem:s5+$0xFFFFFF80] =	vst v1;
	v1 =	vmul.f32 v47, v31  }
0x3ff: {  	v52 =	vld [tilespmem:s5+$0x0];
	[tilespmem:s5+$0xFFFFFF90] =	vst v2;
	v2 =	vmul.f32 v48, v31  }
0x400: {  	v53 =	vld [tilespmem:s5+$0x10];
	[tilespmem:s5+$0xFFFFFFA0] =	vst v1;
	v1 =	vmul.f32 v49, v31  }
0x401: {  	v54 =	vld [tilespmem:s5+$0x20];
	[tilespmem:s5+$0xFFFFFFB0] =	vst v2;
	v2 =	vmul.f32 v50, v31  }
0x402: {  	[tilespmem:s5+$0xFFFFFFC0] =	vst v1;
	v1 =	vmul.f32 v3, v31;
	v3 =	vld [tilespmem:s5+$0x30]  }
0x403: {  	v55 =	vld [tilespmem:s5+$0x40];
	[tilespmem:s5+$0xFFFFFFD0] =	vst v2;
	v2 =	vmul.f32 v51, v31  }
0x404: {  	v56 =	vld [tilespmem:s5+$0x50];
	[tilespmem:s5+$0xFFFFFFE0] =	vst v1;
	v1 =	vmul.f32 v52, v32  }
0x405: {  	v57 =	vld [tilespmem:s5+$0x60];
	[tilespmem:s5+$0xFFFFFFF0] =	vst v2;
	v2 =	vmul.f32 v53, v32  }
0x406: {  	v58 =	vld [tilespmem:s5+$0x80];
	[tilespmem:s5+$0x0] =	vst v1;
	v1 =	vmul.f32 v54, v32  }
0x407: {  	[tilespmem:s5+$0x10] =	vst v2;
	v2 =	vmul.f32 v3, v32;
	v3 =	vld [tilespmem:s5+$0x90]  }
0x408: {  	v59 =	vld [tilespmem:s5+$0xA0];
	[tilespmem:s5+$0x20] =	vst v1;
	v1 =	vmul.f32 v55, v32  }
0x409: {  	v60 =	vld [tilespmem:s5+$0xB0];
	[tilespmem:s5+$0x30] =	vst v2;
	v2 =	vmul.f32 v56, v32  }
0x40a: {  	v61 =	vld [tilespmem:s5+$0xC0];
	[tilespmem:s5+$0x40] =	vst v1;
	v1 =	vmul.f32 v57, v32  }
0x40b: {  	v62 =	vld [tilespmem:s5+$0xD0];
	[tilespmem:s5+$0x50] =	vst v2;
	v2 =	vmul.f32 v58, v5  }
0x40c: {  	[tilespmem:s5+$0x60] =	vst v1;
	v1 =	vmul.f32 v3, v5;
	v3 =	vld [tilespmem:s5+$0xE0]  }
0x40d: {  	v63 =	vld [tilespmem:s5+$0xF0];
	[tilespmem:s5+$0x80] =	vst v2;
	v2 =	vmul.f32 v59, v5  }
0x40e: {  	[tilespmem:s5+$0x90] =	vst v1;
	v1 =	vmul.f32 v60, v5  }
0x40f: {  	[tilespmem:s5+$0xA0] =	vst v2;
	v2 =	vmul.f32 v61, v5  }
0x410: {  	[tilespmem:s5+$0xB0] =	vst v1;
	v1 =	vmul.f32 v62, v5  }
0x411: {  	[tilespmem:s5+$0xC0] =	vst v2;
	v2 =	vmul.f32 v3, v5  }
0x412: {  	[tilespmem:s5+$0xD0] =	vst v1;
	v1 =	vmul.f32 v63, v5  }
0x413: {  	[tilespmem:s5+$0xE0] =	vst v2  }
0x414: {  	[tilespmem:s5+$0xF0] =	vst v1  }
0x415: {  	_ =	swait.ge [sflag:s29], $0x78  }
0x416: {  	[sflag:s29] =	ssyncset.done $0x0  }
0x417: {  	s24 =	simm.s32 $0x180;
	s25 =	simm.s32 $0xC;
	[sflag:s29] =	ssyncadd.s32 $0xFFFFFF88  }
0x418: {  	[spmem:s7] =	stream.indirect.scatter.add.f32 [tilespmem:s19], [sflag:$0xA], $0x80, s24, s6, $0xb8;
	[tilespmem:$0x1FB80] =	vst v63  }
0x419: {  	_ =	swait.ge [sflag:s25], $0x3C00  }
0x41a: {  	[sflag:s25] =	ssyncset.done $0x0  }
0x41b: {  	[sflag:s25] =	ssyncadd.s32 $0xFFFFC400  }
0x41c: {  	_ =	swait.ge [sflag:s20], $0x3C00  }
0x41d: {  	[sflag:s20] =	ssyncset.done $0x0  }
0x41e: {  	[sflag:s20] =	ssyncadd.s32 $0xFFFFC400  }
0x41f: {  	[bflag:$0x0] =	sbarrier.arrive $0xFFFF  }
0x420: {  	s9 =	sld [smem:$0x7F9]  }
0x421: {  	s26 =	stileid.u32  }
0x422: {  	s3 =	sshll.u32 s26, $0x6  }
.Ltmp11:
0x423: {  	s11 =	rddreg [dreg:$0x17];
	s2 =	sshrl.u32 s9, $0x3;
	(pc) =	sbr.rel @!p0 .LBB2_23-.Ltmp11, $4  }
0x424: {  	s1 =	sor.u32 $0x1C0D, s3;
	[smem:$0x7EF] =	sst s2  }
0x425: {  	[hbm:s11], [sflag:s1] =	dma.local [spmem:s2], $0x500  }
0x426: {  	s23 =	sadd.s32 $0x5000, s11;
	s30 =	rddreg [dreg:$0xf]  }
0x427: {  	s4 =	smov.u32 s9;
	_ =	swait.ge [sflag:s21], $0x500;
	s5 =	sadd.s32 $0xFFFFFFFF, s30  }
.LBB2_22:
0x428: {  	[sflag:s21] =	ssyncset.done $0x0  }
0x429: {  	s4 =	sadd.s32 $0x28000, s4;
	s1 =	sor.u32 $0x1C0D, s3;
	p1 =	sne.s32 s5, $0x1  }
.Ltmp12:
0x42a: {  	s11 =	sshrl.u32 s4, $0x3;
	[sflag:s21] =	ssyncadd.s32 $0xFFFFFB00;
	(pc) =	sbr.rel @p1 .LBB2_22-.Ltmp12, $3  }
0x42b: {  	[hbm:s23], [sflag:s1] =	dma.local [spmem:s11], $0x500  }
0x42c: {  	s5 =	sadd.s32 $0xFFFFFFFF, s5;
	_ =	sdelay $0x1  }
0x42d: {  	s23 =	sadd.s32 $0x5000, s23;
	_ =	swait.ge [sflag:s21], $0x500  }
.LBB2_23:
0x42e: {  	[sflag:s21] =	ssyncset.done $0x0  }
0x42f: {  	s3 =	simm.s32 $0x0;
	s5 =	simm.s32 $0x200;
	[sflag:s21] =	ssyncadd.s32 $0xFFFFFB00  }
.LBB2_24:
0x430: {  	p1 =	sne.s32 s5, $0x9E00;
	[tilespmem:s3+$0x4F0] =	vst v0  }
0x431: {  	[tilespmem:s3+$0x480] =	vst v0  }
0x432: {  	[tilespmem:s3+$0x490] =	vst v0  }
.Ltmp13:
0x433: {  	[tilespmem:s3+$0x4A0] =	vst v0;
	(pc) =	sbr.rel @p1 .LBB2_24-.Ltmp13, $4  }
0x434: {  	[tilespmem:s3+$0x4B0] =	vst v0  }
0x435: {  	[tilespmem:s3+$0x4C0] =	vst v0  }
0x436: {  	[tilespmem:s3+$0x4D0] =	vst v0  }
0x437: {  	[tilespmem:s3+$0x4E0] =	vst v0;
	s3 =	sshra.s32 s5, $0x2;
	s5 =	sadd.s32 $0x200, s5  }
0x438: {  	[tilespmem:s3+$0x4F0] =	vst v0  }
0x439: {  	[tilespmem:s3+$0x480] =	vst v0  }
0x43a: {  	[tilespmem:s3+$0x490] =	vst v0  }
0x43b: {  	[tilespmem:s3+$0x4A0] =	vst v0  }
0x43c: {  	[tilespmem:s3+$0x4B0] =	vst v0  }
0x43d: {  	[tilespmem:s3+$0x4C0] =	vst v0;
	s4 =	sld [smem:$0x7F9]  }
0x43e: {  	[tilespmem:s3+$0x4D0] =	vst v0  }
.Ltmp14:
0x43f: {  	[tilespmem:s3+$0x4E0] =	vst v0;
	(pc) =	sbr.rel @!p0 .LBB2_27-.Ltmp14, $4  }
0x440: {  	[spmem:s4] =	stream.linear.scatter [tilespmem:s19], [sflag:$0xD], $0x2800, $0x38;
	[tilespmem:$0x1FB80] =	vst v63  }
0x441: {  	_ =	swait.ge [sflag:s21], $0x2800  }
0x442: {  	s26 =	rddreg [dreg:$0xf];
	[sflag:s21] =	ssyncset.done $0x0  }
0x443: {  	s5 =	simm.s32 $0xB;
	s3 =	sadd.s32 $0xFFFFFFFF, s26;
	s30 =	rddreg [dreg:$0x5]  }
.LBB2_26:
0x444: {  	p1 =	sne.s32 s3, $0x1;
	[sflag:s21] =	ssyncadd.s32 $0xFFFFD800;
	s4 =	sadd.s32 $0x28000, s4  }
.Ltmp15:
0x445: {  	s3 =	sadd.s32 $0xFFFFFFFF, s3;
	(pc) =	sbr.rel @p1 .LBB2_26-.Ltmp15, $4  }
0x446: {  	_ = 	snop  }
0x447: {  	[spmem:s4] =	stream.linear.scatter [tilespmem:s19], [sflag:$0xD], $0x2800, $0x38;
	[tilespmem:$0x1FB80] =	vst v63  }
0x448: {  	_ =	swait.ge [sflag:s21], $0x2800  }
0x449: {  	[sflag:s21] =	ssyncset.done $0x0  }
.LBB2_27:
0x44a: {  	[sflag:s21] =	ssyncadd.s32 $0xFFFFD800  }
0x44b: {  	[bflag:$0x0] =	sbarrier.arrive $0xFFFF  }
0x44c: {  	s4 =	sld [smem:$0x7F2];
	_ =	sdelay $0x1  }
0x44d: {  	s3 =	simm.s32 $0x0;
	s23 =	sld [smem:$0x7F3]  }
0x44e: {  	[tilespmem:s3], [sflag:$0x1] =	stream.linear.gather [hbm4b:s4+s3], $0x78, $0x38;
	[tilespmem:$0x1FB80] =	vst v63  }
0x44f: {  	s12 =	simm.s32 $0x80;
	s24 =	sld [smem:$0x7FC]  }
0x450: {  	[tilespmem:s12], [sflag:$0x2] =	stream.linear.gather [hbm4b:s23+s3], $0x78, $0x38;
	[tilespmem:$0x1FB80] =	vst v63  }
0x451: {  	s16 =	simm.s32 $0x180  }
0x452: {  	[tilespmem:s16], [sflag:$0x4] =	stream.linear.gather [hbm4b:s24+s3], $0x78, $0x38;
	[tilespmem:$0x1FB80] =	vst v63  }
0x453: {  	_ =	swait.ge [sflag:s31], $0x78  }
0x454: {  	[sflag:s31] =	ssyncset.done $0x0  }
0x455: {  	s25 =	sld [smem:$0x7F4];
	[sflag:s31] =	ssyncadd.s32 $0xFFFFFF88  }
0x456: {  	[tilespmem:s19], [sflag:$0x7] =	stream.indirect.gather [hbm4b:s0+s6], $0x80, s3, s6, $0xb8;
	[tilespmem:$0x1FB80] =	vst v63  }
0x457: {  	s17 =	simm.s32 $0x200  }
0x458: {  	[tilespmem:s17], [sflag:$0x5] =	stream.linear.gather [hbm4b:s25+s3], $0x78, $0x38;
	[tilespmem:$0x1FB80] =	vst v63  }
0x459: {  	_ =	swait.ge [sflag:s10], $0x78  }
0x45a: {  	[sflag:s10] =	ssyncset.done $0x0  }
0x45b: {  	s23 =	simm.s32 $0x4080;
	[sflag:s10] =	ssyncadd.s32 $0xFFFFFF88  }
0x45c: {  	[tilespmem:s23], [sflag:$0x8] =	stream.indirect.gather [hbm4b:s0+s6], $0x80, s12, s6, $0xb8;
	[tilespmem:$0x1FB80] =	vst v63  }
0x45d: {  	_ =	swait.ge [sflag:s15], $0x3C00  }
0x45e: {  	s26 =	sld [smem:$0x7F6]  }
0x45f: {  	[sflag:s15] =	ssyncset.done $0x0  }
0x460: {  	s11 =	simm.s32 $0x100;
	[sflag:s15] =	ssyncadd.s32 $0xFFFFC400  }
0x461: {  	[tilespmem:s11], [sflag:$0x3] =	stream.linear.gather [hbm4b:s26+s3], $0x78, $0x38;
	[tilespmem:$0x1FB80] =	vst v63  }
0x462: {  	_ =	swait.ge [sflag:s29], $0x78  }
0x463: {  	[sflag:s29] =	ssyncset.done $0x0  }
0x464: {  	s2 =	sld [smem:$0x7F7];
	[sflag:s29] =	ssyncadd.s32 $0xFFFFFF88  }
0x465: {  	[spmem:s7] =	stream.indirect.scatter.add.f32 [tilespmem:s19], [sflag:$0xA], $0x80, s16, s6, $0xb8;
	[tilespmem:$0x1FB80] =	vst v63  }
0x466: {  	s18 =	simm.s32 $0x280  }
0x467: {  	[tilespmem:s18], [sflag:$0x6] =	stream.linear.gather [hbm4b:s2+s3], $0x78, $0x38;
	[tilespmem:$0x1FB80] =	vst v63  }
0x468: {  	_ =	swait.ge [sflag:s13], $0x78  }
0x469: {  	[sflag:s13] =	ssyncset.done $0x0  }
0x46a: {  	s25 =	simm.s32 $0x8;
	s15 =	simm.s32 $0x7C80;
	[sflag:s13] =	ssyncadd.s32 $0xFFFFFF88  }
0x46b: {  	[tilespmem:s15], [sflag:$0x9] =	stream.indirect.gather [hbm4b:s0+s6], $0x80, s11, s6, $0xb8;
	[tilespmem:$0x1FB80] =	vst v63  }
0x46c: {  	_ =	swait.ge [sflag:s25], $0x3C00  }
0x46d: {  	s10 =	sld [smem:$0x7F5]  }
0x46e: {  	[sflag:s25] =	ssyncset.done $0x0  }
0x46f: {  	s26 =	simm.s32 $0x5;
	[sflag:s25] =	ssyncadd.s32 $0xFFFFC400  }
0x470: {  	[tilespmem:s3], [sflag:$0x1] =	stream.linear.gather [hbm4b:s10+s3], $0x78, $0x38;
	[tilespmem:$0x1FB80] =	vst v63  }
0x471: {  	_ =	swait.ge [sflag:s26], $0x78  }
0x472: {  	[sflag:s26] =	ssyncset.done $0x0  }
0x473: {  	[sflag:s26] =	ssyncadd.s32 $0xFFFFFF88  }
0x474: {  	[spmem:s7] =	stream.indirect.scatter.add.f32 [tilespmem:s23], [sflag:$0xB], $0x80, s17, s6, $0xb8;
	[tilespmem:$0x1FB80] =	vst v63  }
0x475: {  	_ =	swait.ge [sflag:s20], $0x3C00  }
0x476: {  	s4 =	sld [smem:$0x7FA];
	_ =	sdelay $0x2  }
0x477: {  	[sflag:s20] =	ssyncset.done $0x0;
	s13 =	sshrl.u32 s4, $0x3  }
0x478: {  	[sflag:s20] =	ssyncadd.s32 $0xFFFFC400;
	s3 =	sadd.s32 s30, s13  }
0x479: {  	[tilespmem:s16], [sflag:$0x4] =	stream.linear.gather [hbm4b:s3+s8], $0x78, $0x38;
	[tilespmem:$0x1FB80] =	vst v63  }
0x47a: {  	_ =	swait.ge [sflag:s31], $0x78  }
0x47b: {  	[sflag:s31] =	ssyncset.done $0x0  }
0x47c: {  	s2 =	simm.s32 $0x9;
	[sflag:s31] =	ssyncadd.s32 $0xFFFFFF88  }
0x47d: {  	[tilespmem:s19], [sflag:$0x7] =	stream.indirect.gather [hbm4b:s0+s6], $0x80, s8, s6, $0xb8;
	[tilespmem:$0x1FB80] =	vst v63  }
0x47e: {  	_ =	swait.ge [sflag:s2], $0x3C00  }
0x47f: {  	s21 =	rddreg [dreg:$0xe];
	[sflag:s2] =	ssyncset.done $0x0  }
0x480: {  	s20 =	simm.s32 $0x6;
	[sflag:s2] =	ssyncadd.s32 $0xFFFFC400;
	s3 =	sadd.s32 $0x0, s21  }
0x481: {  	[tilespmem:s12], [sflag:$0x2] =	stream.linear.gather [hbm4b:s3+s8], $0x78, $0x38;
	[tilespmem:$0x1FB80] =	vst v63  }
0x482: {  	_ =	swait.ge [sflag:s20], $0x78  }
0x483: {  	[sflag:s20] =	ssyncset.done $0x0  }
0x484: {  	s8 =	simm.s32 $0x78;
	[sflag:s20] =	ssyncadd.s32 $0xFFFFFF88  }
0x485: {  	[spmem:s7] =	stream.indirect.scatter.add.f32 [tilespmem:s15], [sflag:$0xC], $0x80, s18, s8, $0xb8;
	[tilespmem:$0x1FB80] =	vst v63  }
0x486: {  	_ =	swait.ge [sflag:s5], $0x3C00  }
0x487: {  	s31 =	simm.s32 $0x2;
	s29 =	rddreg [dreg:$0xd];
	[sflag:s5] =	ssyncset.done $0x0  }
0x488: {  	s21 =	simm.s32 $0x0;
	[sflag:s5] =	ssyncadd.s32 $0xFFFFC400;
	s3 =	sadd.s32 $0x0, s29  }
0x489: {  	[tilespmem:s17], [sflag:$0x5] =	stream.linear.gather [hbm4b:s3+s21], $0x78, $0x38;
	[tilespmem:$0x1FB80] =	vst v63  }
0x48a: {  	_ =	swait.ge [sflag:s31], $0x78  }
0x48b: {  	[sflag:s31] =	ssyncset.done $0x0  }
0x48c: {  	s9 =	simm.s32 $0x7;
	[sflag:s31] =	ssyncadd.s32 $0xFFFFFF88  }
0x48d: {  	[tilespmem:s23], [sflag:$0x8] =	stream.indirect.gather [hbm4b:s0+s8], $0x80, s12, s8, $0xb8;
	[tilespmem:$0x1FB80] =	vst v63  }
0x48e: {  	_ =	swait.ge [sflag:s9], $0x3C00  }
0x48f: {  	s17 =	rddreg [dreg:$0xc];
	[sflag:s9] =	ssyncset.done $0x0  }
0x490: {  	s24 =	simm.s32 $0x4;
	[sflag:s9] =	ssyncadd.s32 $0xFFFFC400;
	s3 =	sadd.s32 $0x0, s17  }
0x491: {  	[tilespmem:s11], [sflag:$0x3] =	stream.linear.gather [hbm4b:s3+s21], $0x78, $0x38;
	[tilespmem:$0x1FB80] =	vst v63  }
0x492: {  	_ =	swait.ge [sflag:s24], $0x78  }
0x493: {  	[sflag:s24] =	ssyncset.done $0x0  }
0x494: {  	s6 =	simm.s32 $0x480;
	s23 =	simm.s32 $0xC;
	[sflag:s24] =	ssyncadd.s32 $0xFFFFFF88  }
0x495: {  	[spmem:s7] =	stream.indirect.scatter.add.f32 [tilespmem:s6], [sflag:$0xA], $0x80, s16, s8, $0xb8;
	[tilespmem:$0x1FB80] =	vst v63  }
0x496: {  	_ =	swait.ge [sflag:s23], $0x3C00  }
0x497: {  	s24 =	rddreg [dreg:$0xb];
	[sflag:s23] =	ssyncset.done $0x0  }
0x498: {  	s19 =	simm.s32 $0x3;
	[sflag:s23] =	ssyncadd.s32 $0xFFFFC400;
	s3 =	sadd.s32 $0x0, s24  }
0x499: {  	[tilespmem:s18], [sflag:$0x6] =	stream.linear.gather [hbm4b:s3+s21], $0x78, $0x38;
	[tilespmem:$0x1FB80] =	vst v63  }
0x49a: {  	_ =	swait.ge [sflag:s19], $0x78  }
0x49b: {  	[sflag:s19] =	ssyncset.done $0x0  }
0x49c: {  	[sflag:s19] =	ssyncadd.s32 $0xFFFFFF88  }
0x49d: {  	[tilespmem:s15], [sflag:$0x9] =	stream.indirect.gather [hbm4b:s0+s8], $0x80, s11, s8, $0xb8;
	[tilespmem:$0x1FB80] =	vst v63  }
0x49e: {  	_ =	swait.ge [sflag:s25], $0x3C00  }
0x49f: {  	s29 =	rddreg [dreg:$0xa];
	[sflag:s25] =	ssyncset.done $0x0  }
0x4a0: {  	[sflag:s25] =	ssyncadd.s32 $0xFFFFC400;
	s3 =	sadd.s32 $0x0, s29  }
0x4a1: {  	[tilespmem:s21], [sflag:$0x1] =	stream.linear.gather [hbm4b:s3+s21], $0x78, $0x38;
	[tilespmem:$0x1FB80] =	vst v63  }
0x4a2: {  	s10 =	simm.s32 $0xA;
	s13 =	simm.s32 $0x1;
	_ =	swait.ge [sflag:s26], $0x78  }
0x4a3: {  	s5 =	simm.s32 $0x2D;
	s16 =	simm.s32 $0xC;
	[sflag:s26] =	ssyncset.done $0x0  }
0x4a4: {  	s11 =	simm.s32 $0xB;
	s3 =	sadd.s32 $0x168, s4;
	[sflag:s26] =	ssyncadd.s32 $0xFFFFFF88  }
.LBB2_28:
0x4a5: {  	s18 =	simm.s32 $0x200;
	s6 =	simm.s32 $0x4080  }
0x4a6: {  	[spmem:s7] =	stream.indirect.scatter.add.f32 [tilespmem:s6], [sflag:$0xB], $0x80, s18, s8, $0xb8;
	[tilespmem:$0x1FB80] =	vst v63  }
0x4a7: {  	_ =	swait.ge [sflag:s10], $0x3C00  }
0x4a8: {  	s4 =	sshrl.u32 s3, $0x3;
	[sflag:s10] =	ssyncset.done $0x0  }
0x4a9: {  	s12 =	simm.s32 $0x180;
	s4 =	sadd.s32 s30, s4;
	[sflag:s10] =	ssyncadd.s32 $0xFFFFC400  }
0x4aa: {  	[tilespmem:s12], [sflag:$0x4] =	stream.linear.gather [hbm4b:s4+s21], $0x78, $0x38;
	[tilespmem:$0x1FB80] =	vst v63  }
0x4ab: {  	_ =	swait.ge [sflag:s13], $0x78  }
0x4ac: {  	[sflag:s13] =	ssyncset.done $0x0  }
0x4ad: {  	s24 =	simm.s32 $0x480;
	[sflag:s13] =	ssyncadd.s32 $0xFFFFFF88  }
0x4ae: {  	[tilespmem:s24], [sflag:$0x7] =	stream.indirect.gather [hbm4b:s0+s8], $0x80, s21, s8, $0xb8;
	[tilespmem:$0x1FB80] =	vst v63  }
0x4af: {  	_ =	swait.ge [sflag:s2], $0x3C00  }
0x4b0: {  	s23 =	smov.u32 s5;
	s17 =	rddreg [dreg:$0xe];
	[sflag:s2] =	ssyncset.done $0x0  }
0x4b1: {  	[sflag:s2] =	ssyncadd.s32 $0xFFFFC400;
	s4 =	sadd.s32 s23, s17;
	s17 =	simm.s32 $0x80  }
0x4b2: {  	[tilespmem:s17], [sflag:$0x2] =	stream.linear.gather [hbm4b:s4+s21], $0x78, $0x38;
	[tilespmem:$0x1FB80] =	vst v63  }
0x4b3: {  	_ =	swait.ge [sflag:s20], $0x78  }
0x4b4: {  	[sflag:s20] =	ssyncset.done $0x0  }
0x4b5: {  	s15 =	simm.s32 $0x280;
	s9 =	simm.s32 $0x7C80;
	[sflag:s20] =	ssyncadd.s32 $0xFFFFFF88  }
0x4b6: {  	[spmem:s7] =	stream.indirect.scatter.add.f32 [tilespmem:s9], [sflag:$0xC], $0x80, s15, s8, $0xb8;
	[tilespmem:$0x1FB80] =	vst v63  }
0x4b7: {  	_ =	swait.ge [sflag:s11], $0x3C00  }
0x4b8: {  	s4 =	rddreg [dreg:$0xd];
	[sflag:s11] =	ssyncset.done $0x0  }
0x4b9: {  	[sflag:s11] =	ssyncadd.s32 $0xFFFFC400;
	s4 =	sadd.s32 s23, s4  }
0x4ba: {  	[tilespmem:s18], [sflag:$0x5] =	stream.linear.gather [hbm4b:s4+s21], $0x78, $0x38;
	[tilespmem:$0x1FB80] =	vst v63  }
0x4bb: {  	_ =	swait.ge [sflag:s31], $0x78  }
0x4bc: {  	[sflag:s31] =	ssyncset.done $0x0  }
0x4bd: {  	s4 =	simm.s32 $0x7;
	[sflag:s31] =	ssyncadd.s32 $0xFFFFFF88  }
0x4be: {  	[tilespmem:s6], [sflag:$0x8] =	stream.indirect.gather [hbm4b:s0+s8], $0x80, s17, s8, $0xb8;
	[tilespmem:$0x1FB80] =	vst v63  }
0x4bf: {  	_ =	swait.ge [sflag:s4], $0x3C00  }
0x4c0: {  	s6 =	simm.s32 $0x4;
	s17 =	rddreg [dreg:$0xc];
	[sflag:s4] =	ssyncset.done $0x0  }
0x4c1: {  	[sflag:s4] =	ssyncadd.s32 $0xFFFFC400;
	s4 =	sadd.s32 s23, s17;
	s17 =	simm.s32 $0x100  }
0x4c2: {  	[tilespmem:s17], [sflag:$0x3] =	stream.linear.gather [hbm4b:s4+s21], $0x78, $0x38;
	[tilespmem:$0x1FB80] =	vst v63  }
0x4c3: {  	_ =	swait.ge [sflag:s6], $0x78  }
0x4c4: {  	[sflag:s6] =	ssyncset.done $0x0  }
0x4c5: {  	[sflag:s6] =	ssyncadd.s32 $0xFFFFFF88  }
0x4c6: {  	[spmem:s7] =	stream.indirect.scatter.add.f32 [tilespmem:s24], [sflag:$0xA], $0x80, s12, s8, $0xb8;
	[tilespmem:$0x1FB80] =	vst v63  }
0x4c7: {  	_ =	swait.ge [sflag:s16], $0x3C00  }
0x4c8: {  	s12 =	rddreg [dreg:$0xb];
	[sflag:s16] =	ssyncset.done $0x0  }
0x4c9: {  	[sflag:s16] =	ssyncadd.s32 $0xFFFFC400;
	s4 =	sadd.s32 s23, s12  }
0x4ca: {  	[tilespmem:s15], [sflag:$0x6] =	stream.linear.gather [hbm4b:s4+s21], $0x78, $0x38;
	[tilespmem:$0x1FB80] =	vst v63  }
0x4cb: {  	_ =	swait.ge [sflag:s19], $0x78  }
0x4cc: {  	[sflag:s19] =	ssyncset.done $0x0  }
0x4cd: {  	[sflag:s19] =	ssyncadd.s32 $0xFFFFFF88  }
0x4ce: {  	[tilespmem:s9], [sflag:$0x9] =	stream.indirect.gather [hbm4b:s0+s8], $0x80, s17, s8, $0xb8;
	[tilespmem:$0x1FB80] =	vst v63  }
0x4cf: {  	_ =	swait.ge [sflag:s25], $0x3C00  }
0x4d0: {  	p1 =	sne.s32 s5, $0x21C;
	s24 =	rddreg [dreg:$0xa];
	[sflag:s25] =	ssyncset.done $0x0  }
.Ltmp16:
0x4d1: {  	[sflag:s25] =	ssyncadd.s32 $0xFFFFC400;
	s4 =	sadd.s32 s23, s24;
	(pc) =	sbr.rel @p1 .LBB2_28-.Ltmp16, $4  }
0x4d2: {  	[tilespmem:s21], [sflag:$0x1] =	stream.linear.gather [hbm4b:s4+s21], $0x78, $0x38;
	[tilespmem:$0x1FB80] =	vst v63  }
0x4d3: {  	s5 =	sadd.s32 $0x2D, s5;
	s29 =	simm.s32 $0x200;
	_ =	swait.ge [sflag:s26], $0x78  }
0x4d4: {  	s3 =	sadd.s32 $0x168, s3;
	s18 =	simm.s32 $0x4080;
	[sflag:s26] =	ssyncset.done $0x0  }
0x4d5: {  	s6 =	simm.s32 $0x7C80;
	s12 =	simm.s32 $0x280;
	[sflag:s26] =	ssyncadd.s32 $0xFFFFFF88  }
0x4d6: {  	[spmem:s7] =	stream.indirect.scatter.add.f32 [tilespmem:s18], [sflag:$0xB], $0x80, s29, s8, $0xb8;
	[tilespmem:$0x1FB80] =	vst v63  }
0x4d7: {  	_ =	swait.ge [sflag:s10], $0x3C00  }
0x4d8: {  	s3 =	sld [smem:$0x7FD]  }
0x4d9: {  	[sflag:s10] =	ssyncset.done $0x0  }
0x4da: {  	s4 =	simm.s32 $0x180;
	[sflag:s10] =	ssyncadd.s32 $0xFFFFC400  }
0x4db: {  	[tilespmem:s4], [sflag:$0x4] =	stream.linear.gather [hbm4b:s3+s21], $0x78, $0x38;
	[tilespmem:$0x1FB80] =	vst v63  }
0x4dc: {  	_ =	swait.ge [sflag:s13], $0x78  }
0x4dd: {  	[sflag:s13] =	ssyncset.done $0x0  }
0x4de: {  	s23 =	simm.s32 $0x480;
	[sflag:s13] =	ssyncadd.s32 $0xFFFFFF88  }
0x4df: {  	[tilespmem:s23], [sflag:$0x7] =	stream.indirect.gather [hbm4b:s0+s8], $0x80, s21, s8, $0xb8;
	[tilespmem:$0x1FB80] =	vst v63  }
0x4e0: {  	_ =	swait.ge [sflag:s2], $0x3C00  }
0x4e1: {  	[sflag:s2] =	ssyncset.done $0x0  }
0x4e2: {  	[sflag:s2] =	ssyncadd.s32 $0xFFFFC400  }
0x4e3: {  	_ =	swait.ge [sflag:s20], $0x78  }
0x4e4: {  	[sflag:s20] =	ssyncset.done $0x0  }
0x4e5: {  	[sflag:s20] =	ssyncadd.s32 $0xFFFFFF88  }
0x4e6: {  	[spmem:s7] =	stream.indirect.scatter.add.f32 [tilespmem:s6], [sflag:$0xC], $0x80, s12, s8, $0xb8;
	[tilespmem:$0x1FB80] =	vst v63  }
0x4e7: {  	_ =	swait.ge [sflag:s11], $0x3C00  }
0x4e8: {  	[sflag:s11] =	ssyncset.done $0x0  }
0x4e9: {  	s24 =	simm.s32 $0x7;
	[sflag:s11] =	ssyncadd.s32 $0xFFFFC400  }
0x4ea: {  	_ =	swait.ge [sflag:s24], $0x3C00  }
0x4eb: {  	[sflag:s24] =	ssyncset.done $0x0  }
0x4ec: {  	s25 =	simm.s32 $0x4;
	[sflag:s24] =	ssyncadd.s32 $0xFFFFC400  }
0x4ed: {  	_ =	swait.ge [sflag:s25], $0x78  }
0x4ee: {  	[sflag:s25] =	ssyncset.done $0x0  }
0x4ef: {  	[sflag:s25] =	ssyncadd.s32 $0xFFFFFF88  }
0x4f0: {  	[spmem:s7] =	stream.indirect.scatter.add.f32 [tilespmem:s23], [sflag:$0xA], $0x80, s4, s8, $0xb8;
	[tilespmem:$0x1FB80] =	vst v63  }
0x4f1: {  	_ =	swait.ge [sflag:s16], $0x3C00  }
0x4f2: {  	[sflag:s16] =	ssyncset.done $0x0  }
0x4f3: {  	[sflag:s16] =	ssyncadd.s32 $0xFFFFC400  }
0x4f4: {  	_ =	swait.ge [sflag:s10], $0x3C00  }
0x4f5: {  	[sflag:s10] =	ssyncset.done $0x0  }
0x4f6: {  	[sflag:s10] =	ssyncadd.s32 $0xFFFFC400  }
0x4f7: {  	[bflag:$0x0] =	sbarrier.arrive $0xFFFF  }
0x4f8: {  	s26 =	sld [smem:$0x7EF];
	_ =	sdelay $0x1  }
0x4f9: {  	s17 =	simm.s32 $0x4080;
	s21 =	simm.s32 $0xD;
	s4 =	rddreg [dreg:$0x18]  }
0x4fa: {  	[hbm:s4], [sflag:s1] =	dma.local [spmem:s26], $0x500  }
.Ltmp17:
0x4fb: {  	s15 =	simm.s32 $0x7;
	_ =	swait.ge [sflag:s21], $0x500;
	(pc) =	sbr.rel @!p0 .LBB2_31-.Ltmp17, $4  }
0x4fc: {  	s29 =	simm.s32 $0x4;
	s31 =	simm.s32 $0x1;
	s5 =	sld [smem:$0x7F9]  }
0x4fd: {  	s19 =	simm.s32 $0x480;
	s2 =	simm.s32 $0x6;
	s20 =	simm.s32 $0xA  }
0x4fe: {  	s6 =	simm.s32 $0x78;
	s26 =	simm.s32 $0x9;
	s30 =	rddreg [dreg:$0xf]  }
0x4ff: {  	[sflag:s21] =	ssyncset.done $0x0;
	s3 =	sadd.s32 $0xFFFFFFFF, s30;
	s5 =	sadd.s32 $0x28000, s5  }
.LBB2_30:
0x500: {  	s11 =	sshrl.u32 s5, $0x3  }
0x501: {  	[sflag:s21] =	ssyncadd.s32 $0xFFFFFB00;
	s4 =	sadd.s32 $0x5000, s4;
	p0 =	sne.s32 s3, $0x1  }
0x502: {  	[hbm:s4], [sflag:s1] =	dma.local [spmem:s11], $0x500  }
.Ltmp18:
0x503: {  	_ = 	snop;
	(pc) =	sbr.rel @p0 .LBB2_30-.Ltmp18, $4  }
0x504: {  	_ = 	snop  }
0x505: {  	s3 =	sadd.s32 $0xFFFFFFFF, s3  }
0x506: {  	_ =	swait.ge [sflag:s21], $0x500  }
0x507: {  	s5 =	sadd.s32 $0x28000, s5;
	[sflag:s21] =	ssyncset.done $0x0  }
.LBB2_31:
0x508: {  	s3 =	sld [smem:$0x7F0]  }
0x509: {  	s1 =	sld [smem:$0x7F8];
	_ =	sdelay $0x1  }
0x50a: {  	s3 =	sadd.s32 $0x1, s3  }
0x50b: {  	p0 =	sne.s32 s3, s1  }
.Ltmp19:
0x50c: {  	_ = 	snop;
	(pc) =	sbr.rel @p0 .LBB2_1-.Ltmp19, $4  }
0x50d: {  	[sflag:s21] =	ssyncadd.s32 $0xFFFFFB00  }
0x50e: {  	s4 =	simm.s32 $0x80;
	s16 =	simm.s32 $0x200;
	s18 =	simm.s32 $0x100  }
0x50f: {  	s9 =	simm.s32 $0x280;
	s24 =	simm.s32 $0x8;
	s25 =	simm.s32 $0x5  }
0x510: {  	s10 =	simm.s32 $0x2;
	s13 =	simm.s32 $0x3;
	s11 =	rddreg [dreg:$0x1]  }
0x511: {  	_ =	sfence.sel $0x180000  }
0x512: {  	[bflag:$0x0] =	sbarrier.arrive $0xFFFF  }
0x513: {  	_ =	strace $0x90000047  }
0x514: {  	s0 =	stileid.u32;
	[bflag:$0x2] =	sbarrier.arrive $0xFFFF  }
0x515: {  	p0 =	sne.s32 s0, $0x0;
	s0 =	rddreg [dreg:$0x9]  }
0x516: {  	s0 =	sadd.s32 @!p0 $0x100000, s0  }
0x517: {  	[sflag:s0] =	ssyncadd.tile.s32 @!p0 $0x1;
	_ =	shalt  }
.Lfunc_end2:
_tile_overlayer_lowered:
.L_overlay_start_2:
0x518: {  	(tag) =	ssettag $0x2  }
0x519: {  	s0 =	rddreg [dreg:$0x0];
	s2 =	stileid.u32  }
0x51a: {  	s1 =	rddreg [dreg:$0x1];
	p0 =	sne.s32 s2, $0x0  }
0x51b: {  	s3 =	rddreg [dreg:$0x2];
	[bflag:$0x3] =	sbarrier.arrive $0xFFFF;
	s2 =	simm.s32 @!p0 $0x1C0D  }
0x51c: {  	[timem:s3], [sflag:s2] =	dma.local @!p0 [hbm:s0], s1  }
0x51d: {  	s0 =	simm.s32 @!p0 $0xD  }
0x51e: {  	_ =	swait.ge @!p0 [sflag:s0], s1  }
0x51f: {  	s1 =	ssub.s32 @!p0 $0x0, s1;
	[sflag:s0] =	ssyncset.done @!p0 $0x0  }
0x520: {  	[sflag:s0] =	ssyncadd.s32 @!p0 s1  }
0x521: {  	[bflag:$0x3] =	sbarrier.arrive $0xFFFF  }
0x522: {  	_ =	shalt  }

</sc_bundles>
